<compile_context>
chip_gen: v7x
topology: tpu7x:2x2x1
jax: 0.10.2.dev20260603
libtpu: 0.0.44.dev20260713+nightly
codegen_flags: <defaults>
</compile_context>

<pallas_src>
import functools

import jax
import jax.numpy as jnp
from jax import lax
from jax.experimental import pallas as pl
from jax.experimental.pallas import tpu as pltpu
from jax.experimental.pallas import tpu_sc as plsc

NC = 2
NS = 16
NW = NC * NS
CH = 128
GI = 8
DEGW = 128


def _sc_mesh():
    return plsc.VectorSubcoreMesh(core_axis_name="c", subcore_axis_name="s",
                                  num_cores=NC, num_subcores=NS)


def _make_deg_kernel(NP, NCH):
    ZR = NP // NS

    @functools.partial(
        pl.kernel,
        out_type=jax.ShapeDtypeStruct((NC, NP, DEGW), jnp.float32),
        mesh=_sc_mesh(),
        scratch_types=[
            pltpu.VMEM_SHARED((NP, DEGW), jnp.float32),
            pltpu.VMEM((NCH, CH), jnp.int32),
            pltpu.VMEM((CH, DEGW), jnp.float32),
            pltpu.SemaphoreType.DMA,
        ],
    )
    def deg_kernel(dst_hbm, zero_hbm, one_hbm, out_hbm, acc, dstv, ones, sem):
        c = lax.axis_index("c")
        s = lax.axis_index("s")
        wid = c * NS + s

        pltpu.sync_copy(one_hbm, ones)
        pltpu.sync_copy(zero_hbm.at[pl.ds(s * ZR, ZR)],
                        acc.at[pl.ds(s * ZR, ZR)])
        pltpu.sync_copy(dst_hbm.at[wid], dstv)
        plsc.subcore_barrier()

        LAG = 4
        for k in range(LAG):
            pltpu.async_copy(ones, acc.at[dstv.at[k]], sem, add=True)

        def body(j, _):
            pltpu.make_async_copy(ones, acc.at[dstv.at[0]], sem).wait()
            pltpu.async_copy(ones, acc.at[dstv.at[j + LAG]], sem, add=True)
            return 0

        lax.fori_loop(0, NCH - LAG, body, 0)
        for k in range(LAG):
            pltpu.make_async_copy(ones, acc.at[dstv.at[0]], sem).wait()
        plsc.subcore_barrier()
        pltpu.sync_copy(acc.at[pl.ds(s * ZR, ZR)],
                        out_hbm.at[c, pl.ds(s * ZR, ZR)])

    return deg_kernel


def _make_layer_kernel(NP, D, NCH):
    RPT = NP // NS
    NG = NCH // GI
    assert NG >= 4 and NG % 2 == 0

    @functools.partial(
        pl.kernel,
        out_type=jax.ShapeDtypeStruct((NC, NP, D), jnp.float32),
        mesh=_sc_mesh(),
        scratch_types=[
            pltpu.VMEM_SHARED((NP, D), jnp.float32),
            pltpu.VMEM((NCH, CH), jnp.int32),
            [pltpu.VMEM((GI, CH), jnp.int32)] * 2,
            [pltpu.VMEM((CH, D), jnp.float32)] * 2,
            [pltpu.SemaphoreType.DMA] * 2,
            [pltpu.SemaphoreType.DMA] * 2,
            [pltpu.SemaphoreType.DMA] * 2,
        ],
    )
    def layer_kernel(hs_hbm, src_hbm, dst_hbm, out_hbm,
                     acc, dstv, srcg, rows, gsem, ssem, psem):
        c = lax.axis_index("c")
        s = lax.axis_index("s")
        wid = c * NS + s

        def prefetch(g, h):
            pltpu.async_copy(src_hbm.at[wid, pl.ds(g * GI, GI)], srcg[h],
                             psem[h])

        def pwait(h):
            pltpu.make_async_copy(src_hbm.at[wid, pl.ds(0, GI)], srcg[h],
                                  psem[h]).wait()

        def gather(j, r, h, b):
            pltpu.async_copy(hs_hbm.at[srcg[h].at[r]], rows[b], gsem[b])

        def gwait(b):
            pltpu.make_async_copy(hs_hbm.at[srcg[0].at[0]], rows[b],
                                  gsem[b]).wait()

        def scatter(j, b):
            pltpu.async_copy(rows[b], acc.at[dstv.at[j]], ssem[b], add=True)

        def swait(b):
            pltpu.make_async_copy(rows[b], acc.at[dstv.at[0]],
                                  ssem[b]).wait()

        pltpu.sync_copy(hs_hbm.at[pl.ds(s * RPT, RPT)],
                        acc.at[pl.ds(s * RPT, RPT)])
        pltpu.sync_copy(dst_hbm.at[wid], dstv)
        prefetch(0, 0)
        prefetch(1, 1)
        plsc.subcore_barrier()

        pwait(0)
        gather(0, 0, 0, 0)
        gather(1, 1, 0, 1)
        gwait(0)
        scatter(0, 0)
        for g in (0, 1):
            for r in range(GI):
                j = g * GI + r
                if j == 0:
                    continue
                b = j % 2
                swait(1 - b)
                if r == GI - 1 and g % 2 == 0:
                    pwait(1)
                elif r == GI - 1:
                    pwait(0)
                gather(j + 1, (r + 1) % GI, (g + (1 if r == GI - 1 else 0)) % 2,
                       1 - b)
                gwait(b)
                if r == GI - 1:
                    prefetch(g + 2, g % 2)
                scatter(j, b)

        def pair(q, _):
            for h in (0, 1):
                g = 2 * q + h
                for r in range(GI):
                    j = g * GI + r
                    b = r % 2
                    swait(1 - b)
                    if r == GI - 1:
                        @pl.when(g + 1 < NG)
                        def _():
                            pwait(1 - h)

                        @pl.when(j + 1 < NCH)
                        def _():
                            gather(j + 1, 0, 1 - h, 1 - b)
                    else:
                        gather(j + 1, r + 1, h, 1 - b)
                    gwait(b)
                    if r == GI - 1:
                        @pl.when(g + 2 < NG)
                        def _():
                            prefetch(g + 2, h)

                    scatter(j, b)
            return 0

        lax.fori_loop(1, NG // 2, pair, 0)
        swait((NCH - 1) % 2)
        plsc.subcore_barrier()
        pltpu.sync_copy(acc.at[pl.ds(s * RPT, RPT)],
                        out_hbm.at[c, pl.ds(s * RPT, RPT)])

    return layer_kernel


def _dinv_of(dega, degb):
    deg = dega[:, 0:1] + degb[:, 0:1] + 1.0
    return lax.rsqrt(deg)


def _make_tc1(NP, D):
    RB = NP // 16

    def body(dega, degb, x, w, o):
        dinv = _dinv_of(dega, degb)
        o[...] = jnp.dot(x[...], w[...],
                         preferred_element_type=jnp.float32) * dinv

    return pl.pallas_call(
        body,
        grid=(NP // RB,),
        in_specs=[
            pl.BlockSpec((RB, DEGW), lambda i: (i, 0)),
            pl.BlockSpec((RB, DEGW), lambda i: (i, 0)),
            pl.BlockSpec((RB, D), lambda i: (i, 0)),
            pl.BlockSpec((D, D), lambda i: (0, 0)),
        ],
        out_specs=pl.BlockSpec((RB, D), lambda i: (i, 0)),
        out_shape=jax.ShapeDtypeStruct((NP, D), jnp.float32),
    )


def _make_tc2(NP, D):
    RB = NP // 16

    def body(dega, degb, acc0, acc1, hs1, b1, w2, o):
        dinv = _dinv_of(dega, degb)
        z = (acc0[...] + acc1[...] - hs1[...]) * dinv + b1[...]
        z = jnp.maximum(z, 0.0)
        o[...] = jnp.dot(z, w2[...],
                         preferred_element_type=jnp.float32) * dinv

    return pl.pallas_call(
        body,
        grid=(NP // RB,),
        in_specs=[
            pl.BlockSpec((RB, DEGW), lambda i: (i, 0)),
            pl.BlockSpec((RB, DEGW), lambda i: (i, 0)),
            pl.BlockSpec((RB, D), lambda i: (i, 0)),
            pl.BlockSpec((RB, D), lambda i: (i, 0)),
            pl.BlockSpec((RB, D), lambda i: (i, 0)),
            pl.BlockSpec((1, D), lambda i: (0, 0)),
            pl.BlockSpec((D, D), lambda i: (0, 0)),
        ],
        out_specs=pl.BlockSpec((RB, D), lambda i: (i, 0)),
        out_shape=jax.ShapeDtypeStruct((NP, D), jnp.float32),
    )


def _make_tc3(NP, D):
    RB = NP // 16

    def body(dega, degb, acc0, acc1, hs2, b2, x0, o):
        dinv = _dinv_of(dega, degb)
        out2 = (acc0[...] + acc1[...] - hs2[...]) * dinv + b2[...]
        h = jnp.maximum(x0[...] + out2, 0.0)
        nrm = jnp.sqrt(jnp.sum(h * h, axis=1, keepdims=True))
        o[...] = h / jnp.maximum(nrm, 1e-12)

    return pl.pallas_call(
        body,
        grid=(NP // RB,),
        in_specs=[
            pl.BlockSpec((RB, DEGW), lambda i: (i, 0)),
            pl.BlockSpec((RB, DEGW), lambda i: (i, 0)),
            pl.BlockSpec((RB, D), lambda i: (i, 0)),
            pl.BlockSpec((RB, D), lambda i: (i, 0)),
            pl.BlockSpec((RB, D), lambda i: (i, 0)),
            pl.BlockSpec((1, D), lambda i: (0, 0)),
            pl.BlockSpec((RB, D), lambda i: (i, 0)),
        ],
        out_specs=pl.BlockSpec((RB, D), lambda i: (i, 0)),
        out_shape=jax.ShapeDtypeStruct((NP, D), jnp.float32),
    )


def kernel(node_feature, edge_index, W1, b1, W2, b2):
    N, D = node_feature.shape
    E = edge_index.shape[1]

    NP = ((N + 1 + 127) // 128) * 128
    ept = -(-E // NW)
    NCH = ((-(-ept // CH) + 2 * GI - 1) // (2 * GI)) * (2 * GI)
    NCH = max(NCH, 4 * GI)

    src = edge_index[0]
    dst = edge_index[1]
    srcf = jnp.pad(src, (0, NW * ept - E), constant_values=0)
    dstf = jnp.pad(dst, (0, NW * ept - E), constant_values=N)
    srcp = jnp.pad(srcf.reshape(NW, ept), ((0, 0), (0, NCH * CH - ept)),
                   constant_values=0).reshape(NW, NCH, CH)
    dstp = jnp.pad(dstf.reshape(NW, ept), ((0, 0), (0, NCH * CH - ept)),
                   constant_values=N).reshape(NW, NCH, CH)

    xp = jnp.pad(node_feature, ((0, NP - N), (0, 0)))
    zeros = jnp.zeros((NP, DEGW), jnp.float32)
    onesa = jnp.ones((CH, DEGW), jnp.float32)
    b1r = b1.reshape(1, D)
    b2r = b2.reshape(1, D)

    deg = _make_deg_kernel(NP, NCH)(dstp, zeros, onesa)
    hs1 = _make_tc1(NP, D)(deg[0], deg[1], xp, W1)
    acc1 = _make_layer_kernel(NP, D, NCH)(hs1, srcp, dstp)
    hs2 = _make_tc2(NP, D)(deg[0], deg[1], acc1[0], acc1[1], hs1, b1r, W2)
    acc2 = _make_layer_kernel(NP, D, NCH)(hs2, srcp, dstp)
    out = _make_tc3(NP, D)(deg[0], deg[1], acc2[0], acc2[1], hs2, b2r, xp)
    return out[:N]

# --- scband reference (transcript-rebuilt; emitter-appended) ---
"""Pipeline reference for scband-gnnskip-stage-28793460752450 (READ-ONLY COPY).

The authoritative reference and input builder live on the scoring server;
editing this copy changes nothing except your own understanding.
"""

import jax, jax.numpy as jnp
import numpy as np

N = 10000
E = 320000
D = 128


def setup_inputs(seed: int = 0) -> dict:
    key = jax.random.key(seed)
    k1, k2, k3, k4, k5, k6 = jax.random.split(key, 6)
    node_feature = jax.random.normal(k1, (N, D), dtype=jnp.float32)
    edge_index = jax.random.randint(k2, (2, E), 0, N, dtype=jnp.int32)
    s = 1.0 / np.sqrt(D)
    W1 = jax.random.normal(k3, (D, D), dtype=jnp.float32) * s
    b1 = jnp.zeros((D,), dtype=jnp.float32)
    W2 = jax.random.normal(k4, (D, D), dtype=jnp.float32) * s
    b2 = jnp.zeros((D,), dtype=jnp.float32)
    return {"node_feature": node_feature, "edge_index": edge_index,
            "W1": W1, "b1": b1, "W2": W2, "b2": b2}


def _gcn_layer(x, edge_index, W, b):
    # GCNConv with added self-loops and symmetric normalization
    n = x.shape[0]
    src = edge_index[0]
    dst = edge_index[1]
    loop = jnp.arange(n, dtype=src.dtype)
    src = jnp.concatenate([src, loop])
    dst = jnp.concatenate([dst, loop])
    deg = jnp.zeros((n,), x.dtype).at[dst].add(1.0)
    dinv = jax.lax.rsqrt(jnp.maximum(deg, 1.0))
    h = x @ W
    norm = (dinv[src] * dinv[dst])[:, None]
    msg = jnp.take(h, src, axis=0) * norm
    agg = jnp.zeros_like(h).at[dst].add(msg)
    return agg + b


def reference(node_feature, edge_index, W1, b1, W2, b2):
    # GNNSkipStage with one GNNSkipBlock (num_layers=2, skip_every=2, skipsum)
    x0 = node_feature
    h = jax.nn.relu(_gcn_layer(x0, edge_index, W1, b1))  # GNNLayer with act
    h = _gcn_layer(h, edge_index, W2, b2)                # GNNLayer no act
    h = jax.nn.relu(x0 + h)                              # skipsum + act
    # cfg.gnn.l2norm = True
    h = h / jnp.maximum(jnp.linalg.norm(h, axis=-1, keepdims=True), 1e-12)
    return h

if __name__ == "__main__":
    import jax
    _d = setup_inputs()
    print(jax.jit(kernel)(*tuple(_d.values())))

</pallas_src>

<mosaic_0001>
#map = affine_map<(d0, d1) -> (0, 0)>
#map1 = affine_map<(d0, d1) -> (0, 0, 0)>
module attributes {stable_mosaic.version = 14 : i64} {
  func.func @layer_kernel(%arg0: i32, %arg1: i32, %arg2: memref<10112x128xf32, #tpu.memory_space<hbm>>, %arg3: memref<32x80x128xi32, #tpu.memory_space<hbm>>, %arg4: memref<32x80x128xi32, #tpu.memory_space<hbm>>, %arg5: memref<2x10112x128xf32, #tpu.memory_space<hbm>>, %arg6: memref<10112x128xf32, #tpu.memory_space<vmem_shared>>, %arg7: memref<80x128xi32, #tpu.memory_space<vmem>>, %arg8: memref<8x128xi32, #tpu.memory_space<vmem>>, %arg9: memref<8x128xi32, #tpu.memory_space<vmem>>, %arg10: memref<128x128xf32, #tpu.memory_space<vmem>>, %arg11: memref<128x128xf32, #tpu.memory_space<vmem>>, %arg12: memref<!tpu.dma_semaphore, #tpu.memory_space<semaphore_mem>>, %arg13: memref<!tpu.dma_semaphore, #tpu.memory_space<semaphore_mem>>, %arg14: memref<!tpu.dma_semaphore, #tpu.memory_space<semaphore_mem>>, %arg15: memref<!tpu.dma_semaphore, #tpu.memory_space<semaphore_mem>>, %arg16: memref<!tpu.dma_semaphore, #tpu.memory_space<semaphore_mem>>, %arg17: memref<!tpu.dma_semaphore, #tpu.memory_space<semaphore_mem>>) attributes {dimension_semantics = [#tpu.dimension_semantics<core_parallel>, #tpu.dimension_semantics<subcore_parallel>], iteration_bounds = array<i64: 2, 16>, scalar_prefetch = 0 : i64, scratch_operands = 12 : i64, tpu.core_type = #tpu.core_type<sc_vector_subcore>, window_params = [{transform_indices = #map}, {transform_indices = #map1}, {transform_indices = #map1}, {transform_indices = #map1}]} {
    %mul3A = arith.constant 16 : i32
    %mul3A_0 = arith.muli %arg0, %mul3A : i32
    %add3A = arith.addi %mul3A_0, %arg1 : i32
    %mul3A_1 = arith.constant 632 : i32
    %mul3A_2 = arith.muli %arg1, %mul3A_1 : i32
    %mul3A_3 = arith.constant 632 : i32
    %mul3A_4 = arith.muli %arg1, %mul3A_3 : i32
    "tpu.region"() ({
      %run_scoped3A = tpu.sem_alloc : memref<!tpu.dma_semaphore, #tpu.memory_space<semaphore_mem>>
      %dma_start3A_525 = arith.constant 0 : i32
      %dma_start3A_526 = tpu.memref_slice %arg6[%mul3A_4, %dma_start3A_525] : memref<10112x128xf32, #tpu.memory_space<vmem_shared>> -> memref<632x128xf32, #tpu.memory_space<vmem_shared>>
      %dma_start3A_527 = arith.constant 0 : i32
      %dma_start3A_528 = tpu.memref_slice %arg2[%mul3A_2, %dma_start3A_527] : memref<10112x128xf32, #tpu.memory_space<hbm>> -> memref<632x128xf32, #tpu.memory_space<hbm>>
      tpu.enqueue_dma source(%dma_start3A_528 : memref<632x128xf32, #tpu.memory_space<hbm>>) target(%dma_start3A_526 : memref<632x128xf32, #tpu.memory_space<vmem_shared>>) target_semaphore(%run_scoped3A : memref<!tpu.dma_semaphore, #tpu.memory_space<semaphore_mem>>)
      %dma_wait3A_529 = arith.constant 0 : i32
      %dma_wait3A_530 = tpu.memref_slice %arg6[%mul3A_4, %dma_wait3A_529] : memref<10112x128xf32, #tpu.memory_space<vmem_shared>> -> memref<632x128xf32, #tpu.memory_space<vmem_shared>>
      %dma_wait3A_531 = arith.constant 0 : i32
      %dma_wait3A_532 = tpu.memref_slice %arg2[%mul3A_2, %dma_wait3A_531] : memref<10112x128xf32, #tpu.memory_space<hbm>> -> memref<632x128xf32, #tpu.memory_space<hbm>>
      tpu.wait_dma2 semaphore(%run_scoped3A : memref<!tpu.dma_semaphore, #tpu.memory_space<semaphore_mem>>) src(%dma_wait3A_532 : memref<632x128xf32, #tpu.memory_space<hbm>>) dst(%dma_wait3A_530 : memref<632x128xf32, #tpu.memory_space<vmem_shared>>)
      tpu.yield
    }) : () -> ()
    "tpu.region"() ({
      %run_scoped3A = tpu.sem_alloc : memref<!tpu.dma_semaphore, #tpu.memory_space<semaphore_mem>>
      %dma_start3A_525 = arith.constant 0 : i32
      %dma_start3A_526 = arith.constant 0 : i32
      %dma_start3A_527 = tpu.memref_slice %arg4[%add3A, %dma_start3A_525, %dma_start3A_526] : memref<32x80x128xi32, #tpu.memory_space<hbm>> -> memref<1x80x128xi32, #tpu.memory_space<hbm>>
      %dma_start3A_528 = tpu.memref_squeeze %dma_start3A_527 : memref<1x80x128xi32, #tpu.memory_space<hbm>> -> memref<80x128xi32, #tpu.memory_space<hbm>>
      %dma_start3A_529 = arith.constant 0 : i32
      %dma_start3A_530 = arith.constant 0 : i32
      %dma_start3A_531 = tpu.memref_slice %arg4[%add3A, %dma_start3A_529, %dma_start3A_530] : memref<32x80x128xi32, #tpu.memory_space<hbm>> -> memref<1x80x128xi32, #tpu.memory_space<hbm>>
      %dma_start3A_532 = tpu.memref_squeeze %dma_start3A_531 : memref<1x80x128xi32, #tpu.memory_space<hbm>> -> memref<80x128xi32, #tpu.memory_space<hbm>>
      tpu.enqueue_dma source(%dma_start3A_532 : memref<80x128xi32, #tpu.memory_space<hbm>>) target(%arg7 : memref<80x128xi32, #tpu.memory_space<vmem>>) target_semaphore(%run_scoped3A : memref<!tpu.dma_semaphore, #tpu.memory_space<semaphore_mem>>)
      %dma_wait3A_533 = arith.constant 0 : i32
      %dma_wait3A_534 = arith.constant 0 : i32
      %dma_wait3A_535 = tpu.memref_slice %arg4[%add3A, %dma_wait3A_533, %dma_wait3A_534] : memref<32x80x128xi32, #tpu.memory_space<hbm>> -> memref<1x80x128xi32, #tpu.memory_space<hbm>>
      %dma_wait3A_536 = tpu.memref_squeeze %dma_wait3A_535 : memref<1x80x128xi32, #tpu.memory_space<hbm>> -> memref<80x128xi32, #tpu.memory_space<hbm>>
      %dma_wait3A_537 = arith.constant 0 : i32
      %dma_wait3A_538 = arith.constant 0 : i32
      %dma_wait3A_539 = tpu.memref_slice %arg4[%add3A, %dma_wait3A_537, %dma_wait3A_538] : memref<32x80x128xi32, #tpu.memory_space<hbm>> -> memref<1x80x128xi32, #tpu.memory_space<hbm>>
      %dma_wait3A_540 = tpu.memref_squeeze %dma_wait3A_539 : memref<1x80x128xi32, #tpu.memory_space<hbm>> -> memref<80x128xi32, #tpu.memory_space<hbm>>
      tpu.wait_dma2 semaphore(%run_scoped3A : memref<!tpu.dma_semaphore, #tpu.memory_space<semaphore_mem>>) src(%dma_wait3A_540 : memref<80x128xi32, #tpu.memory_space<hbm>>) dst(%arg7 : memref<80x128xi32, #tpu.memory_space<vmem>>)
      tpu.yield
    }) : () -> ()
    %dma_start3A = arith.constant 0 : i32
    %dma_start3A_5 = arith.constant 0 : i32
    %dma_start3A_6 = tpu.memref_slice %arg3[%add3A, %dma_start3A, %dma_start3A_5] : memref<32x80x128xi32, #tpu.memory_space<hbm>> -> memref<1x8x128xi32, #tpu.memory_space<hbm>>
    %dma_start3A_7 = tpu.memref_squeeze %dma_start3A_6 : memref<1x8x128xi32, #tpu.memory_space<hbm>> -> memref<8x128xi32, #tpu.memory_space<hbm>>
    %dma_start3A_8 = arith.constant 0 : i32
    %dma_start3A_9 = arith.constant 0 : i32
    %dma_start3A_10 = tpu.memref_slice %arg3[%add3A, %dma_start3A_8, %dma_start3A_9] : memref<32x80x128xi32, #tpu.memory_space<hbm>> -> memref<1x8x128xi32, #tpu.memory_space<hbm>>
    %dma_start3A_11 = tpu.memref_squeeze %dma_start3A_10 : memref<1x8x128xi32, #tpu.memory_space<hbm>> -> memref<8x128xi32, #tpu.memory_space<hbm>>
    tpu.enqueue_dma source(%dma_start3A_11 : memref<8x128xi32, #tpu.memory_space<hbm>>) target(%arg8 : memref<8x128xi32, #tpu.memory_space<vmem>>) target_semaphore(%arg16 : memref<!tpu.dma_semaphore, #tpu.memory_space<semaphore_mem>>)
    %dma_start3A_12 = arith.constant 8 : i32
    %dma_start3A_13 = arith.constant 0 : i32
    %dma_start3A_14 = tpu.memref_slice %arg3[%add3A, %dma_start3A_12, %dma_start3A_13] : memref<32x80x128xi32, #tpu.memory_space<hbm>> -> memref<1x8x128xi32, #tpu.memory_space<hbm>>
    %dma_start3A_15 = tpu.memref_squeeze %dma_start3A_14 : memref<1x8x128xi32, #tpu.memory_space<hbm>> -> memref<8x128xi32, #tpu.memory_space<hbm>>
    %dma_start3A_16 = arith.constant 8 : i32
    %dma_start3A_17 = arith.constant 0 : i32
    %dma_start3A_18 = tpu.memref_slice %arg3[%add3A, %dma_start3A_16, %dma_start3A_17] : memref<32x80x128xi32, #tpu.memory_space<hbm>> -> memref<1x8x128xi32, #tpu.memory_space<hbm>>
    %dma_start3A_19 = tpu.memref_squeeze %dma_start3A_18 : memref<1x8x128xi32, #tpu.memory_space<hbm>> -> memref<8x128xi32, #tpu.memory_space<hbm>>
    tpu.enqueue_dma source(%dma_start3A_19 : memref<8x128xi32, #tpu.memory_space<hbm>>) target(%arg9 : memref<8x128xi32, #tpu.memory_space<vmem>>) target_semaphore(%arg17 : memref<!tpu.dma_semaphore, #tpu.memory_space<semaphore_mem>>)
    %barrier3A = arith.constant 0 : index
    tpu.barrier barrier_id(%barrier3A)
    %dma_wait3A = arith.constant 0 : i32
    %dma_wait3A_20 = arith.constant 0 : i32
    %dma_wait3A_21 = tpu.memref_slice %arg3[%add3A, %dma_wait3A, %dma_wait3A_20] : memref<32x80x128xi32, #tpu.memory_space<hbm>> -> memref<1x8x128xi32, #tpu.memory_space<hbm>>
    %dma_wait3A_22 = tpu.memref_squeeze %dma_wait3A_21 : memref<1x8x128xi32, #tpu.memory_space<hbm>> -> memref<8x128xi32, #tpu.memory_space<hbm>>
    %dma_wait3A_23 = arith.constant 0 : i32
    %dma_wait3A_24 = arith.constant 0 : i32
    %dma_wait3A_25 = tpu.memref_slice %arg3[%add3A, %dma_wait3A_23, %dma_wait3A_24] : memref<32x80x128xi32, #tpu.memory_space<hbm>> -> memref<1x8x128xi32, #tpu.memory_space<hbm>>
    %dma_wait3A_26 = tpu.memref_squeeze %dma_wait3A_25 : memref<1x8x128xi32, #tpu.memory_space<hbm>> -> memref<8x128xi32, #tpu.memory_space<hbm>>
    tpu.wait_dma2 semaphore(%arg16 : memref<!tpu.dma_semaphore, #tpu.memory_space<semaphore_mem>>) src(%dma_wait3A_26 : memref<8x128xi32, #tpu.memory_space<hbm>>) dst(%arg8 : memref<8x128xi32, #tpu.memory_space<vmem>>)
    %dma_start3A_27 = arith.constant 0 : i32
    %dma_start3A_28 = arith.constant 0 : i32
    %dma_start3A_29 = tpu.memref_slice %arg8[%dma_start3A_27, %dma_start3A_28] : memref<8x128xi32, #tpu.memory_space<vmem>> -> memref<1x128xi32, #tpu.memory_space<vmem>>
    %dma_start3A_30 = tpu.memref_squeeze %dma_start3A_29 : memref<1x128xi32, #tpu.memory_space<vmem>> -> memref<128xi32, #tpu.memory_space<vmem>>
    %dma_start3A_31 = arith.constant 0 : i32
    %dma_start3A_32 = arith.constant 0 : i32
    %dma_start3A_33 = tpu.memref_slice %arg2[%dma_start3A_31, %dma_start3A_32] : memref<10112x128xf32, #tpu.memory_space<hbm>> -> memref<10112x128xf32, #tpu.memory_space<hbm>>
    tpu.enqueue_indirect_dma source(%dma_start3A_33 : memref<10112x128xf32, #tpu.memory_space<hbm>>) target(%arg10 : memref<128x128xf32, #tpu.memory_space<vmem>>) offsets(%dma_start3A_30 : memref<128xi32, #tpu.memory_space<vmem>>) semaphore(%arg12 : memref<!tpu.dma_semaphore, #tpu.memory_space<semaphore_mem>>)
    %dma_start3A_34 = arith.constant 1 : i32
    %dma_start3A_35 = arith.constant 0 : i32
    %dma_start3A_36 = tpu.memref_slice %arg8[%dma_start3A_34, %dma_start3A_35] : memref<8x128xi32, #tpu.memory_space<vmem>> -> memref<1x128xi32, #tpu.memory_space<vmem>>
    %dma_start3A_37 = tpu.memref_squeeze %dma_start3A_36 : memref<1x128xi32, #tpu.memory_space<vmem>> -> memref<128xi32, #tpu.memory_space<vmem>>
    %dma_start3A_38 = arith.constant 0 : i32
    %dma_start3A_39 = arith.constant 0 : i32
    %dma_start3A_40 = tpu.memref_slice %arg2[%dma_start3A_38, %dma_start3A_39] : memref<10112x128xf32, #tpu.memory_space<hbm>> -> memref<10112x128xf32, #tpu.memory_space<hbm>>
    tpu.enqueue_indirect_dma source(%dma_start3A_40 : memref<10112x128xf32, #tpu.memory_space<hbm>>) target(%arg11 : memref<128x128xf32, #tpu.memory_space<vmem>>) offsets(%dma_start3A_37 : memref<128xi32, #tpu.memory_space<vmem>>) semaphore(%arg13 : memref<!tpu.dma_semaphore, #tpu.memory_space<semaphore_mem>>)
    %dma_wait3A_41 = arith.constant 0 : i32
    %dma_wait3A_42 = arith.constant 0 : i32
    %dma_wait3A_43 = tpu.memref_slice %arg8[%dma_wait3A_41, %dma_wait3A_42] : memref<8x128xi32, #tpu.memory_space<vmem>> -> memref<1x128xi32, #tpu.memory_space<vmem>>
    %dma_wait3A_44 = tpu.memref_squeeze %dma_wait3A_43 : memref<1x128xi32, #tpu.memory_space<vmem>> -> memref<128xi32, #tpu.memory_space<vmem>>
    %dma_wait3A_45 = arith.constant 0 : i32
    %dma_wait3A_46 = arith.constant 0 : i32
    %dma_wait3A_47 = tpu.memref_slice %arg2[%dma_wait3A_45, %dma_wait3A_46] : memref<10112x128xf32, #tpu.memory_space<hbm>> -> memref<10112x128xf32, #tpu.memory_space<hbm>>
    tpu.wait_indirect_dma semaphore(%arg12 : memref<!tpu.dma_semaphore, #tpu.memory_space<semaphore_mem>>) src(%dma_wait3A_47 : memref<10112x128xf32, #tpu.memory_space<hbm>>) dst(%arg10 : memref<128x128xf32, #tpu.memory_space<vmem>>)
    %dma_start3A_48 = arith.constant 0 : i32
    %dma_start3A_49 = arith.constant 0 : i32
    %dma_start3A_50 = tpu.memref_slice %arg7[%dma_start3A_48, %dma_start3A_49] : memref<80x128xi32, #tpu.memory_space<vmem>> -> memref<1x128xi32, #tpu.memory_space<vmem>>
    %dma_start3A_51 = tpu.memref_squeeze %dma_start3A_50 : memref<1x128xi32, #tpu.memory_space<vmem>> -> memref<128xi32, #tpu.memory_space<vmem>>
    %dma_start3A_52 = arith.constant 0 : i32
    %dma_start3A_53 = arith.constant 0 : i32
    %dma_start3A_54 = tpu.memref_slice %arg6[%dma_start3A_52, %dma_start3A_53] : memref<10112x128xf32, #tpu.memory_space<vmem_shared>> -> memref<10112x128xf32, #tpu.memory_space<vmem_shared>>
    tpu.enqueue_indirect_dma source(%arg10 : memref<128x128xf32, #tpu.memory_space<vmem>>) target(%dma_start3A_54 : memref<10112x128xf32, #tpu.memory_space<vmem_shared>>) offsets(%dma_start3A_51 : memref<128xi32, #tpu.memory_space<vmem>>) semaphore(%arg14 : memref<!tpu.dma_semaphore, #tpu.memory_space<semaphore_mem>>) {add = true}
    %dma_wait3A_55 = arith.constant 0 : i32
    %dma_wait3A_56 = arith.constant 0 : i32
    %dma_wait3A_57 = tpu.memref_slice %arg7[%dma_wait3A_55, %dma_wait3A_56] : memref<80x128xi32, #tpu.memory_space<vmem>> -> memref<1x128xi32, #tpu.memory_space<vmem>>
    %dma_wait3A_58 = tpu.memref_squeeze %dma_wait3A_57 : memref<1x128xi32, #tpu.memory_space<vmem>> -> memref<128xi32, #tpu.memory_space<vmem>>
    %dma_wait3A_59 = arith.constant 0 : i32
    %dma_wait3A_60 = arith.constant 0 : i32
    %dma_wait3A_61 = tpu.memref_slice %arg6[%dma_wait3A_59, %dma_wait3A_60] : memref<10112x128xf32, #tpu.memory_space<vmem_shared>> -> memref<10112x128xf32, #tpu.memory_space<vmem_shared>>
    tpu.wait_indirect_dma semaphore(%arg14 : memref<!tpu.dma_semaphore, #tpu.memory_space<semaphore_mem>>) src(%arg10 : memref<128x128xf32, #tpu.memory_space<vmem>>) dst(%dma_wait3A_61 : memref<10112x128xf32, #tpu.memory_space<vmem_shared>>)
    %dma_start3A_62 = arith.constant 2 : i32
    %dma_start3A_63 = arith.constant 0 : i32
    %dma_start3A_64 = tpu.memref_slice %arg8[%dma_start3A_62, %dma_start3A_63] : memref<8x128xi32, #tpu.memory_space<vmem>> -> memref<1x128xi32, #tpu.memory_space<vmem>>
    %dma_start3A_65 = tpu.memref_squeeze %dma_start3A_64 : memref<1x128xi32, #tpu.memory_space<vmem>> -> memref<128xi32, #tpu.memory_space<vmem>>
    %dma_start3A_66 = arith.constant 0 : i32
    %dma_start3A_67 = arith.constant 0 : i32
    %dma_start3A_68 = tpu.memref_slice %arg2[%dma_start3A_66, %dma_start3A_67] : memref<10112x128xf32, #tpu.memory_space<hbm>> -> memref<10112x128xf32, #tpu.memory_space<hbm>>
    tpu.enqueue_indirect_dma source(%dma_start3A_68 : memref<10112x128xf32, #tpu.memory_space<hbm>>) target(%arg10 : memref<128x128xf32, #tpu.memory_space<vmem>>) offsets(%dma_start3A_65 : memref<128xi32, #tpu.memory_space<vmem>>) semaphore(%arg12 : memref<!tpu.dma_semaphore, #tpu.memory_space<semaphore_mem>>)
    %dma_wait3A_69 = arith.constant 0 : i32
    %dma_wait3A_70 = arith.constant 0 : i32
    %dma_wait3A_71 = tpu.memref_slice %arg8[%dma_wait3A_69, %dma_wait3A_70] : memref<8x128xi32, #tpu.memory_space<vmem>> -> memref<1x128xi32, #tpu.memory_space<vmem>>
    %dma_wait3A_72 = tpu.memref_squeeze %dma_wait3A_71 : memref<1x128xi32, #tpu.memory_space<vmem>> -> memref<128xi32, #tpu.memory_space<vmem>>
    %dma_wait3A_73 = arith.constant 0 : i32
    %dma_wait3A_74 = arith.constant 0 : i32
    %dma_wait3A_75 = tpu.memref_slice %arg2[%dma_wait3A_73, %dma_wait3A_74] : memref<10112x128xf32, #tpu.memory_space<hbm>> -> memref<10112x128xf32, #tpu.memory_space<hbm>>
    tpu.wait_indirect_dma semaphore(%arg13 : memref<!tpu.dma_semaphore, #tpu.memory_space<semaphore_mem>>) src(%dma_wait3A_75 : memref<10112x128xf32, #tpu.memory_space<hbm>>) dst(%arg11 : memref<128x128xf32, #tpu.memory_space<vmem>>)
    %dma_start3A_76 = arith.constant 1 : i32
    %dma_start3A_77 = arith.constant 0 : i32
    %dma_start3A_78 = tpu.memref_slice %arg7[%dma_start3A_76, %dma_start3A_77] : memref<80x128xi32, #tpu.memory_space<vmem>> -> memref<1x128xi32, #tpu.memory_space<vmem>>
    %dma_start3A_79 = tpu.memref_squeeze %dma_start3A_78 : memref<1x128xi32, #tpu.memory_space<vmem>> -> memref<128xi32, #tpu.memory_space<vmem>>
    %dma_start3A_80 = arith.constant 0 : i32
    %dma_start3A_81 = arith.constant 0 : i32
    %dma_start3A_82 = tpu.memref_slice %arg6[%dma_start3A_80, %dma_start3A_81] : memref<10112x128xf32, #tpu.memory_space<vmem_shared>> -> memref<10112x128xf32, #tpu.memory_space<vmem_shared>>
    tpu.enqueue_indirect_dma source(%arg11 : memref<128x128xf32, #tpu.memory_space<vmem>>) target(%dma_start3A_82 : memref<10112x128xf32, #tpu.memory_space<vmem_shared>>) offsets(%dma_start3A_79 : memref<128xi32, #tpu.memory_space<vmem>>) semaphore(%arg15 : memref<!tpu.dma_semaphore, #tpu.memory_space<semaphore_mem>>) {add = true}
    %dma_wait3A_83 = arith.constant 0 : i32
    %dma_wait3A_84 = arith.constant 0 : i32
    %dma_wait3A_85 = tpu.memref_slice %arg7[%dma_wait3A_83, %dma_wait3A_84] : memref<80x128xi32, #tpu.memory_space<vmem>> -> memref<1x128xi32, #tpu.memory_space<vmem>>
    %dma_wait3A_86 = tpu.memref_squeeze %dma_wait3A_85 : memref<1x128xi32, #tpu.memory_space<vmem>> -> memref<128xi32, #tpu.memory_space<vmem>>
    %dma_wait3A_87 = arith.constant 0 : i32
    %dma_wait3A_88 = arith.constant 0 : i32
    %dma_wait3A_89 = tpu.memref_slice %arg6[%dma_wait3A_87, %dma_wait3A_88] : memref<10112x128xf32, #tpu.memory_space<vmem_shared>> -> memref<10112x128xf32, #tpu.memory_space<vmem_shared>>
    tpu.wait_indirect_dma semaphore(%arg15 : memref<!tpu.dma_semaphore, #tpu.memory_space<semaphore_mem>>) src(%arg11 : memref<128x128xf32, #tpu.memory_space<vmem>>) dst(%dma_wait3A_89 : memref<10112x128xf32, #tpu.memory_space<vmem_shared>>)
    %dma_start3A_90 = arith.constant 3 : i32
    %dma_start3A_91 = arith.constant 0 : i32
    %dma_start3A_92 = tpu.memref_slice %arg8[%dma_start3A_90, %dma_start3A_91] : memref<8x128xi32, #tpu.memory_space<vmem>> -> memref<1x128xi32, #tpu.memory_space<vmem>>
    %dma_start3A_93 = tpu.memref_squeeze %dma_start3A_92 : memref<1x128xi32, #tpu.memory_space<vmem>> -> memref<128xi32, #tpu.memory_space<vmem>>
    %dma_start3A_94 = arith.constant 0 : i32
    %dma_start3A_95 = arith.constant 0 : i32
    %dma_start3A_96 = tpu.memref_slice %arg2[%dma_start3A_94, %dma_start3A_95] : memref<10112x128xf32, #tpu.memory_space<hbm>> -> memref<10112x128xf32, #tpu.memory_space<hbm>>
    tpu.enqueue_indirect_dma source(%dma_start3A_96 : memref<10112x128xf32, #tpu.memory_space<hbm>>) target(%arg11 : memref<128x128xf32, #tpu.memory_space<vmem>>) offsets(%dma_start3A_93 : memref<128xi32, #tpu.memory_space<vmem>>) semaphore(%arg13 : memref<!tpu.dma_semaphore, #tpu.memory_space<semaphore_mem>>)
    %dma_wait3A_97 = arith.constant 0 : i32
    %dma_wait3A_98 = arith.constant 0 : i32
    %dma_wait3A_99 = tpu.memref_slice %arg8[%dma_wait3A_97, %dma_wait3A_98] : memref<8x128xi32, #tpu.memory_space<vmem>> -> memref<1x128xi32, #tpu.memory_space<vmem>>
    %dma_wait3A_100 = tpu.memref_squeeze %dma_wait3A_99 : memref<1x128xi32, #tpu.memory_space<vmem>> -> memref<128xi32, #tpu.memory_space<vmem>>
    %dma_wait3A_101 = arith.constant 0 : i32
    %dma_wait3A_102 = arith.constant 0 : i32
    %dma_wait3A_103 = tpu.memref_slice %arg2[%dma_wait3A_101, %dma_wait3A_102] : memref<10112x128xf32, #tpu.memory_space<hbm>> -> memref<10112x128xf32, #tpu.memory_space<hbm>>
    tpu.wait_indirect_dma semaphore(%arg12 : memref<!tpu.dma_semaphore, #tpu.memory_space<semaphore_mem>>) src(%dma_wait3A_103 : memref<10112x128xf32, #tpu.memory_space<hbm>>) dst(%arg10 : memref<128x128xf32, #tpu.memory_space<vmem>>)
    %dma_start3A_104 = arith.constant 2 : i32
    %dma_start3A_105 = arith.constant 0 : i32
    %dma_start3A_106 = tpu.memref_slice %arg7[%dma_start3A_104, %dma_start3A_105] : memref<80x128xi32, #tpu.memory_space<vmem>> -> memref<1x128xi32, #tpu.memory_space<vmem>>
    %dma_start3A_107 = tpu.memref_squeeze %dma_start3A_106 : memref<1x128xi32, #tpu.memory_space<vmem>> -> memref<128xi32, #tpu.memory_space<vmem>>
    %dma_start3A_108 = arith.constant 0 : i32
    %dma_start3A_109 = arith.constant 0 : i32
    %dma_start3A_110 = tpu.memref_slice %arg6[%dma_start3A_108, %dma_start3A_109] : memref<10112x128xf32, #tpu.memory_space<vmem_shared>> -> memref<10112x128xf32, #tpu.memory_space<vmem_shared>>
    tpu.enqueue_indirect_dma source(%arg10 : memref<128x128xf32, #tpu.memory_space<vmem>>) target(%dma_start3A_110 : memref<10112x128xf32, #tpu.memory_space<vmem_shared>>) offsets(%dma_start3A_107 : memref<128xi32, #tpu.memory_space<vmem>>) semaphore(%arg14 : memref<!tpu.dma_semaphore, #tpu.memory_space<semaphore_mem>>) {add = true}
    %dma_wait3A_111 = arith.constant 0 : i32
    %dma_wait3A_112 = arith.constant 0 : i32
    %dma_wait3A_113 = tpu.memref_slice %arg7[%dma_wait3A_111, %dma_wait3A_112] : memref<80x128xi32, #tpu.memory_space<vmem>> -> memref<1x128xi32, #tpu.memory_space<vmem>>
    %dma_wait3A_114 = tpu.memref_squeeze %dma_wait3A_113 : memref<1x128xi32, #tpu.memory_space<vmem>> -> memref<128xi32, #tpu.memory_space<vmem>>
    %dma_wait3A_115 = arith.constant 0 : i32
    %dma_wait3A_116 = arith.constant 0 : i32
    %dma_wait3A_117 = tpu.memref_slice %arg6[%dma_wait3A_115, %dma_wait3A_116] : memref<10112x128xf32, #tpu.memory_space<vmem_shared>> -> memref<10112x128xf32, #tpu.memory_space<vmem_shared>>
    tpu.wait_indirect_dma semaphore(%arg14 : memref<!tpu.dma_semaphore, #tpu.memory_space<semaphore_mem>>) src(%arg10 : memref<128x128xf32, #tpu.memory_space<vmem>>) dst(%dma_wait3A_117 : memref<10112x128xf32, #tpu.memory_space<vmem_shared>>)
    %dma_start3A_118 = arith.constant 4 : i32
    %dma_start3A_119 = arith.constant 0 : i32
    %dma_start3A_120 = tpu.memref_slice %arg8[%dma_start3A_118, %dma_start3A_119] : memref<8x128xi32, #tpu.memory_space<vmem>> -> memref<1x128xi32, #tpu.memory_space<vmem>>
    %dma_start3A_121 = tpu.memref_squeeze %dma_start3A_120 : memref<1x128xi32, #tpu.memory_space<vmem>> -> memref<128xi32, #tpu.memory_space<vmem>>
    %dma_start3A_122 = arith.constant 0 : i32
    %dma_start3A_123 = arith.constant 0 : i32
    %dma_start3A_124 = tpu.memref_slice %arg2[%dma_start3A_122, %dma_start3A_123] : memref<10112x128xf32, #tpu.memory_space<hbm>> -> memref<10112x128xf32, #tpu.memory_space<hbm>>
    tpu.enqueue_indirect_dma source(%dma_start3A_124 : memref<10112x128xf32, #tpu.memory_space<hbm>>) target(%arg10 : memref<128x128xf32, #tpu.memory_space<vmem>>) offsets(%dma_start3A_121 : memref<128xi32, #tpu.memory_space<vmem>>) semaphore(%arg12 : memref<!tpu.dma_semaphore, #tpu.memory_space<semaphore_mem>>)
    %dma_wait3A_125 = arith.constant 0 : i32
    %dma_wait3A_126 = arith.constant 0 : i32
    %dma_wait3A_127 = tpu.memref_slice %arg8[%dma_wait3A_125, %dma_wait3A_126] : memref<8x128xi32, #tpu.memory_space<vmem>> -> memref<1x128xi32, #tpu.memory_space<vmem>>
    %dma_wait3A_128 = tpu.memref_squeeze %dma_wait3A_127 : memref<1x128xi32, #tpu.memory_space<vmem>> -> memref<128xi32, #tpu.memory_space<vmem>>
    %dma_wait3A_129 = arith.constant 0 : i32
    %dma_wait3A_130 = arith.constant 0 : i32
    %dma_wait3A_131 = tpu.memref_slice %arg2[%dma_wait3A_129, %dma_wait3A_130] : memref<10112x128xf32, #tpu.memory_space<hbm>> -> memref<10112x128xf32, #tpu.memory_space<hbm>>
    tpu.wait_indirect_dma semaphore(%arg13 : memref<!tpu.dma_semaphore, #tpu.memory_space<semaphore_mem>>) src(%dma_wait3A_131 : memref<10112x128xf32, #tpu.memory_space<hbm>>) dst(%arg11 : memref<128x128xf32, #tpu.memory_space<vmem>>)
    %dma_start3A_132 = arith.constant 3 : i32
    %dma_start3A_133 = arith.constant 0 : i32
    %dma_start3A_134 = tpu.memref_slice %arg7[%dma_start3A_132, %dma_start3A_133] : memref<80x128xi32, #tpu.memory_space<vmem>> -> memref<1x128xi32, #tpu.memory_space<vmem>>
    %dma_start3A_135 = tpu.memref_squeeze %dma_start3A_134 : memref<1x128xi32, #tpu.memory_space<vmem>> -> memref<128xi32, #tpu.memory_space<vmem>>
    %dma_start3A_136 = arith.constant 0 : i32
    %dma_start3A_137 = arith.constant 0 : i32
    %dma_start3A_138 = tpu.memref_slice %arg6[%dma_start3A_136, %dma_start3A_137] : memref<10112x128xf32, #tpu.memory_space<vmem_shared>> -> memref<10112x128xf32, #tpu.memory_space<vmem_shared>>
    tpu.enqueue_indirect_dma source(%arg11 : memref<128x128xf32, #tpu.memory_space<vmem>>) target(%dma_start3A_138 : memref<10112x128xf32, #tpu.memory_space<vmem_shared>>) offsets(%dma_start3A_135 : memref<128xi32, #tpu.memory_space<vmem>>) semaphore(%arg15 : memref<!tpu.dma_semaphore, #tpu.memory_space<semaphore_mem>>) {add = true}
    %dma_wait3A_139 = arith.constant 0 : i32
    %dma_wait3A_140 = arith.constant 0 : i32
    %dma_wait3A_141 = tpu.memref_slice %arg7[%dma_wait3A_139, %dma_wait3A_140] : memref<80x128xi32, #tpu.memory_space<vmem>> -> memref<1x128xi32, #tpu.memory_space<vmem>>
    %dma_wait3A_142 = tpu.memref_squeeze %dma_wait3A_141 : memref<1x128xi32, #tpu.memory_space<vmem>> -> memref<128xi32, #tpu.memory_space<vmem>>
    %dma_wait3A_143 = arith.constant 0 : i32
    %dma_wait3A_144 = arith.constant 0 : i32
    %dma_wait3A_145 = tpu.memref_slice %arg6[%dma_wait3A_143, %dma_wait3A_144] : memref<10112x128xf32, #tpu.memory_space<vmem_shared>> -> memref<10112x128xf32, #tpu.memory_space<vmem_shared>>
    tpu.wait_indirect_dma semaphore(%arg15 : memref<!tpu.dma_semaphore, #tpu.memory_space<semaphore_mem>>) src(%arg11 : memref<128x128xf32, #tpu.memory_space<vmem>>) dst(%dma_wait3A_145 : memref<10112x128xf32, #tpu.memory_space<vmem_shared>>)
    %dma_start3A_146 = arith.constant 5 : i32
    %dma_start3A_147 = arith.constant 0 : i32
    %dma_start3A_148 = tpu.memref_slice %arg8[%dma_start3A_146, %dma_start3A_147] : memref<8x128xi32, #tpu.memory_space<vmem>> -> memref<1x128xi32, #tpu.memory_space<vmem>>
    %dma_start3A_149 = tpu.memref_squeeze %dma_start3A_148 : memref<1x128xi32, #tpu.memory_space<vmem>> -> memref<128xi32, #tpu.memory_space<vmem>>
    %dma_start3A_150 = arith.constant 0 : i32
    %dma_start3A_151 = arith.constant 0 : i32
    %dma_start3A_152 = tpu.memref_slice %arg2[%dma_start3A_150, %dma_start3A_151] : memref<10112x128xf32, #tpu.memory_space<hbm>> -> memref<10112x128xf32, #tpu.memory_space<hbm>>
    tpu.enqueue_indirect_dma source(%dma_start3A_152 : memref<10112x128xf32, #tpu.memory_space<hbm>>) target(%arg11 : memref<128x128xf32, #tpu.memory_space<vmem>>) offsets(%dma_start3A_149 : memref<128xi32, #tpu.memory_space<vmem>>) semaphore(%arg13 : memref<!tpu.dma_semaphore, #tpu.memory_space<semaphore_mem>>)
    %dma_wait3A_153 = arith.constant 0 : i32
    %dma_wait3A_154 = arith.constant 0 : i32
    %dma_wait3A_155 = tpu.memref_slice %arg8[%dma_wait3A_153, %dma_wait3A_154] : memref<8x128xi32, #tpu.memory_space<vmem>> -> memref<1x128xi32, #tpu.memory_space<vmem>>
    %dma_wait3A_156 = tpu.memref_squeeze %dma_wait3A_155 : memref<1x128xi32, #tpu.memory_space<vmem>> -> memref<128xi32, #tpu.memory_space<vmem>>
    %dma_wait3A_157 = arith.constant 0 : i32
    %dma_wait3A_158 = arith.constant 0 : i32
    %dma_wait3A_159 = tpu.memref_slice %arg2[%dma_wait3A_157, %dma_wait3A_158] : memref<10112x128xf32, #tpu.memory_space<hbm>> -> memref<10112x128xf32, #tpu.memory_space<hbm>>
    tpu.wait_indirect_dma semaphore(%arg12 : memref<!tpu.dma_semaphore, #tpu.memory_space<semaphore_mem>>) src(%dma_wait3A_159 : memref<10112x128xf32, #tpu.memory_space<hbm>>) dst(%arg10 : memref<128x128xf32, #tpu.memory_space<vmem>>)
    %dma_start3A_160 = arith.constant 4 : i32
    %dma_start3A_161 = arith.constant 0 : i32
    %dma_start3A_162 = tpu.memref_slice %arg7[%dma_start3A_160, %dma_start3A_161] : memref<80x128xi32, #tpu.memory_space<vmem>> -> memref<1x128xi32, #tpu.memory_space<vmem>>
    %dma_start3A_163 = tpu.memref_squeeze %dma_start3A_162 : memref<1x128xi32, #tpu.memory_space<vmem>> -> memref<128xi32, #tpu.memory_space<vmem>>
    %dma_start3A_164 = arith.constant 0 : i32
    %dma_start3A_165 = arith.constant 0 : i32
    %dma_start3A_166 = tpu.memref_slice %arg6[%dma_start3A_164, %dma_start3A_165] : memref<10112x128xf32, #tpu.memory_space<vmem_shared>> -> memref<10112x128xf32, #tpu.memory_space<vmem_shared>>
    tpu.enqueue_indirect_dma source(%arg10 : memref<128x128xf32, #tpu.memory_space<vmem>>) target(%dma_start3A_166 : memref<10112x128xf32, #tpu.memory_space<vmem_shared>>) offsets(%dma_start3A_163 : memref<128xi32, #tpu.memory_space<vmem>>) semaphore(%arg14 : memref<!tpu.dma_semaphore, #tpu.memory_space<semaphore_mem>>) {add = true}
    %dma_wait3A_167 = arith.constant 0 : i32
    %dma_wait3A_168 = arith.constant 0 : i32
    %dma_wait3A_169 = tpu.memref_slice %arg7[%dma_wait3A_167, %dma_wait3A_168] : memref<80x128xi32, #tpu.memory_space<vmem>> -> memref<1x128xi32, #tpu.memory_space<vmem>>
    %dma_wait3A_170 = tpu.memref_squeeze %dma_wait3A_169 : memref<1x128xi32, #tpu.memory_space<vmem>> -> memref<128xi32, #tpu.memory_space<vmem>>
    %dma_wait3A_171 = arith.constant 0 : i32
    %dma_wait3A_172 = arith.constant 0 : i32
    %dma_wait3A_173 = tpu.memref_slice %arg6[%dma_wait3A_171, %dma_wait3A_172] : memref<10112x128xf32, #tpu.memory_space<vmem_shared>> -> memref<10112x128xf32, #tpu.memory_space<vmem_shared>>
    tpu.wait_indirect_dma semaphore(%arg14 : memref<!tpu.dma_semaphore, #tpu.memory_space<semaphore_mem>>) src(%arg10 : memref<128x128xf32, #tpu.memory_space<vmem>>) dst(%dma_wait3A_173 : memref<10112x128xf32, #tpu.memory_space<vmem_shared>>)
    %dma_start3A_174 = arith.constant 6 : i32
    %dma_start3A_175 = arith.constant 0 : i32
    %dma_start3A_176 = tpu.memref_slice %arg8[%dma_start3A_174, %dma_start3A_175] : memref<8x128xi32, #tpu.memory_space<vmem>> -> memref<1x128xi32, #tpu.memory_space<vmem>>
    %dma_start3A_177 = tpu.memref_squeeze %dma_start3A_176 : memref<1x128xi32, #tpu.memory_space<vmem>> -> memref<128xi32, #tpu.memory_space<vmem>>
    %dma_start3A_178 = arith.constant 0 : i32
    %dma_start3A_179 = arith.constant 0 : i32
    %dma_start3A_180 = tpu.memref_slice %arg2[%dma_start3A_178, %dma_start3A_179] : memref<10112x128xf32, #tpu.memory_space<hbm>> -> memref<10112x128xf32, #tpu.memory_space<hbm>>
    tpu.enqueue_indirect_dma source(%dma_start3A_180 : memref<10112x128xf32, #tpu.memory_space<hbm>>) target(%arg10 : memref<128x128xf32, #tpu.memory_space<vmem>>) offsets(%dma_start3A_177 : memref<128xi32, #tpu.memory_space<vmem>>) semaphore(%arg12 : memref<!tpu.dma_semaphore, #tpu.memory_space<semaphore_mem>>)
    %dma_wait3A_181 = arith.constant 0 : i32
    %dma_wait3A_182 = arith.constant 0 : i32
    %dma_wait3A_183 = tpu.memref_slice %arg8[%dma_wait3A_181, %dma_wait3A_182] : memref<8x128xi32, #tpu.memory_space<vmem>> -> memref<1x128xi32, #tpu.memory_space<vmem>>
    %dma_wait3A_184 = tpu.memref_squeeze %dma_wait3A_183 : memref<1x128xi32, #tpu.memory_space<vmem>> -> memref<128xi32, #tpu.memory_space<vmem>>
    %dma_wait3A_185 = arith.constant 0 : i32
    %dma_wait3A_186 = arith.constant 0 : i32
    %dma_wait3A_187 = tpu.memref_slice %arg2[%dma_wait3A_185, %dma_wait3A_186] : memref<10112x128xf32, #tpu.memory_space<hbm>> -> memref<10112x128xf32, #tpu.memory_space<hbm>>
    tpu.wait_indirect_dma semaphore(%arg13 : memref<!tpu.dma_semaphore, #tpu.memory_space<semaphore_mem>>) src(%dma_wait3A_187 : memref<10112x128xf32, #tpu.memory_space<hbm>>) dst(%arg11 : memref<128x128xf32, #tpu.memory_space<vmem>>)
    %dma_start3A_188 = arith.constant 5 : i32
    %dma_start3A_189 = arith.constant 0 : i32
    %dma_start3A_190 = tpu.memref_slice %arg7[%dma_start3A_188, %dma_start3A_189] : memref<80x128xi32, #tpu.memory_space<vmem>> -> memref<1x128xi32, #tpu.memory_space<vmem>>
    %dma_start3A_191 = tpu.memref_squeeze %dma_start3A_190 : memref<1x128xi32, #tpu.memory_space<vmem>> -> memref<128xi32, #tpu.memory_space<vmem>>
    %dma_start3A_192 = arith.constant 0 : i32
    %dma_start3A_193 = arith.constant 0 : i32
    %dma_start3A_194 = tpu.memref_slice %arg6[%dma_start3A_192, %dma_start3A_193] : memref<10112x128xf32, #tpu.memory_space<vmem_shared>> -> memref<10112x128xf32, #tpu.memory_space<vmem_shared>>
    tpu.enqueue_indirect_dma source(%arg11 : memref<128x128xf32, #tpu.memory_space<vmem>>) target(%dma_start3A_194 : memref<10112x128xf32, #tpu.memory_space<vmem_shared>>) offsets(%dma_start3A_191 : memref<128xi32, #tpu.memory_space<vmem>>) semaphore(%arg15 : memref<!tpu.dma_semaphore, #tpu.memory_space<semaphore_mem>>) {add = true}
    %dma_wait3A_195 = arith.constant 0 : i32
    %dma_wait3A_196 = arith.constant 0 : i32
    %dma_wait3A_197 = tpu.memref_slice %arg7[%dma_wait3A_195, %dma_wait3A_196] : memref<80x128xi32, #tpu.memory_space<vmem>> -> memref<1x128xi32, #tpu.memory_space<vmem>>
    %dma_wait3A_198 = tpu.memref_squeeze %dma_wait3A_197 : memref<1x128xi32, #tpu.memory_space<vmem>> -> memref<128xi32, #tpu.memory_space<vmem>>
    %dma_wait3A_199 = arith.constant 0 : i32
    %dma_wait3A_200 = arith.constant 0 : i32
    %dma_wait3A_201 = tpu.memref_slice %arg6[%dma_wait3A_199, %dma_wait3A_200] : memref<10112x128xf32, #tpu.memory_space<vmem_shared>> -> memref<10112x128xf32, #tpu.memory_space<vmem_shared>>
    tpu.wait_indirect_dma semaphore(%arg15 : memref<!tpu.dma_semaphore, #tpu.memory_space<semaphore_mem>>) src(%arg11 : memref<128x128xf32, #tpu.memory_space<vmem>>) dst(%dma_wait3A_201 : memref<10112x128xf32, #tpu.memory_space<vmem_shared>>)
    %dma_start3A_202 = arith.constant 7 : i32
    %dma_start3A_203 = arith.constant 0 : i32
    %dma_start3A_204 = tpu.memref_slice %arg8[%dma_start3A_202, %dma_start3A_203] : memref<8x128xi32, #tpu.memory_space<vmem>> -> memref<1x128xi32, #tpu.memory_space<vmem>>
    %dma_start3A_205 = tpu.memref_squeeze %dma_start3A_204 : memref<1x128xi32, #tpu.memory_space<vmem>> -> memref<128xi32, #tpu.memory_space<vmem>>
    %dma_start3A_206 = arith.constant 0 : i32
    %dma_start3A_207 = arith.constant 0 : i32
    %dma_start3A_208 = tpu.memref_slice %arg2[%dma_start3A_206, %dma_start3A_207] : memref<10112x128xf32, #tpu.memory_space<hbm>> -> memref<10112x128xf32, #tpu.memory_space<hbm>>
    tpu.enqueue_indirect_dma source(%dma_start3A_208 : memref<10112x128xf32, #tpu.memory_space<hbm>>) target(%arg11 : memref<128x128xf32, #tpu.memory_space<vmem>>) offsets(%dma_start3A_205 : memref<128xi32, #tpu.memory_space<vmem>>) semaphore(%arg13 : memref<!tpu.dma_semaphore, #tpu.memory_space<semaphore_mem>>)
    %dma_wait3A_209 = arith.constant 0 : i32
    %dma_wait3A_210 = arith.constant 0 : i32
    %dma_wait3A_211 = tpu.memref_slice %arg8[%dma_wait3A_209, %dma_wait3A_210] : memref<8x128xi32, #tpu.memory_space<vmem>> -> memref<1x128xi32, #tpu.memory_space<vmem>>
    %dma_wait3A_212 = tpu.memref_squeeze %dma_wait3A_211 : memref<1x128xi32, #tpu.memory_space<vmem>> -> memref<128xi32, #tpu.memory_space<vmem>>
    %dma_wait3A_213 = arith.constant 0 : i32
    %dma_wait3A_214 = arith.constant 0 : i32
    %dma_wait3A_215 = tpu.memref_slice %arg2[%dma_wait3A_213, %dma_wait3A_214] : memref<10112x128xf32, #tpu.memory_space<hbm>> -> memref<10112x128xf32, #tpu.memory_space<hbm>>
    tpu.wait_indirect_dma semaphore(%arg12 : memref<!tpu.dma_semaphore, #tpu.memory_space<semaphore_mem>>) src(%dma_wait3A_215 : memref<10112x128xf32, #tpu.memory_space<hbm>>) dst(%arg10 : memref<128x128xf32, #tpu.memory_space<vmem>>)
    %dma_start3A_216 = arith.constant 6 : i32
    %dma_start3A_217 = arith.constant 0 : i32
    %dma_start3A_218 = tpu.memref_slice %arg7[%dma_start3A_216, %dma_start3A_217] : memref<80x128xi32, #tpu.memory_space<vmem>> -> memref<1x128xi32, #tpu.memory_space<vmem>>
    %dma_start3A_219 = tpu.memref_squeeze %dma_start3A_218 : memref<1x128xi32, #tpu.memory_space<vmem>> -> memref<128xi32, #tpu.memory_space<vmem>>
    %dma_start3A_220 = arith.constant 0 : i32
    %dma_start3A_221 = arith.constant 0 : i32
    %dma_start3A_222 = tpu.memref_slice %arg6[%dma_start3A_220, %dma_start3A_221] : memref<10112x128xf32, #tpu.memory_space<vmem_shared>> -> memref<10112x128xf32, #tpu.memory_space<vmem_shared>>
    tpu.enqueue_indirect_dma source(%arg10 : memref<128x128xf32, #tpu.memory_space<vmem>>) target(%dma_start3A_222 : memref<10112x128xf32, #tpu.memory_space<vmem_shared>>) offsets(%dma_start3A_219 : memref<128xi32, #tpu.memory_space<vmem>>) semaphore(%arg14 : memref<!tpu.dma_semaphore, #tpu.memory_space<semaphore_mem>>) {add = true}
    %dma_wait3A_223 = arith.constant 0 : i32
    %dma_wait3A_224 = arith.constant 0 : i32
    %dma_wait3A_225 = tpu.memref_slice %arg7[%dma_wait3A_223, %dma_wait3A_224] : memref<80x128xi32, #tpu.memory_space<vmem>> -> memref<1x128xi32, #tpu.memory_space<vmem>>
    %dma_wait3A_226 = tpu.memref_squeeze %dma_wait3A_225 : memref<1x128xi32, #tpu.memory_space<vmem>> -> memref<128xi32, #tpu.memory_space<vmem>>
    %dma_wait3A_227 = arith.constant 0 : i32
    %dma_wait3A_228 = arith.constant 0 : i32
    %dma_wait3A_229 = tpu.memref_slice %arg6[%dma_wait3A_227, %dma_wait3A_228] : memref<10112x128xf32, #tpu.memory_space<vmem_shared>> -> memref<10112x128xf32, #tpu.memory_space<vmem_shared>>
    tpu.wait_indirect_dma semaphore(%arg14 : memref<!tpu.dma_semaphore, #tpu.memory_space<semaphore_mem>>) src(%arg10 : memref<128x128xf32, #tpu.memory_space<vmem>>) dst(%dma_wait3A_229 : memref<10112x128xf32, #tpu.memory_space<vmem_shared>>)
    %dma_wait3A_230 = arith.constant 0 : i32
    %dma_wait3A_231 = arith.constant 0 : i32
    %dma_wait3A_232 = tpu.memref_slice %arg3[%add3A, %dma_wait3A_230, %dma_wait3A_231] : memref<32x80x128xi32, #tpu.memory_space<hbm>> -> memref<1x8x128xi32, #tpu.memory_space<hbm>>
    %dma_wait3A_233 = tpu.memref_squeeze %dma_wait3A_232 : memref<1x8x128xi32, #tpu.memory_space<hbm>> -> memref<8x128xi32, #tpu.memory_space<hbm>>
    %dma_wait3A_234 = arith.constant 0 : i32
    %dma_wait3A_235 = arith.constant 0 : i32
    %dma_wait3A_236 = tpu.memref_slice %arg3[%add3A, %dma_wait3A_234, %dma_wait3A_235] : memref<32x80x128xi32, #tpu.memory_space<hbm>> -> memref<1x8x128xi32, #tpu.memory_space<hbm>>
    %dma_wait3A_237 = tpu.memref_squeeze %dma_wait3A_236 : memref<1x8x128xi32, #tpu.memory_space<hbm>> -> memref<8x128xi32, #tpu.memory_space<hbm>>
    tpu.wait_dma2 semaphore(%arg17 : memref<!tpu.dma_semaphore, #tpu.memory_space<semaphore_mem>>) src(%dma_wait3A_237 : memref<8x128xi32, #tpu.memory_space<hbm>>) dst(%arg9 : memref<8x128xi32, #tpu.memory_space<vmem>>)
    %dma_start3A_238 = arith.constant 0 : i32
    %dma_start3A_239 = arith.constant 0 : i32
    %dma_start3A_240 = tpu.memref_slice %arg9[%dma_start3A_238, %dma_start3A_239] : memref<8x128xi32, #tpu.memory_space<vmem>> -> memref<1x128xi32, #tpu.memory_space<vmem>>
    %dma_start3A_241 = tpu.memref_squeeze %dma_start3A_240 : memref<1x128xi32, #tpu.memory_space<vmem>> -> memref<128xi32, #tpu.memory_space<vmem>>
    %dma_start3A_242 = arith.constant 0 : i32
    %dma_start3A_243 = arith.constant 0 : i32
    %dma_start3A_244 = tpu.memref_slice %arg2[%dma_start3A_242, %dma_start3A_243] : memref<10112x128xf32, #tpu.memory_space<hbm>> -> memref<10112x128xf32, #tpu.memory_space<hbm>>
    tpu.enqueue_indirect_dma source(%dma_start3A_244 : memref<10112x128xf32, #tpu.memory_space<hbm>>) target(%arg10 : memref<128x128xf32, #tpu.memory_space<vmem>>) offsets(%dma_start3A_241 : memref<128xi32, #tpu.memory_space<vmem>>) semaphore(%arg12 : memref<!tpu.dma_semaphore, #tpu.memory_space<semaphore_mem>>)
    %dma_wait3A_245 = arith.constant 0 : i32
    %dma_wait3A_246 = arith.constant 0 : i32
    %dma_wait3A_247 = tpu.memref_slice %arg8[%dma_wait3A_245, %dma_wait3A_246] : memref<8x128xi32, #tpu.memory_space<vmem>> -> memref<1x128xi32, #tpu.memory_space<vmem>>
    %dma_wait3A_248 = tpu.memref_squeeze %dma_wait3A_247 : memref<1x128xi32, #tpu.memory_space<vmem>> -> memref<128xi32, #tpu.memory_space<vmem>>
    %dma_wait3A_249 = arith.constant 0 : i32
    %dma_wait3A_250 = arith.constant 0 : i32
    %dma_wait3A_251 = tpu.memref_slice %arg2[%dma_wait3A_249, %dma_wait3A_250] : memref<10112x128xf32, #tpu.memory_space<hbm>> -> memref<10112x128xf32, #tpu.memory_space<hbm>>
    tpu.wait_indirect_dma semaphore(%arg13 : memref<!tpu.dma_semaphore, #tpu.memory_space<semaphore_mem>>) src(%dma_wait3A_251 : memref<10112x128xf32, #tpu.memory_space<hbm>>) dst(%arg11 : memref<128x128xf32, #tpu.memory_space<vmem>>)
    %dma_start3A_252 = arith.constant 16 : i32
    %dma_start3A_253 = arith.constant 0 : i32
    %dma_start3A_254 = tpu.memref_slice %arg3[%add3A, %dma_start3A_252, %dma_start3A_253] : memref<32x80x128xi32, #tpu.memory_space<hbm>> -> memref<1x8x128xi32, #tpu.memory_space<hbm>>
    %dma_start3A_255 = tpu.memref_squeeze %dma_start3A_254 : memref<1x8x128xi32, #tpu.memory_space<hbm>> -> memref<8x128xi32, #tpu.memory_space<hbm>>
    %dma_start3A_256 = arith.constant 16 : i32
    %dma_start3A_257 = arith.constant 0 : i32
    %dma_start3A_258 = tpu.memref_slice %arg3[%add3A, %dma_start3A_256, %dma_start3A_257] : memref<32x80x128xi32, #tpu.memory_space<hbm>> -> memref<1x8x128xi32, #tpu.memory_space<hbm>>
    %dma_start3A_259 = tpu.memref_squeeze %dma_start3A_258 : memref<1x8x128xi32, #tpu.memory_space<hbm>> -> memref<8x128xi32, #tpu.memory_space<hbm>>
    tpu.enqueue_dma source(%dma_start3A_259 : memref<8x128xi32, #tpu.memory_space<hbm>>) target(%arg8 : memref<8x128xi32, #tpu.memory_space<vmem>>) target_semaphore(%arg16 : memref<!tpu.dma_semaphore, #tpu.memory_space<semaphore_mem>>)
    %dma_start3A_260 = arith.constant 7 : i32
    %dma_start3A_261 = arith.constant 0 : i32
    %dma_start3A_262 = tpu.memref_slice %arg7[%dma_start3A_260, %dma_start3A_261] : memref<80x128xi32, #tpu.memory_space<vmem>> -> memref<1x128xi32, #tpu.memory_space<vmem>>
    %dma_start3A_263 = tpu.memref_squeeze %dma_start3A_262 : memref<1x128xi32, #tpu.memory_space<vmem>> -> memref<128xi32, #tpu.memory_space<vmem>>
    %dma_start3A_264 = arith.constant 0 : i32
    %dma_start3A_265 = arith.constant 0 : i32
    %dma_start3A_266 = tpu.memref_slice %arg6[%dma_start3A_264, %dma_start3A_265] : memref<10112x128xf32, #tpu.memory_space<vmem_shared>> -> memref<10112x128xf32, #tpu.memory_space<vmem_shared>>
    tpu.enqueue_indirect_dma source(%arg11 : memref<128x128xf32, #tpu.memory_space<vmem>>) target(%dma_start3A_266 : memref<10112x128xf32, #tpu.memory_space<vmem_shared>>) offsets(%dma_start3A_263 : memref<128xi32, #tpu.memory_space<vmem>>) semaphore(%arg15 : memref<!tpu.dma_semaphore, #tpu.memory_space<semaphore_mem>>) {add = true}
    %dma_wait3A_267 = arith.constant 0 : i32
    %dma_wait3A_268 = arith.constant 0 : i32
    %dma_wait3A_269 = tpu.memref_slice %arg7[%dma_wait3A_267, %dma_wait3A_268] : memref<80x128xi32, #tpu.memory_space<vmem>> -> memref<1x128xi32, #tpu.memory_space<vmem>>
    %dma_wait3A_270 = tpu.memref_squeeze %dma_wait3A_269 : memref<1x128xi32, #tpu.memory_space<vmem>> -> memref<128xi32, #tpu.memory_space<vmem>>
    %dma_wait3A_271 = arith.constant 0 : i32
    %dma_wait3A_272 = arith.constant 0 : i32
    %dma_wait3A_273 = tpu.memref_slice %arg6[%dma_wait3A_271, %dma_wait3A_272] : memref<10112x128xf32, #tpu.memory_space<vmem_shared>> -> memref<10112x128xf32, #tpu.memory_space<vmem_shared>>
    tpu.wait_indirect_dma semaphore(%arg15 : memref<!tpu.dma_semaphore, #tpu.memory_space<semaphore_mem>>) src(%arg11 : memref<128x128xf32, #tpu.memory_space<vmem>>) dst(%dma_wait3A_273 : memref<10112x128xf32, #tpu.memory_space<vmem_shared>>)
    %dma_start3A_274 = arith.constant 1 : i32
    %dma_start3A_275 = arith.constant 0 : i32
    %dma_start3A_276 = tpu.memref_slice %arg9[%dma_start3A_274, %dma_start3A_275] : memref<8x128xi32, #tpu.memory_space<vmem>> -> memref<1x128xi32, #tpu.memory_space<vmem>>
    %dma_start3A_277 = tpu.memref_squeeze %dma_start3A_276 : memref<1x128xi32, #tpu.memory_space<vmem>> -> memref<128xi32, #tpu.memory_space<vmem>>
    %dma_start3A_278 = arith.constant 0 : i32
    %dma_start3A_279 = arith.constant 0 : i32
    %dma_start3A_280 = tpu.memref_slice %arg2[%dma_start3A_278, %dma_start3A_279] : memref<10112x128xf32, #tpu.memory_space<hbm>> -> memref<10112x128xf32, #tpu.memory_space<hbm>>
    tpu.enqueue_indirect_dma source(%dma_start3A_280 : memref<10112x128xf32, #tpu.memory_space<hbm>>) target(%arg11 : memref<128x128xf32, #tpu.memory_space<vmem>>) offsets(%dma_start3A_277 : memref<128xi32, #tpu.memory_space<vmem>>) semaphore(%arg13 : memref<!tpu.dma_semaphore, #tpu.memory_space<semaphore_mem>>)
    %dma_wait3A_281 = arith.constant 0 : i32
    %dma_wait3A_282 = arith.constant 0 : i32
    %dma_wait3A_283 = tpu.memref_slice %arg8[%dma_wait3A_281, %dma_wait3A_282] : memref<8x128xi32, #tpu.memory_space<vmem>> -> memref<1x128xi32, #tpu.memory_space<vmem>>
    %dma_wait3A_284 = tpu.memref_squeeze %dma_wait3A_283 : memref<1x128xi32, #tpu.memory_space<vmem>> -> memref<128xi32, #tpu.memory_space<vmem>>
    %dma_wait3A_285 = arith.constant 0 : i32
    %dma_wait3A_286 = arith.constant 0 : i32
    %dma_wait3A_287 = tpu.memref_slice %arg2[%dma_wait3A_285, %dma_wait3A_286] : memref<10112x128xf32, #tpu.memory_space<hbm>> -> memref<10112x128xf32, #tpu.memory_space<hbm>>
    tpu.wait_indirect_dma semaphore(%arg12 : memref<!tpu.dma_semaphore, #tpu.memory_space<semaphore_mem>>) src(%dma_wait3A_287 : memref<10112x128xf32, #tpu.memory_space<hbm>>) dst(%arg10 : memref<128x128xf32, #tpu.memory_space<vmem>>)
    %dma_start3A_288 = arith.constant 8 : i32
    %dma_start3A_289 = arith.constant 0 : i32
    %dma_start3A_290 = tpu.memref_slice %arg7[%dma_start3A_288, %dma_start3A_289] : memref<80x128xi32, #tpu.memory_space<vmem>> -> memref<1x128xi32, #tpu.memory_space<vmem>>
    %dma_start3A_291 = tpu.memref_squeeze %dma_start3A_290 : memref<1x128xi32, #tpu.memory_space<vmem>> -> memref<128xi32, #tpu.memory_space<vmem>>
    %dma_start3A_292 = arith.constant 0 : i32
    %dma_start3A_293 = arith.constant 0 : i32
    %dma_start3A_294 = tpu.memref_slice %arg6[%dma_start3A_292, %dma_start3A_293] : memref<10112x128xf32, #tpu.memory_space<vmem_shared>> -> memref<10112x128xf32, #tpu.memory_space<vmem_shared>>
    tpu.enqueue_indirect_dma source(%arg10 : memref<128x128xf32, #tpu.memory_space<vmem>>) target(%dma_start3A_294 : memref<10112x128xf32, #tpu.memory_space<vmem_shared>>) offsets(%dma_start3A_291 : memref<128xi32, #tpu.memory_space<vmem>>) semaphore(%arg14 : memref<!tpu.dma_semaphore, #tpu.memory_space<semaphore_mem>>) {add = true}
    %dma_wait3A_295 = arith.constant 0 : i32
    %dma_wait3A_296 = arith.constant 0 : i32
    %dma_wait3A_297 = tpu.memref_slice %arg7[%dma_wait3A_295, %dma_wait3A_296] : memref<80x128xi32, #tpu.memory_space<vmem>> -> memref<1x128xi32, #tpu.memory_space<vmem>>
    %dma_wait3A_298 = tpu.memref_squeeze %dma_wait3A_297 : memref<1x128xi32, #tpu.memory_space<vmem>> -> memref<128xi32, #tpu.memory_space<vmem>>
    %dma_wait3A_299 = arith.constant 0 : i32
    %dma_wait3A_300 = arith.constant 0 : i32
    %dma_wait3A_301 = tpu.memref_slice %arg6[%dma_wait3A_299, %dma_wait3A_300] : memref<10112x128xf32, #tpu.memory_space<vmem_shared>> -> memref<10112x128xf32, #tpu.memory_space<vmem_shared>>
    tpu.wait_indirect_dma semaphore(%arg14 : memref<!tpu.dma_semaphore, #tpu.memory_space<semaphore_mem>>) src(%arg10 : memref<128x128xf32, #tpu.memory_space<vmem>>) dst(%dma_wait3A_301 : memref<10112x128xf32, #tpu.memory_space<vmem_shared>>)
    %dma_start3A_302 = arith.constant 2 : i32
    %dma_start3A_303 = arith.constant 0 : i32
    %dma_start3A_304 = tpu.memref_slice %arg9[%dma_start3A_302, %dma_start3A_303] : memref<8x128xi32, #tpu.memory_space<vmem>> -> memref<1x128xi32, #tpu.memory_space<vmem>>
    %dma_start3A_305 = tpu.memref_squeeze %dma_start3A_304 : memref<1x128xi32, #tpu.memory_space<vmem>> -> memref<128xi32, #tpu.memory_space<vmem>>
    %dma_start3A_306 = arith.constant 0 : i32
    %dma_start3A_307 = arith.constant 0 : i32
    %dma_start3A_308 = tpu.memref_slice %arg2[%dma_start3A_306, %dma_start3A_307] : memref<10112x128xf32, #tpu.memory_space<hbm>> -> memref<10112x128xf32, #tpu.memory_space<hbm>>
    tpu.enqueue_indirect_dma source(%dma_start3A_308 : memref<10112x128xf32, #tpu.memory_space<hbm>>) target(%arg10 : memref<128x128xf32, #tpu.memory_space<vmem>>) offsets(%dma_start3A_305 : memref<128xi32, #tpu.memory_space<vmem>>) semaphore(%arg12 : memref<!tpu.dma_semaphore, #tpu.memory_space<semaphore_mem>>)
    %dma_wait3A_309 = arith.constant 0 : i32
    %dma_wait3A_310 = arith.constant 0 : i32
    %dma_wait3A_311 = tpu.memref_slice %arg8[%dma_wait3A_309, %dma_wait3A_310] : memref<8x128xi32, #tpu.memory_space<vmem>> -> memref<1x128xi32, #tpu.memory_space<vmem>>
    %dma_wait3A_312 = tpu.memref_squeeze %dma_wait3A_311 : memref<1x128xi32, #tpu.memory_space<vmem>> -> memref<128xi32, #tpu.memory_space<vmem>>
    %dma_wait3A_313 = arith.constant 0 : i32
    %dma_wait3A_314 = arith.constant 0 : i32
    %dma_wait3A_315 = tpu.memref_slice %arg2[%dma_wait3A_313, %dma_wait3A_314] : memref<10112x128xf32, #tpu.memory_space<hbm>> -> memref<10112x128xf32, #tpu.memory_space<hbm>>
    tpu.wait_indirect_dma semaphore(%arg13 : memref<!tpu.dma_semaphore, #tpu.memory_space<semaphore_mem>>) src(%dma_wait3A_315 : memref<10112x128xf32, #tpu.memory_space<hbm>>) dst(%arg11 : memref<128x128xf32, #tpu.memory_space<vmem>>)
    %dma_start3A_316 = arith.constant 9 : i32
    %dma_start3A_317 = arith.constant 0 : i32
    %dma_start3A_318 = tpu.memref_slice %arg7[%dma_start3A_316, %dma_start3A_317] : memref<80x128xi32, #tpu.memory_space<vmem>> -> memref<1x128xi32, #tpu.memory_space<vmem>>
    %dma_start3A_319 = tpu.memref_squeeze %dma_start3A_318 : memref<1x128xi32, #tpu.memory_space<vmem>> -> memref<128xi32, #tpu.memory_space<vmem>>
    %dma_start3A_320 = arith.constant 0 : i32
    %dma_start3A_321 = arith.constant 0 : i32
    %dma_start3A_322 = tpu.memref_slice %arg6[%dma_start3A_320, %dma_start3A_321] : memref<10112x128xf32, #tpu.memory_space<vmem_shared>> -> memref<10112x128xf32, #tpu.memory_space<vmem_shared>>
    tpu.enqueue_indirect_dma source(%arg11 : memref<128x128xf32, #tpu.memory_space<vmem>>) target(%dma_start3A_322 : memref<10112x128xf32, #tpu.memory_space<vmem_shared>>) offsets(%dma_start3A_319 : memref<128xi32, #tpu.memory_space<vmem>>) semaphore(%arg15 : memref<!tpu.dma_semaphore, #tpu.memory_space<semaphore_mem>>) {add = true}
    %dma_wait3A_323 = arith.constant 0 : i32
    %dma_wait3A_324 = arith.constant 0 : i32
    %dma_wait3A_325 = tpu.memref_slice %arg7[%dma_wait3A_323, %dma_wait3A_324] : memref<80x128xi32, #tpu.memory_space<vmem>> -> memref<1x128xi32, #tpu.memory_space<vmem>>
    %dma_wait3A_326 = tpu.memref_squeeze %dma_wait3A_325 : memref<1x128xi32, #tpu.memory_space<vmem>> -> memref<128xi32, #tpu.memory_space<vmem>>
    %dma_wait3A_327 = arith.constant 0 : i32
    %dma_wait3A_328 = arith.constant 0 : i32
    %dma_wait3A_329 = tpu.memref_slice %arg6[%dma_wait3A_327, %dma_wait3A_328] : memref<10112x128xf32, #tpu.memory_space<vmem_shared>> -> memref<10112x128xf32, #tpu.memory_space<vmem_shared>>
    tpu.wait_indirect_dma semaphore(%arg15 : memref<!tpu.dma_semaphore, #tpu.memory_space<semaphore_mem>>) src(%arg11 : memref<128x128xf32, #tpu.memory_space<vmem>>) dst(%dma_wait3A_329 : memref<10112x128xf32, #tpu.memory_space<vmem_shared>>)
    %dma_start3A_330 = arith.constant 3 : i32
    %dma_start3A_331 = arith.constant 0 : i32
    %dma_start3A_332 = tpu.memref_slice %arg9[%dma_start3A_330, %dma_start3A_331] : memref<8x128xi32, #tpu.memory_space<vmem>> -> memref<1x128xi32, #tpu.memory_space<vmem>>
    %dma_start3A_333 = tpu.memref_squeeze %dma_start3A_332 : memref<1x128xi32, #tpu.memory_space<vmem>> -> memref<128xi32, #tpu.memory_space<vmem>>
    %dma_start3A_334 = arith.constant 0 : i32
    %dma_start3A_335 = arith.constant 0 : i32
    %dma_start3A_336 = tpu.memref_slice %arg2[%dma_start3A_334, %dma_start3A_335] : memref<10112x128xf32, #tpu.memory_space<hbm>> -> memref<10112x128xf32, #tpu.memory_space<hbm>>
    tpu.enqueue_indirect_dma source(%dma_start3A_336 : memref<10112x128xf32, #tpu.memory_space<hbm>>) target(%arg11 : memref<128x128xf32, #tpu.memory_space<vmem>>) offsets(%dma_start3A_333 : memref<128xi32, #tpu.memory_space<vmem>>) semaphore(%arg13 : memref<!tpu.dma_semaphore, #tpu.memory_space<semaphore_mem>>)
    %dma_wait3A_337 = arith.constant 0 : i32
    %dma_wait3A_338 = arith.constant 0 : i32
    %dma_wait3A_339 = tpu.memref_slice %arg8[%dma_wait3A_337, %dma_wait3A_338] : memref<8x128xi32, #tpu.memory_space<vmem>> -> memref<1x128xi32, #tpu.memory_space<vmem>>
    %dma_wait3A_340 = tpu.memref_squeeze %dma_wait3A_339 : memref<1x128xi32, #tpu.memory_space<vmem>> -> memref<128xi32, #tpu.memory_space<vmem>>
    %dma_wait3A_341 = arith.constant 0 : i32
    %dma_wait3A_342 = arith.constant 0 : i32
    %dma_wait3A_343 = tpu.memref_slice %arg2[%dma_wait3A_341, %dma_wait3A_342] : memref<10112x128xf32, #tpu.memory_space<hbm>> -> memref<10112x128xf32, #tpu.memory_space<hbm>>
    tpu.wait_indirect_dma semaphore(%arg12 : memref<!tpu.dma_semaphore, #tpu.memory_space<semaphore_mem>>) src(%dma_wait3A_343 : memref<10112x128xf32, #tpu.memory_space<hbm>>) dst(%arg10 : memref<128x128xf32, #tpu.memory_space<vmem>>)
    %dma_start3A_344 = arith.constant 10 : i32
    %dma_start3A_345 = arith.constant 0 : i32
    %dma_start3A_346 = tpu.memref_slice %arg7[%dma_start3A_344, %dma_start3A_345] : memref<80x128xi32, #tpu.memory_space<vmem>> -> memref<1x128xi32, #tpu.memory_space<vmem>>
    %dma_start3A_347 = tpu.memref_squeeze %dma_start3A_346 : memref<1x128xi32, #tpu.memory_space<vmem>> -> memref<128xi32, #tpu.memory_space<vmem>>
    %dma_start3A_348 = arith.constant 0 : i32
    %dma_start3A_349 = arith.constant 0 : i32
    %dma_start3A_350 = tpu.memref_slice %arg6[%dma_start3A_348, %dma_start3A_349] : memref<10112x128xf32, #tpu.memory_space<vmem_shared>> -> memref<10112x128xf32, #tpu.memory_space<vmem_shared>>
    tpu.enqueue_indirect_dma source(%arg10 : memref<128x128xf32, #tpu.memory_space<vmem>>) target(%dma_start3A_350 : memref<10112x128xf32, #tpu.memory_space<vmem_shared>>) offsets(%dma_start3A_347 : memref<128xi32, #tpu.memory_space<vmem>>) semaphore(%arg14 : memref<!tpu.dma_semaphore, #tpu.memory_space<semaphore_mem>>) {add = true}
    %dma_wait3A_351 = arith.constant 0 : i32
    %dma_wait3A_352 = arith.constant 0 : i32
    %dma_wait3A_353 = tpu.memref_slice %arg7[%dma_wait3A_351, %dma_wait3A_352] : memref<80x128xi32, #tpu.memory_space<vmem>> -> memref<1x128xi32, #tpu.memory_space<vmem>>
    %dma_wait3A_354 = tpu.memref_squeeze %dma_wait3A_353 : memref<1x128xi32, #tpu.memory_space<vmem>> -> memref<128xi32, #tpu.memory_space<vmem>>
    %dma_wait3A_355 = arith.constant 0 : i32
    %dma_wait3A_356 = arith.constant 0 : i32
    %dma_wait3A_357 = tpu.memref_slice %arg6[%dma_wait3A_355, %dma_wait3A_356] : memref<10112x128xf32, #tpu.memory_space<vmem_shared>> -> memref<10112x128xf32, #tpu.memory_space<vmem_shared>>
    tpu.wait_indirect_dma semaphore(%arg14 : memref<!tpu.dma_semaphore, #tpu.memory_space<semaphore_mem>>) src(%arg10 : memref<128x128xf32, #tpu.memory_space<vmem>>) dst(%dma_wait3A_357 : memref<10112x128xf32, #tpu.memory_space<vmem_shared>>)
    %dma_start3A_358 = arith.constant 4 : i32
    %dma_start3A_359 = arith.constant 0 : i32
    %dma_start3A_360 = tpu.memref_slice %arg9[%dma_start3A_358, %dma_start3A_359] : memref<8x128xi32, #tpu.memory_space<vmem>> -> memref<1x128xi32, #tpu.memory_space<vmem>>
    %dma_start3A_361 = tpu.memref_squeeze %dma_start3A_360 : memref<1x128xi32, #tpu.memory_space<vmem>> -> memref<128xi32, #tpu.memory_space<vmem>>
    %dma_start3A_362 = arith.constant 0 : i32
    %dma_start3A_363 = arith.constant 0 : i32
    %dma_start3A_364 = tpu.memref_slice %arg2[%dma_start3A_362, %dma_start3A_363] : memref<10112x128xf32, #tpu.memory_space<hbm>> -> memref<10112x128xf32, #tpu.memory_space<hbm>>
    tpu.enqueue_indirect_dma source(%dma_start3A_364 : memref<10112x128xf32, #tpu.memory_space<hbm>>) target(%arg10 : memref<128x128xf32, #tpu.memory_space<vmem>>) offsets(%dma_start3A_361 : memref<128xi32, #tpu.memory_space<vmem>>) semaphore(%arg12 : memref<!tpu.dma_semaphore, #tpu.memory_space<semaphore_mem>>)
    %dma_wait3A_365 = arith.constant 0 : i32
    %dma_wait3A_366 = arith.constant 0 : i32
    %dma_wait3A_367 = tpu.memref_slice %arg8[%dma_wait3A_365, %dma_wait3A_366] : memref<8x128xi32, #tpu.memory_space<vmem>> -> memref<1x128xi32, #tpu.memory_space<vmem>>
    %dma_wait3A_368 = tpu.memref_squeeze %dma_wait3A_367 : memref<1x128xi32, #tpu.memory_space<vmem>> -> memref<128xi32, #tpu.memory_space<vmem>>
    %dma_wait3A_369 = arith.constant 0 : i32
    %dma_wait3A_370 = arith.constant 0 : i32
    %dma_wait3A_371 = tpu.memref_slice %arg2[%dma_wait3A_369, %dma_wait3A_370] : memref<10112x128xf32, #tpu.memory_space<hbm>> -> memref<10112x128xf32, #tpu.memory_space<hbm>>
    tpu.wait_indirect_dma semaphore(%arg13 : memref<!tpu.dma_semaphore, #tpu.memory_space<semaphore_mem>>) src(%dma_wait3A_371 : memref<10112x128xf32, #tpu.memory_space<hbm>>) dst(%arg11 : memref<128x128xf32, #tpu.memory_space<vmem>>)
    %dma_start3A_372 = arith.constant 11 : i32
    %dma_start3A_373 = arith.constant 0 : i32
    %dma_start3A_374 = tpu.memref_slice %arg7[%dma_start3A_372, %dma_start3A_373] : memref<80x128xi32, #tpu.memory_space<vmem>> -> memref<1x128xi32, #tpu.memory_space<vmem>>
    %dma_start3A_375 = tpu.memref_squeeze %dma_start3A_374 : memref<1x128xi32, #tpu.memory_space<vmem>> -> memref<128xi32, #tpu.memory_space<vmem>>
    %dma_start3A_376 = arith.constant 0 : i32
    %dma_start3A_377 = arith.constant 0 : i32
    %dma_start3A_378 = tpu.memref_slice %arg6[%dma_start3A_376, %dma_start3A_377] : memref<10112x128xf32, #tpu.memory_space<vmem_shared>> -> memref<10112x128xf32, #tpu.memory_space<vmem_shared>>
    tpu.enqueue_indirect_dma source(%arg11 : memref<128x128xf32, #tpu.memory_space<vmem>>) target(%dma_start3A_378 : memref<10112x128xf32, #tpu.memory_space<vmem_shared>>) offsets(%dma_start3A_375 : memref<128xi32, #tpu.memory_space<vmem>>) semaphore(%arg15 : memref<!tpu.dma_semaphore, #tpu.memory_space<semaphore_mem>>) {add = true}
    %dma_wait3A_379 = arith.constant 0 : i32
    %dma_wait3A_380 = arith.constant 0 : i32
    %dma_wait3A_381 = tpu.memref_slice %arg7[%dma_wait3A_379, %dma_wait3A_380] : memref<80x128xi32, #tpu.memory_space<vmem>> -> memref<1x128xi32, #tpu.memory_space<vmem>>
    %dma_wait3A_382 = tpu.memref_squeeze %dma_wait3A_381 : memref<1x128xi32, #tpu.memory_space<vmem>> -> memref<128xi32, #tpu.memory_space<vmem>>
    %dma_wait3A_383 = arith.constant 0 : i32
    %dma_wait3A_384 = arith.constant 0 : i32
    %dma_wait3A_385 = tpu.memref_slice %arg6[%dma_wait3A_383, %dma_wait3A_384] : memref<10112x128xf32, #tpu.memory_space<vmem_shared>> -> memref<10112x128xf32, #tpu.memory_space<vmem_shared>>
    tpu.wait_indirect_dma semaphore(%arg15 : memref<!tpu.dma_semaphore, #tpu.memory_space<semaphore_mem>>) src(%arg11 : memref<128x128xf32, #tpu.memory_space<vmem>>) dst(%dma_wait3A_385 : memref<10112x128xf32, #tpu.memory_space<vmem_shared>>)
    %dma_start3A_386 = arith.constant 5 : i32
    %dma_start3A_387 = arith.constant 0 : i32
    %dma_start3A_388 = tpu.memref_slice %arg9[%dma_start3A_386, %dma_start3A_387] : memref<8x128xi32, #tpu.memory_space<vmem>> -> memref<1x128xi32, #tpu.memory_space<vmem>>
    %dma_start3A_389 = tpu.memref_squeeze %dma_start3A_388 : memref<1x128xi32, #tpu.memory_space<vmem>> -> memref<128xi32, #tpu.memory_space<vmem>>
    %dma_start3A_390 = arith.constant 0 : i32
    %dma_start3A_391 = arith.constant 0 : i32
    %dma_start3A_392 = tpu.memref_slice %arg2[%dma_start3A_390, %dma_start3A_391] : memref<10112x128xf32, #tpu.memory_space<hbm>> -> memref<10112x128xf32, #tpu.memory_space<hbm>>
    tpu.enqueue_indirect_dma source(%dma_start3A_392 : memref<10112x128xf32, #tpu.memory_space<hbm>>) target(%arg11 : memref<128x128xf32, #tpu.memory_space<vmem>>) offsets(%dma_start3A_389 : memref<128xi32, #tpu.memory_space<vmem>>) semaphore(%arg13 : memref<!tpu.dma_semaphore, #tpu.memory_space<semaphore_mem>>)
    %dma_wait3A_393 = arith.constant 0 : i32
    %dma_wait3A_394 = arith.constant 0 : i32
    %dma_wait3A_395 = tpu.memref_slice %arg8[%dma_wait3A_393, %dma_wait3A_394] : memref<8x128xi32, #tpu.memory_space<vmem>> -> memref<1x128xi32, #tpu.memory_space<vmem>>
    %dma_wait3A_396 = tpu.memref_squeeze %dma_wait3A_395 : memref<1x128xi32, #tpu.memory_space<vmem>> -> memref<128xi32, #tpu.memory_space<vmem>>
    %dma_wait3A_397 = arith.constant 0 : i32
    %dma_wait3A_398 = arith.constant 0 : i32
    %dma_wait3A_399 = tpu.memref_slice %arg2[%dma_wait3A_397, %dma_wait3A_398] : memref<10112x128xf32, #tpu.memory_space<hbm>> -> memref<10112x128xf32, #tpu.memory_space<hbm>>
    tpu.wait_indirect_dma semaphore(%arg12 : memref<!tpu.dma_semaphore, #tpu.memory_space<semaphore_mem>>) src(%dma_wait3A_399 : memref<10112x128xf32, #tpu.memory_space<hbm>>) dst(%arg10 : memref<128x128xf32, #tpu.memory_space<vmem>>)
    %dma_start3A_400 = arith.constant 12 : i32
    %dma_start3A_401 = arith.constant 0 : i32
    %dma_start3A_402 = tpu.memref_slice %arg7[%dma_start3A_400, %dma_start3A_401] : memref<80x128xi32, #tpu.memory_space<vmem>> -> memref<1x128xi32, #tpu.memory_space<vmem>>
    %dma_start3A_403 = tpu.memref_squeeze %dma_start3A_402 : memref<1x128xi32, #tpu.memory_space<vmem>> -> memref<128xi32, #tpu.memory_space<vmem>>
    %dma_start3A_404 = arith.constant 0 : i32
    %dma_start3A_405 = arith.constant 0 : i32
    %dma_start3A_406 = tpu.memref_slice %arg6[%dma_start3A_404, %dma_start3A_405] : memref<10112x128xf32, #tpu.memory_space<vmem_shared>> -> memref<10112x128xf32, #tpu.memory_space<vmem_shared>>
    tpu.enqueue_indirect_dma source(%arg10 : memref<128x128xf32, #tpu.memory_space<vmem>>) target(%dma_start3A_406 : memref<10112x128xf32, #tpu.memory_space<vmem_shared>>) offsets(%dma_start3A_403 : memref<128xi32, #tpu.memory_space<vmem>>) semaphore(%arg14 : memref<!tpu.dma_semaphore, #tpu.memory_space<semaphore_mem>>) {add = true}
    %dma_wait3A_407 = arith.constant 0 : i32
    %dma_wait3A_408 = arith.constant 0 : i32
    %dma_wait3A_409 = tpu.memref_slice %arg7[%dma_wait3A_407, %dma_wait3A_408] : memref<80x128xi32, #tpu.memory_space<vmem>> -> memref<1x128xi32, #tpu.memory_space<vmem>>
    %dma_wait3A_410 = tpu.memref_squeeze %dma_wait3A_409 : memref<1x128xi32, #tpu.memory_space<vmem>> -> memref<128xi32, #tpu.memory_space<vmem>>
    %dma_wait3A_411 = arith.constant 0 : i32
    %dma_wait3A_412 = arith.constant 0 : i32
    %dma_wait3A_413 = tpu.memref_slice %arg6[%dma_wait3A_411, %dma_wait3A_412] : memref<10112x128xf32, #tpu.memory_space<vmem_shared>> -> memref<10112x128xf32, #tpu.memory_space<vmem_shared>>
    tpu.wait_indirect_dma semaphore(%arg14 : memref<!tpu.dma_semaphore, #tpu.memory_space<semaphore_mem>>) src(%arg10 : memref<128x128xf32, #tpu.memory_space<vmem>>) dst(%dma_wait3A_413 : memref<10112x128xf32, #tpu.memory_space<vmem_shared>>)
    %dma_start3A_414 = arith.constant 6 : i32
    %dma_start3A_415 = arith.constant 0 : i32
    %dma_start3A_416 = tpu.memref_slice %arg9[%dma_start3A_414, %dma_start3A_415] : memref<8x128xi32, #tpu.memory_space<vmem>> -> memref<1x128xi32, #tpu.memory_space<vmem>>
    %dma_start3A_417 = tpu.memref_squeeze %dma_start3A_416 : memref<1x128xi32, #tpu.memory_space<vmem>> -> memref<128xi32, #tpu.memory_space<vmem>>
    %dma_start3A_418 = arith.constant 0 : i32
    %dma_start3A_419 = arith.constant 0 : i32
    %dma_start3A_420 = tpu.memref_slice %arg2[%dma_start3A_418, %dma_start3A_419] : memref<10112x128xf32, #tpu.memory_space<hbm>> -> memref<10112x128xf32, #tpu.memory_space<hbm>>
    tpu.enqueue_indirect_dma source(%dma_start3A_420 : memref<10112x128xf32, #tpu.memory_space<hbm>>) target(%arg10 : memref<128x128xf32, #tpu.memory_space<vmem>>) offsets(%dma_start3A_417 : memref<128xi32, #tpu.memory_space<vmem>>) semaphore(%arg12 : memref<!tpu.dma_semaphore, #tpu.memory_space<semaphore_mem>>)
    %dma_wait3A_421 = arith.constant 0 : i32
    %dma_wait3A_422 = arith.constant 0 : i32
    %dma_wait3A_423 = tpu.memref_slice %arg8[%dma_wait3A_421, %dma_wait3A_422] : memref<8x128xi32, #tpu.memory_space<vmem>> -> memref<1x128xi32, #tpu.memory_space<vmem>>
    %dma_wait3A_424 = tpu.memref_squeeze %dma_wait3A_423 : memref<1x128xi32, #tpu.memory_space<vmem>> -> memref<128xi32, #tpu.memory_space<vmem>>
    %dma_wait3A_425 = arith.constant 0 : i32
    %dma_wait3A_426 = arith.constant 0 : i32
    %dma_wait3A_427 = tpu.memref_slice %arg2[%dma_wait3A_425, %dma_wait3A_426] : memref<10112x128xf32, #tpu.memory_space<hbm>> -> memref<10112x128xf32, #tpu.memory_space<hbm>>
    tpu.wait_indirect_dma semaphore(%arg13 : memref<!tpu.dma_semaphore, #tpu.memory_space<semaphore_mem>>) src(%dma_wait3A_427 : memref<10112x128xf32, #tpu.memory_space<hbm>>) dst(%arg11 : memref<128x128xf32, #tpu.memory_space<vmem>>)
    %dma_start3A_428 = arith.constant 13 : i32
    %dma_start3A_429 = arith.constant 0 : i32
    %dma_start3A_430 = tpu.memref_slice %arg7[%dma_start3A_428, %dma_start3A_429] : memref<80x128xi32, #tpu.memory_space<vmem>> -> memref<1x128xi32, #tpu.memory_space<vmem>>
    %dma_start3A_431 = tpu.memref_squeeze %dma_start3A_430 : memref<1x128xi32, #tpu.memory_space<vmem>> -> memref<128xi32, #tpu.memory_space<vmem>>
    %dma_start3A_432 = arith.constant 0 : i32
    %dma_start3A_433 = arith.constant 0 : i32
    %dma_start3A_434 = tpu.memref_slice %arg6[%dma_start3A_432, %dma_start3A_433] : memref<10112x128xf32, #tpu.memory_space<vmem_shared>> -> memref<10112x128xf32, #tpu.memory_space<vmem_shared>>
    tpu.enqueue_indirect_dma source(%arg11 : memref<128x128xf32, #tpu.memory_space<vmem>>) target(%dma_start3A_434 : memref<10112x128xf32, #tpu.memory_space<vmem_shared>>) offsets(%dma_start3A_431 : memref<128xi32, #tpu.memory_space<vmem>>) semaphore(%arg15 : memref<!tpu.dma_semaphore, #tpu.memory_space<semaphore_mem>>) {add = true}
    %dma_wait3A_435 = arith.constant 0 : i32
    %dma_wait3A_436 = arith.constant 0 : i32
    %dma_wait3A_437 = tpu.memref_slice %arg7[%dma_wait3A_435, %dma_wait3A_436] : memref<80x128xi32, #tpu.memory_space<vmem>> -> memref<1x128xi32, #tpu.memory_space<vmem>>
    %dma_wait3A_438 = tpu.memref_squeeze %dma_wait3A_437 : memref<1x128xi32, #tpu.memory_space<vmem>> -> memref<128xi32, #tpu.memory_space<vmem>>
    %dma_wait3A_439 = arith.constant 0 : i32
    %dma_wait3A_440 = arith.constant 0 : i32
    %dma_wait3A_441 = tpu.memref_slice %arg6[%dma_wait3A_439, %dma_wait3A_440] : memref<10112x128xf32, #tpu.memory_space<vmem_shared>> -> memref<10112x128xf32, #tpu.memory_space<vmem_shared>>
    tpu.wait_indirect_dma semaphore(%arg15 : memref<!tpu.dma_semaphore, #tpu.memory_space<semaphore_mem>>) src(%arg11 : memref<128x128xf32, #tpu.memory_space<vmem>>) dst(%dma_wait3A_441 : memref<10112x128xf32, #tpu.memory_space<vmem_shared>>)
    %dma_start3A_442 = arith.constant 7 : i32
    %dma_start3A_443 = arith.constant 0 : i32
    %dma_start3A_444 = tpu.memref_slice %arg9[%dma_start3A_442, %dma_start3A_443] : memref<8x128xi32, #tpu.memory_space<vmem>> -> memref<1x128xi32, #tpu.memory_space<vmem>>
    %dma_start3A_445 = tpu.memref_squeeze %dma_start3A_444 : memref<1x128xi32, #tpu.memory_space<vmem>> -> memref<128xi32, #tpu.memory_space<vmem>>
    %dma_start3A_446 = arith.constant 0 : i32
    %dma_start3A_447 = arith.constant 0 : i32
    %dma_start3A_448 = tpu.memref_slice %arg2[%dma_start3A_446, %dma_start3A_447] : memref<10112x128xf32, #tpu.memory_space<hbm>> -> memref<10112x128xf32, #tpu.memory_space<hbm>>
    tpu.enqueue_indirect_dma source(%dma_start3A_448 : memref<10112x128xf32, #tpu.memory_space<hbm>>) target(%arg11 : memref<128x128xf32, #tpu.memory_space<vmem>>) offsets(%dma_start3A_445 : memref<128xi32, #tpu.memory_space<vmem>>) semaphore(%arg13 : memref<!tpu.dma_semaphore, #tpu.memory_space<semaphore_mem>>)
    %dma_wait3A_449 = arith.constant 0 : i32
    %dma_wait3A_450 = arith.constant 0 : i32
    %dma_wait3A_451 = tpu.memref_slice %arg8[%dma_wait3A_449, %dma_wait3A_450] : memref<8x128xi32, #tpu.memory_space<vmem>> -> memref<1x128xi32, #tpu.memory_space<vmem>>
    %dma_wait3A_452 = tpu.memref_squeeze %dma_wait3A_451 : memref<1x128xi32, #tpu.memory_space<vmem>> -> memref<128xi32, #tpu.memory_space<vmem>>
    %dma_wait3A_453 = arith.constant 0 : i32
    %dma_wait3A_454 = arith.constant 0 : i32
    %dma_wait3A_455 = tpu.memref_slice %arg2[%dma_wait3A_453, %dma_wait3A_454] : memref<10112x128xf32, #tpu.memory_space<hbm>> -> memref<10112x128xf32, #tpu.memory_space<hbm>>
    tpu.wait_indirect_dma semaphore(%arg12 : memref<!tpu.dma_semaphore, #tpu.memory_space<semaphore_mem>>) src(%dma_wait3A_455 : memref<10112x128xf32, #tpu.memory_space<hbm>>) dst(%arg10 : memref<128x128xf32, #tpu.memory_space<vmem>>)
    %dma_start3A_456 = arith.constant 14 : i32
    %dma_start3A_457 = arith.constant 0 : i32
    %dma_start3A_458 = tpu.memref_slice %arg7[%dma_start3A_456, %dma_start3A_457] : memref<80x128xi32, #tpu.memory_space<vmem>> -> memref<1x128xi32, #tpu.memory_space<vmem>>
    %dma_start3A_459 = tpu.memref_squeeze %dma_start3A_458 : memref<1x128xi32, #tpu.memory_space<vmem>> -> memref<128xi32, #tpu.memory_space<vmem>>
    %dma_start3A_460 = arith.constant 0 : i32
    %dma_start3A_461 = arith.constant 0 : i32
    %dma_start3A_462 = tpu.memref_slice %arg6[%dma_start3A_460, %dma_start3A_461] : memref<10112x128xf32, #tpu.memory_space<vmem_shared>> -> memref<10112x128xf32, #tpu.memory_space<vmem_shared>>
    tpu.enqueue_indirect_dma source(%arg10 : memref<128x128xf32, #tpu.memory_space<vmem>>) target(%dma_start3A_462 : memref<10112x128xf32, #tpu.memory_space<vmem_shared>>) offsets(%dma_start3A_459 : memref<128xi32, #tpu.memory_space<vmem>>) semaphore(%arg14 : memref<!tpu.dma_semaphore, #tpu.memory_space<semaphore_mem>>) {add = true}
    %dma_wait3A_463 = arith.constant 0 : i32
    %dma_wait3A_464 = arith.constant 0 : i32
    %dma_wait3A_465 = tpu.memref_slice %arg7[%dma_wait3A_463, %dma_wait3A_464] : memref<80x128xi32, #tpu.memory_space<vmem>> -> memref<1x128xi32, #tpu.memory_space<vmem>>
    %dma_wait3A_466 = tpu.memref_squeeze %dma_wait3A_465 : memref<1x128xi32, #tpu.memory_space<vmem>> -> memref<128xi32, #tpu.memory_space<vmem>>
    %dma_wait3A_467 = arith.constant 0 : i32
    %dma_wait3A_468 = arith.constant 0 : i32
    %dma_wait3A_469 = tpu.memref_slice %arg6[%dma_wait3A_467, %dma_wait3A_468] : memref<10112x128xf32, #tpu.memory_space<vmem_shared>> -> memref<10112x128xf32, #tpu.memory_space<vmem_shared>>
    tpu.wait_indirect_dma semaphore(%arg14 : memref<!tpu.dma_semaphore, #tpu.memory_space<semaphore_mem>>) src(%arg10 : memref<128x128xf32, #tpu.memory_space<vmem>>) dst(%dma_wait3A_469 : memref<10112x128xf32, #tpu.memory_space<vmem_shared>>)
    %dma_wait3A_470 = arith.constant 0 : i32
    %dma_wait3A_471 = arith.constant 0 : i32
    %dma_wait3A_472 = tpu.memref_slice %arg3[%add3A, %dma_wait3A_470, %dma_wait3A_471] : memref<32x80x128xi32, #tpu.memory_space<hbm>> -> memref<1x8x128xi32, #tpu.memory_space<hbm>>
    %dma_wait3A_473 = tpu.memref_squeeze %dma_wait3A_472 : memref<1x8x128xi32, #tpu.memory_space<hbm>> -> memref<8x128xi32, #tpu.memory_space<hbm>>
    %dma_wait3A_474 = arith.constant 0 : i32
    %dma_wait3A_475 = arith.constant 0 : i32
    %dma_wait3A_476 = tpu.memref_slice %arg3[%add3A, %dma_wait3A_474, %dma_wait3A_475] : memref<32x80x128xi32, #tpu.memory_space<hbm>> -> memref<1x8x128xi32, #tpu.memory_space<hbm>>
    %dma_wait3A_477 = tpu.memref_squeeze %dma_wait3A_476 : memref<1x8x128xi32, #tpu.memory_space<hbm>> -> memref<8x128xi32, #tpu.memory_space<hbm>>
    tpu.wait_dma2 semaphore(%arg16 : memref<!tpu.dma_semaphore, #tpu.memory_space<semaphore_mem>>) src(%dma_wait3A_477 : memref<8x128xi32, #tpu.memory_space<hbm>>) dst(%arg8 : memref<8x128xi32, #tpu.memory_space<vmem>>)
    %dma_start3A_478 = arith.constant 0 : i32
    %dma_start3A_479 = arith.constant 0 : i32
    %dma_start3A_480 = tpu.memref_slice %arg8[%dma_start3A_478, %dma_start3A_479] : memref<8x128xi32, #tpu.memory_space<vmem>> -> memref<1x128xi32, #tpu.memory_space<vmem>>
    %dma_start3A_481 = tpu.memref_squeeze %dma_start3A_480 : memref<1x128xi32, #tpu.memory_space<vmem>> -> memref<128xi32, #tpu.memory_space<vmem>>
    %dma_start3A_482 = arith.constant 0 : i32
    %dma_start3A_483 = arith.constant 0 : i32
    %dma_start3A_484 = tpu.memref_slice %arg2[%dma_start3A_482, %dma_start3A_483] : memref<10112x128xf32, #tpu.memory_space<hbm>> -> memref<10112x128xf32, #tpu.memory_space<hbm>>
    tpu.enqueue_indirect_dma source(%dma_start3A_484 : memref<10112x128xf32, #tpu.memory_space<hbm>>) target(%arg10 : memref<128x128xf32, #tpu.memory_space<vmem>>) offsets(%dma_start3A_481 : memref<128xi32, #tpu.memory_space<vmem>>) semaphore(%arg12 : memref<!tpu.dma_semaphore, #tpu.memory_space<semaphore_mem>>)
    %dma_wait3A_485 = arith.constant 0 : i32
    %dma_wait3A_486 = arith.constant 0 : i32
    %dma_wait3A_487 = tpu.memref_slice %arg8[%dma_wait3A_485, %dma_wait3A_486] : memref<8x128xi32, #tpu.memory_space<vmem>> -> memref<1x128xi32, #tpu.memory_space<vmem>>
    %dma_wait3A_488 = tpu.memref_squeeze %dma_wait3A_487 : memref<1x128xi32, #tpu.memory_space<vmem>> -> memref<128xi32, #tpu.memory_space<vmem>>
    %dma_wait3A_489 = arith.constant 0 : i32
    %dma_wait3A_490 = arith.constant 0 : i32
    %dma_wait3A_491 = tpu.memref_slice %arg2[%dma_wait3A_489, %dma_wait3A_490] : memref<10112x128xf32, #tpu.memory_space<hbm>> -> memref<10112x128xf32, #tpu.memory_space<hbm>>
    tpu.wait_indirect_dma semaphore(%arg13 : memref<!tpu.dma_semaphore, #tpu.memory_space<semaphore_mem>>) src(%dma_wait3A_491 : memref<10112x128xf32, #tpu.memory_space<hbm>>) dst(%arg11 : memref<128x128xf32, #tpu.memory_space<vmem>>)
    %dma_start3A_492 = arith.constant 24 : i32
    %dma_start3A_493 = arith.constant 0 : i32
    %dma_start3A_494 = tpu.memref_slice %arg3[%add3A, %dma_start3A_492, %dma_start3A_493] : memref<32x80x128xi32, #tpu.memory_space<hbm>> -> memref<1x8x128xi32, #tpu.memory_space<hbm>>
    %dma_start3A_495 = tpu.memref_squeeze %dma_start3A_494 : memref<1x8x128xi32, #tpu.memory_space<hbm>> -> memref<8x128xi32, #tpu.memory_space<hbm>>
    %dma_start3A_496 = arith.constant 24 : i32
    %dma_start3A_497 = arith.constant 0 : i32
    %dma_start3A_498 = tpu.memref_slice %arg3[%add3A, %dma_start3A_496, %dma_start3A_497] : memref<32x80x128xi32, #tpu.memory_space<hbm>> -> memref<1x8x128xi32, #tpu.memory_space<hbm>>
    %dma_start3A_499 = tpu.memref_squeeze %dma_start3A_498 : memref<1x8x128xi32, #tpu.memory_space<hbm>> -> memref<8x128xi32, #tpu.memory_space<hbm>>
    tpu.enqueue_dma source(%dma_start3A_499 : memref<8x128xi32, #tpu.memory_space<hbm>>) target(%arg9 : memref<8x128xi32, #tpu.memory_space<vmem>>) target_semaphore(%arg17 : memref<!tpu.dma_semaphore, #tpu.memory_space<semaphore_mem>>)
    %dma_start3A_500 = arith.constant 15 : i32
    %dma_start3A_501 = arith.constant 0 : i32
    %dma_start3A_502 = tpu.memref_slice %arg7[%dma_start3A_500, %dma_start3A_501] : memref<80x128xi32, #tpu.memory_space<vmem>> -> memref<1x128xi32, #tpu.memory_space<vmem>>
    %dma_start3A_503 = tpu.memref_squeeze %dma_start3A_502 : memref<1x128xi32, #tpu.memory_space<vmem>> -> memref<128xi32, #tpu.memory_space<vmem>>
    %dma_start3A_504 = arith.constant 0 : i32
    %dma_start3A_505 = arith.constant 0 : i32
    %dma_start3A_506 = tpu.memref_slice %arg6[%dma_start3A_504, %dma_start3A_505] : memref<10112x128xf32, #tpu.memory_space<vmem_shared>> -> memref<10112x128xf32, #tpu.memory_space<vmem_shared>>
    tpu.enqueue_indirect_dma source(%arg11 : memref<128x128xf32, #tpu.memory_space<vmem>>) target(%dma_start3A_506 : memref<10112x128xf32, #tpu.memory_space<vmem_shared>>) offsets(%dma_start3A_503 : memref<128xi32, #tpu.memory_space<vmem>>) semaphore(%arg15 : memref<!tpu.dma_semaphore, #tpu.memory_space<semaphore_mem>>) {add = true}
    %scan3A = arith.constant 0 : i32
    %scan3A_507 = arith.constant 1 : i32
    %scan3A_508 = arith.constant 4 : i32
    %scan3A_509 = arith.addi %scan3A_507, %scan3A_508 : i32
    %scan3A_510 = arith.constant 1 : i32
    %scan3A_511 = scf.for %scan3A_525 = %scan3A_507 to %scan3A_509 step %scan3A_510 iter_args(%scan3A_526 = %scan3A) -> (i32)  : i32 {
      %mul3A_527 = arith.constant 2 : i32
      %mul3A_528 = arith.muli %mul3A_527, %scan3A_525 : i32
      %add3A_529 = arith.constant 0 : i32
      %add3A_530 = arith.addi %mul3A_528, %add3A_529 : i32
      %mul3A_531 = arith.constant 8 : i32
      %mul3A_532 = arith.muli %add3A_530, %mul3A_531 : i32
      %add3A_533 = arith.constant 0 : i32
      %add3A_534 = arith.addi %mul3A_532, %add3A_533 : i32
      %dma_wait3A_535 = arith.constant 0 : i32
      %dma_wait3A_536 = arith.constant 0 : i32
      %dma_wait3A_537 = tpu.memref_slice %arg7[%dma_wait3A_535, %dma_wait3A_536] : memref<80x128xi32, #tpu.memory_space<vmem>> -> memref<1x128xi32, #tpu.memory_space<vmem>>
      %dma_wait3A_538 = tpu.memref_squeeze %dma_wait3A_537 : memref<1x128xi32, #tpu.memory_space<vmem>> -> memref<128xi32, #tpu.memory_space<vmem>>
      %dma_wait3A_539 = arith.constant 0 : i32
      %dma_wait3A_540 = arith.constant 0 : i32
      %dma_wait3A_541 = tpu.memref_slice %arg6[%dma_wait3A_539, %dma_wait3A_540] : memref<10112x128xf32, #tpu.memory_space<vmem_shared>> -> memref<10112x128xf32, #tpu.memory_space<vmem_shared>>
      tpu.wait_indirect_dma semaphore(%arg15 : memref<!tpu.dma_semaphore, #tpu.memory_space<semaphore_mem>>) src(%arg11 : memref<128x128xf32, #tpu.memory_space<vmem>>) dst(%dma_wait3A_541 : memref<10112x128xf32, #tpu.memory_space<vmem_shared>>)
      %add3A_542 = arith.constant 1 : i32
      %add3A_543 = arith.addi %add3A_534, %add3A_542 : i32
      %dma_start3A_544 = arith.constant 1 : i32
      %dma_start3A_545 = arith.constant 0 : i32
      %dma_start3A_546 = tpu.memref_slice %arg8[%dma_start3A_544, %dma_start3A_545] : memref<8x128xi32, #tpu.memory_space<vmem>> -> memref<1x128xi32, #tpu.memory_space<vmem>>
      %dma_start3A_547 = tpu.memref_squeeze %dma_start3A_546 : memref<1x128xi32, #tpu.memory_space<vmem>> -> memref<128xi32, #tpu.memory_space<vmem>>
      %dma_start3A_548 = arith.constant 0 : i32
      %dma_start3A_549 = arith.constant 0 : i32
      %dma_start3A_550 = tpu.memref_slice %arg2[%dma_start3A_548, %dma_start3A_549] : memref<10112x128xf32, #tpu.memory_space<hbm>> -> memref<10112x128xf32, #tpu.memory_space<hbm>>
      tpu.enqueue_indirect_dma source(%dma_start3A_550 : memref<10112x128xf32, #tpu.memory_space<hbm>>) target(%arg11 : memref<128x128xf32, #tpu.memory_space<vmem>>) offsets(%dma_start3A_547 : memref<128xi32, #tpu.memory_space<vmem>>) semaphore(%arg13 : memref<!tpu.dma_semaphore, #tpu.memory_space<semaphore_mem>>)
      %dma_wait3A_551 = arith.constant 0 : i32
      %dma_wait3A_552 = arith.constant 0 : i32
      %dma_wait3A_553 = tpu.memref_slice %arg8[%dma_wait3A_551, %dma_wait3A_552] : memref<8x128xi32, #tpu.memory_space<vmem>> -> memref<1x128xi32, #tpu.memory_space<vmem>>
      %dma_wait3A_554 = tpu.memref_squeeze %dma_wait3A_553 : memref<1x128xi32, #tpu.memory_space<vmem>> -> memref<128xi32, #tpu.memory_space<vmem>>
      %dma_wait3A_555 = arith.constant 0 : i32
      %dma_wait3A_556 = arith.constant 0 : i32
      %dma_wait3A_557 = tpu.memref_slice %arg2[%dma_wait3A_555, %dma_wait3A_556] : memref<10112x128xf32, #tpu.memory_space<hbm>> -> memref<10112x128xf32, #tpu.memory_space<hbm>>
      tpu.wait_indirect_dma semaphore(%arg12 : memref<!tpu.dma_semaphore, #tpu.memory_space<semaphore_mem>>) src(%dma_wait3A_557 : memref<10112x128xf32, #tpu.memory_space<hbm>>) dst(%arg10 : memref<128x128xf32, #tpu.memory_space<vmem>>)
      %dma_start3A_558 = arith.constant 0 : i32
      %dma_start3A_559 = tpu.memref_slice %arg7[%add3A_534, %dma_start3A_558] : memref<80x128xi32, #tpu.memory_space<vmem>> -> memref<1x128xi32, #tpu.memory_space<vmem>>
      %dma_start3A_560 = tpu.memref_squeeze %dma_start3A_559 : memref<1x128xi32, #tpu.memory_space<vmem>> -> memref<128xi32, #tpu.memory_space<vmem>>
      %dma_start3A_561 = arith.constant 0 : i32
      %dma_start3A_562 = arith.constant 0 : i32
      %dma_start3A_563 = tpu.memref_slice %arg6[%dma_start3A_561, %dma_start3A_562] : memref<10112x128xf32, #tpu.memory_space<vmem_shared>> -> memref<10112x128xf32, #tpu.memory_space<vmem_shared>>
      tpu.enqueue_indirect_dma source(%arg10 : memref<128x128xf32, #tpu.memory_space<vmem>>) target(%dma_start3A_563 : memref<10112x128xf32, #tpu.memory_space<vmem_shared>>) offsets(%dma_start3A_560 : memref<128xi32, #tpu.memory_space<vmem>>) semaphore(%arg14 : memref<!tpu.dma_semaphore, #tpu.memory_space<semaphore_mem>>) {add = true}
      %mul3A_564 = arith.constant 8 : i32
      %mul3A_565 = arith.muli %add3A_530, %mul3A_564 : i32
      %add3A_566 = arith.constant 1 : i32
      %add3A_567 = arith.addi %mul3A_565, %add3A_566 : i32
      %dma_wait3A_568 = arith.constant 0 : i32
      %dma_wait3A_569 = arith.constant 0 : i32
      %dma_wait3A_570 = tpu.memref_slice %arg7[%dma_wait3A_568, %dma_wait3A_569] : memref<80x128xi32, #tpu.memory_space<vmem>> -> memref<1x128xi32, #tpu.memory_space<vmem>>
      %dma_wait3A_571 = tpu.memref_squeeze %dma_wait3A_570 : memref<1x128xi32, #tpu.memory_space<vmem>> -> memref<128xi32, #tpu.memory_space<vmem>>
      %dma_wait3A_572 = arith.constant 0 : i32
      %dma_wait3A_573 = arith.constant 0 : i32
      %dma_wait3A_574 = tpu.memref_slice %arg6[%dma_wait3A_572, %dma_wait3A_573] : memref<10112x128xf32, #tpu.memory_space<vmem_shared>> -> memref<10112x128xf32, #tpu.memory_space<vmem_shared>>
      tpu.wait_indirect_dma semaphore(%arg14 : memref<!tpu.dma_semaphore, #tpu.memory_space<semaphore_mem>>) src(%arg10 : memref<128x128xf32, #tpu.memory_space<vmem>>) dst(%dma_wait3A_574 : memref<10112x128xf32, #tpu.memory_space<vmem_shared>>)
      %add3A_575 = arith.constant 1 : i32
      %add3A_576 = arith.addi %add3A_567, %add3A_575 : i32
      %dma_start3A_577 = arith.constant 2 : i32
      %dma_start3A_578 = arith.constant 0 : i32
      %dma_start3A_579 = tpu.memref_slice %arg8[%dma_start3A_577, %dma_start3A_578] : memref<8x128xi32, #tpu.memory_space<vmem>> -> memref<1x128xi32, #tpu.memory_space<vmem>>
      %dma_start3A_580 = tpu.memref_squeeze %dma_start3A_579 : memref<1x128xi32, #tpu.memory_space<vmem>> -> memref<128xi32, #tpu.memory_space<vmem>>
      %dma_start3A_581 = arith.constant 0 : i32
      %dma_start3A_582 = arith.constant 0 : i32
      %dma_start3A_583 = tpu.memref_slice %arg2[%dma_start3A_581, %dma_start3A_582] : memref<10112x128xf32, #tpu.memory_space<hbm>> -> memref<10112x128xf32, #tpu.memory_space<hbm>>
      tpu.enqueue_indirect_dma source(%dma_start3A_583 : memref<10112x128xf32, #tpu.memory_space<hbm>>) target(%arg10 : memref<128x128xf32, #tpu.memory_space<vmem>>) offsets(%dma_start3A_580 : memref<128xi32, #tpu.memory_space<vmem>>) semaphore(%arg12 : memref<!tpu.dma_semaphore, #tpu.memory_space<semaphore_mem>>)
      %dma_wait3A_584 = arith.constant 0 : i32
      %dma_wait3A_585 = arith.constant 0 : i32
      %dma_wait3A_586 = tpu.memref_slice %arg8[%dma_wait3A_584, %dma_wait3A_585] : memref<8x128xi32, #tpu.memory_space<vmem>> -> memref<1x128xi32, #tpu.memory_space<vmem>>
      %dma_wait3A_587 = tpu.memref_squeeze %dma_wait3A_586 : memref<1x128xi32, #tpu.memory_space<vmem>> -> memref<128xi32, #tpu.memory_space<vmem>>
      %dma_wait3A_588 = arith.constant 0 : i32
      %dma_wait3A_589 = arith.constant 0 : i32
      %dma_wait3A_590 = tpu.memref_slice %arg2[%dma_wait3A_588, %dma_wait3A_589] : memref<10112x128xf32, #tpu.memory_space<hbm>> -> memref<10112x128xf32, #tpu.memory_space<hbm>>
      tpu.wait_indirect_dma semaphore(%arg13 : memref<!tpu.dma_semaphore, #tpu.memory_space<semaphore_mem>>) src(%dma_wait3A_590 : memref<10112x128xf32, #tpu.memory_space<hbm>>) dst(%arg11 : memref<128x128xf32, #tpu.memory_space<vmem>>)
      %dma_start3A_591 = arith.constant 0 : i32
      %dma_start3A_592 = tpu.memref_slice %arg7[%add3A_567, %dma_start3A_591] : memref<80x128xi32, #tpu.memory_space<vmem>> -> memref<1x128xi32, #tpu.memory_space<vmem>>
      %dma_start3A_593 = tpu.memref_squeeze %dma_start3A_592 : memref<1x128xi32, #tpu.memory_space<vmem>> -> memref<128xi32, #tpu.memory_space<vmem>>
      %dma_start3A_594 = arith.constant 0 : i32
      %dma_start3A_595 = arith.constant 0 : i32
      %dma_start3A_596 = tpu.memref_slice %arg6[%dma_start3A_594, %dma_start3A_595] : memref<10112x128xf32, #tpu.memory_space<vmem_shared>> -> memref<10112x128xf32, #tpu.memory_space<vmem_shared>>
      tpu.enqueue_indirect_dma source(%arg11 : memref<128x128xf32, #tpu.memory_space<vmem>>) target(%dma_start3A_596 : memref<10112x128xf32, #tpu.memory_space<vmem_shared>>) offsets(%dma_start3A_593 : memref<128xi32, #tpu.memory_space<vmem>>) semaphore(%arg15 : memref<!tpu.dma_semaphore, #tpu.memory_space<semaphore_mem>>) {add = true}
      %mul3A_597 = arith.constant 8 : i32
      %mul3A_598 = arith.muli %add3A_530, %mul3A_597 : i32
      %add3A_599 = arith.constant 2 : i32
      %add3A_600 = arith.addi %mul3A_598, %add3A_599 : i32
      %dma_wait3A_601 = arith.constant 0 : i32
      %dma_wait3A_602 = arith.constant 0 : i32
      %dma_wait3A_603 = tpu.memref_slice %arg7[%dma_wait3A_601, %dma_wait3A_602] : memref<80x128xi32, #tpu.memory_space<vmem>> -> memref<1x128xi32, #tpu.memory_space<vmem>>
      %dma_wait3A_604 = tpu.memref_squeeze %dma_wait3A_603 : memref<1x128xi32, #tpu.memory_space<vmem>> -> memref<128xi32, #tpu.memory_space<vmem>>
      %dma_wait3A_605 = arith.constant 0 : i32
      %dma_wait3A_606 = arith.constant 0 : i32
      %dma_wait3A_607 = tpu.memref_slice %arg6[%dma_wait3A_605, %dma_wait3A_606] : memref<10112x128xf32, #tpu.memory_space<vmem_shared>> -> memref<10112x128xf32, #tpu.memory_space<vmem_shared>>
      tpu.wait_indirect_dma semaphore(%arg15 : memref<!tpu.dma_semaphore, #tpu.memory_space<semaphore_mem>>) src(%arg11 : memref<128x128xf32, #tpu.memory_space<vmem>>) dst(%dma_wait3A_607 : memref<10112x128xf32, #tpu.memory_space<vmem_shared>>)
      %add3A_608 = arith.constant 1 : i32
      %add3A_609 = arith.addi %add3A_600, %add3A_608 : i32
      %dma_start3A_610 = arith.constant 3 : i32
      %dma_start3A_611 = arith.constant 0 : i32
      %dma_start3A_612 = tpu.memref_slice %arg8[%dma_start3A_610, %dma_start3A_611] : memref<8x128xi32, #tpu.memory_space<vmem>> -> memref<1x128xi32, #tpu.memory_space<vmem>>
      %dma_start3A_613 = tpu.memref_squeeze %dma_start3A_612 : memref<1x128xi32, #tpu.memory_space<vmem>> -> memref<128xi32, #tpu.memory_space<vmem>>
      %dma_start3A_614 = arith.constant 0 : i32
      %dma_start3A_615 = arith.constant 0 : i32
      %dma_start3A_616 = tpu.memref_slice %arg2[%dma_start3A_614, %dma_start3A_615] : memref<10112x128xf32, #tpu.memory_space<hbm>> -> memref<10112x128xf32, #tpu.memory_space<hbm>>
      tpu.enqueue_indirect_dma source(%dma_start3A_616 : memref<10112x128xf32, #tpu.memory_space<hbm>>) target(%arg11 : memref<128x128xf32, #tpu.memory_space<vmem>>) offsets(%dma_start3A_613 : memref<128xi32, #tpu.memory_space<vmem>>) semaphore(%arg13 : memref<!tpu.dma_semaphore, #tpu.memory_space<semaphore_mem>>)
      %dma_wait3A_617 = arith.constant 0 : i32
      %dma_wait3A_618 = arith.constant 0 : i32
      %dma_wait3A_619 = tpu.memref_slice %arg8[%dma_wait3A_617, %dma_wait3A_618] : memref<8x128xi32, #tpu.memory_space<vmem>> -> memref<1x128xi32, #tpu.memory_space<vmem>>
      %dma_wait3A_620 = tpu.memref_squeeze %dma_wait3A_619 : memref<1x128xi32, #tpu.memory_space<vmem>> -> memref<128xi32, #tpu.memory_space<vmem>>
      %dma_wait3A_621 = arith.constant 0 : i32
      %dma_wait3A_622 = arith.constant 0 : i32
      %dma_wait3A_623 = tpu.memref_slice %arg2[%dma_wait3A_621, %dma_wait3A_622] : memref<10112x128xf32, #tpu.memory_space<hbm>> -> memref<10112x128xf32, #tpu.memory_space<hbm>>
      tpu.wait_indirect_dma semaphore(%arg12 : memref<!tpu.dma_semaphore, #tpu.memory_space<semaphore_mem>>) src(%dma_wait3A_623 : memref<10112x128xf32, #tpu.memory_space<hbm>>) dst(%arg10 : memref<128x128xf32, #tpu.memory_space<vmem>>)
      %dma_start3A_624 = arith.constant 0 : i32
      %dma_start3A_625 = tpu.memref_slice %arg7[%add3A_600, %dma_start3A_624] : memref<80x128xi32, #tpu.memory_space<vmem>> -> memref<1x128xi32, #tpu.memory_space<vmem>>
      %dma_start3A_626 = tpu.memref_squeeze %dma_start3A_625 : memref<1x128xi32, #tpu.memory_space<vmem>> -> memref<128xi32, #tpu.memory_space<vmem>>
      %dma_start3A_627 = arith.constant 0 : i32
      %dma_start3A_628 = arith.constant 0 : i32
      %dma_start3A_629 = tpu.memref_slice %arg6[%dma_start3A_627, %dma_start3A_628] : memref<10112x128xf32, #tpu.memory_space<vmem_shared>> -> memref<10112x128xf32, #tpu.memory_space<vmem_shared>>
      tpu.enqueue_indirect_dma source(%arg10 : memref<128x128xf32, #tpu.memory_space<vmem>>) target(%dma_start3A_629 : memref<10112x128xf32, #tpu.memory_space<vmem_shared>>) offsets(%dma_start3A_626 : memref<128xi32, #tpu.memory_space<vmem>>) semaphore(%arg14 : memref<!tpu.dma_semaphore, #tpu.memory_space<semaphore_mem>>) {add = true}
      %mul3A_630 = arith.constant 8 : i32
      %mul3A_631 = arith.muli %add3A_530, %mul3A_630 : i32
      %add3A_632 = arith.constant 3 : i32
      %add3A_633 = arith.addi %mul3A_631, %add3A_632 : i32
      %dma_wait3A_634 = arith.constant 0 : i32
      %dma_wait3A_635 = arith.constant 0 : i32
      %dma_wait3A_636 = tpu.memref_slice %arg7[%dma_wait3A_634, %dma_wait3A_635] : memref<80x128xi32, #tpu.memory_space<vmem>> -> memref<1x128xi32, #tpu.memory_space<vmem>>
      %dma_wait3A_637 = tpu.memref_squeeze %dma_wait3A_636 : memref<1x128xi32, #tpu.memory_space<vmem>> -> memref<128xi32, #tpu.memory_space<vmem>>
      %dma_wait3A_638 = arith.constant 0 : i32
      %dma_wait3A_639 = arith.constant 0 : i32
      %dma_wait3A_640 = tpu.memref_slice %arg6[%dma_wait3A_638, %dma_wait3A_639] : memref<10112x128xf32, #tpu.memory_space<vmem_shared>> -> memref<10112x128xf32, #tpu.memory_space<vmem_shared>>
      tpu.wait_indirect_dma semaphore(%arg14 : memref<!tpu.dma_semaphore, #tpu.memory_space<semaphore_mem>>) src(%arg10 : memref<128x128xf32, #tpu.memory_space<vmem>>) dst(%dma_wait3A_640 : memref<10112x128xf32, #tpu.memory_space<vmem_shared>>)
      %add3A_641 = arith.constant 1 : i32
      %add3A_642 = arith.addi %add3A_633, %add3A_641 : i32
      %dma_start3A_643 = arith.constant 4 : i32
      %dma_start3A_644 = arith.constant 0 : i32
      %dma_start3A_645 = tpu.memref_slice %arg8[%dma_start3A_643, %dma_start3A_644] : memref<8x128xi32, #tpu.memory_space<vmem>> -> memref<1x128xi32, #tpu.memory_space<vmem>>
      %dma_start3A_646 = tpu.memref_squeeze %dma_start3A_645 : memref<1x128xi32, #tpu.memory_space<vmem>> -> memref<128xi32, #tpu.memory_space<vmem>>
      %dma_start3A_647 = arith.constant 0 : i32
      %dma_start3A_648 = arith.constant 0 : i32
      %dma_start3A_649 = tpu.memref_slice %arg2[%dma_start3A_647, %dma_start3A_648] : memref<10112x128xf32, #tpu.memory_space<hbm>> -> memref<10112x128xf32, #tpu.memory_space<hbm>>
      tpu.enqueue_indirect_dma source(%dma_start3A_649 : memref<10112x128xf32, #tpu.memory_space<hbm>>) target(%arg10 : memref<128x128xf32, #tpu.memory_space<vmem>>) offsets(%dma_start3A_646 : memref<128xi32, #tpu.memory_space<vmem>>) semaphore(%arg12 : memref<!tpu.dma_semaphore, #tpu.memory_space<semaphore_mem>>)
      %dma_wait3A_650 = arith.constant 0 : i32
      %dma_wait3A_651 = arith.constant 0 : i32
      %dma_wait3A_652 = tpu.memref_slice %arg8[%dma_wait3A_650, %dma_wait3A_651] : memref<8x128xi32, #tpu.memory_space<vmem>> -> memref<1x128xi32, #tpu.memory_space<vmem>>
      %dma_wait3A_653 = tpu.memref_squeeze %dma_wait3A_652 : memref<1x128xi32, #tpu.memory_space<vmem>> -> memref<128xi32, #tpu.memory_space<vmem>>
      %dma_wait3A_654 = arith.constant 0 : i32
      %dma_wait3A_655 = arith.constant 0 : i32
      %dma_wait3A_656 = tpu.memref_slice %arg2[%dma_wait3A_654, %dma_wait3A_655] : memref<10112x128xf32, #tpu.memory_space<hbm>> -> memref<10112x128xf32, #tpu.memory_space<hbm>>
      tpu.wait_indirect_dma semaphore(%arg13 : memref<!tpu.dma_semaphore, #tpu.memory_space<semaphore_mem>>) src(%dma_wait3A_656 : memref<10112x128xf32, #tpu.memory_space<hbm>>) dst(%arg11 : memref<128x128xf32, #tpu.memory_space<vmem>>)
      %dma_start3A_657 = arith.constant 0 : i32
      %dma_start3A_658 = tpu.memref_slice %arg7[%add3A_633, %dma_start3A_657] : memref<80x128xi32, #tpu.memory_space<vmem>> -> memref<1x128xi32, #tpu.memory_space<vmem>>
      %dma_start3A_659 = tpu.memref_squeeze %dma_start3A_658 : memref<1x128xi32, #tpu.memory_space<vmem>> -> memref<128xi32, #tpu.memory_space<vmem>>
      %dma_start3A_660 = arith.constant 0 : i32
      %dma_start3A_661 = arith.constant 0 : i32
      %dma_start3A_662 = tpu.memref_slice %arg6[%dma_start3A_660, %dma_start3A_661] : memref<10112x128xf32, #tpu.memory_space<vmem_shared>> -> memref<10112x128xf32, #tpu.memory_space<vmem_shared>>
      tpu.enqueue_indirect_dma source(%arg11 : memref<128x128xf32, #tpu.memory_space<vmem>>) target(%dma_start3A_662 : memref<10112x128xf32, #tpu.memory_space<vmem_shared>>) offsets(%dma_start3A_659 : memref<128xi32, #tpu.memory_space<vmem>>) semaphore(%arg15 : memref<!tpu.dma_semaphore, #tpu.memory_space<semaphore_mem>>) {add = true}
      %mul3A_663 = arith.constant 8 : i32
      %mul3A_664 = arith.muli %add3A_530, %mul3A_663 : i32
      %add3A_665 = arith.constant 4 : i32
      %add3A_666 = arith.addi %mul3A_664, %add3A_665 : i32
      %dma_wait3A_667 = arith.constant 0 : i32
      %dma_wait3A_668 = arith.constant 0 : i32
      %dma_wait3A_669 = tpu.memref_slice %arg7[%dma_wait3A_667, %dma_wait3A_668] : memref<80x128xi32, #tpu.memory_space<vmem>> -> memref<1x128xi32, #tpu.memory_space<vmem>>
      %dma_wait3A_670 = tpu.memref_squeeze %dma_wait3A_669 : memref<1x128xi32, #tpu.memory_space<vmem>> -> memref<128xi32, #tpu.memory_space<vmem>>
      %dma_wait3A_671 = arith.constant 0 : i32
      %dma_wait3A_672 = arith.constant 0 : i32
      %dma_wait3A_673 = tpu.memref_slice %arg6[%dma_wait3A_671, %dma_wait3A_672] : memref<10112x128xf32, #tpu.memory_space<vmem_shared>> -> memref<10112x128xf32, #tpu.memory_space<vmem_shared>>
      tpu.wait_indirect_dma semaphore(%arg15 : memref<!tpu.dma_semaphore, #tpu.memory_space<semaphore_mem>>) src(%arg11 : memref<128x128xf32, #tpu.memory_space<vmem>>) dst(%dma_wait3A_673 : memref<10112x128xf32, #tpu.memory_space<vmem_shared>>)
      %add3A_674 = arith.constant 1 : i32
      %add3A_675 = arith.addi %add3A_666, %add3A_674 : i32
      %dma_start3A_676 = arith.constant 5 : i32
      %dma_start3A_677 = arith.constant 0 : i32
      %dma_start3A_678 = tpu.memref_slice %arg8[%dma_start3A_676, %dma_start3A_677] : memref<8x128xi32, #tpu.memory_space<vmem>> -> memref<1x128xi32, #tpu.memory_space<vmem>>
      %dma_start3A_679 = tpu.memref_squeeze %dma_start3A_678 : memref<1x128xi32, #tpu.memory_space<vmem>> -> memref<128xi32, #tpu.memory_space<vmem>>
      %dma_start3A_680 = arith.constant 0 : i32
      %dma_start3A_681 = arith.constant 0 : i32
      %dma_start3A_682 = tpu.memref_slice %arg2[%dma_start3A_680, %dma_start3A_681] : memref<10112x128xf32, #tpu.memory_space<hbm>> -> memref<10112x128xf32, #tpu.memory_space<hbm>>
      tpu.enqueue_indirect_dma source(%dma_start3A_682 : memref<10112x128xf32, #tpu.memory_space<hbm>>) target(%arg11 : memref<128x128xf32, #tpu.memory_space<vmem>>) offsets(%dma_start3A_679 : memref<128xi32, #tpu.memory_space<vmem>>) semaphore(%arg13 : memref<!tpu.dma_semaphore, #tpu.memory_space<semaphore_mem>>)
      %dma_wait3A_683 = arith.constant 0 : i32
      %dma_wait3A_684 = arith.constant 0 : i32
      %dma_wait3A_685 = tpu.memref_slice %arg8[%dma_wait3A_683, %dma_wait3A_684] : memref<8x128xi32, #tpu.memory_space<vmem>> -> memref<1x128xi32, #tpu.memory_space<vmem>>
      %dma_wait3A_686 = tpu.memref_squeeze %dma_wait3A_685 : memref<1x128xi32, #tpu.memory_space<vmem>> -> memref<128xi32, #tpu.memory_space<vmem>>
      %dma_wait3A_687 = arith.constant 0 : i32
      %dma_wait3A_688 = arith.constant 0 : i32
      %dma_wait3A_689 = tpu.memref_slice %arg2[%dma_wait3A_687, %dma_wait3A_688] : memref<10112x128xf32, #tpu.memory_space<hbm>> -> memref<10112x128xf32, #tpu.memory_space<hbm>>
      tpu.wait_indirect_dma semaphore(%arg12 : memref<!tpu.dma_semaphore, #tpu.memory_space<semaphore_mem>>) src(%dma_wait3A_689 : memref<10112x128xf32, #tpu.memory_space<hbm>>) dst(%arg10 : memref<128x128xf32, #tpu.memory_space<vmem>>)
      %dma_start3A_690 = arith.constant 0 : i32
      %dma_start3A_691 = tpu.memref_slice %arg7[%add3A_666, %dma_start3A_690] : memref<80x128xi32, #tpu.memory_space<vmem>> -> memref<1x128xi32, #tpu.memory_space<vmem>>
      %dma_start3A_692 = tpu.memref_squeeze %dma_start3A_691 : memref<1x128xi32, #tpu.memory_space<vmem>> -> memref<128xi32, #tpu.memory_space<vmem>>
      %dma_start3A_693 = arith.constant 0 : i32
      %dma_start3A_694 = arith.constant 0 : i32
      %dma_start3A_695 = tpu.memref_slice %arg6[%dma_start3A_693, %dma_start3A_694] : memref<10112x128xf32, #tpu.memory_space<vmem_shared>> -> memref<10112x128xf32, #tpu.memory_space<vmem_shared>>
      tpu.enqueue_indirect_dma source(%arg10 : memref<128x128xf32, #tpu.memory_space<vmem>>) target(%dma_start3A_695 : memref<10112x128xf32, #tpu.memory_space<vmem_shared>>) offsets(%dma_start3A_692 : memref<128xi32, #tpu.memory_space<vmem>>) semaphore(%arg14 : memref<!tpu.dma_semaphore, #tpu.memory_space<semaphore_mem>>) {add = true}
      %mul3A_696 = arith.constant 8 : i32
      %mul3A_697 = arith.muli %add3A_530, %mul3A_696 : i32
      %add3A_698 = arith.constant 5 : i32
      %add3A_699 = arith.addi %mul3A_697, %add3A_698 : i32
      %dma_wait3A_700 = arith.constant 0 : i32
      %dma_wait3A_701 = arith.constant 0 : i32
      %dma_wait3A_702 = tpu.memref_slice %arg7[%dma_wait3A_700, %dma_wait3A_701] : memref<80x128xi32, #tpu.memory_space<vmem>> -> memref<1x128xi32, #tpu.memory_space<vmem>>
      %dma_wait3A_703 = tpu.memref_squeeze %dma_wait3A_702 : memref<1x128xi32, #tpu.memory_space<vmem>> -> memref<128xi32, #tpu.memory_space<vmem>>
      %dma_wait3A_704 = arith.constant 0 : i32
      %dma_wait3A_705 = arith.constant 0 : i32
      %dma_wait3A_706 = tpu.memref_slice %arg6[%dma_wait3A_704, %dma_wait3A_705] : memref<10112x128xf32, #tpu.memory_space<vmem_shared>> -> memref<10112x128xf32, #tpu.memory_space<vmem_shared>>
      tpu.wait_indirect_dma semaphore(%arg14 : memref<!tpu.dma_semaphore, #tpu.memory_space<semaphore_mem>>) src(%arg10 : memref<128x128xf32, #tpu.memory_space<vmem>>) dst(%dma_wait3A_706 : memref<10112x128xf32, #tpu.memory_space<vmem_shared>>)
      %add3A_707 = arith.constant 1 : i32
      %add3A_708 = arith.addi %add3A_699, %add3A_707 : i32
      %dma_start3A_709 = arith.constant 6 : i32
      %dma_start3A_710 = arith.constant 0 : i32
      %dma_start3A_711 = tpu.memref_slice %arg8[%dma_start3A_709, %dma_start3A_710] : memref<8x128xi32, #tpu.memory_space<vmem>> -> memref<1x128xi32, #tpu.memory_space<vmem>>
      %dma_start3A_712 = tpu.memref_squeeze %dma_start3A_711 : memref<1x128xi32, #tpu.memory_space<vmem>> -> memref<128xi32, #tpu.memory_space<vmem>>
      %dma_start3A_713 = arith.constant 0 : i32
      %dma_start3A_714 = arith.constant 0 : i32
      %dma_start3A_715 = tpu.memref_slice %arg2[%dma_start3A_713, %dma_start3A_714] : memref<10112x128xf32, #tpu.memory_space<hbm>> -> memref<10112x128xf32, #tpu.memory_space<hbm>>
      tpu.enqueue_indirect_dma source(%dma_start3A_715 : memref<10112x128xf32, #tpu.memory_space<hbm>>) target(%arg10 : memref<128x128xf32, #tpu.memory_space<vmem>>) offsets(%dma_start3A_712 : memref<128xi32, #tpu.memory_space<vmem>>) semaphore(%arg12 : memref<!tpu.dma_semaphore, #tpu.memory_space<semaphore_mem>>)
      %dma_wait3A_716 = arith.constant 0 : i32
      %dma_wait3A_717 = arith.constant 0 : i32
      %dma_wait3A_718 = tpu.memref_slice %arg8[%dma_wait3A_716, %dma_wait3A_717] : memref<8x128xi32, #tpu.memory_space<vmem>> -> memref<1x128xi32, #tpu.memory_space<vmem>>
      %dma_wait3A_719 = tpu.memref_squeeze %dma_wait3A_718 : memref<1x128xi32, #tpu.memory_space<vmem>> -> memref<128xi32, #tpu.memory_space<vmem>>
      %dma_wait3A_720 = arith.constant 0 : i32
      %dma_wait3A_721 = arith.constant 0 : i32
      %dma_wait3A_722 = tpu.memref_slice %arg2[%dma_wait3A_720, %dma_wait3A_721] : memref<10112x128xf32, #tpu.memory_space<hbm>> -> memref<10112x128xf32, #tpu.memory_space<hbm>>
      tpu.wait_indirect_dma semaphore(%arg13 : memref<!tpu.dma_semaphore, #tpu.memory_space<semaphore_mem>>) src(%dma_wait3A_722 : memref<10112x128xf32, #tpu.memory_space<hbm>>) dst(%arg11 : memref<128x128xf32, #tpu.memory_space<vmem>>)
      %dma_start3A_723 = arith.constant 0 : i32
      %dma_start3A_724 = tpu.memref_slice %arg7[%add3A_699, %dma_start3A_723] : memref<80x128xi32, #tpu.memory_space<vmem>> -> memref<1x128xi32, #tpu.memory_space<vmem>>
      %dma_start3A_725 = tpu.memref_squeeze %dma_start3A_724 : memref<1x128xi32, #tpu.memory_space<vmem>> -> memref<128xi32, #tpu.memory_space<vmem>>
      %dma_start3A_726 = arith.constant 0 : i32
      %dma_start3A_727 = arith.constant 0 : i32
      %dma_start3A_728 = tpu.memref_slice %arg6[%dma_start3A_726, %dma_start3A_727] : memref<10112x128xf32, #tpu.memory_space<vmem_shared>> -> memref<10112x128xf32, #tpu.memory_space<vmem_shared>>
      tpu.enqueue_indirect_dma source(%arg11 : memref<128x128xf32, #tpu.memory_space<vmem>>) target(%dma_start3A_728 : memref<10112x128xf32, #tpu.memory_space<vmem_shared>>) offsets(%dma_start3A_725 : memref<128xi32, #tpu.memory_space<vmem>>) semaphore(%arg15 : memref<!tpu.dma_semaphore, #tpu.memory_space<semaphore_mem>>) {add = true}
      %mul3A_729 = arith.constant 8 : i32
      %mul3A_730 = arith.muli %add3A_530, %mul3A_729 : i32
      %add3A_731 = arith.constant 6 : i32
      %add3A_732 = arith.addi %mul3A_730, %add3A_731 : i32
      %dma_wait3A_733 = arith.constant 0 : i32
      %dma_wait3A_734 = arith.constant 0 : i32
      %dma_wait3A_735 = tpu.memref_slice %arg7[%dma_wait3A_733, %dma_wait3A_734] : memref<80x128xi32, #tpu.memory_space<vmem>> -> memref<1x128xi32, #tpu.memory_space<vmem>>
      %dma_wait3A_736 = tpu.memref_squeeze %dma_wait3A_735 : memref<1x128xi32, #tpu.memory_space<vmem>> -> memref<128xi32, #tpu.memory_space<vmem>>
      %dma_wait3A_737 = arith.constant 0 : i32
      %dma_wait3A_738 = arith.constant 0 : i32
      %dma_wait3A_739 = tpu.memref_slice %arg6[%dma_wait3A_737, %dma_wait3A_738] : memref<10112x128xf32, #tpu.memory_space<vmem_shared>> -> memref<10112x128xf32, #tpu.memory_space<vmem_shared>>
      tpu.wait_indirect_dma semaphore(%arg15 : memref<!tpu.dma_semaphore, #tpu.memory_space<semaphore_mem>>) src(%arg11 : memref<128x128xf32, #tpu.memory_space<vmem>>) dst(%dma_wait3A_739 : memref<10112x128xf32, #tpu.memory_space<vmem_shared>>)
      %add3A_740 = arith.constant 1 : i32
      %add3A_741 = arith.addi %add3A_732, %add3A_740 : i32
      %dma_start3A_742 = arith.constant 7 : i32
      %dma_start3A_743 = arith.constant 0 : i32
      %dma_start3A_744 = tpu.memref_slice %arg8[%dma_start3A_742, %dma_start3A_743] : memref<8x128xi32, #tpu.memory_space<vmem>> -> memref<1x128xi32, #tpu.memory_space<vmem>>
      %dma_start3A_745 = tpu.memref_squeeze %dma_start3A_744 : memref<1x128xi32, #tpu.memory_space<vmem>> -> memref<128xi32, #tpu.memory_space<vmem>>
      %dma_start3A_746 = arith.constant 0 : i32
      %dma_start3A_747 = arith.constant 0 : i32
      %dma_start3A_748 = tpu.memref_slice %arg2[%dma_start3A_746, %dma_start3A_747] : memref<10112x128xf32, #tpu.memory_space<hbm>> -> memref<10112x128xf32, #tpu.memory_space<hbm>>
      tpu.enqueue_indirect_dma source(%dma_start3A_748 : memref<10112x128xf32, #tpu.memory_space<hbm>>) target(%arg11 : memref<128x128xf32, #tpu.memory_space<vmem>>) offsets(%dma_start3A_745 : memref<128xi32, #tpu.memory_space<vmem>>) semaphore(%arg13 : memref<!tpu.dma_semaphore, #tpu.memory_space<semaphore_mem>>)
      %dma_wait3A_749 = arith.constant 0 : i32
      %dma_wait3A_750 = arith.constant 0 : i32
      %dma_wait3A_751 = tpu.memref_slice %arg8[%dma_wait3A_749, %dma_wait3A_750] : memref<8x128xi32, #tpu.memory_space<vmem>> -> memref<1x128xi32, #tpu.memory_space<vmem>>
      %dma_wait3A_752 = tpu.memref_squeeze %dma_wait3A_751 : memref<1x128xi32, #tpu.memory_space<vmem>> -> memref<128xi32, #tpu.memory_space<vmem>>
      %dma_wait3A_753 = arith.constant 0 : i32
      %dma_wait3A_754 = arith.constant 0 : i32
      %dma_wait3A_755 = tpu.memref_slice %arg2[%dma_wait3A_753, %dma_wait3A_754] : memref<10112x128xf32, #tpu.memory_space<hbm>> -> memref<10112x128xf32, #tpu.memory_space<hbm>>
      tpu.wait_indirect_dma semaphore(%arg12 : memref<!tpu.dma_semaphore, #tpu.memory_space<semaphore_mem>>) src(%dma_wait3A_755 : memref<10112x128xf32, #tpu.memory_space<hbm>>) dst(%arg10 : memref<128x128xf32, #tpu.memory_space<vmem>>)
      %dma_start3A_756 = arith.constant 0 : i32
      %dma_start3A_757 = tpu.memref_slice %arg7[%add3A_732, %dma_start3A_756] : memref<80x128xi32, #tpu.memory_space<vmem>> -> memref<1x128xi32, #tpu.memory_space<vmem>>
      %dma_start3A_758 = tpu.memref_squeeze %dma_start3A_757 : memref<1x128xi32, #tpu.memory_space<vmem>> -> memref<128xi32, #tpu.memory_space<vmem>>
      %dma_start3A_759 = arith.constant 0 : i32
      %dma_start3A_760 = arith.constant 0 : i32
      %dma_start3A_761 = tpu.memref_slice %arg6[%dma_start3A_759, %dma_start3A_760] : memref<10112x128xf32, #tpu.memory_space<vmem_shared>> -> memref<10112x128xf32, #tpu.memory_space<vmem_shared>>
      tpu.enqueue_indirect_dma source(%arg10 : memref<128x128xf32, #tpu.memory_space<vmem>>) target(%dma_start3A_761 : memref<10112x128xf32, #tpu.memory_space<vmem_shared>>) offsets(%dma_start3A_758 : memref<128xi32, #tpu.memory_space<vmem>>) semaphore(%arg14 : memref<!tpu.dma_semaphore, #tpu.memory_space<semaphore_mem>>) {add = true}
      %mul3A_762 = arith.constant 8 : i32
      %mul3A_763 = arith.muli %add3A_530, %mul3A_762 : i32
      %add3A_764 = arith.constant 7 : i32
      %add3A_765 = arith.addi %mul3A_763, %add3A_764 : i32
      %dma_wait3A_766 = arith.constant 0 : i32
      %dma_wait3A_767 = arith.constant 0 : i32
      %dma_wait3A_768 = tpu.memref_slice %arg7[%dma_wait3A_766, %dma_wait3A_767] : memref<80x128xi32, #tpu.memory_space<vmem>> -> memref<1x128xi32, #tpu.memory_space<vmem>>
      %dma_wait3A_769 = tpu.memref_squeeze %dma_wait3A_768 : memref<1x128xi32, #tpu.memory_space<vmem>> -> memref<128xi32, #tpu.memory_space<vmem>>
      %dma_wait3A_770 = arith.constant 0 : i32
      %dma_wait3A_771 = arith.constant 0 : i32
      %dma_wait3A_772 = tpu.memref_slice %arg6[%dma_wait3A_770, %dma_wait3A_771] : memref<10112x128xf32, #tpu.memory_space<vmem_shared>> -> memref<10112x128xf32, #tpu.memory_space<vmem_shared>>
      tpu.wait_indirect_dma semaphore(%arg14 : memref<!tpu.dma_semaphore, #tpu.memory_space<semaphore_mem>>) src(%arg10 : memref<128x128xf32, #tpu.memory_space<vmem>>) dst(%dma_wait3A_772 : memref<10112x128xf32, #tpu.memory_space<vmem_shared>>)
      %add3A_773 = arith.constant 1 : i32
      %add3A_774 = arith.addi %add3A_530, %add3A_773 : i32
      %lt3A = arith.constant 10 : i32
      %lt3A_775 = arith.cmpi slt, %add3A_774, %lt3A : i32
      %convert_element_type3A = arith.extui %lt3A_775 : i1 to i32
      %cond3A = arith.constant 0 : i32
      %cond3A_776 = arith.cmpi ne, %convert_element_type3A, %cond3A : i32
      scf.if %cond3A_776 {
        %dma_wait3A_1085 = arith.constant 0 : i32
        %dma_wait3A_1086 = arith.constant 0 : i32
        %dma_wait3A_1087 = tpu.memref_slice %arg3[%add3A, %dma_wait3A_1085, %dma_wait3A_1086] : memref<32x80x128xi32, #tpu.memory_space<hbm>> -> memref<1x8x128xi32, #tpu.memory_space<hbm>>
        %dma_wait3A_1088 = tpu.memref_squeeze %dma_wait3A_1087 : memref<1x8x128xi32, #tpu.memory_space<hbm>> -> memref<8x128xi32, #tpu.memory_space<hbm>>
        %dma_wait3A_1089 = arith.constant 0 : i32
        %dma_wait3A_1090 = arith.constant 0 : i32
        %dma_wait3A_1091 = tpu.memref_slice %arg3[%add3A, %dma_wait3A_1089, %dma_wait3A_1090] : memref<32x80x128xi32, #tpu.memory_space<hbm>> -> memref<1x8x128xi32, #tpu.memory_space<hbm>>
        %dma_wait3A_1092 = tpu.memref_squeeze %dma_wait3A_1091 : memref<1x8x128xi32, #tpu.memory_space<hbm>> -> memref<8x128xi32, #tpu.memory_space<hbm>>
        tpu.wait_dma2 semaphore(%arg17 : memref<!tpu.dma_semaphore, #tpu.memory_space<semaphore_mem>>) src(%dma_wait3A_1092 : memref<8x128xi32, #tpu.memory_space<hbm>>) dst(%arg9 : memref<8x128xi32, #tpu.memory_space<vmem>>)
      } else {
      }
      %add3A_777 = arith.constant 1 : i32
      %add3A_778 = arith.addi %add3A_765, %add3A_777 : i32
      %lt3A_779 = arith.constant 80 : i32
      %lt3A_780 = arith.cmpi slt, %add3A_778, %lt3A_779 : i32
      %convert_element_type3A_781 = arith.extui %lt3A_780 : i1 to i32
      %cond3A_782 = arith.constant 0 : i32
      %cond3A_783 = arith.cmpi ne, %convert_element_type3A_781, %cond3A_782 : i32
      scf.if %cond3A_783 {
        %add3A_1085 = arith.constant 1 : i32
        %add3A_1086 = arith.addi %add3A_765, %add3A_1085 : i32
        %dma_start3A_1087 = arith.constant 0 : i32
        %dma_start3A_1088 = arith.constant 0 : i32
        %dma_start3A_1089 = tpu.memref_slice %arg9[%dma_start3A_1087, %dma_start3A_1088] : memref<8x128xi32, #tpu.memory_space<vmem>> -> memref<1x128xi32, #tpu.memory_space<vmem>>
        %dma_start3A_1090 = tpu.memref_squeeze %dma_start3A_1089 : memref<1x128xi32, #tpu.memory_space<vmem>> -> memref<128xi32, #tpu.memory_space<vmem>>
        %dma_start3A_1091 = arith.constant 0 : i32
        %dma_start3A_1092 = arith.constant 0 : i32
        %dma_start3A_1093 = tpu.memref_slice %arg2[%dma_start3A_1091, %dma_start3A_1092] : memref<10112x128xf32, #tpu.memory_space<hbm>> -> memref<10112x128xf32, #tpu.memory_space<hbm>>
        tpu.enqueue_indirect_dma source(%dma_start3A_1093 : memref<10112x128xf32, #tpu.memory_space<hbm>>) target(%arg10 : memref<128x128xf32, #tpu.memory_space<vmem>>) offsets(%dma_start3A_1090 : memref<128xi32, #tpu.memory_space<vmem>>) semaphore(%arg12 : memref<!tpu.dma_semaphore, #tpu.memory_space<semaphore_mem>>)
      } else {
      }
      %dma_wait3A_784 = arith.constant 0 : i32
      %dma_wait3A_785 = arith.constant 0 : i32
      %dma_wait3A_786 = tpu.memref_slice %arg8[%dma_wait3A_784, %dma_wait3A_785] : memref<8x128xi32, #tpu.memory_space<vmem>> -> memref<1x128xi32, #tpu.memory_space<vmem>>
      %dma_wait3A_787 = tpu.memref_squeeze %dma_wait3A_786 : memref<1x128xi32, #tpu.memory_space<vmem>> -> memref<128xi32, #tpu.memory_space<vmem>>
      %dma_wait3A_788 = arith.constant 0 : i32
      %dma_wait3A_789 = arith.constant 0 : i32
      %dma_wait3A_790 = tpu.memref_slice %arg2[%dma_wait3A_788, %dma_wait3A_789] : memref<10112x128xf32, #tpu.memory_space<hbm>> -> memref<10112x128xf32, #tpu.memory_space<hbm>>
      tpu.wait_indirect_dma semaphore(%arg13 : memref<!tpu.dma_semaphore, #tpu.memory_space<semaphore_mem>>) src(%dma_wait3A_790 : memref<10112x128xf32, #tpu.memory_space<hbm>>) dst(%arg11 : memref<128x128xf32, #tpu.memory_space<vmem>>)
      %add3A_791 = arith.constant 2 : i32
      %add3A_792 = arith.addi %add3A_530, %add3A_791 : i32
      %lt3A_793 = arith.constant 10 : i32
      %lt3A_794 = arith.cmpi slt, %add3A_792, %lt3A_793 : i32
      %convert_element_type3A_795 = arith.extui %lt3A_794 : i1 to i32
      %cond3A_796 = arith.constant 0 : i32
      %cond3A_797 = arith.cmpi ne, %convert_element_type3A_795, %cond3A_796 : i32
      scf.if %cond3A_797 {
        %add3A_1085 = arith.constant 2 : i32
        %add3A_1086 = arith.addi %add3A_530, %add3A_1085 : i32
        %mul3A_1087 = arith.constant 8 : i32
        %mul3A_1088 = arith.muli %add3A_1086, %mul3A_1087 : i32
        %dma_start3A_1089 = arith.constant 0 : i32
        %dma_start3A_1090 = tpu.memref_slice %arg3[%add3A, %mul3A_1088, %dma_start3A_1089] : memref<32x80x128xi32, #tpu.memory_space<hbm>> -> memref<1x8x128xi32, #tpu.memory_space<hbm>>
        %dma_start3A_1091 = tpu.memref_squeeze %dma_start3A_1090 : memref<1x8x128xi32, #tpu.memory_space<hbm>> -> memref<8x128xi32, #tpu.memory_space<hbm>>
        %dma_start3A_1092 = arith.constant 0 : i32
        %dma_start3A_1093 = tpu.memref_slice %arg3[%add3A, %mul3A_1088, %dma_start3A_1092] : memref<32x80x128xi32, #tpu.memory_space<hbm>> -> memref<1x8x128xi32, #tpu.memory_space<hbm>>
        %dma_start3A_1094 = tpu.memref_squeeze %dma_start3A_1093 : memref<1x8x128xi32, #tpu.memory_space<hbm>> -> memref<8x128xi32, #tpu.memory_space<hbm>>
        tpu.enqueue_dma source(%dma_start3A_1094 : memref<8x128xi32, #tpu.memory_space<hbm>>) target(%arg8 : memref<8x128xi32, #tpu.memory_space<vmem>>) target_semaphore(%arg16 : memref<!tpu.dma_semaphore, #tpu.memory_space<semaphore_mem>>)
      } else {
      }
      %dma_start3A_798 = arith.constant 0 : i32
      %dma_start3A_799 = tpu.memref_slice %arg7[%add3A_765, %dma_start3A_798] : memref<80x128xi32, #tpu.memory_space<vmem>> -> memref<1x128xi32, #tpu.memory_space<vmem>>
      %dma_start3A_800 = tpu.memref_squeeze %dma_start3A_799 : memref<1x128xi32, #tpu.memory_space<vmem>> -> memref<128xi32, #tpu.memory_space<vmem>>
      %dma_start3A_801 = arith.constant 0 : i32
      %dma_start3A_802 = arith.constant 0 : i32
      %dma_start3A_803 = tpu.memref_slice %arg6[%dma_start3A_801, %dma_start3A_802] : memref<10112x128xf32, #tpu.memory_space<vmem_shared>> -> memref<10112x128xf32, #tpu.memory_space<vmem_shared>>
      tpu.enqueue_indirect_dma source(%arg11 : memref<128x128xf32, #tpu.memory_space<vmem>>) target(%dma_start3A_803 : memref<10112x128xf32, #tpu.memory_space<vmem_shared>>) offsets(%dma_start3A_800 : memref<128xi32, #tpu.memory_space<vmem>>) semaphore(%arg15 : memref<!tpu.dma_semaphore, #tpu.memory_space<semaphore_mem>>) {add = true}
      %mul3A_804 = arith.constant 2 : i32
      %mul3A_805 = arith.muli %mul3A_804, %scan3A_525 : i32
      %add3A_806 = arith.constant 1 : i32
      %add3A_807 = arith.addi %mul3A_805, %add3A_806 : i32
      %mul3A_808 = arith.constant 8 : i32
      %mul3A_809 = arith.muli %add3A_807, %mul3A_808 : i32
      %add3A_810 = arith.constant 0 : i32
      %add3A_811 = arith.addi %mul3A_809, %add3A_810 : i32
      %dma_wait3A_812 = arith.constant 0 : i32
      %dma_wait3A_813 = arith.constant 0 : i32
      %dma_wait3A_814 = tpu.memref_slice %arg7[%dma_wait3A_812, %dma_wait3A_813] : memref<80x128xi32, #tpu.memory_space<vmem>> -> memref<1x128xi32, #tpu.memory_space<vmem>>
      %dma_wait3A_815 = tpu.memref_squeeze %dma_wait3A_814 : memref<1x128xi32, #tpu.memory_space<vmem>> -> memref<128xi32, #tpu.memory_space<vmem>>
      %dma_wait3A_816 = arith.constant 0 : i32
      %dma_wait3A_817 = arith.constant 0 : i32
      %dma_wait3A_818 = tpu.memref_slice %arg6[%dma_wait3A_816, %dma_wait3A_817] : memref<10112x128xf32, #tpu.memory_space<vmem_shared>> -> memref<10112x128xf32, #tpu.memory_space<vmem_shared>>
      tpu.wait_indirect_dma semaphore(%arg15 : memref<!tpu.dma_semaphore, #tpu.memory_space<semaphore_mem>>) src(%arg11 : memref<128x128xf32, #tpu.memory_space<vmem>>) dst(%dma_wait3A_818 : memref<10112x128xf32, #tpu.memory_space<vmem_shared>>)
      %add3A_819 = arith.constant 1 : i32
      %add3A_820 = arith.addi %add3A_811, %add3A_819 : i32
      %dma_start3A_821 = arith.constant 1 : i32
      %dma_start3A_822 = arith.constant 0 : i32
      %dma_start3A_823 = tpu.memref_slice %arg9[%dma_start3A_821, %dma_start3A_822] : memref<8x128xi32, #tpu.memory_space<vmem>> -> memref<1x128xi32, #tpu.memory_space<vmem>>
      %dma_start3A_824 = tpu.memref_squeeze %dma_start3A_823 : memref<1x128xi32, #tpu.memory_space<vmem>> -> memref<128xi32, #tpu.memory_space<vmem>>
      %dma_start3A_825 = arith.constant 0 : i32
      %dma_start3A_826 = arith.constant 0 : i32
      %dma_start3A_827 = tpu.memref_slice %arg2[%dma_start3A_825, %dma_start3A_826] : memref<10112x128xf32, #tpu.memory_space<hbm>> -> memref<10112x128xf32, #tpu.memory_space<hbm>>
      tpu.enqueue_indirect_dma source(%dma_start3A_827 : memref<10112x128xf32, #tpu.memory_space<hbm>>) target(%arg11 : memref<128x128xf32, #tpu.memory_space<vmem>>) offsets(%dma_start3A_824 : memref<128xi32, #tpu.memory_space<vmem>>) semaphore(%arg13 : memref<!tpu.dma_semaphore, #tpu.memory_space<semaphore_mem>>)
      %dma_wait3A_828 = arith.constant 0 : i32
      %dma_wait3A_829 = arith.constant 0 : i32
      %dma_wait3A_830 = tpu.memref_slice %arg8[%dma_wait3A_828, %dma_wait3A_829] : memref<8x128xi32, #tpu.memory_space<vmem>> -> memref<1x128xi32, #tpu.memory_space<vmem>>
      %dma_wait3A_831 = tpu.memref_squeeze %dma_wait3A_830 : memref<1x128xi32, #tpu.memory_space<vmem>> -> memref<128xi32, #tpu.memory_space<vmem>>
      %dma_wait3A_832 = arith.constant 0 : i32
      %dma_wait3A_833 = arith.constant 0 : i32
      %dma_wait3A_834 = tpu.memref_slice %arg2[%dma_wait3A_832, %dma_wait3A_833] : memref<10112x128xf32, #tpu.memory_space<hbm>> -> memref<10112x128xf32, #tpu.memory_space<hbm>>
      tpu.wait_indirect_dma semaphore(%arg12 : memref<!tpu.dma_semaphore, #tpu.memory_space<semaphore_mem>>) src(%dma_wait3A_834 : memref<10112x128xf32, #tpu.memory_space<hbm>>) dst(%arg10 : memref<128x128xf32, #tpu.memory_space<vmem>>)
      %dma_start3A_835 = arith.constant 0 : i32
      %dma_start3A_836 = tpu.memref_slice %arg7[%add3A_811, %dma_start3A_835] : memref<80x128xi32, #tpu.memory_space<vmem>> -> memref<1x128xi32, #tpu.memory_space<vmem>>
      %dma_start3A_837 = tpu.memref_squeeze %dma_start3A_836 : memref<1x128xi32, #tpu.memory_space<vmem>> -> memref<128xi32, #tpu.memory_space<vmem>>
      %dma_start3A_838 = arith.constant 0 : i32
      %dma_start3A_839 = arith.constant 0 : i32
      %dma_start3A_840 = tpu.memref_slice %arg6[%dma_start3A_838, %dma_start3A_839] : memref<10112x128xf32, #tpu.memory_space<vmem_shared>> -> memref<10112x128xf32, #tpu.memory_space<vmem_shared>>
      tpu.enqueue_indirect_dma source(%arg10 : memref<128x128xf32, #tpu.memory_space<vmem>>) target(%dma_start3A_840 : memref<10112x128xf32, #tpu.memory_space<vmem_shared>>) offsets(%dma_start3A_837 : memref<128xi32, #tpu.memory_space<vmem>>) semaphore(%arg14 : memref<!tpu.dma_semaphore, #tpu.memory_space<semaphore_mem>>) {add = true}
      %mul3A_841 = arith.constant 8 : i32
      %mul3A_842 = arith.muli %add3A_807, %mul3A_841 : i32
      %add3A_843 = arith.constant 1 : i32
      %add3A_844 = arith.addi %mul3A_842, %add3A_843 : i32
      %dma_wait3A_845 = arith.constant 0 : i32
      %dma_wait3A_846 = arith.constant 0 : i32
      %dma_wait3A_847 = tpu.memref_slice %arg7[%dma_wait3A_845, %dma_wait3A_846] : memref<80x128xi32, #tpu.memory_space<vmem>> -> memref<1x128xi32, #tpu.memory_space<vmem>>
      %dma_wait3A_848 = tpu.memref_squeeze %dma_wait3A_847 : memref<1x128xi32, #tpu.memory_space<vmem>> -> memref<128xi32, #tpu.memory_space<vmem>>
      %dma_wait3A_849 = arith.constant 0 : i32
      %dma_wait3A_850 = arith.constant 0 : i32
      %dma_wait3A_851 = tpu.memref_slice %arg6[%dma_wait3A_849, %dma_wait3A_850] : memref<10112x128xf32, #tpu.memory_space<vmem_shared>> -> memref<10112x128xf32, #tpu.memory_space<vmem_shared>>
      tpu.wait_indirect_dma semaphore(%arg14 : memref<!tpu.dma_semaphore, #tpu.memory_space<semaphore_mem>>) src(%arg10 : memref<128x128xf32, #tpu.memory_space<vmem>>) dst(%dma_wait3A_851 : memref<10112x128xf32, #tpu.memory_space<vmem_shared>>)
      %add3A_852 = arith.constant 1 : i32
      %add3A_853 = arith.addi %add3A_844, %add3A_852 : i32
      %dma_start3A_854 = arith.constant 2 : i32
      %dma_start3A_855 = arith.constant 0 : i32
      %dma_start3A_856 = tpu.memref_slice %arg9[%dma_start3A_854, %dma_start3A_855] : memref<8x128xi32, #tpu.memory_space<vmem>> -> memref<1x128xi32, #tpu.memory_space<vmem>>
      %dma_start3A_857 = tpu.memref_squeeze %dma_start3A_856 : memref<1x128xi32, #tpu.memory_space<vmem>> -> memref<128xi32, #tpu.memory_space<vmem>>
      %dma_start3A_858 = arith.constant 0 : i32
      %dma_start3A_859 = arith.constant 0 : i32
      %dma_start3A_860 = tpu.memref_slice %arg2[%dma_start3A_858, %dma_start3A_859] : memref<10112x128xf32, #tpu.memory_space<hbm>> -> memref<10112x128xf32, #tpu.memory_space<hbm>>
      tpu.enqueue_indirect_dma source(%dma_start3A_860 : memref<10112x128xf32, #tpu.memory_space<hbm>>) target(%arg10 : memref<128x128xf32, #tpu.memory_space<vmem>>) offsets(%dma_start3A_857 : memref<128xi32, #tpu.memory_space<vmem>>) semaphore(%arg12 : memref<!tpu.dma_semaphore, #tpu.memory_space<semaphore_mem>>)
      %dma_wait3A_861 = arith.constant 0 : i32
      %dma_wait3A_862 = arith.constant 0 : i32
      %dma_wait3A_863 = tpu.memref_slice %arg8[%dma_wait3A_861, %dma_wait3A_862] : memref<8x128xi32, #tpu.memory_space<vmem>> -> memref<1x128xi32, #tpu.memory_space<vmem>>
      %dma_wait3A_864 = tpu.memref_squeeze %dma_wait3A_863 : memref<1x128xi32, #tpu.memory_space<vmem>> -> memref<128xi32, #tpu.memory_space<vmem>>
      %dma_wait3A_865 = arith.constant 0 : i32
      %dma_wait3A_866 = arith.constant 0 : i32
      %dma_wait3A_867 = tpu.memref_slice %arg2[%dma_wait3A_865, %dma_wait3A_866] : memref<10112x128xf32, #tpu.memory_space<hbm>> -> memref<10112x128xf32, #tpu.memory_space<hbm>>
      tpu.wait_indirect_dma semaphore(%arg13 : memref<!tpu.dma_semaphore, #tpu.memory_space<semaphore_mem>>) src(%dma_wait3A_867 : memref<10112x128xf32, #tpu.memory_space<hbm>>) dst(%arg11 : memref<128x128xf32, #tpu.memory_space<vmem>>)
      %dma_start3A_868 = arith.constant 0 : i32
      %dma_start3A_869 = tpu.memref_slice %arg7[%add3A_844, %dma_start3A_868] : memref<80x128xi32, #tpu.memory_space<vmem>> -> memref<1x128xi32, #tpu.memory_space<vmem>>
      %dma_start3A_870 = tpu.memref_squeeze %dma_start3A_869 : memref<1x128xi32, #tpu.memory_space<vmem>> -> memref<128xi32, #tpu.memory_space<vmem>>
      %dma_start3A_871 = arith.constant 0 : i32
      %dma_start3A_872 = arith.constant 0 : i32
      %dma_start3A_873 = tpu.memref_slice %arg6[%dma_start3A_871, %dma_start3A_872] : memref<10112x128xf32, #tpu.memory_space<vmem_shared>> -> memref<10112x128xf32, #tpu.memory_space<vmem_shared>>
      tpu.enqueue_indirect_dma source(%arg11 : memref<128x128xf32, #tpu.memory_space<vmem>>) target(%dma_start3A_873 : memref<10112x128xf32, #tpu.memory_space<vmem_shared>>) offsets(%dma_start3A_870 : memref<128xi32, #tpu.memory_space<vmem>>) semaphore(%arg15 : memref<!tpu.dma_semaphore, #tpu.memory_space<semaphore_mem>>) {add = true}
      %mul3A_874 = arith.constant 8 : i32
      %mul3A_875 = arith.muli %add3A_807, %mul3A_874 : i32
      %add3A_876 = arith.constant 2 : i32
      %add3A_877 = arith.addi %mul3A_875, %add3A_876 : i32
      %dma_wait3A_878 = arith.constant 0 : i32
      %dma_wait3A_879 = arith.constant 0 : i32
      %dma_wait3A_880 = tpu.memref_slice %arg7[%dma_wait3A_878, %dma_wait3A_879] : memref<80x128xi32, #tpu.memory_space<vmem>> -> memref<1x128xi32, #tpu.memory_space<vmem>>
      %dma_wait3A_881 = tpu.memref_squeeze %dma_wait3A_880 : memref<1x128xi32, #tpu.memory_space<vmem>> -> memref<128xi32, #tpu.memory_space<vmem>>
      %dma_wait3A_882 = arith.constant 0 : i32
      %dma_wait3A_883 = arith.constant 0 : i32
      %dma_wait3A_884 = tpu.memref_slice %arg6[%dma_wait3A_882, %dma_wait3A_883] : memref<10112x128xf32, #tpu.memory_space<vmem_shared>> -> memref<10112x128xf32, #tpu.memory_space<vmem_shared>>
      tpu.wait_indirect_dma semaphore(%arg15 : memref<!tpu.dma_semaphore, #tpu.memory_space<semaphore_mem>>) src(%arg11 : memref<128x128xf32, #tpu.memory_space<vmem>>) dst(%dma_wait3A_884 : memref<10112x128xf32, #tpu.memory_space<vmem_shared>>)
      %add3A_885 = arith.constant 1 : i32
      %add3A_886 = arith.addi %add3A_877, %add3A_885 : i32
      %dma_start3A_887 = arith.constant 3 : i32
      %dma_start3A_888 = arith.constant 0 : i32
      %dma_start3A_889 = tpu.memref_slice %arg9[%dma_start3A_887, %dma_start3A_888] : memref<8x128xi32, #tpu.memory_space<vmem>> -> memref<1x128xi32, #tpu.memory_space<vmem>>
      %dma_start3A_890 = tpu.memref_squeeze %dma_start3A_889 : memref<1x128xi32, #tpu.memory_space<vmem>> -> memref<128xi32, #tpu.memory_space<vmem>>
      %dma_start3A_891 = arith.constant 0 : i32
      %dma_start3A_892 = arith.constant 0 : i32
      %dma_start3A_893 = tpu.memref_slice %arg2[%dma_start3A_891, %dma_start3A_892] : memref<10112x128xf32, #tpu.memory_space<hbm>> -> memref<10112x128xf32, #tpu.memory_space<hbm>>
      tpu.enqueue_indirect_dma source(%dma_start3A_893 : memref<10112x128xf32, #tpu.memory_space<hbm>>) target(%arg11 : memref<128x128xf32, #tpu.memory_space<vmem>>) offsets(%dma_start3A_890 : memref<128xi32, #tpu.memory_space<vmem>>) semaphore(%arg13 : memref<!tpu.dma_semaphore, #tpu.memory_space<semaphore_mem>>)
      %dma_wait3A_894 = arith.constant 0 : i32
      %dma_wait3A_895 = arith.constant 0 : i32
      %dma_wait3A_896 = tpu.memref_slice %arg8[%dma_wait3A_894, %dma_wait3A_895] : memref<8x128xi32, #tpu.memory_space<vmem>> -> memref<1x128xi32, #tpu.memory_space<vmem>>
      %dma_wait3A_897 = tpu.memref_squeeze %dma_wait3A_896 : memref<1x128xi32, #tpu.memory_space<vmem>> -> memref<128xi32, #tpu.memory_space<vmem>>
      %dma_wait3A_898 = arith.constant 0 : i32
      %dma_wait3A_899 = arith.constant 0 : i32
      %dma_wait3A_900 = tpu.memref_slice %arg2[%dma_wait3A_898, %dma_wait3A_899] : memref<10112x128xf32, #tpu.memory_space<hbm>> -> memref<10112x128xf32, #tpu.memory_space<hbm>>
      tpu.wait_indirect_dma semaphore(%arg12 : memref<!tpu.dma_semaphore, #tpu.memory_space<semaphore_mem>>) src(%dma_wait3A_900 : memref<10112x128xf32, #tpu.memory_space<hbm>>) dst(%arg10 : memref<128x128xf32, #tpu.memory_space<vmem>>)
      %dma_start3A_901 = arith.constant 0 : i32
      %dma_start3A_902 = tpu.memref_slice %arg7[%add3A_877, %dma_start3A_901] : memref<80x128xi32, #tpu.memory_space<vmem>> -> memref<1x128xi32, #tpu.memory_space<vmem>>
      %dma_start3A_903 = tpu.memref_squeeze %dma_start3A_902 : memref<1x128xi32, #tpu.memory_space<vmem>> -> memref<128xi32, #tpu.memory_space<vmem>>
      %dma_start3A_904 = arith.constant 0 : i32
      %dma_start3A_905 = arith.constant 0 : i32
      %dma_start3A_906 = tpu.memref_slice %arg6[%dma_start3A_904, %dma_start3A_905] : memref<10112x128xf32, #tpu.memory_space<vmem_shared>> -> memref<10112x128xf32, #tpu.memory_space<vmem_shared>>
      tpu.enqueue_indirect_dma source(%arg10 : memref<128x128xf32, #tpu.memory_space<vmem>>) target(%dma_start3A_906 : memref<10112x128xf32, #tpu.memory_space<vmem_shared>>) offsets(%dma_start3A_903 : memref<128xi32, #tpu.memory_space<vmem>>) semaphore(%arg14 : memref<!tpu.dma_semaphore, #tpu.memory_space<semaphore_mem>>) {add = true}
      %mul3A_907 = arith.constant 8 : i32
      %mul3A_908 = arith.muli %add3A_807, %mul3A_907 : i32
      %add3A_909 = arith.constant 3 : i32
      %add3A_910 = arith.addi %mul3A_908, %add3A_909 : i32
      %dma_wait3A_911 = arith.constant 0 : i32
      %dma_wait3A_912 = arith.constant 0 : i32
      %dma_wait3A_913 = tpu.memref_slice %arg7[%dma_wait3A_911, %dma_wait3A_912] : memref<80x128xi32, #tpu.memory_space<vmem>> -> memref<1x128xi32, #tpu.memory_space<vmem>>
      %dma_wait3A_914 = tpu.memref_squeeze %dma_wait3A_913 : memref<1x128xi32, #tpu.memory_space<vmem>> -> memref<128xi32, #tpu.memory_space<vmem>>
      %dma_wait3A_915 = arith.constant 0 : i32
      %dma_wait3A_916 = arith.constant 0 : i32
      %dma_wait3A_917 = tpu.memref_slice %arg6[%dma_wait3A_915, %dma_wait3A_916] : memref<10112x128xf32, #tpu.memory_space<vmem_shared>> -> memref<10112x128xf32, #tpu.memory_space<vmem_shared>>
      tpu.wait_indirect_dma semaphore(%arg14 : memref<!tpu.dma_semaphore, #tpu.memory_space<semaphore_mem>>) src(%arg10 : memref<128x128xf32, #tpu.memory_space<vmem>>) dst(%dma_wait3A_917 : memref<10112x128xf32, #tpu.memory_space<vmem_shared>>)
      %add3A_918 = arith.constant 1 : i32
      %add3A_919 = arith.addi %add3A_910, %add3A_918 : i32
      %dma_start3A_920 = arith.constant 4 : i32
      %dma_start3A_921 = arith.constant 0 : i32
      %dma_start3A_922 = tpu.memref_slice %arg9[%dma_start3A_920, %dma_start3A_921] : memref<8x128xi32, #tpu.memory_space<vmem>> -> memref<1x128xi32, #tpu.memory_space<vmem>>
      %dma_start3A_923 = tpu.memref_squeeze %dma_start3A_922 : memref<1x128xi32, #tpu.memory_space<vmem>> -> memref<128xi32, #tpu.memory_space<vmem>>
      %dma_start3A_924 = arith.constant 0 : i32
      %dma_start3A_925 = arith.constant 0 : i32
      %dma_start3A_926 = tpu.memref_slice %arg2[%dma_start3A_924, %dma_start3A_925] : memref<10112x128xf32, #tpu.memory_space<hbm>> -> memref<10112x128xf32, #tpu.memory_space<hbm>>
      tpu.enqueue_indirect_dma source(%dma_start3A_926 : memref<10112x128xf32, #tpu.memory_space<hbm>>) target(%arg10 : memref<128x128xf32, #tpu.memory_space<vmem>>) offsets(%dma_start3A_923 : memref<128xi32, #tpu.memory_space<vmem>>) semaphore(%arg12 : memref<!tpu.dma_semaphore, #tpu.memory_space<semaphore_mem>>)
      %dma_wait3A_927 = arith.constant 0 : i32
      %dma_wait3A_928 = arith.constant 0 : i32
      %dma_wait3A_929 = tpu.memref_slice %arg8[%dma_wait3A_927, %dma_wait3A_928] : memref<8x128xi32, #tpu.memory_space<vmem>> -> memref<1x128xi32, #tpu.memory_space<vmem>>
      %dma_wait3A_930 = tpu.memref_squeeze %dma_wait3A_929 : memref<1x128xi32, #tpu.memory_space<vmem>> -> memref<128xi32, #tpu.memory_space<vmem>>
      %dma_wait3A_931 = arith.constant 0 : i32
      %dma_wait3A_932 = arith.constant 0 : i32
      %dma_wait3A_933 = tpu.memref_slice %arg2[%dma_wait3A_931, %dma_wait3A_932] : memref<10112x128xf32, #tpu.memory_space<hbm>> -> memref<10112x128xf32, #tpu.memory_space<hbm>>
      tpu.wait_indirect_dma semaphore(%arg13 : memref<!tpu.dma_semaphore, #tpu.memory_space<semaphore_mem>>) src(%dma_wait3A_933 : memref<10112x128xf32, #tpu.memory_space<hbm>>) dst(%arg11 : memref<128x128xf32, #tpu.memory_space<vmem>>)
      %dma_start3A_934 = arith.constant 0 : i32
      %dma_start3A_935 = tpu.memref_slice %arg7[%add3A_910, %dma_start3A_934] : memref<80x128xi32, #tpu.memory_space<vmem>> -> memref<1x128xi32, #tpu.memory_space<vmem>>
      %dma_start3A_936 = tpu.memref_squeeze %dma_start3A_935 : memref<1x128xi32, #tpu.memory_space<vmem>> -> memref<128xi32, #tpu.memory_space<vmem>>
      %dma_start3A_937 = arith.constant 0 : i32
      %dma_start3A_938 = arith.constant 0 : i32
      %dma_start3A_939 = tpu.memref_slice %arg6[%dma_start3A_937, %dma_start3A_938] : memref<10112x128xf32, #tpu.memory_space<vmem_shared>> -> memref<10112x128xf32, #tpu.memory_space<vmem_shared>>
      tpu.enqueue_indirect_dma source(%arg11 : memref<128x128xf32, #tpu.memory_space<vmem>>) target(%dma_start3A_939 : memref<10112x128xf32, #tpu.memory_space<vmem_shared>>) offsets(%dma_start3A_936 : memref<128xi32, #tpu.memory_space<vmem>>) semaphore(%arg15 : memref<!tpu.dma_semaphore, #tpu.memory_space<semaphore_mem>>) {add = true}
      %mul3A_940 = arith.constant 8 : i32
      %mul3A_941 = arith.muli %add3A_807, %mul3A_940 : i32
      %add3A_942 = arith.constant 4 : i32
      %add3A_943 = arith.addi %mul3A_941, %add3A_942 : i32
      %dma_wait3A_944 = arith.constant 0 : i32
      %dma_wait3A_945 = arith.constant 0 : i32
      %dma_wait3A_946 = tpu.memref_slice %arg7[%dma_wait3A_944, %dma_wait3A_945] : memref<80x128xi32, #tpu.memory_space<vmem>> -> memref<1x128xi32, #tpu.memory_space<vmem>>
      %dma_wait3A_947 = tpu.memref_squeeze %dma_wait3A_946 : memref<1x128xi32, #tpu.memory_space<vmem>> -> memref<128xi32, #tpu.memory_space<vmem>>
      %dma_wait3A_948 = arith.constant 0 : i32
      %dma_wait3A_949 = arith.constant 0 : i32
      %dma_wait3A_950 = tpu.memref_slice %arg6[%dma_wait3A_948, %dma_wait3A_949] : memref<10112x128xf32, #tpu.memory_space<vmem_shared>> -> memref<10112x128xf32, #tpu.memory_space<vmem_shared>>
      tpu.wait_indirect_dma semaphore(%arg15 : memref<!tpu.dma_semaphore, #tpu.memory_space<semaphore_mem>>) src(%arg11 : memref<128x128xf32, #tpu.memory_space<vmem>>) dst(%dma_wait3A_950 : memref<10112x128xf32, #tpu.memory_space<vmem_shared>>)
      %add3A_951 = arith.constant 1 : i32
      %add3A_952 = arith.addi %add3A_943, %add3A_951 : i32
      %dma_start3A_953 = arith.constant 5 : i32
      %dma_start3A_954 = arith.constant 0 : i32
      %dma_start3A_955 = tpu.memref_slice %arg9[%dma_start3A_953, %dma_start3A_954] : memref<8x128xi32, #tpu.memory_space<vmem>> -> memref<1x128xi32, #tpu.memory_space<vmem>>
      %dma_start3A_956 = tpu.memref_squeeze %dma_start3A_955 : memref<1x128xi32, #tpu.memory_space<vmem>> -> memref<128xi32, #tpu.memory_space<vmem>>
      %dma_start3A_957 = arith.constant 0 : i32
      %dma_start3A_958 = arith.constant 0 : i32
      %dma_start3A_959 = tpu.memref_slice %arg2[%dma_start3A_957, %dma_start3A_958] : memref<10112x128xf32, #tpu.memory_space<hbm>> -> memref<10112x128xf32, #tpu.memory_space<hbm>>
      tpu.enqueue_indirect_dma source(%dma_start3A_959 : memref<10112x128xf32, #tpu.memory_space<hbm>>) target(%arg11 : memref<128x128xf32, #tpu.memory_space<vmem>>) offsets(%dma_start3A_956 : memref<128xi32, #tpu.memory_space<vmem>>) semaphore(%arg13 : memref<!tpu.dma_semaphore, #tpu.memory_space<semaphore_mem>>)
      %dma_wait3A_960 = arith.constant 0 : i32
      %dma_wait3A_961 = arith.constant 0 : i32
      %dma_wait3A_962 = tpu.memref_slice %arg8[%dma_wait3A_960, %dma_wait3A_961] : memref<8x128xi32, #tpu.memory_space<vmem>> -> memref<1x128xi32, #tpu.memory_space<vmem>>
      %dma_wait3A_963 = tpu.memref_squeeze %dma_wait3A_962 : memref<1x128xi32, #tpu.memory_space<vmem>> -> memref<128xi32, #tpu.memory_space<vmem>>
      %dma_wait3A_964 = arith.constant 0 : i32
      %dma_wait3A_965 = arith.constant 0 : i32
      %dma_wait3A_966 = tpu.memref_slice %arg2[%dma_wait3A_964, %dma_wait3A_965] : memref<10112x128xf32, #tpu.memory_space<hbm>> -> memref<10112x128xf32, #tpu.memory_space<hbm>>
      tpu.wait_indirect_dma semaphore(%arg12 : memref<!tpu.dma_semaphore, #tpu.memory_space<semaphore_mem>>) src(%dma_wait3A_966 : memref<10112x128xf32, #tpu.memory_space<hbm>>) dst(%arg10 : memref<128x128xf32, #tpu.memory_space<vmem>>)
      %dma_start3A_967 = arith.constant 0 : i32
      %dma_start3A_968 = tpu.memref_slice %arg7[%add3A_943, %dma_start3A_967] : memref<80x128xi32, #tpu.memory_space<vmem>> -> memref<1x128xi32, #tpu.memory_space<vmem>>
      %dma_start3A_969 = tpu.memref_squeeze %dma_start3A_968 : memref<1x128xi32, #tpu.memory_space<vmem>> -> memref<128xi32, #tpu.memory_space<vmem>>
      %dma_start3A_970 = arith.constant 0 : i32
      %dma_start3A_971 = arith.constant 0 : i32
      %dma_start3A_972 = tpu.memref_slice %arg6[%dma_start3A_970, %dma_start3A_971] : memref<10112x128xf32, #tpu.memory_space<vmem_shared>> -> memref<10112x128xf32, #tpu.memory_space<vmem_shared>>
      tpu.enqueue_indirect_dma source(%arg10 : memref<128x128xf32, #tpu.memory_space<vmem>>) target(%dma_start3A_972 : memref<10112x128xf32, #tpu.memory_space<vmem_shared>>) offsets(%dma_start3A_969 : memref<128xi32, #tpu.memory_space<vmem>>) semaphore(%arg14 : memref<!tpu.dma_semaphore, #tpu.memory_space<semaphore_mem>>) {add = true}
      %mul3A_973 = arith.constant 8 : i32
      %mul3A_974 = arith.muli %add3A_807, %mul3A_973 : i32
      %add3A_975 = arith.constant 5 : i32
      %add3A_976 = arith.addi %mul3A_974, %add3A_975 : i32
      %dma_wait3A_977 = arith.constant 0 : i32
      %dma_wait3A_978 = arith.constant 0 : i32
      %dma_wait3A_979 = tpu.memref_slice %arg7[%dma_wait3A_977, %dma_wait3A_978] : memref<80x128xi32, #tpu.memory_space<vmem>> -> memref<1x128xi32, #tpu.memory_space<vmem>>
      %dma_wait3A_980 = tpu.memref_squeeze %dma_wait3A_979 : memref<1x128xi32, #tpu.memory_space<vmem>> -> memref<128xi32, #tpu.memory_space<vmem>>
      %dma_wait3A_981 = arith.constant 0 : i32
      %dma_wait3A_982 = arith.constant 0 : i32
      %dma_wait3A_983 = tpu.memref_slice %arg6[%dma_wait3A_981, %dma_wait3A_982] : memref<10112x128xf32, #tpu.memory_space<vmem_shared>> -> memref<10112x128xf32, #tpu.memory_space<vmem_shared>>
      tpu.wait_indirect_dma semaphore(%arg14 : memref<!tpu.dma_semaphore, #tpu.memory_space<semaphore_mem>>) src(%arg10 : memref<128x128xf32, #tpu.memory_space<vmem>>) dst(%dma_wait3A_983 : memref<10112x128xf32, #tpu.memory_space<vmem_shared>>)
      %add3A_984 = arith.constant 1 : i32
      %add3A_985 = arith.addi %add3A_976, %add3A_984 : i32
      %dma_start3A_986 = arith.constant 6 : i32
      %dma_start3A_987 = arith.constant 0 : i32
      %dma_start3A_988 = tpu.memref_slice %arg9[%dma_start3A_986, %dma_start3A_987] : memref<8x128xi32, #tpu.memory_space<vmem>> -> memref<1x128xi32, #tpu.memory_space<vmem>>
      %dma_start3A_989 = tpu.memref_squeeze %dma_start3A_988 : memref<1x128xi32, #tpu.memory_space<vmem>> -> memref<128xi32, #tpu.memory_space<vmem>>
      %dma_start3A_990 = arith.constant 0 : i32
      %dma_start3A_991 = arith.constant 0 : i32
      %dma_start3A_992 = tpu.memref_slice %arg2[%dma_start3A_990, %dma_start3A_991] : memref<10112x128xf32, #tpu.memory_space<hbm>> -> memref<10112x128xf32, #tpu.memory_space<hbm>>
      tpu.enqueue_indirect_dma source(%dma_start3A_992 : memref<10112x128xf32, #tpu.memory_space<hbm>>) target(%arg10 : memref<128x128xf32, #tpu.memory_space<vmem>>) offsets(%dma_start3A_989 : memref<128xi32, #tpu.memory_space<vmem>>) semaphore(%arg12 : memref<!tpu.dma_semaphore, #tpu.memory_space<semaphore_mem>>)
      %dma_wait3A_993 = arith.constant 0 : i32
      %dma_wait3A_994 = arith.constant 0 : i32
      %dma_wait3A_995 = tpu.memref_slice %arg8[%dma_wait3A_993, %dma_wait3A_994] : memref<8x128xi32, #tpu.memory_space<vmem>> -> memref<1x128xi32, #tpu.memory_space<vmem>>
      %dma_wait3A_996 = tpu.memref_squeeze %dma_wait3A_995 : memref<1x128xi32, #tpu.memory_space<vmem>> -> memref<128xi32, #tpu.memory_space<vmem>>
      %dma_wait3A_997 = arith.constant 0 : i32
      %dma_wait3A_998 = arith.constant 0 : i32
      %dma_wait3A_999 = tpu.memref_slice %arg2[%dma_wait3A_997, %dma_wait3A_998] : memref<10112x128xf32, #tpu.memory_space<hbm>> -> memref<10112x128xf32, #tpu.memory_space<hbm>>
      tpu.wait_indirect_dma semaphore(%arg13 : memref<!tpu.dma_semaphore, #tpu.memory_space<semaphore_mem>>) src(%dma_wait3A_999 : memref<10112x128xf32, #tpu.memory_space<hbm>>) dst(%arg11 : memref<128x128xf32, #tpu.memory_space<vmem>>)
      %dma_start3A_1000 = arith.constant 0 : i32
      %dma_start3A_1001 = tpu.memref_slice %arg7[%add3A_976, %dma_start3A_1000] : memref<80x128xi32, #tpu.memory_space<vmem>> -> memref<1x128xi32, #tpu.memory_space<vmem>>
      %dma_start3A_1002 = tpu.memref_squeeze %dma_start3A_1001 : memref<1x128xi32, #tpu.memory_space<vmem>> -> memref<128xi32, #tpu.memory_space<vmem>>
      %dma_start3A_1003 = arith.constant 0 : i32
      %dma_start3A_1004 = arith.constant 0 : i32
      %dma_start3A_1005 = tpu.memref_slice %arg6[%dma_start3A_1003, %dma_start3A_1004] : memref<10112x128xf32, #tpu.memory_space<vmem_shared>> -> memref<10112x128xf32, #tpu.memory_space<vmem_shared>>
      tpu.enqueue_indirect_dma source(%arg11 : memref<128x128xf32, #tpu.memory_space<vmem>>) target(%dma_start3A_1005 : memref<10112x128xf32, #tpu.memory_space<vmem_shared>>) offsets(%dma_start3A_1002 : memref<128xi32, #tpu.memory_space<vmem>>) semaphore(%arg15 : memref<!tpu.dma_semaphore, #tpu.memory_space<semaphore_mem>>) {add = true}
      %mul3A_1006 = arith.constant 8 : i32
      %mul3A_1007 = arith.muli %add3A_807, %mul3A_1006 : i32
      %add3A_1008 = arith.constant 6 : i32
      %add3A_1009 = arith.addi %mul3A_1007, %add3A_1008 : i32
      %dma_wait3A_1010 = arith.constant 0 : i32
      %dma_wait3A_1011 = arith.constant 0 : i32
      %dma_wait3A_1012 = tpu.memref_slice %arg7[%dma_wait3A_1010, %dma_wait3A_1011] : memref<80x128xi32, #tpu.memory_space<vmem>> -> memref<1x128xi32, #tpu.memory_space<vmem>>
      %dma_wait3A_1013 = tpu.memref_squeeze %dma_wait3A_1012 : memref<1x128xi32, #tpu.memory_space<vmem>> -> memref<128xi32, #tpu.memory_space<vmem>>
      %dma_wait3A_1014 = arith.constant 0 : i32
      %dma_wait3A_1015 = arith.constant 0 : i32
      %dma_wait3A_1016 = tpu.memref_slice %arg6[%dma_wait3A_1014, %dma_wait3A_1015] : memref<10112x128xf32, #tpu.memory_space<vmem_shared>> -> memref<10112x128xf32, #tpu.memory_space<vmem_shared>>
      tpu.wait_indirect_dma semaphore(%arg15 : memref<!tpu.dma_semaphore, #tpu.memory_space<semaphore_mem>>) src(%arg11 : memref<128x128xf32, #tpu.memory_space<vmem>>) dst(%dma_wait3A_1016 : memref<10112x128xf32, #tpu.memory_space<vmem_shared>>)
      %add3A_1017 = arith.constant 1 : i32
      %add3A_1018 = arith.addi %add3A_1009, %add3A_1017 : i32
      %dma_start3A_1019 = arith.constant 7 : i32
      %dma_start3A_1020 = arith.constant 0 : i32
      %dma_start3A_1021 = tpu.memref_slice %arg9[%dma_start3A_1019, %dma_start3A_1020] : memref<8x128xi32, #tpu.memory_space<vmem>> -> memref<1x128xi32, #tpu.memory_space<vmem>>
      %dma_start3A_1022 = tpu.memref_squeeze %dma_start3A_1021 : memref<1x128xi32, #tpu.memory_space<vmem>> -> memref<128xi32, #tpu.memory_space<vmem>>
      %dma_start3A_1023 = arith.constant 0 : i32
      %dma_start3A_1024 = arith.constant 0 : i32
      %dma_start3A_1025 = tpu.memref_slice %arg2[%dma_start3A_1023, %dma_start3A_1024] : memref<10112x128xf32, #tpu.memory_space<hbm>> -> memref<10112x128xf32, #tpu.memory_space<hbm>>
      tpu.enqueue_indirect_dma source(%dma_start3A_1025 : memref<10112x128xf32, #tpu.memory_space<hbm>>) target(%arg11 : memref<128x128xf32, #tpu.memory_space<vmem>>) offsets(%dma_start3A_1022 : memref<128xi32, #tpu.memory_space<vmem>>) semaphore(%arg13 : memref<!tpu.dma_semaphore, #tpu.memory_space<semaphore_mem>>)
      %dma_wait3A_1026 = arith.constant 0 : i32
      %dma_wait3A_1027 = arith.constant 0 : i32
      %dma_wait3A_1028 = tpu.memref_slice %arg8[%dma_wait3A_1026, %dma_wait3A_1027] : memref<8x128xi32, #tpu.memory_space<vmem>> -> memref<1x128xi32, #tpu.memory_space<vmem>>
      %dma_wait3A_1029 = tpu.memref_squeeze %dma_wait3A_1028 : memref<1x128xi32, #tpu.memory_space<vmem>> -> memref<128xi32, #tpu.memory_space<vmem>>
      %dma_wait3A_1030 = arith.constant 0 : i32
      %dma_wait3A_1031 = arith.constant 0 : i32
      %dma_wait3A_1032 = tpu.memref_slice %arg2[%dma_wait3A_1030, %dma_wait3A_1031] : memref<10112x128xf32, #tpu.memory_space<hbm>> -> memref<10112x128xf32, #tpu.memory_space<hbm>>
      tpu.wait_indirect_dma semaphore(%arg12 : memref<!tpu.dma_semaphore, #tpu.memory_space<semaphore_mem>>) src(%dma_wait3A_1032 : memref<10112x128xf32, #tpu.memory_space<hbm>>) dst(%arg10 : memref<128x128xf32, #tpu.memory_space<vmem>>)
      %dma_start3A_1033 = arith.constant 0 : i32
      %dma_start3A_1034 = tpu.memref_slice %arg7[%add3A_1009, %dma_start3A_1033] : memref<80x128xi32, #tpu.memory_space<vmem>> -> memref<1x128xi32, #tpu.memory_space<vmem>>
      %dma_start3A_1035 = tpu.memref_squeeze %dma_start3A_1034 : memref<1x128xi32, #tpu.memory_space<vmem>> -> memref<128xi32, #tpu.memory_space<vmem>>
      %dma_start3A_1036 = arith.constant 0 : i32
      %dma_start3A_1037 = arith.constant 0 : i32
      %dma_start3A_1038 = tpu.memref_slice %arg6[%dma_start3A_1036, %dma_start3A_1037] : memref<10112x128xf32, #tpu.memory_space<vmem_shared>> -> memref<10112x128xf32, #tpu.memory_space<vmem_shared>>
      tpu.enqueue_indirect_dma source(%arg10 : memref<128x128xf32, #tpu.memory_space<vmem>>) target(%dma_start3A_1038 : memref<10112x128xf32, #tpu.memory_space<vmem_shared>>) offsets(%dma_start3A_1035 : memref<128xi32, #tpu.memory_space<vmem>>) semaphore(%arg14 : memref<!tpu.dma_semaphore, #tpu.memory_space<semaphore_mem>>) {add = true}
      %mul3A_1039 = arith.constant 8 : i32
      %mul3A_1040 = arith.muli %add3A_807, %mul3A_1039 : i32
      %add3A_1041 = arith.constant 7 : i32
      %add3A_1042 = arith.addi %mul3A_1040, %add3A_1041 : i32
      %dma_wait3A_1043 = arith.constant 0 : i32
      %dma_wait3A_1044 = arith.constant 0 : i32
      %dma_wait3A_1045 = tpu.memref_slice %arg7[%dma_wait3A_1043, %dma_wait3A_1044] : memref<80x128xi32, #tpu.memory_space<vmem>> -> memref<1x128xi32, #tpu.memory_space<vmem>>
      %dma_wait3A_1046 = tpu.memref_squeeze %dma_wait3A_1045 : memref<1x128xi32, #tpu.memory_space<vmem>> -> memref<128xi32, #tpu.memory_space<vmem>>
      %dma_wait3A_1047 = arith.constant 0 : i32
      %dma_wait3A_1048 = arith.constant 0 : i32
      %dma_wait3A_1049 = tpu.memref_slice %arg6[%dma_wait3A_1047, %dma_wait3A_1048] : memref<10112x128xf32, #tpu.memory_space<vmem_shared>> -> memref<10112x128xf32, #tpu.memory_space<vmem_shared>>
      tpu.wait_indirect_dma semaphore(%arg14 : memref<!tpu.dma_semaphore, #tpu.memory_space<semaphore_mem>>) src(%arg10 : memref<128x128xf32, #tpu.memory_space<vmem>>) dst(%dma_wait3A_1049 : memref<10112x128xf32, #tpu.memory_space<vmem_shared>>)
      %add3A_1050 = arith.constant 1 : i32
      %add3A_1051 = arith.addi %add3A_807, %add3A_1050 : i32
      %lt3A_1052 = arith.constant 10 : i32
      %lt3A_1053 = arith.cmpi slt, %add3A_1051, %lt3A_1052 : i32
      %convert_element_type3A_1054 = arith.extui %lt3A_1053 : i1 to i32
      %cond3A_1055 = arith.constant 0 : i32
      %cond3A_1056 = arith.cmpi ne, %convert_element_type3A_1054, %cond3A_1055 : i32
      scf.if %cond3A_1056 {
        %dma_wait3A_1085 = arith.constant 0 : i32
        %dma_wait3A_1086 = arith.constant 0 : i32
        %dma_wait3A_1087 = tpu.memref_slice %arg3[%add3A, %dma_wait3A_1085, %dma_wait3A_1086] : memref<32x80x128xi32, #tpu.memory_space<hbm>> -> memref<1x8x128xi32, #tpu.memory_space<hbm>>
        %dma_wait3A_1088 = tpu.memref_squeeze %dma_wait3A_1087 : memref<1x8x128xi32, #tpu.memory_space<hbm>> -> memref<8x128xi32, #tpu.memory_space<hbm>>
        %dma_wait3A_1089 = arith.constant 0 : i32
        %dma_wait3A_1090 = arith.constant 0 : i32
        %dma_wait3A_1091 = tpu.memref_slice %arg3[%add3A, %dma_wait3A_1089, %dma_wait3A_1090] : memref<32x80x128xi32, #tpu.memory_space<hbm>> -> memref<1x8x128xi32, #tpu.memory_space<hbm>>
        %dma_wait3A_1092 = tpu.memref_squeeze %dma_wait3A_1091 : memref<1x8x128xi32, #tpu.memory_space<hbm>> -> memref<8x128xi32, #tpu.memory_space<hbm>>
        tpu.wait_dma2 semaphore(%arg16 : memref<!tpu.dma_semaphore, #tpu.memory_space<semaphore_mem>>) src(%dma_wait3A_1092 : memref<8x128xi32, #tpu.memory_space<hbm>>) dst(%arg8 : memref<8x128xi32, #tpu.memory_space<vmem>>)
      } else {
      }
      %add3A_1057 = arith.constant 1 : i32
      %add3A_1058 = arith.addi %add3A_1042, %add3A_1057 : i32
      %lt3A_1059 = arith.constant 80 : i32
      %lt3A_1060 = arith.cmpi slt, %add3A_1058, %lt3A_1059 : i32
      %convert_element_type3A_1061 = arith.extui %lt3A_1060 : i1 to i32
      %cond3A_1062 = arith.constant 0 : i32
      %cond3A_1063 = arith.cmpi ne, %convert_element_type3A_1061, %cond3A_1062 : i32
      scf.if %cond3A_1063 {
        %add3A_1085 = arith.constant 1 : i32
        %add3A_1086 = arith.addi %add3A_1042, %add3A_1085 : i32
        %dma_start3A_1087 = arith.constant 0 : i32
        %dma_start3A_1088 = arith.constant 0 : i32
        %dma_start3A_1089 = tpu.memref_slice %arg8[%dma_start3A_1087, %dma_start3A_1088] : memref<8x128xi32, #tpu.memory_space<vmem>> -> memref<1x128xi32, #tpu.memory_space<vmem>>
        %dma_start3A_1090 = tpu.memref_squeeze %dma_start3A_1089 : memref<1x128xi32, #tpu.memory_space<vmem>> -> memref<128xi32, #tpu.memory_space<vmem>>
        %dma_start3A_1091 = arith.constant 0 : i32
        %dma_start3A_1092 = arith.constant 0 : i32
        %dma_start3A_1093 = tpu.memref_slice %arg2[%dma_start3A_1091, %dma_start3A_1092] : memref<10112x128xf32, #tpu.memory_space<hbm>> -> memref<10112x128xf32, #tpu.memory_space<hbm>>
        tpu.enqueue_indirect_dma source(%dma_start3A_1093 : memref<10112x128xf32, #tpu.memory_space<hbm>>) target(%arg10 : memref<128x128xf32, #tpu.memory_space<vmem>>) offsets(%dma_start3A_1090 : memref<128xi32, #tpu.memory_space<vmem>>) semaphore(%arg12 : memref<!tpu.dma_semaphore, #tpu.memory_space<semaphore_mem>>)
      } else {
      }
      %dma_wait3A_1064 = arith.constant 0 : i32
      %dma_wait3A_1065 = arith.constant 0 : i32
      %dma_wait3A_1066 = tpu.memref_slice %arg8[%dma_wait3A_1064, %dma_wait3A_1065] : memref<8x128xi32, #tpu.memory_space<vmem>> -> memref<1x128xi32, #tpu.memory_space<vmem>>
      %dma_wait3A_1067 = tpu.memref_squeeze %dma_wait3A_1066 : memref<1x128xi32, #tpu.memory_space<vmem>> -> memref<128xi32, #tpu.memory_space<vmem>>
      %dma_wait3A_1068 = arith.constant 0 : i32
      %dma_wait3A_1069 = arith.constant 0 : i32
      %dma_wait3A_1070 = tpu.memref_slice %arg2[%dma_wait3A_1068, %dma_wait3A_1069] : memref<10112x128xf32, #tpu.memory_space<hbm>> -> memref<10112x128xf32, #tpu.memory_space<hbm>>
      tpu.wait_indirect_dma semaphore(%arg13 : memref<!tpu.dma_semaphore, #tpu.memory_space<semaphore_mem>>) src(%dma_wait3A_1070 : memref<10112x128xf32, #tpu.memory_space<hbm>>) dst(%arg11 : memref<128x128xf32, #tpu.memory_space<vmem>>)
      %add3A_1071 = arith.constant 2 : i32
      %add3A_1072 = arith.addi %add3A_807, %add3A_1071 : i32
      %lt3A_1073 = arith.constant 10 : i32
      %lt3A_1074 = arith.cmpi slt, %add3A_1072, %lt3A_1073 : i32
      %convert_element_type3A_1075 = arith.extui %lt3A_1074 : i1 to i32
      %cond3A_1076 = arith.constant 0 : i32
      %cond3A_1077 = arith.cmpi ne, %convert_element_type3A_1075, %cond3A_1076 : i32
      scf.if %cond3A_1077 {
        %add3A_1085 = arith.constant 2 : i32
        %add3A_1086 = arith.addi %add3A_807, %add3A_1085 : i32
        %mul3A_1087 = arith.constant 8 : i32
        %mul3A_1088 = arith.muli %add3A_1086, %mul3A_1087 : i32
        %dma_start3A_1089 = arith.constant 0 : i32
        %dma_start3A_1090 = tpu.memref_slice %arg3[%add3A, %mul3A_1088, %dma_start3A_1089] : memref<32x80x128xi32, #tpu.memory_space<hbm>> -> memref<1x8x128xi32, #tpu.memory_space<hbm>>
        %dma_start3A_1091 = tpu.memref_squeeze %dma_start3A_1090 : memref<1x8x128xi32, #tpu.memory_space<hbm>> -> memref<8x128xi32, #tpu.memory_space<hbm>>
        %dma_start3A_1092 = arith.constant 0 : i32
        %dma_start3A_1093 = tpu.memref_slice %arg3[%add3A, %mul3A_1088, %dma_start3A_1092] : memref<32x80x128xi32, #tpu.memory_space<hbm>> -> memref<1x8x128xi32, #tpu.memory_space<hbm>>
        %dma_start3A_1094 = tpu.memref_squeeze %dma_start3A_1093 : memref<1x8x128xi32, #tpu.memory_space<hbm>> -> memref<8x128xi32, #tpu.memory_space<hbm>>
        tpu.enqueue_dma source(%dma_start3A_1094 : memref<8x128xi32, #tpu.memory_space<hbm>>) target(%arg9 : memref<8x128xi32, #tpu.memory_space<vmem>>) target_semaphore(%arg17 : memref<!tpu.dma_semaphore, #tpu.memory_space<semaphore_mem>>)
      } else {
      }
      %dma_start3A_1078 = arith.constant 0 : i32
      %dma_start3A_1079 = tpu.memref_slice %arg7[%add3A_1042, %dma_start3A_1078] : memref<80x128xi32, #tpu.memory_space<vmem>> -> memref<1x128xi32, #tpu.memory_space<vmem>>
      %dma_start3A_1080 = tpu.memref_squeeze %dma_start3A_1079 : memref<1x128xi32, #tpu.memory_space<vmem>> -> memref<128xi32, #tpu.memory_space<vmem>>
      %dma_start3A_1081 = arith.constant 0 : i32
      %dma_start3A_1082 = arith.constant 0 : i32
      %dma_start3A_1083 = tpu.memref_slice %arg6[%dma_start3A_1081, %dma_start3A_1082] : memref<10112x128xf32, #tpu.memory_space<vmem_shared>> -> memref<10112x128xf32, #tpu.memory_space<vmem_shared>>
      tpu.enqueue_indirect_dma source(%arg11 : memref<128x128xf32, #tpu.memory_space<vmem>>) target(%dma_start3A_1083 : memref<10112x128xf32, #tpu.memory_space<vmem_shared>>) offsets(%dma_start3A_1080 : memref<128xi32, #tpu.memory_space<vmem>>) semaphore(%arg15 : memref<!tpu.dma_semaphore, #tpu.memory_space<semaphore_mem>>) {add = true}
      %scan3A_1084 = arith.constant 0 : i32
      scf.yield %scan3A_1084 : i32
    }
    %scan3A_512 = arith.constant 4 : i32
    %dma_wait3A_513 = arith.constant 0 : i32
    %dma_wait3A_514 = arith.constant 0 : i32
    %dma_wait3A_515 = tpu.memref_slice %arg7[%dma_wait3A_513, %dma_wait3A_514] : memref<80x128xi32, #tpu.memory_space<vmem>> -> memref<1x128xi32, #tpu.memory_space<vmem>>
    %dma_wait3A_516 = tpu.memref_squeeze %dma_wait3A_515 : memref<1x128xi32, #tpu.memory_space<vmem>> -> memref<128xi32, #tpu.memory_space<vmem>>
    %dma_wait3A_517 = arith.constant 0 : i32
    %dma_wait3A_518 = arith.constant 0 : i32
    %dma_wait3A_519 = tpu.memref_slice %arg6[%dma_wait3A_517, %dma_wait3A_518] : memref<10112x128xf32, #tpu.memory_space<vmem_shared>> -> memref<10112x128xf32, #tpu.memory_space<vmem_shared>>
    tpu.wait_indirect_dma semaphore(%arg15 : memref<!tpu.dma_semaphore, #tpu.memory_space<semaphore_mem>>) src(%arg11 : memref<128x128xf32, #tpu.memory_space<vmem>>) dst(%dma_wait3A_519 : memref<10112x128xf32, #tpu.memory_space<vmem_shared>>)
    %barrier3A_520 = arith.constant 0 : index
    tpu.barrier barrier_id(%barrier3A_520)
    %mul3A_521 = arith.constant 632 : i32
    %mul3A_522 = arith.muli %arg1, %mul3A_521 : i32
    %mul3A_523 = arith.constant 632 : i32
    %mul3A_524 = arith.muli %arg1, %mul3A_523 : i32
    "tpu.region"() ({
      %run_scoped3A = tpu.sem_alloc : memref<!tpu.dma_semaphore, #tpu.memory_space<semaphore_mem>>
      %dma_start3A_525 = arith.constant 0 : i32
      %dma_start3A_526 = tpu.memref_slice %arg5[%arg0, %mul3A_524, %dma_start3A_525] : memref<2x10112x128xf32, #tpu.memory_space<hbm>> -> memref<1x632x128xf32, #tpu.memory_space<hbm>>
      %dma_start3A_527 = tpu.memref_squeeze %dma_start3A_526 : memref<1x632x128xf32, #tpu.memory_space<hbm>> -> memref<632x128xf32, #tpu.memory_space<hbm>>
      %dma_start3A_528 = arith.constant 0 : i32
      %dma_start3A_529 = tpu.memref_slice %arg6[%mul3A_522, %dma_start3A_528] : memref<10112x128xf32, #tpu.memory_space<vmem_shared>> -> memref<632x128xf32, #tpu.memory_space<vmem_shared>>
      tpu.enqueue_dma source(%dma_start3A_529 : memref<632x128xf32, #tpu.memory_space<vmem_shared>>) target(%dma_start3A_527 : memref<632x128xf32, #tpu.memory_space<hbm>>) target_semaphore(%run_scoped3A : memref<!tpu.dma_semaphore, #tpu.memory_space<semaphore_mem>>)
      %dma_wait3A_530 = arith.constant 0 : i32
      %dma_wait3A_531 = tpu.memref_slice %arg5[%arg0, %mul3A_524, %dma_wait3A_530] : memref<2x10112x128xf32, #tpu.memory_space<hbm>> -> memref<1x632x128xf32, #tpu.memory_space<hbm>>
      %dma_wait3A_532 = tpu.memref_squeeze %dma_wait3A_531 : memref<1x632x128xf32, #tpu.memory_space<hbm>> -> memref<632x128xf32, #tpu.memory_space<hbm>>
      %dma_wait3A_533 = arith.constant 0 : i32
      %dma_wait3A_534 = tpu.memref_slice %arg6[%mul3A_522, %dma_wait3A_533] : memref<10112x128xf32, #tpu.memory_space<vmem_shared>> -> memref<632x128xf32, #tpu.memory_space<vmem_shared>>
      tpu.wait_dma2 semaphore(%run_scoped3A : memref<!tpu.dma_semaphore, #tpu.memory_space<semaphore_mem>>) src(%dma_wait3A_534 : memref<632x128xf32, #tpu.memory_space<vmem_shared>>) dst(%dma_wait3A_532 : memref<632x128xf32, #tpu.memory_space<hbm>>)
      tpu.yield
    }) : () -> ()
    return
  }
}

#map = affine_map<(d0, d1) -> (0, 0, 0)>
#map1 = affine_map<(d0, d1) -> (0, 0)>
module attributes {stable_mosaic.version = 14 : i64} {
  func.func @deg_kernel(%arg0: i32, %arg1: i32, %arg2: memref<32x80x128xi32, #tpu.memory_space<hbm>>, %arg3: memref<10112x128xf32, #tpu.memory_space<hbm>>, %arg4: memref<128x128xf32, #tpu.memory_space<hbm>>, %arg5: memref<2x10112x128xf32, #tpu.memory_space<hbm>>, %arg6: memref<10112x128xf32, #tpu.memory_space<vmem_shared>>, %arg7: memref<80x128xi32, #tpu.memory_space<vmem>>, %arg8: memref<128x128xf32, #tpu.memory_space<vmem>>, %arg9: memref<!tpu.dma_semaphore, #tpu.memory_space<semaphore_mem>>) attributes {dimension_semantics = [#tpu.dimension_semantics<core_parallel>, #tpu.dimension_semantics<subcore_parallel>], iteration_bounds = array<i64: 2, 16>, scalar_prefetch = 0 : i64, scratch_operands = 4 : i64, tpu.core_type = #tpu.core_type<sc_vector_subcore>, window_params = [{transform_indices = #map}, {transform_indices = #map1}, {transform_indices = #map1}, {transform_indices = #map}]} {
    %mul3A = arith.constant 16 : i32
    %mul3A_0 = arith.muli %arg0, %mul3A : i32
    %add3A = arith.addi %mul3A_0, %arg1 : i32
    "tpu.region"() ({
      %run_scoped3A = tpu.sem_alloc : memref<!tpu.dma_semaphore, #tpu.memory_space<semaphore_mem>>
      tpu.enqueue_dma source(%arg4 : memref<128x128xf32, #tpu.memory_space<hbm>>) target(%arg8 : memref<128x128xf32, #tpu.memory_space<vmem>>) target_semaphore(%run_scoped3A : memref<!tpu.dma_semaphore, #tpu.memory_space<semaphore_mem>>)
      tpu.wait_dma2 semaphore(%run_scoped3A : memref<!tpu.dma_semaphore, #tpu.memory_space<semaphore_mem>>) src(%arg4 : memref<128x128xf32, #tpu.memory_space<hbm>>) dst(%arg8 : memref<128x128xf32, #tpu.memory_space<vmem>>)
      tpu.yield
    }) : () -> ()
    %mul3A_1 = arith.constant 632 : i32
    %mul3A_2 = arith.muli %arg1, %mul3A_1 : i32
    %mul3A_3 = arith.constant 632 : i32
    %mul3A_4 = arith.muli %arg1, %mul3A_3 : i32
    "tpu.region"() ({
      %run_scoped3A = tpu.sem_alloc : memref<!tpu.dma_semaphore, #tpu.memory_space<semaphore_mem>>
      %dma_start3A_70 = arith.constant 0 : i32
      %dma_start3A_71 = tpu.memref_slice %arg6[%mul3A_4, %dma_start3A_70] : memref<10112x128xf32, #tpu.memory_space<vmem_shared>> -> memref<632x128xf32, #tpu.memory_space<vmem_shared>>
      %dma_start3A_72 = arith.constant 0 : i32
      %dma_start3A_73 = tpu.memref_slice %arg3[%mul3A_2, %dma_start3A_72] : memref<10112x128xf32, #tpu.memory_space<hbm>> -> memref<632x128xf32, #tpu.memory_space<hbm>>
      tpu.enqueue_dma source(%dma_start3A_73 : memref<632x128xf32, #tpu.memory_space<hbm>>) target(%dma_start3A_71 : memref<632x128xf32, #tpu.memory_space<vmem_shared>>) target_semaphore(%run_scoped3A : memref<!tpu.dma_semaphore, #tpu.memory_space<semaphore_mem>>)
      %dma_wait3A_74 = arith.constant 0 : i32
      %dma_wait3A_75 = tpu.memref_slice %arg6[%mul3A_4, %dma_wait3A_74] : memref<10112x128xf32, #tpu.memory_space<vmem_shared>> -> memref<632x128xf32, #tpu.memory_space<vmem_shared>>
      %dma_wait3A_76 = arith.constant 0 : i32
      %dma_wait3A_77 = tpu.memref_slice %arg3[%mul3A_2, %dma_wait3A_76] : memref<10112x128xf32, #tpu.memory_space<hbm>> -> memref<632x128xf32, #tpu.memory_space<hbm>>
      tpu.wait_dma2 semaphore(%run_scoped3A : memref<!tpu.dma_semaphore, #tpu.memory_space<semaphore_mem>>) src(%dma_wait3A_77 : memref<632x128xf32, #tpu.memory_space<hbm>>) dst(%dma_wait3A_75 : memref<632x128xf32, #tpu.memory_space<vmem_shared>>)
      tpu.yield
    }) : () -> ()
    "tpu.region"() ({
      %run_scoped3A = tpu.sem_alloc : memref<!tpu.dma_semaphore, #tpu.memory_space<semaphore_mem>>
      %dma_start3A_70 = arith.constant 0 : i32
      %dma_start3A_71 = arith.constant 0 : i32
      %dma_start3A_72 = tpu.memref_slice %arg2[%add3A, %dma_start3A_70, %dma_start3A_71] : memref<32x80x128xi32, #tpu.memory_space<hbm>> -> memref<1x80x128xi32, #tpu.memory_space<hbm>>
      %dma_start3A_73 = tpu.memref_squeeze %dma_start3A_72 : memref<1x80x128xi32, #tpu.memory_space<hbm>> -> memref<80x128xi32, #tpu.memory_space<hbm>>
      %dma_start3A_74 = arith.constant 0 : i32
      %dma_start3A_75 = arith.constant 0 : i32
      %dma_start3A_76 = tpu.memref_slice %arg2[%add3A, %dma_start3A_74, %dma_start3A_75] : memref<32x80x128xi32, #tpu.memory_space<hbm>> -> memref<1x80x128xi32, #tpu.memory_space<hbm>>
      %dma_start3A_77 = tpu.memref_squeeze %dma_start3A_76 : memref<1x80x128xi32, #tpu.memory_space<hbm>> -> memref<80x128xi32, #tpu.memory_space<hbm>>
      tpu.enqueue_dma source(%dma_start3A_77 : memref<80x128xi32, #tpu.memory_space<hbm>>) target(%arg7 : memref<80x128xi32, #tpu.memory_space<vmem>>) target_semaphore(%run_scoped3A : memref<!tpu.dma_semaphore, #tpu.memory_space<semaphore_mem>>)
      %dma_wait3A_78 = arith.constant 0 : i32
      %dma_wait3A_79 = arith.constant 0 : i32
      %dma_wait3A_80 = tpu.memref_slice %arg2[%add3A, %dma_wait3A_78, %dma_wait3A_79] : memref<32x80x128xi32, #tpu.memory_space<hbm>> -> memref<1x80x128xi32, #tpu.memory_space<hbm>>
      %dma_wait3A_81 = tpu.memref_squeeze %dma_wait3A_80 : memref<1x80x128xi32, #tpu.memory_space<hbm>> -> memref<80x128xi32, #tpu.memory_space<hbm>>
      %dma_wait3A_82 = arith.constant 0 : i32
      %dma_wait3A_83 = arith.constant 0 : i32
      %dma_wait3A_84 = tpu.memref_slice %arg2[%add3A, %dma_wait3A_82, %dma_wait3A_83] : memref<32x80x128xi32, #tpu.memory_space<hbm>> -> memref<1x80x128xi32, #tpu.memory_space<hbm>>
      %dma_wait3A_85 = tpu.memref_squeeze %dma_wait3A_84 : memref<1x80x128xi32, #tpu.memory_space<hbm>> -> memref<80x128xi32, #tpu.memory_space<hbm>>
      tpu.wait_dma2 semaphore(%run_scoped3A : memref<!tpu.dma_semaphore, #tpu.memory_space<semaphore_mem>>) src(%dma_wait3A_85 : memref<80x128xi32, #tpu.memory_space<hbm>>) dst(%arg7 : memref<80x128xi32, #tpu.memory_space<vmem>>)
      tpu.yield
    }) : () -> ()
    %barrier3A = arith.constant 0 : index
    tpu.barrier barrier_id(%barrier3A)
    %dma_start3A = arith.constant 0 : i32
    %dma_start3A_5 = arith.constant 0 : i32
    %dma_start3A_6 = tpu.memref_slice %arg7[%dma_start3A, %dma_start3A_5] : memref<80x128xi32, #tpu.memory_space<vmem>> -> memref<1x128xi32, #tpu.memory_space<vmem>>
    %dma_start3A_7 = tpu.memref_squeeze %dma_start3A_6 : memref<1x128xi32, #tpu.memory_space<vmem>> -> memref<128xi32, #tpu.memory_space<vmem>>
    %dma_start3A_8 = arith.constant 0 : i32
    %dma_start3A_9 = arith.constant 0 : i32
    %dma_start3A_10 = tpu.memref_slice %arg6[%dma_start3A_8, %dma_start3A_9] : memref<10112x128xf32, #tpu.memory_space<vmem_shared>> -> memref<10112x128xf32, #tpu.memory_space<vmem_shared>>
    tpu.enqueue_indirect_dma source(%arg8 : memref<128x128xf32, #tpu.memory_space<vmem>>) target(%dma_start3A_10 : memref<10112x128xf32, #tpu.memory_space<vmem_shared>>) offsets(%dma_start3A_7 : memref<128xi32, #tpu.memory_space<vmem>>) semaphore(%arg9 : memref<!tpu.dma_semaphore, #tpu.memory_space<semaphore_mem>>) {add = true}
    %dma_start3A_11 = arith.constant 1 : i32
    %dma_start3A_12 = arith.constant 0 : i32
    %dma_start3A_13 = tpu.memref_slice %arg7[%dma_start3A_11, %dma_start3A_12] : memref<80x128xi32, #tpu.memory_space<vmem>> -> memref<1x128xi32, #tpu.memory_space<vmem>>
    %dma_start3A_14 = tpu.memref_squeeze %dma_start3A_13 : memref<1x128xi32, #tpu.memory_space<vmem>> -> memref<128xi32, #tpu.memory_space<vmem>>
    %dma_start3A_15 = arith.constant 0 : i32
    %dma_start3A_16 = arith.constant 0 : i32
    %dma_start3A_17 = tpu.memref_slice %arg6[%dma_start3A_15, %dma_start3A_16] : memref<10112x128xf32, #tpu.memory_space<vmem_shared>> -> memref<10112x128xf32, #tpu.memory_space<vmem_shared>>
    tpu.enqueue_indirect_dma source(%arg8 : memref<128x128xf32, #tpu.memory_space<vmem>>) target(%dma_start3A_17 : memref<10112x128xf32, #tpu.memory_space<vmem_shared>>) offsets(%dma_start3A_14 : memref<128xi32, #tpu.memory_space<vmem>>) semaphore(%arg9 : memref<!tpu.dma_semaphore, #tpu.memory_space<semaphore_mem>>) {add = true}
    %dma_start3A_18 = arith.constant 2 : i32
    %dma_start3A_19 = arith.constant 0 : i32
    %dma_start3A_20 = tpu.memref_slice %arg7[%dma_start3A_18, %dma_start3A_19] : memref<80x128xi32, #tpu.memory_space<vmem>> -> memref<1x128xi32, #tpu.memory_space<vmem>>
    %dma_start3A_21 = tpu.memref_squeeze %dma_start3A_20 : memref<1x128xi32, #tpu.memory_space<vmem>> -> memref<128xi32, #tpu.memory_space<vmem>>
    %dma_start3A_22 = arith.constant 0 : i32
    %dma_start3A_23 = arith.constant 0 : i32
    %dma_start3A_24 = tpu.memref_slice %arg6[%dma_start3A_22, %dma_start3A_23] : memref<10112x128xf32, #tpu.memory_space<vmem_shared>> -> memref<10112x128xf32, #tpu.memory_space<vmem_shared>>
    tpu.enqueue_indirect_dma source(%arg8 : memref<128x128xf32, #tpu.memory_space<vmem>>) target(%dma_start3A_24 : memref<10112x128xf32, #tpu.memory_space<vmem_shared>>) offsets(%dma_start3A_21 : memref<128xi32, #tpu.memory_space<vmem>>) semaphore(%arg9 : memref<!tpu.dma_semaphore, #tpu.memory_space<semaphore_mem>>) {add = true}
    %dma_start3A_25 = arith.constant 3 : i32
    %dma_start3A_26 = arith.constant 0 : i32
    %dma_start3A_27 = tpu.memref_slice %arg7[%dma_start3A_25, %dma_start3A_26] : memref<80x128xi32, #tpu.memory_space<vmem>> -> memref<1x128xi32, #tpu.memory_space<vmem>>
    %dma_start3A_28 = tpu.memref_squeeze %dma_start3A_27 : memref<1x128xi32, #tpu.memory_space<vmem>> -> memref<128xi32, #tpu.memory_space<vmem>>
    %dma_start3A_29 = arith.constant 0 : i32
    %dma_start3A_30 = arith.constant 0 : i32
    %dma_start3A_31 = tpu.memref_slice %arg6[%dma_start3A_29, %dma_start3A_30] : memref<10112x128xf32, #tpu.memory_space<vmem_shared>> -> memref<10112x128xf32, #tpu.memory_space<vmem_shared>>
    tpu.enqueue_indirect_dma source(%arg8 : memref<128x128xf32, #tpu.memory_space<vmem>>) target(%dma_start3A_31 : memref<10112x128xf32, #tpu.memory_space<vmem_shared>>) offsets(%dma_start3A_28 : memref<128xi32, #tpu.memory_space<vmem>>) semaphore(%arg9 : memref<!tpu.dma_semaphore, #tpu.memory_space<semaphore_mem>>) {add = true}
    %scan3A = arith.constant 0 : i32
    %scan3A_32 = arith.constant 0 : i32
    %scan3A_33 = arith.constant 76 : i32
    %scan3A_34 = arith.addi %scan3A_32, %scan3A_33 : i32
    %scan3A_35 = arith.constant 1 : i32
    %scan3A_36 = scf.for %scan3A_70 = %scan3A_32 to %scan3A_34 step %scan3A_35 iter_args(%scan3A_71 = %scan3A) -> (i32)  : i32 {
      %dma_wait3A_72 = arith.constant 0 : i32
      %dma_wait3A_73 = arith.constant 0 : i32
      %dma_wait3A_74 = tpu.memref_slice %arg7[%dma_wait3A_72, %dma_wait3A_73] : memref<80x128xi32, #tpu.memory_space<vmem>> -> memref<1x128xi32, #tpu.memory_space<vmem>>
      %dma_wait3A_75 = tpu.memref_squeeze %dma_wait3A_74 : memref<1x128xi32, #tpu.memory_space<vmem>> -> memref<128xi32, #tpu.memory_space<vmem>>
      %dma_wait3A_76 = arith.constant 0 : i32
      %dma_wait3A_77 = arith.constant 0 : i32
      %dma_wait3A_78 = tpu.memref_slice %arg6[%dma_wait3A_76, %dma_wait3A_77] : memref<10112x128xf32, #tpu.memory_space<vmem_shared>> -> memref<10112x128xf32, #tpu.memory_space<vmem_shared>>
      tpu.wait_indirect_dma semaphore(%arg9 : memref<!tpu.dma_semaphore, #tpu.memory_space<semaphore_mem>>) src(%arg8 : memref<128x128xf32, #tpu.memory_space<vmem>>) dst(%dma_wait3A_78 : memref<10112x128xf32, #tpu.memory_space<vmem_shared>>)
      %add3A_79 = arith.constant 4 : i32
      %add3A_80 = arith.addi %scan3A_70, %add3A_79 : i32
      %dma_start3A_81 = arith.constant 0 : i32
      %dma_start3A_82 = tpu.memref_slice %arg7[%add3A_80, %dma_start3A_81] : memref<80x128xi32, #tpu.memory_space<vmem>> -> memref<1x128xi32, #tpu.memory_space<vmem>>
      %dma_start3A_83 = tpu.memref_squeeze %dma_start3A_82 : memref<1x128xi32, #tpu.memory_space<vmem>> -> memref<128xi32, #tpu.memory_space<vmem>>
      %dma_start3A_84 = arith.constant 0 : i32
      %dma_start3A_85 = arith.constant 0 : i32
      %dma_start3A_86 = tpu.memref_slice %arg6[%dma_start3A_84, %dma_start3A_85] : memref<10112x128xf32, #tpu.memory_space<vmem_shared>> -> memref<10112x128xf32, #tpu.memory_space<vmem_shared>>
      tpu.enqueue_indirect_dma source(%arg8 : memref<128x128xf32, #tpu.memory_space<vmem>>) target(%dma_start3A_86 : memref<10112x128xf32, #tpu.memory_space<vmem_shared>>) offsets(%dma_start3A_83 : memref<128xi32, #tpu.memory_space<vmem>>) semaphore(%arg9 : memref<!tpu.dma_semaphore, #tpu.memory_space<semaphore_mem>>) {add = true}
      %scan3A_87 = arith.constant 0 : i32
      scf.yield %scan3A_87 : i32
    }
    %scan3A_37 = arith.constant 76 : i32
    %dma_wait3A = arith.constant 0 : i32
    %dma_wait3A_38 = arith.constant 0 : i32
    %dma_wait3A_39 = tpu.memref_slice %arg7[%dma_wait3A, %dma_wait3A_38] : memref<80x128xi32, #tpu.memory_space<vmem>> -> memref<1x128xi32, #tpu.memory_space<vmem>>
    %dma_wait3A_40 = tpu.memref_squeeze %dma_wait3A_39 : memref<1x128xi32, #tpu.memory_space<vmem>> -> memref<128xi32, #tpu.memory_space<vmem>>
    %dma_wait3A_41 = arith.constant 0 : i32
    %dma_wait3A_42 = arith.constant 0 : i32
    %dma_wait3A_43 = tpu.memref_slice %arg6[%dma_wait3A_41, %dma_wait3A_42] : memref<10112x128xf32, #tpu.memory_space<vmem_shared>> -> memref<10112x128xf32, #tpu.memory_space<vmem_shared>>
    tpu.wait_indirect_dma semaphore(%arg9 : memref<!tpu.dma_semaphore, #tpu.memory_space<semaphore_mem>>) src(%arg8 : memref<128x128xf32, #tpu.memory_space<vmem>>) dst(%dma_wait3A_43 : memref<10112x128xf32, #tpu.memory_space<vmem_shared>>)
    %dma_wait3A_44 = arith.constant 0 : i32
    %dma_wait3A_45 = arith.constant 0 : i32
    %dma_wait3A_46 = tpu.memref_slice %arg7[%dma_wait3A_44, %dma_wait3A_45] : memref<80x128xi32, #tpu.memory_space<vmem>> -> memref<1x128xi32, #tpu.memory_space<vmem>>
    %dma_wait3A_47 = tpu.memref_squeeze %dma_wait3A_46 : memref<1x128xi32, #tpu.memory_space<vmem>> -> memref<128xi32, #tpu.memory_space<vmem>>
    %dma_wait3A_48 = arith.constant 0 : i32
    %dma_wait3A_49 = arith.constant 0 : i32
    %dma_wait3A_50 = tpu.memref_slice %arg6[%dma_wait3A_48, %dma_wait3A_49] : memref<10112x128xf32, #tpu.memory_space<vmem_shared>> -> memref<10112x128xf32, #tpu.memory_space<vmem_shared>>
    tpu.wait_indirect_dma semaphore(%arg9 : memref<!tpu.dma_semaphore, #tpu.memory_space<semaphore_mem>>) src(%arg8 : memref<128x128xf32, #tpu.memory_space<vmem>>) dst(%dma_wait3A_50 : memref<10112x128xf32, #tpu.memory_space<vmem_shared>>)
    %dma_wait3A_51 = arith.constant 0 : i32
    %dma_wait3A_52 = arith.constant 0 : i32
    %dma_wait3A_53 = tpu.memref_slice %arg7[%dma_wait3A_51, %dma_wait3A_52] : memref<80x128xi32, #tpu.memory_space<vmem>> -> memref<1x128xi32, #tpu.memory_space<vmem>>
    %dma_wait3A_54 = tpu.memref_squeeze %dma_wait3A_53 : memref<1x128xi32, #tpu.memory_space<vmem>> -> memref<128xi32, #tpu.memory_space<vmem>>
    %dma_wait3A_55 = arith.constant 0 : i32
    %dma_wait3A_56 = arith.constant 0 : i32
    %dma_wait3A_57 = tpu.memref_slice %arg6[%dma_wait3A_55, %dma_wait3A_56] : memref<10112x128xf32, #tpu.memory_space<vmem_shared>> -> memref<10112x128xf32, #tpu.memory_space<vmem_shared>>
    tpu.wait_indirect_dma semaphore(%arg9 : memref<!tpu.dma_semaphore, #tpu.memory_space<semaphore_mem>>) src(%arg8 : memref<128x128xf32, #tpu.memory_space<vmem>>) dst(%dma_wait3A_57 : memref<10112x128xf32, #tpu.memory_space<vmem_shared>>)
    %dma_wait3A_58 = arith.constant 0 : i32
    %dma_wait3A_59 = arith.constant 0 : i32
    %dma_wait3A_60 = tpu.memref_slice %arg7[%dma_wait3A_58, %dma_wait3A_59] : memref<80x128xi32, #tpu.memory_space<vmem>> -> memref<1x128xi32, #tpu.memory_space<vmem>>
    %dma_wait3A_61 = tpu.memref_squeeze %dma_wait3A_60 : memref<1x128xi32, #tpu.memory_space<vmem>> -> memref<128xi32, #tpu.memory_space<vmem>>
    %dma_wait3A_62 = arith.constant 0 : i32
    %dma_wait3A_63 = arith.constant 0 : i32
    %dma_wait3A_64 = tpu.memref_slice %arg6[%dma_wait3A_62, %dma_wait3A_63] : memref<10112x128xf32, #tpu.memory_space<vmem_shared>> -> memref<10112x128xf32, #tpu.memory_space<vmem_shared>>
    tpu.wait_indirect_dma semaphore(%arg9 : memref<!tpu.dma_semaphore, #tpu.memory_space<semaphore_mem>>) src(%arg8 : memref<128x128xf32, #tpu.memory_space<vmem>>) dst(%dma_wait3A_64 : memref<10112x128xf32, #tpu.memory_space<vmem_shared>>)
    %barrier3A_65 = arith.constant 0 : index
    tpu.barrier barrier_id(%barrier3A_65)
    %mul3A_66 = arith.constant 632 : i32
    %mul3A_67 = arith.muli %arg1, %mul3A_66 : i32
    %mul3A_68 = arith.constant 632 : i32
    %mul3A_69 = arith.muli %arg1, %mul3A_68 : i32
    "tpu.region"() ({
      %run_scoped3A = tpu.sem_alloc : memref<!tpu.dma_semaphore, #tpu.memory_space<semaphore_mem>>
      %dma_start3A_70 = arith.constant 0 : i32
      %dma_start3A_71 = tpu.memref_slice %arg5[%arg0, %mul3A_69, %dma_start3A_70] : memref<2x10112x128xf32, #tpu.memory_space<hbm>> -> memref<1x632x128xf32, #tpu.memory_space<hbm>>
      %dma_start3A_72 = tpu.memref_squeeze %dma_start3A_71 : memref<1x632x128xf32, #tpu.memory_space<hbm>> -> memref<632x128xf32, #tpu.memory_space<hbm>>
      %dma_start3A_73 = arith.constant 0 : i32
      %dma_start3A_74 = tpu.memref_slice %arg6[%mul3A_67, %dma_start3A_73] : memref<10112x128xf32, #tpu.memory_space<vmem_shared>> -> memref<632x128xf32, #tpu.memory_space<vmem_shared>>
      tpu.enqueue_dma source(%dma_start3A_74 : memref<632x128xf32, #tpu.memory_space<vmem_shared>>) target(%dma_start3A_72 : memref<632x128xf32, #tpu.memory_space<hbm>>) target_semaphore(%run_scoped3A : memref<!tpu.dma_semaphore, #tpu.memory_space<semaphore_mem>>)
      %dma_wait3A_75 = arith.constant 0 : i32
      %dma_wait3A_76 = tpu.memref_slice %arg5[%arg0, %mul3A_69, %dma_wait3A_75] : memref<2x10112x128xf32, #tpu.memory_space<hbm>> -> memref<1x632x128xf32, #tpu.memory_space<hbm>>
      %dma_wait3A_77 = tpu.memref_squeeze %dma_wait3A_76 : memref<1x632x128xf32, #tpu.memory_space<hbm>> -> memref<632x128xf32, #tpu.memory_space<hbm>>
      %dma_wait3A_78 = arith.constant 0 : i32
      %dma_wait3A_79 = tpu.memref_slice %arg6[%mul3A_67, %dma_wait3A_78] : memref<10112x128xf32, #tpu.memory_space<vmem_shared>> -> memref<632x128xf32, #tpu.memory_space<vmem_shared>>
      tpu.wait_dma2 semaphore(%run_scoped3A : memref<!tpu.dma_semaphore, #tpu.memory_space<semaphore_mem>>) src(%dma_wait3A_79 : memref<632x128xf32, #tpu.memory_space<vmem_shared>>) dst(%dma_wait3A_77 : memref<632x128xf32, #tpu.memory_space<hbm>>)
      tpu.yield
    }) : () -> ()
    return
  }
}

#map = affine_map<(d0, d1) -> (0, 0)>
#map1 = affine_map<(d0, d1) -> (0, 0, 0)>
module attributes {stable_mosaic.version = 14 : i64} {
  func.func @layer_kernel(%arg0: i32, %arg1: i32, %arg2: memref<10112x128xf32, #tpu.memory_space<hbm>>, %arg3: memref<32x80x128xi32, #tpu.memory_space<hbm>>, %arg4: memref<32x80x128xi32, #tpu.memory_space<hbm>>, %arg5: memref<2x10112x128xf32, #tpu.memory_space<hbm>>, %arg6: memref<10112x128xf32, #tpu.memory_space<vmem_shared>>, %arg7: memref<80x128xi32, #tpu.memory_space<vmem>>, %arg8: memref<8x128xi32, #tpu.memory_space<vmem>>, %arg9: memref<8x128xi32, #tpu.memory_space<vmem>>, %arg10: memref<128x128xf32, #tpu.memory_space<vmem>>, %arg11: memref<128x128xf32, #tpu.memory_space<vmem>>, %arg12: memref<!tpu.dma_semaphore, #tpu.memory_space<semaphore_mem>>, %arg13: memref<!tpu.dma_semaphore, #tpu.memory_space<semaphore_mem>>, %arg14: memref<!tpu.dma_semaphore, #tpu.memory_space<semaphore_mem>>, %arg15: memref<!tpu.dma_semaphore, #tpu.memory_space<semaphore_mem>>, %arg16: memref<!tpu.dma_semaphore, #tpu.memory_space<semaphore_mem>>, %arg17: memref<!tpu.dma_semaphore, #tpu.memory_space<semaphore_mem>>) attributes {dimension_semantics = [#tpu.dimension_semantics<core_parallel>, #tpu.dimension_semantics<subcore_parallel>], iteration_bounds = array<i64: 2, 16>, scalar_prefetch = 0 : i64, scratch_operands = 12 : i64, tpu.core_type = #tpu.core_type<sc_vector_subcore>, window_params = [{transform_indices = #map}, {transform_indices = #map1}, {transform_indices = #map1}, {transform_indices = #map1}]} {
    %mul3A = arith.constant 16 : i32
    %mul3A_0 = arith.muli %arg0, %mul3A : i32
    %add3A = arith.addi %mul3A_0, %arg1 : i32
    %mul3A_1 = arith.constant 632 : i32
    %mul3A_2 = arith.muli %arg1, %mul3A_1 : i32
    %mul3A_3 = arith.constant 632 : i32
    %mul3A_4 = arith.muli %arg1, %mul3A_3 : i32
    "tpu.region"() ({
      %run_scoped3A = tpu.sem_alloc : memref<!tpu.dma_semaphore, #tpu.memory_space<semaphore_mem>>
      %dma_start3A_525 = arith.constant 0 : i32
      %dma_start3A_526 = tpu.memref_slice %arg6[%mul3A_4, %dma_start3A_525] : memref<10112x128xf32, #tpu.memory_space<vmem_shared>> -> memref<632x128xf32, #tpu.memory_space<vmem_shared>>
      %dma_start3A_527 = arith.constant 0 : i32
      %dma_start3A_528 = tpu.memref_slice %arg2[%mul3A_2, %dma_start3A_527] : memref<10112x128xf32, #tpu.memory_space<hbm>> -> memref<632x128xf32, #tpu.memory_space<hbm>>
      tpu.enqueue_dma source(%dma_start3A_528 : memref<632x128xf32, #tpu.memory_space<hbm>>) target(%dma_start3A_526 : memref<632x128xf32, #tpu.memory_space<vmem_shared>>) target_semaphore(%run_scoped3A : memref<!tpu.dma_semaphore, #tpu.memory_space<semaphore_mem>>)
      %dma_wait3A_529 = arith.constant 0 : i32
      %dma_wait3A_530 = tpu.memref_slice %arg6[%mul3A_4, %dma_wait3A_529] : memref<10112x128xf32, #tpu.memory_space<vmem_shared>> -> memref<632x128xf32, #tpu.memory_space<vmem_shared>>
      %dma_wait3A_531 = arith.constant 0 : i32
      %dma_wait3A_532 = tpu.memref_slice %arg2[%mul3A_2, %dma_wait3A_531] : memref<10112x128xf32, #tpu.memory_space<hbm>> -> memref<632x128xf32, #tpu.memory_space<hbm>>
      tpu.wait_dma2 semaphore(%run_scoped3A : memref<!tpu.dma_semaphore, #tpu.memory_space<semaphore_mem>>) src(%dma_wait3A_532 : memref<632x128xf32, #tpu.memory_space<hbm>>) dst(%dma_wait3A_530 : memref<632x128xf32, #tpu.memory_space<vmem_shared>>)
      tpu.yield
    }) : () -> ()
    "tpu.region"() ({
      %run_scoped3A = tpu.sem_alloc : memref<!tpu.dma_semaphore, #tpu.memory_space<semaphore_mem>>
      %dma_start3A_525 = arith.constant 0 : i32
      %dma_start3A_526 = arith.constant 0 : i32
      %dma_start3A_527 = tpu.memref_slice %arg4[%add3A, %dma_start3A_525, %dma_start3A_526] : memref<32x80x128xi32, #tpu.memory_space<hbm>> -> memref<1x80x128xi32, #tpu.memory_space<hbm>>
      %dma_start3A_528 = tpu.memref_squeeze %dma_start3A_527 : memref<1x80x128xi32, #tpu.memory_space<hbm>> -> memref<80x128xi32, #tpu.memory_space<hbm>>
      %dma_start3A_529 = arith.constant 0 : i32
      %dma_start3A_530 = arith.constant 0 : i32
      %dma_start3A_531 = tpu.memref_slice %arg4[%add3A, %dma_start3A_529, %dma_start3A_530] : memref<32x80x128xi32, #tpu.memory_space<hbm>> -> memref<1x80x128xi32, #tpu.memory_space<hbm>>
      %dma_start3A_532 = tpu.memref_squeeze %dma_start3A_531 : memref<1x80x128xi32, #tpu.memory_space<hbm>> -> memref<80x128xi32, #tpu.memory_space<hbm>>
      tpu.enqueue_dma source(%dma_start3A_532 : memref<80x128xi32, #tpu.memory_space<hbm>>) target(%arg7 : memref<80x128xi32, #tpu.memory_space<vmem>>) target_semaphore(%run_scoped3A : memref<!tpu.dma_semaphore, #tpu.memory_space<semaphore_mem>>)
      %dma_wait3A_533 = arith.constant 0 : i32
      %dma_wait3A_534 = arith.constant 0 : i32
      %dma_wait3A_535 = tpu.memref_slice %arg4[%add3A, %dma_wait3A_533, %dma_wait3A_534] : memref<32x80x128xi32, #tpu.memory_space<hbm>> -> memref<1x80x128xi32, #tpu.memory_space<hbm>>
      %dma_wait3A_536 = tpu.memref_squeeze %dma_wait3A_535 : memref<1x80x128xi32, #tpu.memory_space<hbm>> -> memref<80x128xi32, #tpu.memory_space<hbm>>
      %dma_wait3A_537 = arith.constant 0 : i32
      %dma_wait3A_538 = arith.constant 0 : i32
      %dma_wait3A_539 = tpu.memref_slice %arg4[%add3A, %dma_wait3A_537, %dma_wait3A_538] : memref<32x80x128xi32, #tpu.memory_space<hbm>> -> memref<1x80x128xi32, #tpu.memory_space<hbm>>
      %dma_wait3A_540 = tpu.memref_squeeze %dma_wait3A_539 : memref<1x80x128xi32, #tpu.memory_space<hbm>> -> memref<80x128xi32, #tpu.memory_space<hbm>>
      tpu.wait_dma2 semaphore(%run_scoped3A : memref<!tpu.dma_semaphore, #tpu.memory_space<semaphore_mem>>) src(%dma_wait3A_540 : memref<80x128xi32, #tpu.memory_space<hbm>>) dst(%arg7 : memref<80x128xi32, #tpu.memory_space<vmem>>)
      tpu.yield
    }) : () -> ()
    %dma_start3A = arith.constant 0 : i32
    %dma_start3A_5 = arith.constant 0 : i32
    %dma_start3A_6 = tpu.memref_slice %arg3[%add3A, %dma_start3A, %dma_start3A_5] : memref<32x80x128xi32, #tpu.memory_space<hbm>> -> memref<1x8x128xi32, #tpu.memory_space<hbm>>
    %dma_start3A_7 = tpu.memref_squeeze %dma_start3A_6 : memref<1x8x128xi32, #tpu.memory_space<hbm>> -> memref<8x128xi32, #tpu.memory_space<hbm>>
    %dma_start3A_8 = arith.constant 0 : i32
    %dma_start3A_9 = arith.constant 0 : i32
    %dma_start3A_10 = tpu.memref_slice %arg3[%add3A, %dma_start3A_8, %dma_start3A_9] : memref<32x80x128xi32, #tpu.memory_space<hbm>> -> memref<1x8x128xi32, #tpu.memory_space<hbm>>
    %dma_start3A_11 = tpu.memref_squeeze %dma_start3A_10 : memref<1x8x128xi32, #tpu.memory_space<hbm>> -> memref<8x128xi32, #tpu.memory_space<hbm>>
    tpu.enqueue_dma source(%dma_start3A_11 : memref<8x128xi32, #tpu.memory_space<hbm>>) target(%arg8 : memref<8x128xi32, #tpu.memory_space<vmem>>) target_semaphore(%arg16 : memref<!tpu.dma_semaphore, #tpu.memory_space<semaphore_mem>>)
    %dma_start3A_12 = arith.constant 8 : i32
    %dma_start3A_13 = arith.constant 0 : i32
    %dma_start3A_14 = tpu.memref_slice %arg3[%add3A, %dma_start3A_12, %dma_start3A_13] : memref<32x80x128xi32, #tpu.memory_space<hbm>> -> memref<1x8x128xi32, #tpu.memory_space<hbm>>
    %dma_start3A_15 = tpu.memref_squeeze %dma_start3A_14 : memref<1x8x128xi32, #tpu.memory_space<hbm>> -> memref<8x128xi32, #tpu.memory_space<hbm>>
    %dma_start3A_16 = arith.constant 8 : i32
    %dma_start3A_17 = arith.constant 0 : i32
    %dma_start3A_18 = tpu.memref_slice %arg3[%add3A, %dma_start3A_16, %dma_start3A_17] : memref<32x80x128xi32, #tpu.memory_space<hbm>> -> memref<1x8x128xi32, #tpu.memory_space<hbm>>
    %dma_start3A_19 = tpu.memref_squeeze %dma_start3A_18 : memref<1x8x128xi32, #tpu.memory_space<hbm>> -> memref<8x128xi32, #tpu.memory_space<hbm>>
    tpu.enqueue_dma source(%dma_start3A_19 : memref<8x128xi32, #tpu.memory_space<hbm>>) target(%arg9 : memref<8x128xi32, #tpu.memory_space<vmem>>) target_semaphore(%arg17 : memref<!tpu.dma_semaphore, #tpu.memory_space<semaphore_mem>>)
    %barrier3A = arith.constant 0 : index
    tpu.barrier barrier_id(%barrier3A)
    %dma_wait3A = arith.constant 0 : i32
    %dma_wait3A_20 = arith.constant 0 : i32
    %dma_wait3A_21 = tpu.memref_slice %arg3[%add3A, %dma_wait3A, %dma_wait3A_20] : memref<32x80x128xi32, #tpu.memory_space<hbm>> -> memref<1x8x128xi32, #tpu.memory_space<hbm>>
    %dma_wait3A_22 = tpu.memref_squeeze %dma_wait3A_21 : memref<1x8x128xi32, #tpu.memory_space<hbm>> -> memref<8x128xi32, #tpu.memory_space<hbm>>
    %dma_wait3A_23 = arith.constant 0 : i32
    %dma_wait3A_24 = arith.constant 0 : i32
    %dma_wait3A_25 = tpu.memref_slice %arg3[%add3A, %dma_wait3A_23, %dma_wait3A_24] : memref<32x80x128xi32, #tpu.memory_space<hbm>> -> memref<1x8x128xi32, #tpu.memory_space<hbm>>
    %dma_wait3A_26 = tpu.memref_squeeze %dma_wait3A_25 : memref<1x8x128xi32, #tpu.memory_space<hbm>> -> memref<8x128xi32, #tpu.memory_space<hbm>>
    tpu.wait_dma2 semaphore(%arg16 : memref<!tpu.dma_semaphore, #tpu.memory_space<semaphore_mem>>) src(%dma_wait3A_26 : memref<8x128xi32, #tpu.memory_space<hbm>>) dst(%arg8 : memref<8x128xi32, #tpu.memory_space<vmem>>)
    %dma_start3A_27 = arith.constant 0 : i32
    %dma_start3A_28 = arith.constant 0 : i32
    %dma_start3A_29 = tpu.memref_slice %arg8[%dma_start3A_27, %dma_start3A_28] : memref<8x128xi32, #tpu.memory_space<vmem>> -> memref<1x128xi32, #tpu.memory_space<vmem>>
    %dma_start3A_30 = tpu.memref_squeeze %dma_start3A_29 : memref<1x128xi32, #tpu.memory_space<vmem>> -> memref<128xi32, #tpu.memory_space<vmem>>
    %dma_start3A_31 = arith.constant 0 : i32
    %dma_start3A_32 = arith.constant 0 : i32
    %dma_start3A_33 = tpu.memref_slice %arg2[%dma_start3A_31, %dma_start3A_32] : memref<10112x128xf32, #tpu.memory_space<hbm>> -> memref<10112x128xf32, #tpu.memory_space<hbm>>
    tpu.enqueue_indirect_dma source(%dma_start3A_33 : memref<10112x128xf32, #tpu.memory_space<hbm>>) target(%arg10 : memref<128x128xf32, #tpu.memory_space<vmem>>) offsets(%dma_start3A_30 : memref<128xi32, #tpu.memory_space<vmem>>) semaphore(%arg12 : memref<!tpu.dma_semaphore, #tpu.memory_space<semaphore_mem>>)
    %dma_start3A_34 = arith.constant 1 : i32
    %dma_start3A_35 = arith.constant 0 : i32
    %dma_start3A_36 = tpu.memref_slice %arg8[%dma_start3A_34, %dma_start3A_35] : memref<8x128xi32, #tpu.memory_space<vmem>> -> memref<1x128xi32, #tpu.memory_space<vmem>>
    %dma_start3A_37 = tpu.memref_squeeze %dma_start3A_36 : memref<1x128xi32, #tpu.memory_space<vmem>> -> memref<128xi32, #tpu.memory_space<vmem>>
    %dma_start3A_38 = arith.constant 0 : i32
    %dma_start3A_39 = arith.constant 0 : i32
    %dma_start3A_40 = tpu.memref_slice %arg2[%dma_start3A_38, %dma_start3A_39] : memref<10112x128xf32, #tpu.memory_space<hbm>> -> memref<10112x128xf32, #tpu.memory_space<hbm>>
    tpu.enqueue_indirect_dma source(%dma_start3A_40 : memref<10112x128xf32, #tpu.memory_space<hbm>>) target(%arg11 : memref<128x128xf32, #tpu.memory_space<vmem>>) offsets(%dma_start3A_37 : memref<128xi32, #tpu.memory_space<vmem>>) semaphore(%arg13 : memref<!tpu.dma_semaphore, #tpu.memory_space<semaphore_mem>>)
    %dma_wait3A_41 = arith.constant 0 : i32
    %dma_wait3A_42 = arith.constant 0 : i32
    %dma_wait3A_43 = tpu.memref_slice %arg8[%dma_wait3A_41, %dma_wait3A_42] : memref<8x128xi32, #tpu.memory_space<vmem>> -> memref<1x128xi32, #tpu.memory_space<vmem>>
    %dma_wait3A_44 = tpu.memref_squeeze %dma_wait3A_43 : memref<1x128xi32, #tpu.memory_space<vmem>> -> memref<128xi32, #tpu.memory_space<vmem>>
    %dma_wait3A_45 = arith.constant 0 : i32
    %dma_wait3A_46 = arith.constant 0 : i32
    %dma_wait3A_47 = tpu.memref_slice %arg2[%dma_wait3A_45, %dma_wait3A_46] : memref<10112x128xf32, #tpu.memory_space<hbm>> -> memref<10112x128xf32, #tpu.memory_space<hbm>>
    tpu.wait_indirect_dma semaphore(%arg12 : memref<!tpu.dma_semaphore, #tpu.memory_space<semaphore_mem>>) src(%dma_wait3A_47 : memref<10112x128xf32, #tpu.memory_space<hbm>>) dst(%arg10 : memref<128x128xf32, #tpu.memory_space<vmem>>)
    %dma_start3A_48 = arith.constant 0 : i32
    %dma_start3A_49 = arith.constant 0 : i32
    %dma_start3A_50 = tpu.memref_slice %arg7[%dma_start3A_48, %dma_start3A_49] : memref<80x128xi32, #tpu.memory_space<vmem>> -> memref<1x128xi32, #tpu.memory_space<vmem>>
    %dma_start3A_51 = tpu.memref_squeeze %dma_start3A_50 : memref<1x128xi32, #tpu.memory_space<vmem>> -> memref<128xi32, #tpu.memory_space<vmem>>
    %dma_start3A_52 = arith.constant 0 : i32
    %dma_start3A_53 = arith.constant 0 : i32
    %dma_start3A_54 = tpu.memref_slice %arg6[%dma_start3A_52, %dma_start3A_53] : memref<10112x128xf32, #tpu.memory_space<vmem_shared>> -> memref<10112x128xf32, #tpu.memory_space<vmem_shared>>
    tpu.enqueue_indirect_dma source(%arg10 : memref<128x128xf32, #tpu.memory_space<vmem>>) target(%dma_start3A_54 : memref<10112x128xf32, #tpu.memory_space<vmem_shared>>) offsets(%dma_start3A_51 : memref<128xi32, #tpu.memory_space<vmem>>) semaphore(%arg14 : memref<!tpu.dma_semaphore, #tpu.memory_space<semaphore_mem>>) {add = true}
    %dma_wait3A_55 = arith.constant 0 : i32
    %dma_wait3A_56 = arith.constant 0 : i32
    %dma_wait3A_57 = tpu.memref_slice %arg7[%dma_wait3A_55, %dma_wait3A_56] : memref<80x128xi32, #tpu.memory_space<vmem>> -> memref<1x128xi32, #tpu.memory_space<vmem>>
    %dma_wait3A_58 = tpu.memref_squeeze %dma_wait3A_57 : memref<1x128xi32, #tpu.memory_space<vmem>> -> memref<128xi32, #tpu.memory_space<vmem>>
    %dma_wait3A_59 = arith.constant 0 : i32
    %dma_wait3A_60 = arith.constant 0 : i32
    %dma_wait3A_61 = tpu.memref_slice %arg6[%dma_wait3A_59, %dma_wait3A_60] : memref<10112x128xf32, #tpu.memory_space<vmem_shared>> -> memref<10112x128xf32, #tpu.memory_space<vmem_shared>>
    tpu.wait_indirect_dma semaphore(%arg14 : memref<!tpu.dma_semaphore, #tpu.memory_space<semaphore_mem>>) src(%arg10 : memref<128x128xf32, #tpu.memory_space<vmem>>) dst(%dma_wait3A_61 : memref<10112x128xf32, #tpu.memory_space<vmem_shared>>)
    %dma_start3A_62 = arith.constant 2 : i32
    %dma_start3A_63 = arith.constant 0 : i32
    %dma_start3A_64 = tpu.memref_slice %arg8[%dma_start3A_62, %dma_start3A_63] : memref<8x128xi32, #tpu.memory_space<vmem>> -> memref<1x128xi32, #tpu.memory_space<vmem>>
    %dma_start3A_65 = tpu.memref_squeeze %dma_start3A_64 : memref<1x128xi32, #tpu.memory_space<vmem>> -> memref<128xi32, #tpu.memory_space<vmem>>
    %dma_start3A_66 = arith.constant 0 : i32
    %dma_start3A_67 = arith.constant 0 : i32
    %dma_start3A_68 = tpu.memref_slice %arg2[%dma_start3A_66, %dma_start3A_67] : memref<10112x128xf32, #tpu.memory_space<hbm>> -> memref<10112x128xf32, #tpu.memory_space<hbm>>
    tpu.enqueue_indirect_dma source(%dma_start3A_68 : memref<10112x128xf32, #tpu.memory_space<hbm>>) target(%arg10 : memref<128x128xf32, #tpu.memory_space<vmem>>) offsets(%dma_start3A_65 : memref<128xi32, #tpu.memory_space<vmem>>) semaphore(%arg12 : memref<!tpu.dma_semaphore, #tpu.memory_space<semaphore_mem>>)
    %dma_wait3A_69 = arith.constant 0 : i32
    %dma_wait3A_70 = arith.constant 0 : i32
    %dma_wait3A_71 = tpu.memref_slice %arg8[%dma_wait3A_69, %dma_wait3A_70] : memref<8x128xi32, #tpu.memory_space<vmem>> -> memref<1x128xi32, #tpu.memory_space<vmem>>
    %dma_wait3A_72 = tpu.memref_squeeze %dma_wait3A_71 : memref<1x128xi32, #tpu.memory_space<vmem>> -> memref<128xi32, #tpu.memory_space<vmem>>
    %dma_wait3A_73 = arith.constant 0 : i32
    %dma_wait3A_74 = arith.constant 0 : i32
    %dma_wait3A_75 = tpu.memref_slice %arg2[%dma_wait3A_73, %dma_wait3A_74] : memref<10112x128xf32, #tpu.memory_space<hbm>> -> memref<10112x128xf32, #tpu.memory_space<hbm>>
    tpu.wait_indirect_dma semaphore(%arg13 : memref<!tpu.dma_semaphore, #tpu.memory_space<semaphore_mem>>) src(%dma_wait3A_75 : memref<10112x128xf32, #tpu.memory_space<hbm>>) dst(%arg11 : memref<128x128xf32, #tpu.memory_space<vmem>>)
    %dma_start3A_76 = arith.constant 1 : i32
    %dma_start3A_77 = arith.constant 0 : i32
    %dma_start3A_78 = tpu.memref_slice %arg7[%dma_start3A_76, %dma_start3A_77] : memref<80x128xi32, #tpu.memory_space<vmem>> -> memref<1x128xi32, #tpu.memory_space<vmem>>
    %dma_start3A_79 = tpu.memref_squeeze %dma_start3A_78 : memref<1x128xi32, #tpu.memory_space<vmem>> -> memref<128xi32, #tpu.memory_space<vmem>>
    %dma_start3A_80 = arith.constant 0 : i32
    %dma_start3A_81 = arith.constant 0 : i32
    %dma_start3A_82 = tpu.memref_slice %arg6[%dma_start3A_80, %dma_start3A_81] : memref<10112x128xf32, #tpu.memory_space<vmem_shared>> -> memref<10112x128xf32, #tpu.memory_space<vmem_shared>>
    tpu.enqueue_indirect_dma source(%arg11 : memref<128x128xf32, #tpu.memory_space<vmem>>) target(%dma_start3A_82 : memref<10112x128xf32, #tpu.memory_space<vmem_shared>>) offsets(%dma_start3A_79 : memref<128xi32, #tpu.memory_space<vmem>>) semaphore(%arg15 : memref<!tpu.dma_semaphore, #tpu.memory_space<semaphore_mem>>) {add = true}
    %dma_wait3A_83 = arith.constant 0 : i32
    %dma_wait3A_84 = arith.constant 0 : i32
    %dma_wait3A_85 = tpu.memref_slice %arg7[%dma_wait3A_83, %dma_wait3A_84] : memref<80x128xi32, #tpu.memory_space<vmem>> -> memref<1x128xi32, #tpu.memory_space<vmem>>
    %dma_wait3A_86 = tpu.memref_squeeze %dma_wait3A_85 : memref<1x128xi32, #tpu.memory_space<vmem>> -> memref<128xi32, #tpu.memory_space<vmem>>
    %dma_wait3A_87 = arith.constant 0 : i32
    %dma_wait3A_88 = arith.constant 0 : i32
    %dma_wait3A_89 = tpu.memref_slice %arg6[%dma_wait3A_87, %dma_wait3A_88] : memref<10112x128xf32, #tpu.memory_space<vmem_shared>> -> memref<10112x128xf32, #tpu.memory_space<vmem_shared>>
    tpu.wait_indirect_dma semaphore(%arg15 : memref<!tpu.dma_semaphore, #tpu.memory_space<semaphore_mem>>) src(%arg11 : memref<128x128xf32, #tpu.memory_space<vmem>>) dst(%dma_wait3A_89 : memref<10112x128xf32, #tpu.memory_space<vmem_shared>>)
    %dma_start3A_90 = arith.constant 3 : i32
    %dma_start3A_91 = arith.constant 0 : i32
    %dma_start3A_92 = tpu.memref_slice %arg8[%dma_start3A_90, %dma_start3A_91] : memref<8x128xi32, #tpu.memory_space<vmem>> -> memref<1x128xi32, #tpu.memory_space<vmem>>
    %dma_start3A_93 = tpu.memref_squeeze %dma_start3A_92 : memref<1x128xi32, #tpu.memory_space<vmem>> -> memref<128xi32, #tpu.memory_space<vmem>>
    %dma_start3A_94 = arith.constant 0 : i32
    %dma_start3A_95 = arith.constant 0 : i32
    %dma_start3A_96 = tpu.memref_slice %arg2[%dma_start3A_94, %dma_start3A_95] : memref<10112x128xf32, #tpu.memory_space<hbm>> -> memref<10112x128xf32, #tpu.memory_space<hbm>>
    tpu.enqueue_indirect_dma source(%dma_start3A_96 : memref<10112x128xf32, #tpu.memory_space<hbm>>) target(%arg11 : memref<128x128xf32, #tpu.memory_space<vmem>>) offsets(%dma_start3A_93 : memref<128xi32, #tpu.memory_space<vmem>>) semaphore(%arg13 : memref<!tpu.dma_semaphore, #tpu.memory_space<semaphore_mem>>)
    %dma_wait3A_97 = arith.constant 0 : i32
    %dma_wait3A_98 = arith.constant 0 : i32
    %dma_wait3A_99 = tpu.memref_slice %arg8[%dma_wait3A_97, %dma_wait3A_98] : memref<8x128xi32, #tpu.memory_space<vmem>> -> memref<1x128xi32, #tpu.memory_space<vmem>>
    %dma_wait3A_100 = tpu.memref_squeeze %dma_wait3A_99 : memref<1x128xi32, #tpu.memory_space<vmem>> -> memref<128xi32, #tpu.memory_space<vmem>>
    %dma_wait3A_101 = arith.constant 0 : i32
    %dma_wait3A_102 = arith.constant 0 : i32
    %dma_wait3A_103 = tpu.memref_slice %arg2[%dma_wait3A_101, %dma_wait3A_102] : memref<10112x128xf32, #tpu.memory_space<hbm>> -> memref<10112x128xf32, #tpu.memory_space<hbm>>
    tpu.wait_indirect_dma semaphore(%arg12 : memref<!tpu.dma_semaphore, #tpu.memory_space<semaphore_mem>>) src(%dma_wait3A_103 : memref<10112x128xf32, #tpu.memory_space<hbm>>) dst(%arg10 : memref<128x128xf32, #tpu.memory_space<vmem>>)
    %dma_start3A_104 = arith.constant 2 : i32
    %dma_start3A_105 = arith.constant 0 : i32
    %dma_start3A_106 = tpu.memref_slice %arg7[%dma_start3A_104, %dma_start3A_105] : memref<80x128xi32, #tpu.memory_space<vmem>> -> memref<1x128xi32, #tpu.memory_space<vmem>>
    %dma_start3A_107 = tpu.memref_squeeze %dma_start3A_106 : memref<1x128xi32, #tpu.memory_space<vmem>> -> memref<128xi32, #tpu.memory_space<vmem>>
    %dma_start3A_108 = arith.constant 0 : i32
    %dma_start3A_109 = arith.constant 0 : i32
    %dma_start3A_110 = tpu.memref_slice %arg6[%dma_start3A_108, %dma_start3A_109] : memref<10112x128xf32, #tpu.memory_space<vmem_shared>> -> memref<10112x128xf32, #tpu.memory_space<vmem_shared>>
    tpu.enqueue_indirect_dma source(%arg10 : memref<128x128xf32, #tpu.memory_space<vmem>>) target(%dma_start3A_110 : memref<10112x128xf32, #tpu.memory_space<vmem_shared>>) offsets(%dma_start3A_107 : memref<128xi32, #tpu.memory_space<vmem>>) semaphore(%arg14 : memref<!tpu.dma_semaphore, #tpu.memory_space<semaphore_mem>>) {add = true}
    %dma_wait3A_111 = arith.constant 0 : i32
    %dma_wait3A_112 = arith.constant 0 : i32
    %dma_wait3A_113 = tpu.memref_slice %arg7[%dma_wait3A_111, %dma_wait3A_112] : memref<80x128xi32, #tpu.memory_space<vmem>> -> memref<1x128xi32, #tpu.memory_space<vmem>>
    %dma_wait3A_114 = tpu.memref_squeeze %dma_wait3A_113 : memref<1x128xi32, #tpu.memory_space<vmem>> -> memref<128xi32, #tpu.memory_space<vmem>>
    %dma_wait3A_115 = arith.constant 0 : i32
    %dma_wait3A_116 = arith.constant 0 : i32
    %dma_wait3A_117 = tpu.memref_slice %arg6[%dma_wait3A_115, %dma_wait3A_116] : memref<10112x128xf32, #tpu.memory_space<vmem_shared>> -> memref<10112x128xf32, #tpu.memory_space<vmem_shared>>
    tpu.wait_indirect_dma semaphore(%arg14 : memref<!tpu.dma_semaphore, #tpu.memory_space<semaphore_mem>>) src(%arg10 : memref<128x128xf32, #tpu.memory_space<vmem>>) dst(%dma_wait3A_117 : memref<10112x128xf32, #tpu.memory_space<vmem_shared>>)
    %dma_start3A_118 = arith.constant 4 : i32
    %dma_start3A_119 = arith.constant 0 : i32
    %dma_start3A_120 = tpu.memref_slice %arg8[%dma_start3A_118, %dma_start3A_119] : memref<8x128xi32, #tpu.memory_space<vmem>> -> memref<1x128xi32, #tpu.memory_space<vmem>>
    %dma_start3A_121 = tpu.memref_squeeze %dma_start3A_120 : memref<1x128xi32, #tpu.memory_space<vmem>> -> memref<128xi32, #tpu.memory_space<vmem>>
    %dma_start3A_122 = arith.constant 0 : i32
    %dma_start3A_123 = arith.constant 0 : i32
    %dma_start3A_124 = tpu.memref_slice %arg2[%dma_start3A_122, %dma_start3A_123] : memref<10112x128xf32, #tpu.memory_space<hbm>> -> memref<10112x128xf32, #tpu.memory_space<hbm>>
    tpu.enqueue_indirect_dma source(%dma_start3A_124 : memref<10112x128xf32, #tpu.memory_space<hbm>>) target(%arg10 : memref<128x128xf32, #tpu.memory_space<vmem>>) offsets(%dma_start3A_121 : memref<128xi32, #tpu.memory_space<vmem>>) semaphore(%arg12 : memref<!tpu.dma_semaphore, #tpu.memory_space<semaphore_mem>>)
    %dma_wait3A_125 = arith.constant 0 : i32
    %dma_wait3A_126 = arith.constant 0 : i32
    %dma_wait3A_127 = tpu.memref_slice %arg8[%dma_wait3A_125, %dma_wait3A_126] : memref<8x128xi32, #tpu.memory_space<vmem>> -> memref<1x128xi32, #tpu.memory_space<vmem>>
    %dma_wait3A_128 = tpu.memref_squeeze %dma_wait3A_127 : memref<1x128xi32, #tpu.memory_space<vmem>> -> memref<128xi32, #tpu.memory_space<vmem>>
    %dma_wait3A_129 = arith.constant 0 : i32
    %dma_wait3A_130 = arith.constant 0 : i32
    %dma_wait3A_131 = tpu.memref_slice %arg2[%dma_wait3A_129, %dma_wait3A_130] : memref<10112x128xf32, #tpu.memory_space<hbm>> -> memref<10112x128xf32, #tpu.memory_space<hbm>>
    tpu.wait_indirect_dma semaphore(%arg13 : memref<!tpu.dma_semaphore, #tpu.memory_space<semaphore_mem>>) src(%dma_wait3A_131 : memref<10112x128xf32, #tpu.memory_space<hbm>>) dst(%arg11 : memref<128x128xf32, #tpu.memory_space<vmem>>)
    %dma_start3A_132 = arith.constant 3 : i32
    %dma_start3A_133 = arith.constant 0 : i32
    %dma_start3A_134 = tpu.memref_slice %arg7[%dma_start3A_132, %dma_start3A_133] : memref<80x128xi32, #tpu.memory_space<vmem>> -> memref<1x128xi32, #tpu.memory_space<vmem>>
    %dma_start3A_135 = tpu.memref_squeeze %dma_start3A_134 : memref<1x128xi32, #tpu.memory_space<vmem>> -> memref<128xi32, #tpu.memory_space<vmem>>
    %dma_start3A_136 = arith.constant 0 : i32
    %dma_start3A_137 = arith.constant 0 : i32
    %dma_start3A_138 = tpu.memref_slice %arg6[%dma_start3A_136, %dma_start3A_137] : memref<10112x128xf32, #tpu.memory_space<vmem_shared>> -> memref<10112x128xf32, #tpu.memory_space<vmem_shared>>
    tpu.enqueue_indirect_dma source(%arg11 : memref<128x128xf32, #tpu.memory_space<vmem>>) target(%dma_start3A_138 : memref<10112x128xf32, #tpu.memory_space<vmem_shared>>) offsets(%dma_start3A_135 : memref<128xi32, #tpu.memory_space<vmem>>) semaphore(%arg15 : memref<!tpu.dma_semaphore, #tpu.memory_space<semaphore_mem>>) {add = true}
    %dma_wait3A_139 = arith.constant 0 : i32
    %dma_wait3A_140 = arith.constant 0 : i32
    %dma_wait3A_141 = tpu.memref_slice %arg7[%dma_wait3A_139, %dma_wait3A_140] : memref<80x128xi32, #tpu.memory_space<vmem>> -> memref<1x128xi32, #tpu.memory_space<vmem>>
    %dma_wait3A_142 = tpu.memref_squeeze %dma_wait3A_141 : memref<1x128xi32, #tpu.memory_space<vmem>> -> memref<128xi32, #tpu.memory_space<vmem>>
    %dma_wait3A_143 = arith.constant 0 : i32
    %dma_wait3A_144 = arith.constant 0 : i32
    %dma_wait3A_145 = tpu.memref_slice %arg6[%dma_wait3A_143, %dma_wait3A_144] : memref<10112x128xf32, #tpu.memory_space<vmem_shared>> -> memref<10112x128xf32, #tpu.memory_space<vmem_shared>>
    tpu.wait_indirect_dma semaphore(%arg15 : memref<!tpu.dma_semaphore, #tpu.memory_space<semaphore_mem>>) src(%arg11 : memref<128x128xf32, #tpu.memory_space<vmem>>) dst(%dma_wait3A_145 : memref<10112x128xf32, #tpu.memory_space<vmem_shared>>)
    %dma_start3A_146 = arith.constant 5 : i32
    %dma_start3A_147 = arith.constant 0 : i32
    %dma_start3A_148 = tpu.memref_slice %arg8[%dma_start3A_146, %dma_start3A_147] : memref<8x128xi32, #tpu.memory_space<vmem>> -> memref<1x128xi32, #tpu.memory_space<vmem>>
    %dma_start3A_149 = tpu.memref_squeeze %dma_start3A_148 : memref<1x128xi32, #tpu.memory_space<vmem>> -> memref<128xi32, #tpu.memory_space<vmem>>
    %dma_start3A_150 = arith.constant 0 : i32
    %dma_start3A_151 = arith.constant 0 : i32
    %dma_start3A_152 = tpu.memref_slice %arg2[%dma_start3A_150, %dma_start3A_151] : memref<10112x128xf32, #tpu.memory_space<hbm>> -> memref<10112x128xf32, #tpu.memory_space<hbm>>
    tpu.enqueue_indirect_dma source(%dma_start3A_152 : memref<10112x128xf32, #tpu.memory_space<hbm>>) target(%arg11 : memref<128x128xf32, #tpu.memory_space<vmem>>) offsets(%dma_start3A_149 : memref<128xi32, #tpu.memory_space<vmem>>) semaphore(%arg13 : memref<!tpu.dma_semaphore, #tpu.memory_space<semaphore_mem>>)
    %dma_wait3A_153 = arith.constant 0 : i32
    %dma_wait3A_154 = arith.constant 0 : i32
    %dma_wait3A_155 = tpu.memref_slice %arg8[%dma_wait3A_153, %dma_wait3A_154] : memref<8x128xi32, #tpu.memory_space<vmem>> -> memref<1x128xi32, #tpu.memory_space<vmem>>
    %dma_wait3A_156 = tpu.memref_squeeze %dma_wait3A_155 : memref<1x128xi32, #tpu.memory_space<vmem>> -> memref<128xi32, #tpu.memory_space<vmem>>
    %dma_wait3A_157 = arith.constant 0 : i32
    %dma_wait3A_158 = arith.constant 0 : i32
    %dma_wait3A_159 = tpu.memref_slice %arg2[%dma_wait3A_157, %dma_wait3A_158] : memref<10112x128xf32, #tpu.memory_space<hbm>> -> memref<10112x128xf32, #tpu.memory_space<hbm>>
    tpu.wait_indirect_dma semaphore(%arg12 : memref<!tpu.dma_semaphore, #tpu.memory_space<semaphore_mem>>) src(%dma_wait3A_159 : memref<10112x128xf32, #tpu.memory_space<hbm>>) dst(%arg10 : memref<128x128xf32, #tpu.memory_space<vmem>>)
    %dma_start3A_160 = arith.constant 4 : i32
    %dma_start3A_161 = arith.constant 0 : i32
    %dma_start3A_162 = tpu.memref_slice %arg7[%dma_start3A_160, %dma_start3A_161] : memref<80x128xi32, #tpu.memory_space<vmem>> -> memref<1x128xi32, #tpu.memory_space<vmem>>
    %dma_start3A_163 = tpu.memref_squeeze %dma_start3A_162 : memref<1x128xi32, #tpu.memory_space<vmem>> -> memref<128xi32, #tpu.memory_space<vmem>>
    %dma_start3A_164 = arith.constant 0 : i32
    %dma_start3A_165 = arith.constant 0 : i32
    %dma_start3A_166 = tpu.memref_slice %arg6[%dma_start3A_164, %dma_start3A_165] : memref<10112x128xf32, #tpu.memory_space<vmem_shared>> -> memref<10112x128xf32, #tpu.memory_space<vmem_shared>>
    tpu.enqueue_indirect_dma source(%arg10 : memref<128x128xf32, #tpu.memory_space<vmem>>) target(%dma_start3A_166 : memref<10112x128xf32, #tpu.memory_space<vmem_shared>>) offsets(%dma_start3A_163 : memref<128xi32, #tpu.memory_space<vmem>>) semaphore(%arg14 : memref<!tpu.dma_semaphore, #tpu.memory_space<semaphore_mem>>) {add = true}
    %dma_wait3A_167 = arith.constant 0 : i32
    %dma_wait3A_168 = arith.constant 0 : i32
    %dma_wait3A_169 = tpu.memref_slice %arg7[%dma_wait3A_167, %dma_wait3A_168] : memref<80x128xi32, #tpu.memory_space<vmem>> -> memref<1x128xi32, #tpu.memory_space<vmem>>
    %dma_wait3A_170 = tpu.memref_squeeze %dma_wait3A_169 : memref<1x128xi32, #tpu.memory_space<vmem>> -> memref<128xi32, #tpu.memory_space<vmem>>
    %dma_wait3A_171 = arith.constant 0 : i32
    %dma_wait3A_172 = arith.constant 0 : i32
    %dma_wait3A_173 = tpu.memref_slice %arg6[%dma_wait3A_171, %dma_wait3A_172] : memref<10112x128xf32, #tpu.memory_space<vmem_shared>> -> memref<10112x128xf32, #tpu.memory_space<vmem_shared>>
    tpu.wait_indirect_dma semaphore(%arg14 : memref<!tpu.dma_semaphore, #tpu.memory_space<semaphore_mem>>) src(%arg10 : memref<128x128xf32, #tpu.memory_space<vmem>>) dst(%dma_wait3A_173 : memref<10112x128xf32, #tpu.memory_space<vmem_shared>>)
    %dma_start3A_174 = arith.constant 6 : i32
    %dma_start3A_175 = arith.constant 0 : i32
    %dma_start3A_176 = tpu.memref_slice %arg8[%dma_start3A_174, %dma_start3A_175] : memref<8x128xi32, #tpu.memory_space<vmem>> -> memref<1x128xi32, #tpu.memory_space<vmem>>
    %dma_start3A_177 = tpu.memref_squeeze %dma_start3A_176 : memref<1x128xi32, #tpu.memory_space<vmem>> -> memref<128xi32, #tpu.memory_space<vmem>>
    %dma_start3A_178 = arith.constant 0 : i32
    %dma_start3A_179 = arith.constant 0 : i32
    %dma_start3A_180 = tpu.memref_slice %arg2[%dma_start3A_178, %dma_start3A_179] : memref<10112x128xf32, #tpu.memory_space<hbm>> -> memref<10112x128xf32, #tpu.memory_space<hbm>>
    tpu.enqueue_indirect_dma source(%dma_start3A_180 : memref<10112x128xf32, #tpu.memory_space<hbm>>) target(%arg10 : memref<128x128xf32, #tpu.memory_space<vmem>>) offsets(%dma_start3A_177 : memref<128xi32, #tpu.memory_space<vmem>>) semaphore(%arg12 : memref<!tpu.dma_semaphore, #tpu.memory_space<semaphore_mem>>)
    %dma_wait3A_181 = arith.constant 0 : i32
    %dma_wait3A_182 = arith.constant 0 : i32
    %dma_wait3A_183 = tpu.memref_slice %arg8[%dma_wait3A_181, %dma_wait3A_182] : memref<8x128xi32, #tpu.memory_space<vmem>> -> memref<1x128xi32, #tpu.memory_space<vmem>>
    %dma_wait3A_184 = tpu.memref_squeeze %dma_wait3A_183 : memref<1x128xi32, #tpu.memory_space<vmem>> -> memref<128xi32, #tpu.memory_space<vmem>>
    %dma_wait3A_185 = arith.constant 0 : i32
    %dma_wait3A_186 = arith.constant 0 : i32
    %dma_wait3A_187 = tpu.memref_slice %arg2[%dma_wait3A_185, %dma_wait3A_186] : memref<10112x128xf32, #tpu.memory_space<hbm>> -> memref<10112x128xf32, #tpu.memory_space<hbm>>
    tpu.wait_indirect_dma semaphore(%arg13 : memref<!tpu.dma_semaphore, #tpu.memory_space<semaphore_mem>>) src(%dma_wait3A_187 : memref<10112x128xf32, #tpu.memory_space<hbm>>) dst(%arg11 : memref<128x128xf32, #tpu.memory_space<vmem>>)
    %dma_start3A_188 = arith.constant 5 : i32
    %dma_start3A_189 = arith.constant 0 : i32
    %dma_start3A_190 = tpu.memref_slice %arg7[%dma_start3A_188, %dma_start3A_189] : memref<80x128xi32, #tpu.memory_space<vmem>> -> memref<1x128xi32, #tpu.memory_space<vmem>>
    %dma_start3A_191 = tpu.memref_squeeze %dma_start3A_190 : memref<1x128xi32, #tpu.memory_space<vmem>> -> memref<128xi32, #tpu.memory_space<vmem>>
    %dma_start3A_192 = arith.constant 0 : i32
    %dma_start3A_193 = arith.constant 0 : i32
    %dma_start3A_194 = tpu.memref_slice %arg6[%dma_start3A_192, %dma_start3A_193] : memref<10112x128xf32, #tpu.memory_space<vmem_shared>> -> memref<10112x128xf32, #tpu.memory_space<vmem_shared>>
    tpu.enqueue_indirect_dma source(%arg11 : memref<128x128xf32, #tpu.memory_space<vmem>>) target(%dma_start3A_194 : memref<10112x128xf32, #tpu.memory_space<vmem_shared>>) offsets(%dma_start3A_191 : memref<128xi32, #tpu.memory_space<vmem>>) semaphore(%arg15 : memref<!tpu.dma_semaphore, #tpu.memory_space<semaphore_mem>>) {add = true}
    %dma_wait3A_195 = arith.constant 0 : i32
    %dma_wait3A_196 = arith.constant 0 : i32
    %dma_wait3A_197 = tpu.memref_slice %arg7[%dma_wait3A_195, %dma_wait3A_196] : memref<80x128xi32, #tpu.memory_space<vmem>> -> memref<1x128xi32, #tpu.memory_space<vmem>>
    %dma_wait3A_198 = tpu.memref_squeeze %dma_wait3A_197 : memref<1x128xi32, #tpu.memory_space<vmem>> -> memref<128xi32, #tpu.memory_space<vmem>>
    %dma_wait3A_199 = arith.constant 0 : i32
    %dma_wait3A_200 = arith.constant 0 : i32
    %dma_wait3A_201 = tpu.memref_slice %arg6[%dma_wait3A_199, %dma_wait3A_200] : memref<10112x128xf32, #tpu.memory_space<vmem_shared>> -> memref<10112x128xf32, #tpu.memory_space<vmem_shared>>
    tpu.wait_indirect_dma semaphore(%arg15 : memref<!tpu.dma_semaphore, #tpu.memory_space<semaphore_mem>>) src(%arg11 : memref<128x128xf32, #tpu.memory_space<vmem>>) dst(%dma_wait3A_201 : memref<10112x128xf32, #tpu.memory_space<vmem_shared>>)
    %dma_start3A_202 = arith.constant 7 : i32
    %dma_start3A_203 = arith.constant 0 : i32
    %dma_start3A_204 = tpu.memref_slice %arg8[%dma_start3A_202, %dma_start3A_203] : memref<8x128xi32, #tpu.memory_space<vmem>> -> memref<1x128xi32, #tpu.memory_space<vmem>>
    %dma_start3A_205 = tpu.memref_squeeze %dma_start3A_204 : memref<1x128xi32, #tpu.memory_space<vmem>> -> memref<128xi32, #tpu.memory_space<vmem>>
    %dma_start3A_206 = arith.constant 0 : i32
    %dma_start3A_207 = arith.constant 0 : i32
    %dma_start3A_208 = tpu.memref_slice %arg2[%dma_start3A_206, %dma_start3A_207] : memref<10112x128xf32, #tpu.memory_space<hbm>> -> memref<10112x128xf32, #tpu.memory_space<hbm>>
    tpu.enqueue_indirect_dma source(%dma_start3A_208 : memref<10112x128xf32, #tpu.memory_space<hbm>>) target(%arg11 : memref<128x128xf32, #tpu.memory_space<vmem>>) offsets(%dma_start3A_205 : memref<128xi32, #tpu.memory_space<vmem>>) semaphore(%arg13 : memref<!tpu.dma_semaphore, #tpu.memory_space<semaphore_mem>>)
    %dma_wait3A_209 = arith.constant 0 : i32
    %dma_wait3A_210 = arith.constant 0 : i32
    %dma_wait3A_211 = tpu.memref_slice %arg8[%dma_wait3A_209, %dma_wait3A_210] : memref<8x128xi32, #tpu.memory_space<vmem>> -> memref<1x128xi32, #tpu.memory_space<vmem>>
    %dma_wait3A_212 = tpu.memref_squeeze %dma_wait3A_211 : memref<1x128xi32, #tpu.memory_space<vmem>> -> memref<128xi32, #tpu.memory_space<vmem>>
    %dma_wait3A_213 = arith.constant 0 : i32
    %dma_wait3A_214 = arith.constant 0 : i32
    %dma_wait3A_215 = tpu.memref_slice %arg2[%dma_wait3A_213, %dma_wait3A_214] : memref<10112x128xf32, #tpu.memory_space<hbm>> -> memref<10112x128xf32, #tpu.memory_space<hbm>>
    tpu.wait_indirect_dma semaphore(%arg12 : memref<!tpu.dma_semaphore, #tpu.memory_space<semaphore_mem>>) src(%dma_wait3A_215 : memref<10112x128xf32, #tpu.memory_space<hbm>>) dst(%arg10 : memref<128x128xf32, #tpu.memory_space<vmem>>)
    %dma_start3A_216 = arith.constant 6 : i32
    %dma_start3A_217 = arith.constant 0 : i32
    %dma_start3A_218 = tpu.memref_slice %arg7[%dma_start3A_216, %dma_start3A_217] : memref<80x128xi32, #tpu.memory_space<vmem>> -> memref<1x128xi32, #tpu.memory_space<vmem>>
    %dma_start3A_219 = tpu.memref_squeeze %dma_start3A_218 : memref<1x128xi32, #tpu.memory_space<vmem>> -> memref<128xi32, #tpu.memory_space<vmem>>
    %dma_start3A_220 = arith.constant 0 : i32
    %dma_start3A_221 = arith.constant 0 : i32
    %dma_start3A_222 = tpu.memref_slice %arg6[%dma_start3A_220, %dma_start3A_221] : memref<10112x128xf32, #tpu.memory_space<vmem_shared>> -> memref<10112x128xf32, #tpu.memory_space<vmem_shared>>
    tpu.enqueue_indirect_dma source(%arg10 : memref<128x128xf32, #tpu.memory_space<vmem>>) target(%dma_start3A_222 : memref<10112x128xf32, #tpu.memory_space<vmem_shared>>) offsets(%dma_start3A_219 : memref<128xi32, #tpu.memory_space<vmem>>) semaphore(%arg14 : memref<!tpu.dma_semaphore, #tpu.memory_space<semaphore_mem>>) {add = true}
    %dma_wait3A_223 = arith.constant 0 : i32
    %dma_wait3A_224 = arith.constant 0 : i32
    %dma_wait3A_225 = tpu.memref_slice %arg7[%dma_wait3A_223, %dma_wait3A_224] : memref<80x128xi32, #tpu.memory_space<vmem>> -> memref<1x128xi32, #tpu.memory_space<vmem>>
    %dma_wait3A_226 = tpu.memref_squeeze %dma_wait3A_225 : memref<1x128xi32, #tpu.memory_space<vmem>> -> memref<128xi32, #tpu.memory_space<vmem>>
    %dma_wait3A_227 = arith.constant 0 : i32
    %dma_wait3A_228 = arith.constant 0 : i32
    %dma_wait3A_229 = tpu.memref_slice %arg6[%dma_wait3A_227, %dma_wait3A_228] : memref<10112x128xf32, #tpu.memory_space<vmem_shared>> -> memref<10112x128xf32, #tpu.memory_space<vmem_shared>>
    tpu.wait_indirect_dma semaphore(%arg14 : memref<!tpu.dma_semaphore, #tpu.memory_space<semaphore_mem>>) src(%arg10 : memref<128x128xf32, #tpu.memory_space<vmem>>) dst(%dma_wait3A_229 : memref<10112x128xf32, #tpu.memory_space<vmem_shared>>)
    %dma_wait3A_230 = arith.constant 0 : i32
    %dma_wait3A_231 = arith.constant 0 : i32
    %dma_wait3A_232 = tpu.memref_slice %arg3[%add3A, %dma_wait3A_230, %dma_wait3A_231] : memref<32x80x128xi32, #tpu.memory_space<hbm>> -> memref<1x8x128xi32, #tpu.memory_space<hbm>>
    %dma_wait3A_233 = tpu.memref_squeeze %dma_wait3A_232 : memref<1x8x128xi32, #tpu.memory_space<hbm>> -> memref<8x128xi32, #tpu.memory_space<hbm>>
    %dma_wait3A_234 = arith.constant 0 : i32
    %dma_wait3A_235 = arith.constant 0 : i32
    %dma_wait3A_236 = tpu.memref_slice %arg3[%add3A, %dma_wait3A_234, %dma_wait3A_235] : memref<32x80x128xi32, #tpu.memory_space<hbm>> -> memref<1x8x128xi32, #tpu.memory_space<hbm>>
    %dma_wait3A_237 = tpu.memref_squeeze %dma_wait3A_236 : memref<1x8x128xi32, #tpu.memory_space<hbm>> -> memref<8x128xi32, #tpu.memory_space<hbm>>
    tpu.wait_dma2 semaphore(%arg17 : memref<!tpu.dma_semaphore, #tpu.memory_space<semaphore_mem>>) src(%dma_wait3A_237 : memref<8x128xi32, #tpu.memory_space<hbm>>) dst(%arg9 : memref<8x128xi32, #tpu.memory_space<vmem>>)
    %dma_start3A_238 = arith.constant 0 : i32
    %dma_start3A_239 = arith.constant 0 : i32
    %dma_start3A_240 = tpu.memref_slice %arg9[%dma_start3A_238, %dma_start3A_239] : memref<8x128xi32, #tpu.memory_space<vmem>> -> memref<1x128xi32, #tpu.memory_space<vmem>>
    %dma_start3A_241 = tpu.memref_squeeze %dma_start3A_240 : memref<1x128xi32, #tpu.memory_space<vmem>> -> memref<128xi32, #tpu.memory_space<vmem>>
    %dma_start3A_242 = arith.constant 0 : i32
    %dma_start3A_243 = arith.constant 0 : i32
    %dma_start3A_244 = tpu.memref_slice %arg2[%dma_start3A_242, %dma_start3A_243] : memref<10112x128xf32, #tpu.memory_space<hbm>> -> memref<10112x128xf32, #tpu.memory_space<hbm>>
    tpu.enqueue_indirect_dma source(%dma_start3A_244 : memref<10112x128xf32, #tpu.memory_space<hbm>>) target(%arg10 : memref<128x128xf32, #tpu.memory_space<vmem>>) offsets(%dma_start3A_241 : memref<128xi32, #tpu.memory_space<vmem>>) semaphore(%arg12 : memref<!tpu.dma_semaphore, #tpu.memory_space<semaphore_mem>>)
    %dma_wait3A_245 = arith.constant 0 : i32
    %dma_wait3A_246 = arith.constant 0 : i32
    %dma_wait3A_247 = tpu.memref_slice %arg8[%dma_wait3A_245, %dma_wait3A_246] : memref<8x128xi32, #tpu.memory_space<vmem>> -> memref<1x128xi32, #tpu.memory_space<vmem>>
    %dma_wait3A_248 = tpu.memref_squeeze %dma_wait3A_247 : memref<1x128xi32, #tpu.memory_space<vmem>> -> memref<128xi32, #tpu.memory_space<vmem>>
    %dma_wait3A_249 = arith.constant 0 : i32
    %dma_wait3A_250 = arith.constant 0 : i32
    %dma_wait3A_251 = tpu.memref_slice %arg2[%dma_wait3A_249, %dma_wait3A_250] : memref<10112x128xf32, #tpu.memory_space<hbm>> -> memref<10112x128xf32, #tpu.memory_space<hbm>>
    tpu.wait_indirect_dma semaphore(%arg13 : memref<!tpu.dma_semaphore, #tpu.memory_space<semaphore_mem>>) src(%dma_wait3A_251 : memref<10112x128xf32, #tpu.memory_space<hbm>>) dst(%arg11 : memref<128x128xf32, #tpu.memory_space<vmem>>)
    %dma_start3A_252 = arith.constant 16 : i32
    %dma_start3A_253 = arith.constant 0 : i32
    %dma_start3A_254 = tpu.memref_slice %arg3[%add3A, %dma_start3A_252, %dma_start3A_253] : memref<32x80x128xi32, #tpu.memory_space<hbm>> -> memref<1x8x128xi32, #tpu.memory_space<hbm>>
    %dma_start3A_255 = tpu.memref_squeeze %dma_start3A_254 : memref<1x8x128xi32, #tpu.memory_space<hbm>> -> memref<8x128xi32, #tpu.memory_space<hbm>>
    %dma_start3A_256 = arith.constant 16 : i32
    %dma_start3A_257 = arith.constant 0 : i32
    %dma_start3A_258 = tpu.memref_slice %arg3[%add3A, %dma_start3A_256, %dma_start3A_257] : memref<32x80x128xi32, #tpu.memory_space<hbm>> -> memref<1x8x128xi32, #tpu.memory_space<hbm>>
    %dma_start3A_259 = tpu.memref_squeeze %dma_start3A_258 : memref<1x8x128xi32, #tpu.memory_space<hbm>> -> memref<8x128xi32, #tpu.memory_space<hbm>>
    tpu.enqueue_dma source(%dma_start3A_259 : memref<8x128xi32, #tpu.memory_space<hbm>>) target(%arg8 : memref<8x128xi32, #tpu.memory_space<vmem>>) target_semaphore(%arg16 : memref<!tpu.dma_semaphore, #tpu.memory_space<semaphore_mem>>)
    %dma_start3A_260 = arith.constant 7 : i32
    %dma_start3A_261 = arith.constant 0 : i32
    %dma_start3A_262 = tpu.memref_slice %arg7[%dma_start3A_260, %dma_start3A_261] : memref<80x128xi32, #tpu.memory_space<vmem>> -> memref<1x128xi32, #tpu.memory_space<vmem>>
    %dma_start3A_263 = tpu.memref_squeeze %dma_start3A_262 : memref<1x128xi32, #tpu.memory_space<vmem>> -> memref<128xi32, #tpu.memory_space<vmem>>
    %dma_start3A_264 = arith.constant 0 : i32
    %dma_start3A_265 = arith.constant 0 : i32
    %dma_start3A_266 = tpu.memref_slice %arg6[%dma_start3A_264, %dma_start3A_265] : memref<10112x128xf32, #tpu.memory_space<vmem_shared>> -> memref<10112x128xf32, #tpu.memory_space<vmem_shared>>
    tpu.enqueue_indirect_dma source(%arg11 : memref<128x128xf32, #tpu.memory_space<vmem>>) target(%dma_start3A_266 : memref<10112x128xf32, #tpu.memory_space<vmem_shared>>) offsets(%dma_start3A_263 : memref<128xi32, #tpu.memory_space<vmem>>) semaphore(%arg15 : memref<!tpu.dma_semaphore, #tpu.memory_space<semaphore_mem>>) {add = true}
    %dma_wait3A_267 = arith.constant 0 : i32
    %dma_wait3A_268 = arith.constant 0 : i32
    %dma_wait3A_269 = tpu.memref_slice %arg7[%dma_wait3A_267, %dma_wait3A_268] : memref<80x128xi32, #tpu.memory_space<vmem>> -> memref<1x128xi32, #tpu.memory_space<vmem>>
    %dma_wait3A_270 = tpu.memref_squeeze %dma_wait3A_269 : memref<1x128xi32, #tpu.memory_space<vmem>> -> memref<128xi32, #tpu.memory_space<vmem>>
    %dma_wait3A_271 = arith.constant 0 : i32
    %dma_wait3A_272 = arith.constant 0 : i32
    %dma_wait3A_273 = tpu.memref_slice %arg6[%dma_wait3A_271, %dma_wait3A_272] : memref<10112x128xf32, #tpu.memory_space<vmem_shared>> -> memref<10112x128xf32, #tpu.memory_space<vmem_shared>>
    tpu.wait_indirect_dma semaphore(%arg15 : memref<!tpu.dma_semaphore, #tpu.memory_space<semaphore_mem>>) src(%arg11 : memref<128x128xf32, #tpu.memory_space<vmem>>) dst(%dma_wait3A_273 : memref<10112x128xf32, #tpu.memory_space<vmem_shared>>)
    %dma_start3A_274 = arith.constant 1 : i32
    %dma_start3A_275 = arith.constant 0 : i32
    %dma_start3A_276 = tpu.memref_slice %arg9[%dma_start3A_274, %dma_start3A_275] : memref<8x128xi32, #tpu.memory_space<vmem>> -> memref<1x128xi32, #tpu.memory_space<vmem>>
    %dma_start3A_277 = tpu.memref_squeeze %dma_start3A_276 : memref<1x128xi32, #tpu.memory_space<vmem>> -> memref<128xi32, #tpu.memory_space<vmem>>
    %dma_start3A_278 = arith.constant 0 : i32
    %dma_start3A_279 = arith.constant 0 : i32
    %dma_start3A_280 = tpu.memref_slice %arg2[%dma_start3A_278, %dma_start3A_279] : memref<10112x128xf32, #tpu.memory_space<hbm>> -> memref<10112x128xf32, #tpu.memory_space<hbm>>
    tpu.enqueue_indirect_dma source(%dma_start3A_280 : memref<10112x128xf32, #tpu.memory_space<hbm>>) target(%arg11 : memref<128x128xf32, #tpu.memory_space<vmem>>) offsets(%dma_start3A_277 : memref<128xi32, #tpu.memory_space<vmem>>) semaphore(%arg13 : memref<!tpu.dma_semaphore, #tpu.memory_space<semaphore_mem>>)
    %dma_wait3A_281 = arith.constant 0 : i32
    %dma_wait3A_282 = arith.constant 0 : i32
    %dma_wait3A_283 = tpu.memref_slice %arg8[%dma_wait3A_281, %dma_wait3A_282] : memref<8x128xi32, #tpu.memory_space<vmem>> -> memref<1x128xi32, #tpu.memory_space<vmem>>
    %dma_wait3A_284 = tpu.memref_squeeze %dma_wait3A_283 : memref<1x128xi32, #tpu.memory_space<vmem>> -> memref<128xi32, #tpu.memory_space<vmem>>
    %dma_wait3A_285 = arith.constant 0 : i32
    %dma_wait3A_286 = arith.constant 0 : i32
    %dma_wait3A_287 = tpu.memref_slice %arg2[%dma_wait3A_285, %dma_wait3A_286] : memref<10112x128xf32, #tpu.memory_space<hbm>> -> memref<10112x128xf32, #tpu.memory_space<hbm>>
    tpu.wait_indirect_dma semaphore(%arg12 : memref<!tpu.dma_semaphore, #tpu.memory_space<semaphore_mem>>) src(%dma_wait3A_287 : memref<10112x128xf32, #tpu.memory_space<hbm>>) dst(%arg10 : memref<128x128xf32, #tpu.memory_space<vmem>>)
    %dma_start3A_288 = arith.constant 8 : i32
    %dma_start3A_289 = arith.constant 0 : i32
    %dma_start3A_290 = tpu.memref_slice %arg7[%dma_start3A_288, %dma_start3A_289] : memref<80x128xi32, #tpu.memory_space<vmem>> -> memref<1x128xi32, #tpu.memory_space<vmem>>
    %dma_start3A_291 = tpu.memref_squeeze %dma_start3A_290 : memref<1x128xi32, #tpu.memory_space<vmem>> -> memref<128xi32, #tpu.memory_space<vmem>>
    %dma_start3A_292 = arith.constant 0 : i32
    %dma_start3A_293 = arith.constant 0 : i32
    %dma_start3A_294 = tpu.memref_slice %arg6[%dma_start3A_292, %dma_start3A_293] : memref<10112x128xf32, #tpu.memory_space<vmem_shared>> -> memref<10112x128xf32, #tpu.memory_space<vmem_shared>>
    tpu.enqueue_indirect_dma source(%arg10 : memref<128x128xf32, #tpu.memory_space<vmem>>) target(%dma_start3A_294 : memref<10112x128xf32, #tpu.memory_space<vmem_shared>>) offsets(%dma_start3A_291 : memref<128xi32, #tpu.memory_space<vmem>>) semaphore(%arg14 : memref<!tpu.dma_semaphore, #tpu.memory_space<semaphore_mem>>) {add = true}
    %dma_wait3A_295 = arith.constant 0 : i32
    %dma_wait3A_296 = arith.constant 0 : i32
    %dma_wait3A_297 = tpu.memref_slice %arg7[%dma_wait3A_295, %dma_wait3A_296] : memref<80x128xi32, #tpu.memory_space<vmem>> -> memref<1x128xi32, #tpu.memory_space<vmem>>
    %dma_wait3A_298 = tpu.memref_squeeze %dma_wait3A_297 : memref<1x128xi32, #tpu.memory_space<vmem>> -> memref<128xi32, #tpu.memory_space<vmem>>
    %dma_wait3A_299 = arith.constant 0 : i32
    %dma_wait3A_300 = arith.constant 0 : i32
    %dma_wait3A_301 = tpu.memref_slice %arg6[%dma_wait3A_299, %dma_wait3A_300] : memref<10112x128xf32, #tpu.memory_space<vmem_shared>> -> memref<10112x128xf32, #tpu.memory_space<vmem_shared>>
    tpu.wait_indirect_dma semaphore(%arg14 : memref<!tpu.dma_semaphore, #tpu.memory_space<semaphore_mem>>) src(%arg10 : memref<128x128xf32, #tpu.memory_space<vmem>>) dst(%dma_wait3A_301 : memref<10112x128xf32, #tpu.memory_space<vmem_shared>>)
    %dma_start3A_302 = arith.constant 2 : i32
    %dma_start3A_303 = arith.constant 0 : i32
    %dma_start3A_304 = tpu.memref_slice %arg9[%dma_start3A_302, %dma_start3A_303] : memref<8x128xi32, #tpu.memory_space<vmem>> -> memref<1x128xi32, #tpu.memory_space<vmem>>
    %dma_start3A_305 = tpu.memref_squeeze %dma_start3A_304 : memref<1x128xi32, #tpu.memory_space<vmem>> -> memref<128xi32, #tpu.memory_space<vmem>>
    %dma_start3A_306 = arith.constant 0 : i32
    %dma_start3A_307 = arith.constant 0 : i32
    %dma_start3A_308 = tpu.memref_slice %arg2[%dma_start3A_306, %dma_start3A_307] : memref<10112x128xf32, #tpu.memory_space<hbm>> -> memref<10112x128xf32, #tpu.memory_space<hbm>>
    tpu.enqueue_indirect_dma source(%dma_start3A_308 : memref<10112x128xf32, #tpu.memory_space<hbm>>) target(%arg10 : memref<128x128xf32, #tpu.memory_space<vmem>>) offsets(%dma_start3A_305 : memref<128xi32, #tpu.memory_space<vmem>>) semaphore(%arg12 : memref<!tpu.dma_semaphore, #tpu.memory_space<semaphore_mem>>)
    %dma_wait3A_309 = arith.constant 0 : i32
    %dma_wait3A_310 = arith.constant 0 : i32
    %dma_wait3A_311 = tpu.memref_slice %arg8[%dma_wait3A_309, %dma_wait3A_310] : memref<8x128xi32, #tpu.memory_space<vmem>> -> memref<1x128xi32, #tpu.memory_space<vmem>>
    %dma_wait3A_312 = tpu.memref_squeeze %dma_wait3A_311 : memref<1x128xi32, #tpu.memory_space<vmem>> -> memref<128xi32, #tpu.memory_space<vmem>>
    %dma_wait3A_313 = arith.constant 0 : i32
    %dma_wait3A_314 = arith.constant 0 : i32
    %dma_wait3A_315 = tpu.memref_slice %arg2[%dma_wait3A_313, %dma_wait3A_314] : memref<10112x128xf32, #tpu.memory_space<hbm>> -> memref<10112x128xf32, #tpu.memory_space<hbm>>
    tpu.wait_indirect_dma semaphore(%arg13 : memref<!tpu.dma_semaphore, #tpu.memory_space<semaphore_mem>>) src(%dma_wait3A_315 : memref<10112x128xf32, #tpu.memory_space<hbm>>) dst(%arg11 : memref<128x128xf32, #tpu.memory_space<vmem>>)
    %dma_start3A_316 = arith.constant 9 : i32
    %dma_start3A_317 = arith.constant 0 : i32
    %dma_start3A_318 = tpu.memref_slice %arg7[%dma_start3A_316, %dma_start3A_317] : memref<80x128xi32, #tpu.memory_space<vmem>> -> memref<1x128xi32, #tpu.memory_space<vmem>>
    %dma_start3A_319 = tpu.memref_squeeze %dma_start3A_318 : memref<1x128xi32, #tpu.memory_space<vmem>> -> memref<128xi32, #tpu.memory_space<vmem>>
    %dma_start3A_320 = arith.constant 0 : i32
    %dma_start3A_321 = arith.constant 0 : i32
    %dma_start3A_322 = tpu.memref_slice %arg6[%dma_start3A_320, %dma_start3A_321] : memref<10112x128xf32, #tpu.memory_space<vmem_shared>> -> memref<10112x128xf32, #tpu.memory_space<vmem_shared>>
    tpu.enqueue_indirect_dma source(%arg11 : memref<128x128xf32, #tpu.memory_space<vmem>>) target(%dma_start3A_322 : memref<10112x128xf32, #tpu.memory_space<vmem_shared>>) offsets(%dma_start3A_319 : memref<128xi32, #tpu.memory_space<vmem>>) semaphore(%arg15 : memref<!tpu.dma_semaphore, #tpu.memory_space<semaphore_mem>>) {add = true}
    %dma_wait3A_323 = arith.constant 0 : i32
    %dma_wait3A_324 = arith.constant 0 : i32
    %dma_wait3A_325 = tpu.memref_slice %arg7[%dma_wait3A_323, %dma_wait3A_324] : memref<80x128xi32, #tpu.memory_space<vmem>> -> memref<1x128xi32, #tpu.memory_space<vmem>>
    %dma_wait3A_326 = tpu.memref_squeeze %dma_wait3A_325 : memref<1x128xi32, #tpu.memory_space<vmem>> -> memref<128xi32, #tpu.memory_space<vmem>>
    %dma_wait3A_327 = arith.constant 0 : i32
    %dma_wait3A_328 = arith.constant 0 : i32
    %dma_wait3A_329 = tpu.memref_slice %arg6[%dma_wait3A_327, %dma_wait3A_328] : memref<10112x128xf32, #tpu.memory_space<vmem_shared>> -> memref<10112x128xf32, #tpu.memory_space<vmem_shared>>
    tpu.wait_indirect_dma semaphore(%arg15 : memref<!tpu.dma_semaphore, #tpu.memory_space<semaphore_mem>>) src(%arg11 : memref<128x128xf32, #tpu.memory_space<vmem>>) dst(%dma_wait3A_329 : memref<10112x128xf32, #tpu.memory_space<vmem_shared>>)
    %dma_start3A_330 = arith.constant 3 : i32
    %dma_start3A_331 = arith.constant 0 : i32
    %dma_start3A_332 = tpu.memref_slice %arg9[%dma_start3A_330, %dma_start3A_331] : memref<8x128xi32, #tpu.memory_space<vmem>> -> memref<1x128xi32, #tpu.memory_space<vmem>>
    %dma_start3A_333 = tpu.memref_squeeze %dma_start3A_332 : memref<1x128xi32, #tpu.memory_space<vmem>> -> memref<128xi32, #tpu.memory_space<vmem>>
    %dma_start3A_334 = arith.constant 0 : i32
    %dma_start3A_335 = arith.constant 0 : i32
    %dma_start3A_336 = tpu.memref_slice %arg2[%dma_start3A_334, %dma_start3A_335] : memref<10112x128xf32, #tpu.memory_space<hbm>> -> memref<10112x128xf32, #tpu.memory_space<hbm>>
    tpu.enqueue_indirect_dma source(%dma_start3A_336 : memref<10112x128xf32, #tpu.memory_space<hbm>>) target(%arg11 : memref<128x128xf32, #tpu.memory_space<vmem>>) offsets(%dma_start3A_333 : memref<128xi32, #tpu.memory_space<vmem>>) semaphore(%arg13 : memref<!tpu.dma_semaphore, #tpu.memory_space<semaphore_mem>>)
    %dma_wait3A_337 = arith.constant 0 : i32
    %dma_wait3A_338 = arith.constant 0 : i32
    %dma_wait3A_339 = tpu.memref_slice %arg8[%dma_wait3A_337, %dma_wait3A_338] : memref<8x128xi32, #tpu.memory_space<vmem>> -> memref<1x128xi32, #tpu.memory_space<vmem>>
    %dma_wait3A_340 = tpu.memref_squeeze %dma_wait3A_339 : memref<1x128xi32, #tpu.memory_space<vmem>> -> memref<128xi32, #tpu.memory_space<vmem>>
    %dma_wait3A_341 = arith.constant 0 : i32
    %dma_wait3A_342 = arith.constant 0 : i32
    %dma_wait3A_343 = tpu.memref_slice %arg2[%dma_wait3A_341, %dma_wait3A_342] : memref<10112x128xf32, #tpu.memory_space<hbm>> -> memref<10112x128xf32, #tpu.memory_space<hbm>>
    tpu.wait_indirect_dma semaphore(%arg12 : memref<!tpu.dma_semaphore, #tpu.memory_space<semaphore_mem>>) src(%dma_wait3A_343 : memref<10112x128xf32, #tpu.memory_space<hbm>>) dst(%arg10 : memref<128x128xf32, #tpu.memory_space<vmem>>)
    %dma_start3A_344 = arith.constant 10 : i32
    %dma_start3A_345 = arith.constant 0 : i32
    %dma_start3A_346 = tpu.memref_slice %arg7[%dma_start3A_344, %dma_start3A_345] : memref<80x128xi32, #tpu.memory_space<vmem>> -> memref<1x128xi32, #tpu.memory_space<vmem>>
    %dma_start3A_347 = tpu.memref_squeeze %dma_start3A_346 : memref<1x128xi32, #tpu.memory_space<vmem>> -> memref<128xi32, #tpu.memory_space<vmem>>
    %dma_start3A_348 = arith.constant 0 : i32
    %dma_start3A_349 = arith.constant 0 : i32
    %dma_start3A_350 = tpu.memref_slice %arg6[%dma_start3A_348, %dma_start3A_349] : memref<10112x128xf32, #tpu.memory_space<vmem_shared>> -> memref<10112x128xf32, #tpu.memory_space<vmem_shared>>
    tpu.enqueue_indirect_dma source(%arg10 : memref<128x128xf32, #tpu.memory_space<vmem>>) target(%dma_start3A_350 : memref<10112x128xf32, #tpu.memory_space<vmem_shared>>) offsets(%dma_start3A_347 : memref<128xi32, #tpu.memory_space<vmem>>) semaphore(%arg14 : memref<!tpu.dma_semaphore, #tpu.memory_space<semaphore_mem>>) {add = true}
    %dma_wait3A_351 = arith.constant 0 : i32
    %dma_wait3A_352 = arith.constant 0 : i32
    %dma_wait3A_353 = tpu.memref_slice %arg7[%dma_wait3A_351, %dma_wait3A_352] : memref<80x128xi32, #tpu.memory_space<vmem>> -> memref<1x128xi32, #tpu.memory_space<vmem>>
    %dma_wait3A_354 = tpu.memref_squeeze %dma_wait3A_353 : memref<1x128xi32, #tpu.memory_space<vmem>> -> memref<128xi32, #tpu.memory_space<vmem>>
    %dma_wait3A_355 = arith.constant 0 : i32
    %dma_wait3A_356 = arith.constant 0 : i32
    %dma_wait3A_357 = tpu.memref_slice %arg6[%dma_wait3A_355, %dma_wait3A_356] : memref<10112x128xf32, #tpu.memory_space<vmem_shared>> -> memref<10112x128xf32, #tpu.memory_space<vmem_shared>>
    tpu.wait_indirect_dma semaphore(%arg14 : memref<!tpu.dma_semaphore, #tpu.memory_space<semaphore_mem>>) src(%arg10 : memref<128x128xf32, #tpu.memory_space<vmem>>) dst(%dma_wait3A_357 : memref<10112x128xf32, #tpu.memory_space<vmem_shared>>)
    %dma_start3A_358 = arith.constant 4 : i32
    %dma_start3A_359 = arith.constant 0 : i32
    %dma_start3A_360 = tpu.memref_slice %arg9[%dma_start3A_358, %dma_start3A_359] : memref<8x128xi32, #tpu.memory_space<vmem>> -> memref<1x128xi32, #tpu.memory_space<vmem>>
    %dma_start3A_361 = tpu.memref_squeeze %dma_start3A_360 : memref<1x128xi32, #tpu.memory_space<vmem>> -> memref<128xi32, #tpu.memory_space<vmem>>
    %dma_start3A_362 = arith.constant 0 : i32
    %dma_start3A_363 = arith.constant 0 : i32
    %dma_start3A_364 = tpu.memref_slice %arg2[%dma_start3A_362, %dma_start3A_363] : memref<10112x128xf32, #tpu.memory_space<hbm>> -> memref<10112x128xf32, #tpu.memory_space<hbm>>
    tpu.enqueue_indirect_dma source(%dma_start3A_364 : memref<10112x128xf32, #tpu.memory_space<hbm>>) target(%arg10 : memref<128x128xf32, #tpu.memory_space<vmem>>) offsets(%dma_start3A_361 : memref<128xi32, #tpu.memory_space<vmem>>) semaphore(%arg12 : memref<!tpu.dma_semaphore, #tpu.memory_space<semaphore_mem>>)
    %dma_wait3A_365 = arith.constant 0 : i32
    %dma_wait3A_366 = arith.constant 0 : i32
    %dma_wait3A_367 = tpu.memref_slice %arg8[%dma_wait3A_365, %dma_wait3A_366] : memref<8x128xi32, #tpu.memory_space<vmem>> -> memref<1x128xi32, #tpu.memory_space<vmem>>
    %dma_wait3A_368 = tpu.memref_squeeze %dma_wait3A_367 : memref<1x128xi32, #tpu.memory_space<vmem>> -> memref<128xi32, #tpu.memory_space<vmem>>
    %dma_wait3A_369 = arith.constant 0 : i32
    %dma_wait3A_370 = arith.constant 0 : i32
    %dma_wait3A_371 = tpu.memref_slice %arg2[%dma_wait3A_369, %dma_wait3A_370] : memref<10112x128xf32, #tpu.memory_space<hbm>> -> memref<10112x128xf32, #tpu.memory_space<hbm>>
    tpu.wait_indirect_dma semaphore(%arg13 : memref<!tpu.dma_semaphore, #tpu.memory_space<semaphore_mem>>) src(%dma_wait3A_371 : memref<10112x128xf32, #tpu.memory_space<hbm>>) dst(%arg11 : memref<128x128xf32, #tpu.memory_space<vmem>>)
    %dma_start3A_372 = arith.constant 11 : i32
    %dma_start3A_373 = arith.constant 0 : i32
    %dma_start3A_374 = tpu.memref_slice %arg7[%dma_start3A_372, %dma_start3A_373] : memref<80x128xi32, #tpu.memory_space<vmem>> -> memref<1x128xi32, #tpu.memory_space<vmem>>
    %dma_start3A_375 = tpu.memref_squeeze %dma_start3A_374 : memref<1x128xi32, #tpu.memory_space<vmem>> -> memref<128xi32, #tpu.memory_space<vmem>>
    %dma_start3A_376 = arith.constant 0 : i32
    %dma_start3A_377 = arith.constant 0 : i32
    %dma_start3A_378 = tpu.memref_slice %arg6[%dma_start3A_376, %dma_start3A_377] : memref<10112x128xf32, #tpu.memory_space<vmem_shared>> -> memref<10112x128xf32, #tpu.memory_space<vmem_shared>>
    tpu.enqueue_indirect_dma source(%arg11 : memref<128x128xf32, #tpu.memory_space<vmem>>) target(%dma_start3A_378 : memref<10112x128xf32, #tpu.memory_space<vmem_shared>>) offsets(%dma_start3A_375 : memref<128xi32, #tpu.memory_space<vmem>>) semaphore(%arg15 : memref<!tpu.dma_semaphore, #tpu.memory_space<semaphore_mem>>) {add = true}
    %dma_wait3A_379 = arith.constant 0 : i32
    %dma_wait3A_380 = arith.constant 0 : i32
    %dma_wait3A_381 = tpu.memref_slice %arg7[%dma_wait3A_379, %dma_wait3A_380] : memref<80x128xi32, #tpu.memory_space<vmem>> -> memref<1x128xi32, #tpu.memory_space<vmem>>
    %dma_wait3A_382 = tpu.memref_squeeze %dma_wait3A_381 : memref<1x128xi32, #tpu.memory_space<vmem>> -> memref<128xi32, #tpu.memory_space<vmem>>
    %dma_wait3A_383 = arith.constant 0 : i32
    %dma_wait3A_384 = arith.constant 0 : i32
    %dma_wait3A_385 = tpu.memref_slice %arg6[%dma_wait3A_383, %dma_wait3A_384] : memref<10112x128xf32, #tpu.memory_space<vmem_shared>> -> memref<10112x128xf32, #tpu.memory_space<vmem_shared>>
    tpu.wait_indirect_dma semaphore(%arg15 : memref<!tpu.dma_semaphore, #tpu.memory_space<semaphore_mem>>) src(%arg11 : memref<128x128xf32, #tpu.memory_space<vmem>>) dst(%dma_wait3A_385 : memref<10112x128xf32, #tpu.memory_space<vmem_shared>>)
    %dma_start3A_386 = arith.constant 5 : i32
    %dma_start3A_387 = arith.constant 0 : i32
    %dma_start3A_388 = tpu.memref_slice %arg9[%dma_start3A_386, %dma_start3A_387] : memref<8x128xi32, #tpu.memory_space<vmem>> -> memref<1x128xi32, #tpu.memory_space<vmem>>
    %dma_start3A_389 = tpu.memref_squeeze %dma_start3A_388 : memref<1x128xi32, #tpu.memory_space<vmem>> -> memref<128xi32, #tpu.memory_space<vmem>>
    %dma_start3A_390 = arith.constant 0 : i32
    %dma_start3A_391 = arith.constant 0 : i32
    %dma_start3A_392 = tpu.memref_slice %arg2[%dma_start3A_390, %dma_start3A_391] : memref<10112x128xf32, #tpu.memory_space<hbm>> -> memref<10112x128xf32, #tpu.memory_space<hbm>>
    tpu.enqueue_indirect_dma source(%dma_start3A_392 : memref<10112x128xf32, #tpu.memory_space<hbm>>) target(%arg11 : memref<128x128xf32, #tpu.memory_space<vmem>>) offsets(%dma_start3A_389 : memref<128xi32, #tpu.memory_space<vmem>>) semaphore(%arg13 : memref<!tpu.dma_semaphore, #tpu.memory_space<semaphore_mem>>)
    %dma_wait3A_393 = arith.constant 0 : i32
    %dma_wait3A_394 = arith.constant 0 : i32
    %dma_wait3A_395 = tpu.memref_slice %arg8[%dma_wait3A_393, %dma_wait3A_394] : memref<8x128xi32, #tpu.memory_space<vmem>> -> memref<1x128xi32, #tpu.memory_space<vmem>>
    %dma_wait3A_396 = tpu.memref_squeeze %dma_wait3A_395 : memref<1x128xi32, #tpu.memory_space<vmem>> -> memref<128xi32, #tpu.memory_space<vmem>>
    %dma_wait3A_397 = arith.constant 0 : i32
    %dma_wait3A_398 = arith.constant 0 : i32
    %dma_wait3A_399 = tpu.memref_slice %arg2[%dma_wait3A_397, %dma_wait3A_398] : memref<10112x128xf32, #tpu.memory_space<hbm>> -> memref<10112x128xf32, #tpu.memory_space<hbm>>
    tpu.wait_indirect_dma semaphore(%arg12 : memref<!tpu.dma_semaphore, #tpu.memory_space<semaphore_mem>>) src(%dma_wait3A_399 : memref<10112x128xf32, #tpu.memory_space<hbm>>) dst(%arg10 : memref<128x128xf32, #tpu.memory_space<vmem>>)
    %dma_start3A_400 = arith.constant 12 : i32
    %dma_start3A_401 = arith.constant 0 : i32
    %dma_start3A_402 = tpu.memref_slice %arg7[%dma_start3A_400, %dma_start3A_401] : memref<80x128xi32, #tpu.memory_space<vmem>> -> memref<1x128xi32, #tpu.memory_space<vmem>>
    %dma_start3A_403 = tpu.memref_squeeze %dma_start3A_402 : memref<1x128xi32, #tpu.memory_space<vmem>> -> memref<128xi32, #tpu.memory_space<vmem>>
    %dma_start3A_404 = arith.constant 0 : i32
    %dma_start3A_405 = arith.constant 0 : i32
    %dma_start3A_406 = tpu.memref_slice %arg6[%dma_start3A_404, %dma_start3A_405] : memref<10112x128xf32, #tpu.memory_space<vmem_shared>> -> memref<10112x128xf32, #tpu.memory_space<vmem_shared>>
    tpu.enqueue_indirect_dma source(%arg10 : memref<128x128xf32, #tpu.memory_space<vmem>>) target(%dma_start3A_406 : memref<10112x128xf32, #tpu.memory_space<vmem_shared>>) offsets(%dma_start3A_403 : memref<128xi32, #tpu.memory_space<vmem>>) semaphore(%arg14 : memref<!tpu.dma_semaphore, #tpu.memory_space<semaphore_mem>>) {add = true}
    %dma_wait3A_407 = arith.constant 0 : i32
    %dma_wait3A_408 = arith.constant 0 : i32
    %dma_wait3A_409 = tpu.memref_slice %arg7[%dma_wait3A_407, %dma_wait3A_408] : memref<80x128xi32, #tpu.memory_space<vmem>> -> memref<1x128xi32, #tpu.memory_space<vmem>>
    %dma_wait3A_410 = tpu.memref_squeeze %dma_wait3A_409 : memref<1x128xi32, #tpu.memory_space<vmem>> -> memref<128xi32, #tpu.memory_space<vmem>>
    %dma_wait3A_411 = arith.constant 0 : i32
    %dma_wait3A_412 = arith.constant 0 : i32
    %dma_wait3A_413 = tpu.memref_slice %arg6[%dma_wait3A_411, %dma_wait3A_412] : memref<10112x128xf32, #tpu.memory_space<vmem_shared>> -> memref<10112x128xf32, #tpu.memory_space<vmem_shared>>
    tpu.wait_indirect_dma semaphore(%arg14 : memref<!tpu.dma_semaphore, #tpu.memory_space<semaphore_mem>>) src(%arg10 : memref<128x128xf32, #tpu.memory_space<vmem>>) dst(%dma_wait3A_413 : memref<10112x128xf32, #tpu.memory_space<vmem_shared>>)
    %dma_start3A_414 = arith.constant 6 : i32
    %dma_start3A_415 = arith.constant 0 : i32
    %dma_start3A_416 = tpu.memref_slice %arg9[%dma_start3A_414, %dma_start3A_415] : memref<8x128xi32, #tpu.memory_space<vmem>> -> memref<1x128xi32, #tpu.memory_space<vmem>>
    %dma_start3A_417 = tpu.memref_squeeze %dma_start3A_416 : memref<1x128xi32, #tpu.memory_space<vmem>> -> memref<128xi32, #tpu.memory_space<vmem>>
    %dma_start3A_418 = arith.constant 0 : i32
    %dma_start3A_419 = arith.constant 0 : i32
    %dma_start3A_420 = tpu.memref_slice %arg2[%dma_start3A_418, %dma_start3A_419] : memref<10112x128xf32, #tpu.memory_space<hbm>> -> memref<10112x128xf32, #tpu.memory_space<hbm>>
    tpu.enqueue_indirect_dma source(%dma_start3A_420 : memref<10112x128xf32, #tpu.memory_space<hbm>>) target(%arg10 : memref<128x128xf32, #tpu.memory_space<vmem>>) offsets(%dma_start3A_417 : memref<128xi32, #tpu.memory_space<vmem>>) semaphore(%arg12 : memref<!tpu.dma_semaphore, #tpu.memory_space<semaphore_mem>>)
    %dma_wait3A_421 = arith.constant 0 : i32
    %dma_wait3A_422 = arith.constant 0 : i32
    %dma_wait3A_423 = tpu.memref_slice %arg8[%dma_wait3A_421, %dma_wait3A_422] : memref<8x128xi32, #tpu.memory_space<vmem>> -> memref<1x128xi32, #tpu.memory_space<vmem>>
    %dma_wait3A_424 = tpu.memref_squeeze %dma_wait3A_423 : memref<1x128xi32, #tpu.memory_space<vmem>> -> memref<128xi32, #tpu.memory_space<vmem>>
    %dma_wait3A_425 = arith.constant 0 : i32
    %dma_wait3A_426 = arith.constant 0 : i32
    %dma_wait3A_427 = tpu.memref_slice %arg2[%dma_wait3A_425, %dma_wait3A_426] : memref<10112x128xf32, #tpu.memory_space<hbm>> -> memref<10112x128xf32, #tpu.memory_space<hbm>>
    tpu.wait_indirect_dma semaphore(%arg13 : memref<!tpu.dma_semaphore, #tpu.memory_space<semaphore_mem>>) src(%dma_wait3A_427 : memref<10112x128xf32, #tpu.memory_space<hbm>>) dst(%arg11 : memref<128x128xf32, #tpu.memory_space<vmem>>)
    %dma_start3A_428 = arith.constant 13 : i32
    %dma_start3A_429 = arith.constant 0 : i32
    %dma_start3A_430 = tpu.memref_slice %arg7[%dma_start3A_428, %dma_start3A_429] : memref<80x128xi32, #tpu.memory_space<vmem>> -> memref<1x128xi32, #tpu.memory_space<vmem>>
    %dma_start3A_431 = tpu.memref_squeeze %dma_start3A_430 : memref<1x128xi32, #tpu.memory_space<vmem>> -> memref<128xi32, #tpu.memory_space<vmem>>
    %dma_start3A_432 = arith.constant 0 : i32
    %dma_start3A_433 = arith.constant 0 : i32
    %dma_start3A_434 = tpu.memref_slice %arg6[%dma_start3A_432, %dma_start3A_433] : memref<10112x128xf32, #tpu.memory_space<vmem_shared>> -> memref<10112x128xf32, #tpu.memory_space<vmem_shared>>
    tpu.enqueue_indirect_dma source(%arg11 : memref<128x128xf32, #tpu.memory_space<vmem>>) target(%dma_start3A_434 : memref<10112x128xf32, #tpu.memory_space<vmem_shared>>) offsets(%dma_start3A_431 : memref<128xi32, #tpu.memory_space<vmem>>) semaphore(%arg15 : memref<!tpu.dma_semaphore, #tpu.memory_space<semaphore_mem>>) {add = true}
    %dma_wait3A_435 = arith.constant 0 : i32
    %dma_wait3A_436 = arith.constant 0 : i32
    %dma_wait3A_437 = tpu.memref_slice %arg7[%dma_wait3A_435, %dma_wait3A_436] : memref<80x128xi32, #tpu.memory_space<vmem>> -> memref<1x128xi32, #tpu.memory_space<vmem>>
    %dma_wait3A_438 = tpu.memref_squeeze %dma_wait3A_437 : memref<1x128xi32, #tpu.memory_space<vmem>> -> memref<128xi32, #tpu.memory_space<vmem>>
    %dma_wait3A_439 = arith.constant 0 : i32
    %dma_wait3A_440 = arith.constant 0 : i32
    %dma_wait3A_441 = tpu.memref_slice %arg6[%dma_wait3A_439, %dma_wait3A_440] : memref<10112x128xf32, #tpu.memory_space<vmem_shared>> -> memref<10112x128xf32, #tpu.memory_space<vmem_shared>>
    tpu.wait_indirect_dma semaphore(%arg15 : memref<!tpu.dma_semaphore, #tpu.memory_space<semaphore_mem>>) src(%arg11 : memref<128x128xf32, #tpu.memory_space<vmem>>) dst(%dma_wait3A_441 : memref<10112x128xf32, #tpu.memory_space<vmem_shared>>)
    %dma_start3A_442 = arith.constant 7 : i32
    %dma_start3A_443 = arith.constant 0 : i32
    %dma_start3A_444 = tpu.memref_slice %arg9[%dma_start3A_442, %dma_start3A_443] : memref<8x128xi32, #tpu.memory_space<vmem>> -> memref<1x128xi32, #tpu.memory_space<vmem>>
    %dma_start3A_445 = tpu.memref_squeeze %dma_start3A_444 : memref<1x128xi32, #tpu.memory_space<vmem>> -> memref<128xi32, #tpu.memory_space<vmem>>
    %dma_start3A_446 = arith.constant 0 : i32
    %dma_start3A_447 = arith.constant 0 : i32
    %dma_start3A_448 = tpu.memref_slice %arg2[%dma_start3A_446, %dma_start3A_447] : memref<10112x128xf32, #tpu.memory_space<hbm>> -> memref<10112x128xf32, #tpu.memory_space<hbm>>
    tpu.enqueue_indirect_dma source(%dma_start3A_448 : memref<10112x128xf32, #tpu.memory_space<hbm>>) target(%arg11 : memref<128x128xf32, #tpu.memory_space<vmem>>) offsets(%dma_start3A_445 : memref<128xi32, #tpu.memory_space<vmem>>) semaphore(%arg13 : memref<!tpu.dma_semaphore, #tpu.memory_space<semaphore_mem>>)
    %dma_wait3A_449 = arith.constant 0 : i32
    %dma_wait3A_450 = arith.constant 0 : i32
    %dma_wait3A_451 = tpu.memref_slice %arg8[%dma_wait3A_449, %dma_wait3A_450] : memref<8x128xi32, #tpu.memory_space<vmem>> -> memref<1x128xi32, #tpu.memory_space<vmem>>
    %dma_wait3A_452 = tpu.memref_squeeze %dma_wait3A_451 : memref<1x128xi32, #tpu.memory_space<vmem>> -> memref<128xi32, #tpu.memory_space<vmem>>
    %dma_wait3A_453 = arith.constant 0 : i32
    %dma_wait3A_454 = arith.constant 0 : i32
    %dma_wait3A_455 = tpu.memref_slice %arg2[%dma_wait3A_453, %dma_wait3A_454] : memref<10112x128xf32, #tpu.memory_space<hbm>> -> memref<10112x128xf32, #tpu.memory_space<hbm>>
    tpu.wait_indirect_dma semaphore(%arg12 : memref<!tpu.dma_semaphore, #tpu.memory_space<semaphore_mem>>) src(%dma_wait3A_455 : memref<10112x128xf32, #tpu.memory_space<hbm>>) dst(%arg10 : memref<128x128xf32, #tpu.memory_space<vmem>>)
    %dma_start3A_456 = arith.constant 14 : i32
    %dma_start3A_457 = arith.constant 0 : i32
    %dma_start3A_458 = tpu.memref_slice %arg7[%dma_start3A_456, %dma_start3A_457] : memref<80x128xi32, #tpu.memory_space<vmem>> -> memref<1x128xi32, #tpu.memory_space<vmem>>
    %dma_start3A_459 = tpu.memref_squeeze %dma_start3A_458 : memref<1x128xi32, #tpu.memory_space<vmem>> -> memref<128xi32, #tpu.memory_space<vmem>>
    %dma_start3A_460 = arith.constant 0 : i32
    %dma_start3A_461 = arith.constant 0 : i32
    %dma_start3A_462 = tpu.memref_slice %arg6[%dma_start3A_460, %dma_start3A_461] : memref<10112x128xf32, #tpu.memory_space<vmem_shared>> -> memref<10112x128xf32, #tpu.memory_space<vmem_shared>>
    tpu.enqueue_indirect_dma source(%arg10 : memref<128x128xf32, #tpu.memory_space<vmem>>) target(%dma_start3A_462 : memref<10112x128xf32, #tpu.memory_space<vmem_shared>>) offsets(%dma_start3A_459 : memref<128xi32, #tpu.memory_space<vmem>>) semaphore(%arg14 : memref<!tpu.dma_semaphore, #tpu.memory_space<semaphore_mem>>) {add = true}
    %dma_wait3A_463 = arith.constant 0 : i32
    %dma_wait3A_464 = arith.constant 0 : i32
    %dma_wait3A_465 = tpu.memref_slice %arg7[%dma_wait3A_463, %dma_wait3A_464] : memref<80x128xi32, #tpu.memory_space<vmem>> -> memref<1x128xi32, #tpu.memory_space<vmem>>
    %dma_wait3A_466 = tpu.memref_squeeze %dma_wait3A_465 : memref<1x128xi32, #tpu.memory_space<vmem>> -> memref<128xi32, #tpu.memory_space<vmem>>
    %dma_wait3A_467 = arith.constant 0 : i32
    %dma_wait3A_468 = arith.constant 0 : i32
    %dma_wait3A_469 = tpu.memref_slice %arg6[%dma_wait3A_467, %dma_wait3A_468] : memref<10112x128xf32, #tpu.memory_space<vmem_shared>> -> memref<10112x128xf32, #tpu.memory_space<vmem_shared>>
    tpu.wait_indirect_dma semaphore(%arg14 : memref<!tpu.dma_semaphore, #tpu.memory_space<semaphore_mem>>) src(%arg10 : memref<128x128xf32, #tpu.memory_space<vmem>>) dst(%dma_wait3A_469 : memref<10112x128xf32, #tpu.memory_space<vmem_shared>>)
    %dma_wait3A_470 = arith.constant 0 : i32
    %dma_wait3A_471 = arith.constant 0 : i32
    %dma_wait3A_472 = tpu.memref_slice %arg3[%add3A, %dma_wait3A_470, %dma_wait3A_471] : memref<32x80x128xi32, #tpu.memory_space<hbm>> -> memref<1x8x128xi32, #tpu.memory_space<hbm>>
    %dma_wait3A_473 = tpu.memref_squeeze %dma_wait3A_472 : memref<1x8x128xi32, #tpu.memory_space<hbm>> -> memref<8x128xi32, #tpu.memory_space<hbm>>
    %dma_wait3A_474 = arith.constant 0 : i32
    %dma_wait3A_475 = arith.constant 0 : i32
    %dma_wait3A_476 = tpu.memref_slice %arg3[%add3A, %dma_wait3A_474, %dma_wait3A_475] : memref<32x80x128xi32, #tpu.memory_space<hbm>> -> memref<1x8x128xi32, #tpu.memory_space<hbm>>
    %dma_wait3A_477 = tpu.memref_squeeze %dma_wait3A_476 : memref<1x8x128xi32, #tpu.memory_space<hbm>> -> memref<8x128xi32, #tpu.memory_space<hbm>>
    tpu.wait_dma2 semaphore(%arg16 : memref<!tpu.dma_semaphore, #tpu.memory_space<semaphore_mem>>) src(%dma_wait3A_477 : memref<8x128xi32, #tpu.memory_space<hbm>>) dst(%arg8 : memref<8x128xi32, #tpu.memory_space<vmem>>)
    %dma_start3A_478 = arith.constant 0 : i32
    %dma_start3A_479 = arith.constant 0 : i32
    %dma_start3A_480 = tpu.memref_slice %arg8[%dma_start3A_478, %dma_start3A_479] : memref<8x128xi32, #tpu.memory_space<vmem>> -> memref<1x128xi32, #tpu.memory_space<vmem>>
    %dma_start3A_481 = tpu.memref_squeeze %dma_start3A_480 : memref<1x128xi32, #tpu.memory_space<vmem>> -> memref<128xi32, #tpu.memory_space<vmem>>
    %dma_start3A_482 = arith.constant 0 : i32
    %dma_start3A_483 = arith.constant 0 : i32
    %dma_start3A_484 = tpu.memref_slice %arg2[%dma_start3A_482, %dma_start3A_483] : memref<10112x128xf32, #tpu.memory_space<hbm>> -> memref<10112x128xf32, #tpu.memory_space<hbm>>
    tpu.enqueue_indirect_dma source(%dma_start3A_484 : memref<10112x128xf32, #tpu.memory_space<hbm>>) target(%arg10 : memref<128x128xf32, #tpu.memory_space<vmem>>) offsets(%dma_start3A_481 : memref<128xi32, #tpu.memory_space<vmem>>) semaphore(%arg12 : memref<!tpu.dma_semaphore, #tpu.memory_space<semaphore_mem>>)
    %dma_wait3A_485 = arith.constant 0 : i32
    %dma_wait3A_486 = arith.constant 0 : i32
    %dma_wait3A_487 = tpu.memref_slice %arg8[%dma_wait3A_485, %dma_wait3A_486] : memref<8x128xi32, #tpu.memory_space<vmem>> -> memref<1x128xi32, #tpu.memory_space<vmem>>
    %dma_wait3A_488 = tpu.memref_squeeze %dma_wait3A_487 : memref<1x128xi32, #tpu.memory_space<vmem>> -> memref<128xi32, #tpu.memory_space<vmem>>
    %dma_wait3A_489 = arith.constant 0 : i32
    %dma_wait3A_490 = arith.constant 0 : i32
    %dma_wait3A_491 = tpu.memref_slice %arg2[%dma_wait3A_489, %dma_wait3A_490] : memref<10112x128xf32, #tpu.memory_space<hbm>> -> memref<10112x128xf32, #tpu.memory_space<hbm>>
    tpu.wait_indirect_dma semaphore(%arg13 : memref<!tpu.dma_semaphore, #tpu.memory_space<semaphore_mem>>) src(%dma_wait3A_491 : memref<10112x128xf32, #tpu.memory_space<hbm>>) dst(%arg11 : memref<128x128xf32, #tpu.memory_space<vmem>>)
    %dma_start3A_492 = arith.constant 24 : i32
    %dma_start3A_493 = arith.constant 0 : i32
    %dma_start3A_494 = tpu.memref_slice %arg3[%add3A, %dma_start3A_492, %dma_start3A_493] : memref<32x80x128xi32, #tpu.memory_space<hbm>> -> memref<1x8x128xi32, #tpu.memory_space<hbm>>
    %dma_start3A_495 = tpu.memref_squeeze %dma_start3A_494 : memref<1x8x128xi32, #tpu.memory_space<hbm>> -> memref<8x128xi32, #tpu.memory_space<hbm>>
    %dma_start3A_496 = arith.constant 24 : i32
    %dma_start3A_497 = arith.constant 0 : i32
    %dma_start3A_498 = tpu.memref_slice %arg3[%add3A, %dma_start3A_496, %dma_start3A_497] : memref<32x80x128xi32, #tpu.memory_space<hbm>> -> memref<1x8x128xi32, #tpu.memory_space<hbm>>
    %dma_start3A_499 = tpu.memref_squeeze %dma_start3A_498 : memref<1x8x128xi32, #tpu.memory_space<hbm>> -> memref<8x128xi32, #tpu.memory_space<hbm>>
    tpu.enqueue_dma source(%dma_start3A_499 : memref<8x128xi32, #tpu.memory_space<hbm>>) target(%arg9 : memref<8x128xi32, #tpu.memory_space<vmem>>) target_semaphore(%arg17 : memref<!tpu.dma_semaphore, #tpu.memory_space<semaphore_mem>>)
    %dma_start3A_500 = arith.constant 15 : i32
    %dma_start3A_501 = arith.constant 0 : i32
    %dma_start3A_502 = tpu.memref_slice %arg7[%dma_start3A_500, %dma_start3A_501] : memref<80x128xi32, #tpu.memory_space<vmem>> -> memref<1x128xi32, #tpu.memory_space<vmem>>
    %dma_start3A_503 = tpu.memref_squeeze %dma_start3A_502 : memref<1x128xi32, #tpu.memory_space<vmem>> -> memref<128xi32, #tpu.memory_space<vmem>>
    %dma_start3A_504 = arith.constant 0 : i32
    %dma_start3A_505 = arith.constant 0 : i32
    %dma_start3A_506 = tpu.memref_slice %arg6[%dma_start3A_504, %dma_start3A_505] : memref<10112x128xf32, #tpu.memory_space<vmem_shared>> -> memref<10112x128xf32, #tpu.memory_space<vmem_shared>>
    tpu.enqueue_indirect_dma source(%arg11 : memref<128x128xf32, #tpu.memory_space<vmem>>) target(%dma_start3A_506 : memref<10112x128xf32, #tpu.memory_space<vmem_shared>>) offsets(%dma_start3A_503 : memref<128xi32, #tpu.memory_space<vmem>>) semaphore(%arg15 : memref<!tpu.dma_semaphore, #tpu.memory_space<semaphore_mem>>) {add = true}
    %scan3A = arith.constant 0 : i32
    %scan3A_507 = arith.constant 1 : i32
    %scan3A_508 = arith.constant 4 : i32
    %scan3A_509 = arith.addi %scan3A_507, %scan3A_508 : i32
    %scan3A_510 = arith.constant 1 : i32
    %scan3A_511 = scf.for %scan3A_525 = %scan3A_507 to %scan3A_509 step %scan3A_510 iter_args(%scan3A_526 = %scan3A) -> (i32)  : i32 {
      %mul3A_527 = arith.constant 2 : i32
      %mul3A_528 = arith.muli %mul3A_527, %scan3A_525 : i32
      %add3A_529 = arith.constant 0 : i32
      %add3A_530 = arith.addi %mul3A_528, %add3A_529 : i32
      %mul3A_531 = arith.constant 8 : i32
      %mul3A_532 = arith.muli %add3A_530, %mul3A_531 : i32
      %add3A_533 = arith.constant 0 : i32
      %add3A_534 = arith.addi %mul3A_532, %add3A_533 : i32
      %dma_wait3A_535 = arith.constant 0 : i32
      %dma_wait3A_536 = arith.constant 0 : i32
      %dma_wait3A_537 = tpu.memref_slice %arg7[%dma_wait3A_535, %dma_wait3A_536] : memref<80x128xi32, #tpu.memory_space<vmem>> -> memref<1x128xi32, #tpu.memory_space<vmem>>
      %dma_wait3A_538 = tpu.memref_squeeze %dma_wait3A_537 : memref<1x128xi32, #tpu.memory_space<vmem>> -> memref<128xi32, #tpu.memory_space<vmem>>
      %dma_wait3A_539 = arith.constant 0 : i32
      %dma_wait3A_540 = arith.constant 0 : i32
      %dma_wait3A_541 = tpu.memref_slice %arg6[%dma_wait3A_539, %dma_wait3A_540] : memref<10112x128xf32, #tpu.memory_space<vmem_shared>> -> memref<10112x128xf32, #tpu.memory_space<vmem_shared>>
      tpu.wait_indirect_dma semaphore(%arg15 : memref<!tpu.dma_semaphore, #tpu.memory_space<semaphore_mem>>) src(%arg11 : memref<128x128xf32, #tpu.memory_space<vmem>>) dst(%dma_wait3A_541 : memref<10112x128xf32, #tpu.memory_space<vmem_shared>>)
      %add3A_542 = arith.constant 1 : i32
      %add3A_543 = arith.addi %add3A_534, %add3A_542 : i32
      %dma_start3A_544 = arith.constant 1 : i32
      %dma_start3A_545 = arith.constant 0 : i32
      %dma_start3A_546 = tpu.memref_slice %arg8[%dma_start3A_544, %dma_start3A_545] : memref<8x128xi32, #tpu.memory_space<vmem>> -> memref<1x128xi32, #tpu.memory_space<vmem>>
      %dma_start3A_547 = tpu.memref_squeeze %dma_start3A_546 : memref<1x128xi32, #tpu.memory_space<vmem>> -> memref<128xi32, #tpu.memory_space<vmem>>
      %dma_start3A_548 = arith.constant 0 : i32
      %dma_start3A_549 = arith.constant 0 : i32
      %dma_start3A_550 = tpu.memref_slice %arg2[%dma_start3A_548, %dma_start3A_549] : memref<10112x128xf32, #tpu.memory_space<hbm>> -> memref<10112x128xf32, #tpu.memory_space<hbm>>
      tpu.enqueue_indirect_dma source(%dma_start3A_550 : memref<10112x128xf32, #tpu.memory_space<hbm>>) target(%arg11 : memref<128x128xf32, #tpu.memory_space<vmem>>) offsets(%dma_start3A_547 : memref<128xi32, #tpu.memory_space<vmem>>) semaphore(%arg13 : memref<!tpu.dma_semaphore, #tpu.memory_space<semaphore_mem>>)
      %dma_wait3A_551 = arith.constant 0 : i32
      %dma_wait3A_552 = arith.constant 0 : i32
      %dma_wait3A_553 = tpu.memref_slice %arg8[%dma_wait3A_551, %dma_wait3A_552] : memref<8x128xi32, #tpu.memory_space<vmem>> -> memref<1x128xi32, #tpu.memory_space<vmem>>
      %dma_wait3A_554 = tpu.memref_squeeze %dma_wait3A_553 : memref<1x128xi32, #tpu.memory_space<vmem>> -> memref<128xi32, #tpu.memory_space<vmem>>
      %dma_wait3A_555 = arith.constant 0 : i32
      %dma_wait3A_556 = arith.constant 0 : i32
      %dma_wait3A_557 = tpu.memref_slice %arg2[%dma_wait3A_555, %dma_wait3A_556] : memref<10112x128xf32, #tpu.memory_space<hbm>> -> memref<10112x128xf32, #tpu.memory_space<hbm>>
      tpu.wait_indirect_dma semaphore(%arg12 : memref<!tpu.dma_semaphore, #tpu.memory_space<semaphore_mem>>) src(%dma_wait3A_557 : memref<10112x128xf32, #tpu.memory_space<hbm>>) dst(%arg10 : memref<128x128xf32, #tpu.memory_space<vmem>>)
      %dma_start3A_558 = arith.constant 0 : i32
      %dma_start3A_559 = tpu.memref_slice %arg7[%add3A_534, %dma_start3A_558] : memref<80x128xi32, #tpu.memory_space<vmem>> -> memref<1x128xi32, #tpu.memory_space<vmem>>
      %dma_start3A_560 = tpu.memref_squeeze %dma_start3A_559 : memref<1x128xi32, #tpu.memory_space<vmem>> -> memref<128xi32, #tpu.memory_space<vmem>>
      %dma_start3A_561 = arith.constant 0 : i32
      %dma_start3A_562 = arith.constant 0 : i32
      %dma_start3A_563 = tpu.memref_slice %arg6[%dma_start3A_561, %dma_start3A_562] : memref<10112x128xf32, #tpu.memory_space<vmem_shared>> -> memref<10112x128xf32, #tpu.memory_space<vmem_shared>>
      tpu.enqueue_indirect_dma source(%arg10 : memref<128x128xf32, #tpu.memory_space<vmem>>) target(%dma_start3A_563 : memref<10112x128xf32, #tpu.memory_space<vmem_shared>>) offsets(%dma_start3A_560 : memref<128xi32, #tpu.memory_space<vmem>>) semaphore(%arg14 : memref<!tpu.dma_semaphore, #tpu.memory_space<semaphore_mem>>) {add = true}
      %mul3A_564 = arith.constant 8 : i32
      %mul3A_565 = arith.muli %add3A_530, %mul3A_564 : i32
      %add3A_566 = arith.constant 1 : i32
      %add3A_567 = arith.addi %mul3A_565, %add3A_566 : i32
      %dma_wait3A_568 = arith.constant 0 : i32
      %dma_wait3A_569 = arith.constant 0 : i32
      %dma_wait3A_570 = tpu.memref_slice %arg7[%dma_wait3A_568, %dma_wait3A_569] : memref<80x128xi32, #tpu.memory_space<vmem>> -> memref<1x128xi32, #tpu.memory_space<vmem>>
      %dma_wait3A_571 = tpu.memref_squeeze %dma_wait3A_570 : memref<1x128xi32, #tpu.memory_space<vmem>> -> memref<128xi32, #tpu.memory_space<vmem>>
      %dma_wait3A_572 = arith.constant 0 : i32
      %dma_wait3A_573 = arith.constant 0 : i32
      %dma_wait3A_574 = tpu.memref_slice %arg6[%dma_wait3A_572, %dma_wait3A_573] : memref<10112x128xf32, #tpu.memory_space<vmem_shared>> -> memref<10112x128xf32, #tpu.memory_space<vmem_shared>>
      tpu.wait_indirect_dma semaphore(%arg14 : memref<!tpu.dma_semaphore, #tpu.memory_space<semaphore_mem>>) src(%arg10 : memref<128x128xf32, #tpu.memory_space<vmem>>) dst(%dma_wait3A_574 : memref<10112x128xf32, #tpu.memory_space<vmem_shared>>)
      %add3A_575 = arith.constant 1 : i32
      %add3A_576 = arith.addi %add3A_567, %add3A_575 : i32
      %dma_start3A_577 = arith.constant 2 : i32
      %dma_start3A_578 = arith.constant 0 : i32
      %dma_start3A_579 = tpu.memref_slice %arg8[%dma_start3A_577, %dma_start3A_578] : memref<8x128xi32, #tpu.memory_space<vmem>> -> memref<1x128xi32, #tpu.memory_space<vmem>>
      %dma_start3A_580 = tpu.memref_squeeze %dma_start3A_579 : memref<1x128xi32, #tpu.memory_space<vmem>> -> memref<128xi32, #tpu.memory_space<vmem>>
      %dma_start3A_581 = arith.constant 0 : i32
      %dma_start3A_582 = arith.constant 0 : i32
      %dma_start3A_583 = tpu.memref_slice %arg2[%dma_start3A_581, %dma_start3A_582] : memref<10112x128xf32, #tpu.memory_space<hbm>> -> memref<10112x128xf32, #tpu.memory_space<hbm>>
      tpu.enqueue_indirect_dma source(%dma_start3A_583 : memref<10112x128xf32, #tpu.memory_space<hbm>>) target(%arg10 : memref<128x128xf32, #tpu.memory_space<vmem>>) offsets(%dma_start3A_580 : memref<128xi32, #tpu.memory_space<vmem>>) semaphore(%arg12 : memref<!tpu.dma_semaphore, #tpu.memory_space<semaphore_mem>>)
      %dma_wait3A_584 = arith.constant 0 : i32
      %dma_wait3A_585 = arith.constant 0 : i32
      %dma_wait3A_586 = tpu.memref_slice %arg8[%dma_wait3A_584, %dma_wait3A_585] : memref<8x128xi32, #tpu.memory_space<vmem>> -> memref<1x128xi32, #tpu.memory_space<vmem>>
      %dma_wait3A_587 = tpu.memref_squeeze %dma_wait3A_586 : memref<1x128xi32, #tpu.memory_space<vmem>> -> memref<128xi32, #tpu.memory_space<vmem>>
      %dma_wait3A_588 = arith.constant 0 : i32
      %dma_wait3A_589 = arith.constant 0 : i32
      %dma_wait3A_590 = tpu.memref_slice %arg2[%dma_wait3A_588, %dma_wait3A_589] : memref<10112x128xf32, #tpu.memory_space<hbm>> -> memref<10112x128xf32, #tpu.memory_space<hbm>>
      tpu.wait_indirect_dma semaphore(%arg13 : memref<!tpu.dma_semaphore, #tpu.memory_space<semaphore_mem>>) src(%dma_wait3A_590 : memref<10112x128xf32, #tpu.memory_space<hbm>>) dst(%arg11 : memref<128x128xf32, #tpu.memory_space<vmem>>)
      %dma_start3A_591 = arith.constant 0 : i32
      %dma_start3A_592 = tpu.memref_slice %arg7[%add3A_567, %dma_start3A_591] : memref<80x128xi32, #tpu.memory_space<vmem>> -> memref<1x128xi32, #tpu.memory_space<vmem>>
      %dma_start3A_593 = tpu.memref_squeeze %dma_start3A_592 : memref<1x128xi32, #tpu.memory_space<vmem>> -> memref<128xi32, #tpu.memory_space<vmem>>
      %dma_start3A_594 = arith.constant 0 : i32
      %dma_start3A_595 = arith.constant 0 : i32
      %dma_start3A_596 = tpu.memref_slice %arg6[%dma_start3A_594, %dma_start3A_595] : memref<10112x128xf32, #tpu.memory_space<vmem_shared>> -> memref<10112x128xf32, #tpu.memory_space<vmem_shared>>
      tpu.enqueue_indirect_dma source(%arg11 : memref<128x128xf32, #tpu.memory_space<vmem>>) target(%dma_start3A_596 : memref<10112x128xf32, #tpu.memory_space<vmem_shared>>) offsets(%dma_start3A_593 : memref<128xi32, #tpu.memory_space<vmem>>) semaphore(%arg15 : memref<!tpu.dma_semaphore, #tpu.memory_space<semaphore_mem>>) {add = true}
      %mul3A_597 = arith.constant 8 : i32
      %mul3A_598 = arith.muli %add3A_530, %mul3A_597 : i32
      %add3A_599 = arith.constant 2 : i32
      %add3A_600 = arith.addi %mul3A_598, %add3A_599 : i32
      %dma_wait3A_601 = arith.constant 0 : i32
      %dma_wait3A_602 = arith.constant 0 : i32
      %dma_wait3A_603 = tpu.memref_slice %arg7[%dma_wait3A_601, %dma_wait3A_602] : memref<80x128xi32, #tpu.memory_space<vmem>> -> memref<1x128xi32, #tpu.memory_space<vmem>>
      %dma_wait3A_604 = tpu.memref_squeeze %dma_wait3A_603 : memref<1x128xi32, #tpu.memory_space<vmem>> -> memref<128xi32, #tpu.memory_space<vmem>>
      %dma_wait3A_605 = arith.constant 0 : i32
      %dma_wait3A_606 = arith.constant 0 : i32
      %dma_wait3A_607 = tpu.memref_slice %arg6[%dma_wait3A_605, %dma_wait3A_606] : memref<10112x128xf32, #tpu.memory_space<vmem_shared>> -> memref<10112x128xf32, #tpu.memory_space<vmem_shared>>
      tpu.wait_indirect_dma semaphore(%arg15 : memref<!tpu.dma_semaphore, #tpu.memory_space<semaphore_mem>>) src(%arg11 : memref<128x128xf32, #tpu.memory_space<vmem>>) dst(%dma_wait3A_607 : memref<10112x128xf32, #tpu.memory_space<vmem_shared>>)
      %add3A_608 = arith.constant 1 : i32
      %add3A_609 = arith.addi %add3A_600, %add3A_608 : i32
      %dma_start3A_610 = arith.constant 3 : i32
      %dma_start3A_611 = arith.constant 0 : i32
      %dma_start3A_612 = tpu.memref_slice %arg8[%dma_start3A_610, %dma_start3A_611] : memref<8x128xi32, #tpu.memory_space<vmem>> -> memref<1x128xi32, #tpu.memory_space<vmem>>
      %dma_start3A_613 = tpu.memref_squeeze %dma_start3A_612 : memref<1x128xi32, #tpu.memory_space<vmem>> -> memref<128xi32, #tpu.memory_space<vmem>>
      %dma_start3A_614 = arith.constant 0 : i32
      %dma_start3A_615 = arith.constant 0 : i32
      %dma_start3A_616 = tpu.memref_slice %arg2[%dma_start3A_614, %dma_start3A_615] : memref<10112x128xf32, #tpu.memory_space<hbm>> -> memref<10112x128xf32, #tpu.memory_space<hbm>>
      tpu.enqueue_indirect_dma source(%dma_start3A_616 : memref<10112x128xf32, #tpu.memory_space<hbm>>) target(%arg11 : memref<128x128xf32, #tpu.memory_space<vmem>>) offsets(%dma_start3A_613 : memref<128xi32, #tpu.memory_space<vmem>>) semaphore(%arg13 : memref<!tpu.dma_semaphore, #tpu.memory_space<semaphore_mem>>)
      %dma_wait3A_617 = arith.constant 0 : i32
      %dma_wait3A_618 = arith.constant 0 : i32
      %dma_wait3A_619 = tpu.memref_slice %arg8[%dma_wait3A_617, %dma_wait3A_618] : memref<8x128xi32, #tpu.memory_space<vmem>> -> memref<1x128xi32, #tpu.memory_space<vmem>>
      %dma_wait3A_620 = tpu.memref_squeeze %dma_wait3A_619 : memref<1x128xi32, #tpu.memory_space<vmem>> -> memref<128xi32, #tpu.memory_space<vmem>>
      %dma_wait3A_621 = arith.constant 0 : i32
      %dma_wait3A_622 = arith.constant 0 : i32
      %dma_wait3A_623 = tpu.memref_slice %arg2[%dma_wait3A_621, %dma_wait3A_622] : memref<10112x128xf32, #tpu.memory_space<hbm>> -> memref<10112x128xf32, #tpu.memory_space<hbm>>
      tpu.wait_indirect_dma semaphore(%arg12 : memref<!tpu.dma_semaphore, #tpu.memory_space<semaphore_mem>>) src(%dma_wait3A_623 : memref<10112x128xf32, #tpu.memory_space<hbm>>) dst(%arg10 : memref<128x128xf32, #tpu.memory_space<vmem>>)
      %dma_start3A_624 = arith.constant 0 : i32
      %dma_start3A_625 = tpu.memref_slice %arg7[%add3A_600, %dma_start3A_624] : memref<80x128xi32, #tpu.memory_space<vmem>> -> memref<1x128xi32, #tpu.memory_space<vmem>>
      %dma_start3A_626 = tpu.memref_squeeze %dma_start3A_625 : memref<1x128xi32, #tpu.memory_space<vmem>> -> memref<128xi32, #tpu.memory_space<vmem>>
      %dma_start3A_627 = arith.constant 0 : i32
      %dma_start3A_628 = arith.constant 0 : i32
      %dma_start3A_629 = tpu.memref_slice %arg6[%dma_start3A_627, %dma_start3A_628] : memref<10112x128xf32, #tpu.memory_space<vmem_shared>> -> memref<10112x128xf32, #tpu.memory_space<vmem_shared>>
      tpu.enqueue_indirect_dma source(%arg10 : memref<128x128xf32, #tpu.memory_space<vmem>>) target(%dma_start3A_629 : memref<10112x128xf32, #tpu.memory_space<vmem_shared>>) offsets(%dma_start3A_626 : memref<128xi32, #tpu.memory_space<vmem>>) semaphore(%arg14 : memref<!tpu.dma_semaphore, #tpu.memory_space<semaphore_mem>>) {add = true}
      %mul3A_630 = arith.constant 8 : i32
      %mul3A_631 = arith.muli %add3A_530, %mul3A_630 : i32
      %add3A_632 = arith.constant 3 : i32
      %add3A_633 = arith.addi %mul3A_631, %add3A_632 : i32
      %dma_wait3A_634 = arith.constant 0 : i32
      %dma_wait3A_635 = arith.constant 0 : i32
      %dma_wait3A_636 = tpu.memref_slice %arg7[%dma_wait3A_634, %dma_wait3A_635] : memref<80x128xi32, #tpu.memory_space<vmem>> -> memref<1x128xi32, #tpu.memory_space<vmem>>
      %dma_wait3A_637 = tpu.memref_squeeze %dma_wait3A_636 : memref<1x128xi32, #tpu.memory_space<vmem>> -> memref<128xi32, #tpu.memory_space<vmem>>
      %dma_wait3A_638 = arith.constant 0 : i32
      %dma_wait3A_639 = arith.constant 0 : i32
      %dma_wait3A_640 = tpu.memref_slice %arg6[%dma_wait3A_638, %dma_wait3A_639] : memref<10112x128xf32, #tpu.memory_space<vmem_shared>> -> memref<10112x128xf32, #tpu.memory_space<vmem_shared>>
      tpu.wait_indirect_dma semaphore(%arg14 : memref<!tpu.dma_semaphore, #tpu.memory_space<semaphore_mem>>) src(%arg10 : memref<128x128xf32, #tpu.memory_space<vmem>>) dst(%dma_wait3A_640 : memref<10112x128xf32, #tpu.memory_space<vmem_shared>>)
      %add3A_641 = arith.constant 1 : i32
      %add3A_642 = arith.addi %add3A_633, %add3A_641 : i32
      %dma_start3A_643 = arith.constant 4 : i32
      %dma_start3A_644 = arith.constant 0 : i32
      %dma_start3A_645 = tpu.memref_slice %arg8[%dma_start3A_643, %dma_start3A_644] : memref<8x128xi32, #tpu.memory_space<vmem>> -> memref<1x128xi32, #tpu.memory_space<vmem>>
      %dma_start3A_646 = tpu.memref_squeeze %dma_start3A_645 : memref<1x128xi32, #tpu.memory_space<vmem>> -> memref<128xi32, #tpu.memory_space<vmem>>
      %dma_start3A_647 = arith.constant 0 : i32
      %dma_start3A_648 = arith.constant 0 : i32
      %dma_start3A_649 = tpu.memref_slice %arg2[%dma_start3A_647, %dma_start3A_648] : memref<10112x128xf32, #tpu.memory_space<hbm>> -> memref<10112x128xf32, #tpu.memory_space<hbm>>
      tpu.enqueue_indirect_dma source(%dma_start3A_649 : memref<10112x128xf32, #tpu.memory_space<hbm>>) target(%arg10 : memref<128x128xf32, #tpu.memory_space<vmem>>) offsets(%dma_start3A_646 : memref<128xi32, #tpu.memory_space<vmem>>) semaphore(%arg12 : memref<!tpu.dma_semaphore, #tpu.memory_space<semaphore_mem>>)
      %dma_wait3A_650 = arith.constant 0 : i32
      %dma_wait3A_651 = arith.constant 0 : i32
      %dma_wait3A_652 = tpu.memref_slice %arg8[%dma_wait3A_650, %dma_wait3A_651] : memref<8x128xi32, #tpu.memory_space<vmem>> -> memref<1x128xi32, #tpu.memory_space<vmem>>
      %dma_wait3A_653 = tpu.memref_squeeze %dma_wait3A_652 : memref<1x128xi32, #tpu.memory_space<vmem>> -> memref<128xi32, #tpu.memory_space<vmem>>
      %dma_wait3A_654 = arith.constant 0 : i32
      %dma_wait3A_655 = arith.constant 0 : i32
      %dma_wait3A_656 = tpu.memref_slice %arg2[%dma_wait3A_654, %dma_wait3A_655] : memref<10112x128xf32, #tpu.memory_space<hbm>> -> memref<10112x128xf32, #tpu.memory_space<hbm>>
      tpu.wait_indirect_dma semaphore(%arg13 : memref<!tpu.dma_semaphore, #tpu.memory_space<semaphore_mem>>) src(%dma_wait3A_656 : memref<10112x128xf32, #tpu.memory_space<hbm>>) dst(%arg11 : memref<128x128xf32, #tpu.memory_space<vmem>>)
      %dma_start3A_657 = arith.constant 0 : i32
      %dma_start3A_658 = tpu.memref_slice %arg7[%add3A_633, %dma_start3A_657] : memref<80x128xi32, #tpu.memory_space<vmem>> -> memref<1x128xi32, #tpu.memory_space<vmem>>
      %dma_start3A_659 = tpu.memref_squeeze %dma_start3A_658 : memref<1x128xi32, #tpu.memory_space<vmem>> -> memref<128xi32, #tpu.memory_space<vmem>>
      %dma_start3A_660 = arith.constant 0 : i32
      %dma_start3A_661 = arith.constant 0 : i32
      %dma_start3A_662 = tpu.memref_slice %arg6[%dma_start3A_660, %dma_start3A_661] : memref<10112x128xf32, #tpu.memory_space<vmem_shared>> -> memref<10112x128xf32, #tpu.memory_space<vmem_shared>>
      tpu.enqueue_indirect_dma source(%arg11 : memref<128x128xf32, #tpu.memory_space<vmem>>) target(%dma_start3A_662 : memref<10112x128xf32, #tpu.memory_space<vmem_shared>>) offsets(%dma_start3A_659 : memref<128xi32, #tpu.memory_space<vmem>>) semaphore(%arg15 : memref<!tpu.dma_semaphore, #tpu.memory_space<semaphore_mem>>) {add = true}
      %mul3A_663 = arith.constant 8 : i32
      %mul3A_664 = arith.muli %add3A_530, %mul3A_663 : i32
      %add3A_665 = arith.constant 4 : i32
      %add3A_666 = arith.addi %mul3A_664, %add3A_665 : i32
      %dma_wait3A_667 = arith.constant 0 : i32
      %dma_wait3A_668 = arith.constant 0 : i32
      %dma_wait3A_669 = tpu.memref_slice %arg7[%dma_wait3A_667, %dma_wait3A_668] : memref<80x128xi32, #tpu.memory_space<vmem>> -> memref<1x128xi32, #tpu.memory_space<vmem>>
      %dma_wait3A_670 = tpu.memref_squeeze %dma_wait3A_669 : memref<1x128xi32, #tpu.memory_space<vmem>> -> memref<128xi32, #tpu.memory_space<vmem>>
      %dma_wait3A_671 = arith.constant 0 : i32
      %dma_wait3A_672 = arith.constant 0 : i32
      %dma_wait3A_673 = tpu.memref_slice %arg6[%dma_wait3A_671, %dma_wait3A_672] : memref<10112x128xf32, #tpu.memory_space<vmem_shared>> -> memref<10112x128xf32, #tpu.memory_space<vmem_shared>>
      tpu.wait_indirect_dma semaphore(%arg15 : memref<!tpu.dma_semaphore, #tpu.memory_space<semaphore_mem>>) src(%arg11 : memref<128x128xf32, #tpu.memory_space<vmem>>) dst(%dma_wait3A_673 : memref<10112x128xf32, #tpu.memory_space<vmem_shared>>)
      %add3A_674 = arith.constant 1 : i32
      %add3A_675 = arith.addi %add3A_666, %add3A_674 : i32
      %dma_start3A_676 = arith.constant 5 : i32
      %dma_start3A_677 = arith.constant 0 : i32
      %dma_start3A_678 = tpu.memref_slice %arg8[%dma_start3A_676, %dma_start3A_677] : memref<8x128xi32, #tpu.memory_space<vmem>> -> memref<1x128xi32, #tpu.memory_space<vmem>>
      %dma_start3A_679 = tpu.memref_squeeze %dma_start3A_678 : memref<1x128xi32, #tpu.memory_space<vmem>> -> memref<128xi32, #tpu.memory_space<vmem>>
      %dma_start3A_680 = arith.constant 0 : i32
      %dma_start3A_681 = arith.constant 0 : i32
      %dma_start3A_682 = tpu.memref_slice %arg2[%dma_start3A_680, %dma_start3A_681] : memref<10112x128xf32, #tpu.memory_space<hbm>> -> memref<10112x128xf32, #tpu.memory_space<hbm>>
      tpu.enqueue_indirect_dma source(%dma_start3A_682 : memref<10112x128xf32, #tpu.memory_space<hbm>>) target(%arg11 : memref<128x128xf32, #tpu.memory_space<vmem>>) offsets(%dma_start3A_679 : memref<128xi32, #tpu.memory_space<vmem>>) semaphore(%arg13 : memref<!tpu.dma_semaphore, #tpu.memory_space<semaphore_mem>>)
      %dma_wait3A_683 = arith.constant 0 : i32
      %dma_wait3A_684 = arith.constant 0 : i32
      %dma_wait3A_685 = tpu.memref_slice %arg8[%dma_wait3A_683, %dma_wait3A_684] : memref<8x128xi32, #tpu.memory_space<vmem>> -> memref<1x128xi32, #tpu.memory_space<vmem>>
      %dma_wait3A_686 = tpu.memref_squeeze %dma_wait3A_685 : memref<1x128xi32, #tpu.memory_space<vmem>> -> memref<128xi32, #tpu.memory_space<vmem>>
      %dma_wait3A_687 = arith.constant 0 : i32
      %dma_wait3A_688 = arith.constant 0 : i32
      %dma_wait3A_689 = tpu.memref_slice %arg2[%dma_wait3A_687, %dma_wait3A_688] : memref<10112x128xf32, #tpu.memory_space<hbm>> -> memref<10112x128xf32, #tpu.memory_space<hbm>>
      tpu.wait_indirect_dma semaphore(%arg12 : memref<!tpu.dma_semaphore, #tpu.memory_space<semaphore_mem>>) src(%dma_wait3A_689 : memref<10112x128xf32, #tpu.memory_space<hbm>>) dst(%arg10 : memref<128x128xf32, #tpu.memory_space<vmem>>)
      %dma_start3A_690 = arith.constant 0 : i32
      %dma_start3A_691 = tpu.memref_slice %arg7[%add3A_666, %dma_start3A_690] : memref<80x128xi32, #tpu.memory_space<vmem>> -> memref<1x128xi32, #tpu.memory_space<vmem>>
      %dma_start3A_692 = tpu.memref_squeeze %dma_start3A_691 : memref<1x128xi32, #tpu.memory_space<vmem>> -> memref<128xi32, #tpu.memory_space<vmem>>
      %dma_start3A_693 = arith.constant 0 : i32
      %dma_start3A_694 = arith.constant 0 : i32
      %dma_start3A_695 = tpu.memref_slice %arg6[%dma_start3A_693, %dma_start3A_694] : memref<10112x128xf32, #tpu.memory_space<vmem_shared>> -> memref<10112x128xf32, #tpu.memory_space<vmem_shared>>
      tpu.enqueue_indirect_dma source(%arg10 : memref<128x128xf32, #tpu.memory_space<vmem>>) target(%dma_start3A_695 : memref<10112x128xf32, #tpu.memory_space<vmem_shared>>) offsets(%dma_start3A_692 : memref<128xi32, #tpu.memory_space<vmem>>) semaphore(%arg14 : memref<!tpu.dma_semaphore, #tpu.memory_space<semaphore_mem>>) {add = true}
      %mul3A_696 = arith.constant 8 : i32
      %mul3A_697 = arith.muli %add3A_530, %mul3A_696 : i32
      %add3A_698 = arith.constant 5 : i32
      %add3A_699 = arith.addi %mul3A_697, %add3A_698 : i32
      %dma_wait3A_700 = arith.constant 0 : i32
      %dma_wait3A_701 = arith.constant 0 : i32
      %dma_wait3A_702 = tpu.memref_slice %arg7[%dma_wait3A_700, %dma_wait3A_701] : memref<80x128xi32, #tpu.memory_space<vmem>> -> memref<1x128xi32, #tpu.memory_space<vmem>>
      %dma_wait3A_703 = tpu.memref_squeeze %dma_wait3A_702 : memref<1x128xi32, #tpu.memory_space<vmem>> -> memref<128xi32, #tpu.memory_space<vmem>>
      %dma_wait3A_704 = arith.constant 0 : i32
      %dma_wait3A_705 = arith.constant 0 : i32
      %dma_wait3A_706 = tpu.memref_slice %arg6[%dma_wait3A_704, %dma_wait3A_705] : memref<10112x128xf32, #tpu.memory_space<vmem_shared>> -> memref<10112x128xf32, #tpu.memory_space<vmem_shared>>
      tpu.wait_indirect_dma semaphore(%arg14 : memref<!tpu.dma_semaphore, #tpu.memory_space<semaphore_mem>>) src(%arg10 : memref<128x128xf32, #tpu.memory_space<vmem>>) dst(%dma_wait3A_706 : memref<10112x128xf32, #tpu.memory_space<vmem_shared>>)
      %add3A_707 = arith.constant 1 : i32
      %add3A_708 = arith.addi %add3A_699, %add3A_707 : i32
      %dma_start3A_709 = arith.constant 6 : i32
      %dma_start3A_710 = arith.constant 0 : i32
      %dma_start3A_711 = tpu.memref_slice %arg8[%dma_start3A_709, %dma_start3A_710] : memref<8x128xi32, #tpu.memory_space<vmem>> -> memref<1x128xi32, #tpu.memory_space<vmem>>
      %dma_start3A_712 = tpu.memref_squeeze %dma_start3A_711 : memref<1x128xi32, #tpu.memory_space<vmem>> -> memref<128xi32, #tpu.memory_space<vmem>>
      %dma_start3A_713 = arith.constant 0 : i32
      %dma_start3A_714 = arith.constant 0 : i32
      %dma_start3A_715 = tpu.memref_slice %arg2[%dma_start3A_713, %dma_start3A_714] : memref<10112x128xf32, #tpu.memory_space<hbm>> -> memref<10112x128xf32, #tpu.memory_space<hbm>>
      tpu.enqueue_indirect_dma source(%dma_start3A_715 : memref<10112x128xf32, #tpu.memory_space<hbm>>) target(%arg10 : memref<128x128xf32, #tpu.memory_space<vmem>>) offsets(%dma_start3A_712 : memref<128xi32, #tpu.memory_space<vmem>>) semaphore(%arg12 : memref<!tpu.dma_semaphore, #tpu.memory_space<semaphore_mem>>)
      %dma_wait3A_716 = arith.constant 0 : i32
      %dma_wait3A_717 = arith.constant 0 : i32
      %dma_wait3A_718 = tpu.memref_slice %arg8[%dma_wait3A_716, %dma_wait3A_717] : memref<8x128xi32, #tpu.memory_space<vmem>> -> memref<1x128xi32, #tpu.memory_space<vmem>>
      %dma_wait3A_719 = tpu.memref_squeeze %dma_wait3A_718 : memref<1x128xi32, #tpu.memory_space<vmem>> -> memref<128xi32, #tpu.memory_space<vmem>>
      %dma_wait3A_720 = arith.constant 0 : i32
      %dma_wait3A_721 = arith.constant 0 : i32
      %dma_wait3A_722 = tpu.memref_slice %arg2[%dma_wait3A_720, %dma_wait3A_721] : memref<10112x128xf32, #tpu.memory_space<hbm>> -> memref<10112x128xf32, #tpu.memory_space<hbm>>
      tpu.wait_indirect_dma semaphore(%arg13 : memref<!tpu.dma_semaphore, #tpu.memory_space<semaphore_mem>>) src(%dma_wait3A_722 : memref<10112x128xf32, #tpu.memory_space<hbm>>) dst(%arg11 : memref<128x128xf32, #tpu.memory_space<vmem>>)
      %dma_start3A_723 = arith.constant 0 : i32
      %dma_start3A_724 = tpu.memref_slice %arg7[%add3A_699, %dma_start3A_723] : memref<80x128xi32, #tpu.memory_space<vmem>> -> memref<1x128xi32, #tpu.memory_space<vmem>>
      %dma_start3A_725 = tpu.memref_squeeze %dma_start3A_724 : memref<1x128xi32, #tpu.memory_space<vmem>> -> memref<128xi32, #tpu.memory_space<vmem>>
      %dma_start3A_726 = arith.constant 0 : i32
      %dma_start3A_727 = arith.constant 0 : i32
      %dma_start3A_728 = tpu.memref_slice %arg6[%dma_start3A_726, %dma_start3A_727] : memref<10112x128xf32, #tpu.memory_space<vmem_shared>> -> memref<10112x128xf32, #tpu.memory_space<vmem_shared>>
      tpu.enqueue_indirect_dma source(%arg11 : memref<128x128xf32, #tpu.memory_space<vmem>>) target(%dma_start3A_728 : memref<10112x128xf32, #tpu.memory_space<vmem_shared>>) offsets(%dma_start3A_725 : memref<128xi32, #tpu.memory_space<vmem>>) semaphore(%arg15 : memref<!tpu.dma_semaphore, #tpu.memory_space<semaphore_mem>>) {add = true}
      %mul3A_729 = arith.constant 8 : i32
      %mul3A_730 = arith.muli %add3A_530, %mul3A_729 : i32
      %add3A_731 = arith.constant 6 : i32
      %add3A_732 = arith.addi %mul3A_730, %add3A_731 : i32
      %dma_wait3A_733 = arith.constant 0 : i32
      %dma_wait3A_734 = arith.constant 0 : i32
      %dma_wait3A_735 = tpu.memref_slice %arg7[%dma_wait3A_733, %dma_wait3A_734] : memref<80x128xi32, #tpu.memory_space<vmem>> -> memref<1x128xi32, #tpu.memory_space<vmem>>
      %dma_wait3A_736 = tpu.memref_squeeze %dma_wait3A_735 : memref<1x128xi32, #tpu.memory_space<vmem>> -> memref<128xi32, #tpu.memory_space<vmem>>
      %dma_wait3A_737 = arith.constant 0 : i32
      %dma_wait3A_738 = arith.constant 0 : i32
      %dma_wait3A_739 = tpu.memref_slice %arg6[%dma_wait3A_737, %dma_wait3A_738] : memref<10112x128xf32, #tpu.memory_space<vmem_shared>> -> memref<10112x128xf32, #tpu.memory_space<vmem_shared>>
      tpu.wait_indirect_dma semaphore(%arg15 : memref<!tpu.dma_semaphore, #tpu.memory_space<semaphore_mem>>) src(%arg11 : memref<128x128xf32, #tpu.memory_space<vmem>>) dst(%dma_wait3A_739 : memref<10112x128xf32, #tpu.memory_space<vmem_shared>>)
      %add3A_740 = arith.constant 1 : i32
      %add3A_741 = arith.addi %add3A_732, %add3A_740 : i32
      %dma_start3A_742 = arith.constant 7 : i32
      %dma_start3A_743 = arith.constant 0 : i32
      %dma_start3A_744 = tpu.memref_slice %arg8[%dma_start3A_742, %dma_start3A_743] : memref<8x128xi32, #tpu.memory_space<vmem>> -> memref<1x128xi32, #tpu.memory_space<vmem>>
      %dma_start3A_745 = tpu.memref_squeeze %dma_start3A_744 : memref<1x128xi32, #tpu.memory_space<vmem>> -> memref<128xi32, #tpu.memory_space<vmem>>
      %dma_start3A_746 = arith.constant 0 : i32
      %dma_start3A_747 = arith.constant 0 : i32
      %dma_start3A_748 = tpu.memref_slice %arg2[%dma_start3A_746, %dma_start3A_747] : memref<10112x128xf32, #tpu.memory_space<hbm>> -> memref<10112x128xf32, #tpu.memory_space<hbm>>
      tpu.enqueue_indirect_dma source(%dma_start3A_748 : memref<10112x128xf32, #tpu.memory_space<hbm>>) target(%arg11 : memref<128x128xf32, #tpu.memory_space<vmem>>) offsets(%dma_start3A_745 : memref<128xi32, #tpu.memory_space<vmem>>) semaphore(%arg13 : memref<!tpu.dma_semaphore, #tpu.memory_space<semaphore_mem>>)
      %dma_wait3A_749 = arith.constant 0 : i32
      %dma_wait3A_750 = arith.constant 0 : i32
      %dma_wait3A_751 = tpu.memref_slice %arg8[%dma_wait3A_749, %dma_wait3A_750] : memref<8x128xi32, #tpu.memory_space<vmem>> -> memref<1x128xi32, #tpu.memory_space<vmem>>
      %dma_wait3A_752 = tpu.memref_squeeze %dma_wait3A_751 : memref<1x128xi32, #tpu.memory_space<vmem>> -> memref<128xi32, #tpu.memory_space<vmem>>
      %dma_wait3A_753 = arith.constant 0 : i32
      %dma_wait3A_754 = arith.constant 0 : i32
      %dma_wait3A_755 = tpu.memref_slice %arg2[%dma_wait3A_753, %dma_wait3A_754] : memref<10112x128xf32, #tpu.memory_space<hbm>> -> memref<10112x128xf32, #tpu.memory_space<hbm>>
      tpu.wait_indirect_dma semaphore(%arg12 : memref<!tpu.dma_semaphore, #tpu.memory_space<semaphore_mem>>) src(%dma_wait3A_755 : memref<10112x128xf32, #tpu.memory_space<hbm>>) dst(%arg10 : memref<128x128xf32, #tpu.memory_space<vmem>>)
      %dma_start3A_756 = arith.constant 0 : i32
      %dma_start3A_757 = tpu.memref_slice %arg7[%add3A_732, %dma_start3A_756] : memref<80x128xi32, #tpu.memory_space<vmem>> -> memref<1x128xi32, #tpu.memory_space<vmem>>
      %dma_start3A_758 = tpu.memref_squeeze %dma_start3A_757 : memref<1x128xi32, #tpu.memory_space<vmem>> -> memref<128xi32, #tpu.memory_space<vmem>>
      %dma_start3A_759 = arith.constant 0 : i32
      %dma_start3A_760 = arith.constant 0 : i32
      %dma_start3A_761 = tpu.memref_slice %arg6[%dma_start3A_759, %dma_start3A_760] : memref<10112x128xf32, #tpu.memory_space<vmem_shared>> -> memref<10112x128xf32, #tpu.memory_space<vmem_shared>>
      tpu.enqueue_indirect_dma source(%arg10 : memref<128x128xf32, #tpu.memory_space<vmem>>) target(%dma_start3A_761 : memref<10112x128xf32, #tpu.memory_space<vmem_shared>>) offsets(%dma_start3A_758 : memref<128xi32, #tpu.memory_space<vmem>>) semaphore(%arg14 : memref<!tpu.dma_semaphore, #tpu.memory_space<semaphore_mem>>) {add = true}
      %mul3A_762 = arith.constant 8 : i32
      %mul3A_763 = arith.muli %add3A_530, %mul3A_762 : i32
      %add3A_764 = arith.constant 7 : i32
      %add3A_765 = arith.addi %mul3A_763, %add3A_764 : i32
      %dma_wait3A_766 = arith.constant 0 : i32
      %dma_wait3A_767 = arith.constant 0 : i32
      %dma_wait3A_768 = tpu.memref_slice %arg7[%dma_wait3A_766, %dma_wait3A_767] : memref<80x128xi32, #tpu.memory_space<vmem>> -> memref<1x128xi32, #tpu.memory_space<vmem>>
      %dma_wait3A_769 = tpu.memref_squeeze %dma_wait3A_768 : memref<1x128xi32, #tpu.memory_space<vmem>> -> memref<128xi32, #tpu.memory_space<vmem>>
      %dma_wait3A_770 = arith.constant 0 : i32
      %dma_wait3A_771 = arith.constant 0 : i32
      %dma_wait3A_772 = tpu.memref_slice %arg6[%dma_wait3A_770, %dma_wait3A_771] : memref<10112x128xf32, #tpu.memory_space<vmem_shared>> -> memref<10112x128xf32, #tpu.memory_space<vmem_shared>>
      tpu.wait_indirect_dma semaphore(%arg14 : memref<!tpu.dma_semaphore, #tpu.memory_space<semaphore_mem>>) src(%arg10 : memref<128x128xf32, #tpu.memory_space<vmem>>) dst(%dma_wait3A_772 : memref<10112x128xf32, #tpu.memory_space<vmem_shared>>)
      %add3A_773 = arith.constant 1 : i32
      %add3A_774 = arith.addi %add3A_530, %add3A_773 : i32
      %lt3A = arith.constant 10 : i32
      %lt3A_775 = arith.cmpi slt, %add3A_774, %lt3A : i32
      %convert_element_type3A = arith.extui %lt3A_775 : i1 to i32
      %cond3A = arith.constant 0 : i32
      %cond3A_776 = arith.cmpi ne, %convert_element_type3A, %cond3A : i32
      scf.if %cond3A_776 {
        %dma_wait3A_1085 = arith.constant 0 : i32
        %dma_wait3A_1086 = arith.constant 0 : i32
        %dma_wait3A_1087 = tpu.memref_slice %arg3[%add3A, %dma_wait3A_1085, %dma_wait3A_1086] : memref<32x80x128xi32, #tpu.memory_space<hbm>> -> memref<1x8x128xi32, #tpu.memory_space<hbm>>
        %dma_wait3A_1088 = tpu.memref_squeeze %dma_wait3A_1087 : memref<1x8x128xi32, #tpu.memory_space<hbm>> -> memref<8x128xi32, #tpu.memory_space<hbm>>
        %dma_wait3A_1089 = arith.constant 0 : i32
        %dma_wait3A_1090 = arith.constant 0 : i32
        %dma_wait3A_1091 = tpu.memref_slice %arg3[%add3A, %dma_wait3A_1089, %dma_wait3A_1090] : memref<32x80x128xi32, #tpu.memory_space<hbm>> -> memref<1x8x128xi32, #tpu.memory_space<hbm>>
        %dma_wait3A_1092 = tpu.memref_squeeze %dma_wait3A_1091 : memref<1x8x128xi32, #tpu.memory_space<hbm>> -> memref<8x128xi32, #tpu.memory_space<hbm>>
        tpu.wait_dma2 semaphore(%arg17 : memref<!tpu.dma_semaphore, #tpu.memory_space<semaphore_mem>>) src(%dma_wait3A_1092 : memref<8x128xi32, #tpu.memory_space<hbm>>) dst(%arg9 : memref<8x128xi32, #tpu.memory_space<vmem>>)
      } else {
      }
      %add3A_777 = arith.constant 1 : i32
      %add3A_778 = arith.addi %add3A_765, %add3A_777 : i32
      %lt3A_779 = arith.constant 80 : i32
      %lt3A_780 = arith.cmpi slt, %add3A_778, %lt3A_779 : i32
      %convert_element_type3A_781 = arith.extui %lt3A_780 : i1 to i32
      %cond3A_782 = arith.constant 0 : i32
      %cond3A_783 = arith.cmpi ne, %convert_element_type3A_781, %cond3A_782 : i32
      scf.if %cond3A_783 {
        %add3A_1085 = arith.constant 1 : i32
        %add3A_1086 = arith.addi %add3A_765, %add3A_1085 : i32
        %dma_start3A_1087 = arith.constant 0 : i32
        %dma_start3A_1088 = arith.constant 0 : i32
        %dma_start3A_1089 = tpu.memref_slice %arg9[%dma_start3A_1087, %dma_start3A_1088] : memref<8x128xi32, #tpu.memory_space<vmem>> -> memref<1x128xi32, #tpu.memory_space<vmem>>
        %dma_start3A_1090 = tpu.memref_squeeze %dma_start3A_1089 : memref<1x128xi32, #tpu.memory_space<vmem>> -> memref<128xi32, #tpu.memory_space<vmem>>
        %dma_start3A_1091 = arith.constant 0 : i32
        %dma_start3A_1092 = arith.constant 0 : i32
        %dma_start3A_1093 = tpu.memref_slice %arg2[%dma_start3A_1091, %dma_start3A_1092] : memref<10112x128xf32, #tpu.memory_space<hbm>> -> memref<10112x128xf32, #tpu.memory_space<hbm>>
        tpu.enqueue_indirect_dma source(%dma_start3A_1093 : memref<10112x128xf32, #tpu.memory_space<hbm>>) target(%arg10 : memref<128x128xf32, #tpu.memory_space<vmem>>) offsets(%dma_start3A_1090 : memref<128xi32, #tpu.memory_space<vmem>>) semaphore(%arg12 : memref<!tpu.dma_semaphore, #tpu.memory_space<semaphore_mem>>)
      } else {
      }
      %dma_wait3A_784 = arith.constant 0 : i32
      %dma_wait3A_785 = arith.constant 0 : i32
      %dma_wait3A_786 = tpu.memref_slice %arg8[%dma_wait3A_784, %dma_wait3A_785] : memref<8x128xi32, #tpu.memory_space<vmem>> -> memref<1x128xi32, #tpu.memory_space<vmem>>
      %dma_wait3A_787 = tpu.memref_squeeze %dma_wait3A_786 : memref<1x128xi32, #tpu.memory_space<vmem>> -> memref<128xi32, #tpu.memory_space<vmem>>
      %dma_wait3A_788 = arith.constant 0 : i32
      %dma_wait3A_789 = arith.constant 0 : i32
      %dma_wait3A_790 = tpu.memref_slice %arg2[%dma_wait3A_788, %dma_wait3A_789] : memref<10112x128xf32, #tpu.memory_space<hbm>> -> memref<10112x128xf32, #tpu.memory_space<hbm>>
      tpu.wait_indirect_dma semaphore(%arg13 : memref<!tpu.dma_semaphore, #tpu.memory_space<semaphore_mem>>) src(%dma_wait3A_790 : memref<10112x128xf32, #tpu.memory_space<hbm>>) dst(%arg11 : memref<128x128xf32, #tpu.memory_space<vmem>>)
      %add3A_791 = arith.constant 2 : i32
      %add3A_792 = arith.addi %add3A_530, %add3A_791 : i32
      %lt3A_793 = arith.constant 10 : i32
      %lt3A_794 = arith.cmpi slt, %add3A_792, %lt3A_793 : i32
      %convert_element_type3A_795 = arith.extui %lt3A_794 : i1 to i32
      %cond3A_796 = arith.constant 0 : i32
      %cond3A_797 = arith.cmpi ne, %convert_element_type3A_795, %cond3A_796 : i32
      scf.if %cond3A_797 {
        %add3A_1085 = arith.constant 2 : i32
        %add3A_1086 = arith.addi %add3A_530, %add3A_1085 : i32
        %mul3A_1087 = arith.constant 8 : i32
        %mul3A_1088 = arith.muli %add3A_1086, %mul3A_1087 : i32
        %dma_start3A_1089 = arith.constant 0 : i32
        %dma_start3A_1090 = tpu.memref_slice %arg3[%add3A, %mul3A_1088, %dma_start3A_1089] : memref<32x80x128xi32, #tpu.memory_space<hbm>> -> memref<1x8x128xi32, #tpu.memory_space<hbm>>
        %dma_start3A_1091 = tpu.memref_squeeze %dma_start3A_1090 : memref<1x8x128xi32, #tpu.memory_space<hbm>> -> memref<8x128xi32, #tpu.memory_space<hbm>>
        %dma_start3A_1092 = arith.constant 0 : i32
        %dma_start3A_1093 = tpu.memref_slice %arg3[%add3A, %mul3A_1088, %dma_start3A_1092] : memref<32x80x128xi32, #tpu.memory_space<hbm>> -> memref<1x8x128xi32, #tpu.memory_space<hbm>>
        %dma_start3A_1094 = tpu.memref_squeeze %dma_start3A_1093 : memref<1x8x128xi32, #tpu.memory_space<hbm>> -> memref<8x128xi32, #tpu.memory_space<hbm>>
        tpu.enqueue_dma source(%dma_start3A_1094 : memref<8x128xi32, #tpu.memory_space<hbm>>) target(%arg8 : memref<8x128xi32, #tpu.memory_space<vmem>>) target_semaphore(%arg16 : memref<!tpu.dma_semaphore, #tpu.memory_space<semaphore_mem>>)
      } else {
      }
      %dma_start3A_798 = arith.constant 0 : i32
      %dma_start3A_799 = tpu.memref_slice %arg7[%add3A_765, %dma_start3A_798] : memref<80x128xi32, #tpu.memory_space<vmem>> -> memref<1x128xi32, #tpu.memory_space<vmem>>
      %dma_start3A_800 = tpu.memref_squeeze %dma_start3A_799 : memref<1x128xi32, #tpu.memory_space<vmem>> -> memref<128xi32, #tpu.memory_space<vmem>>
      %dma_start3A_801 = arith.constant 0 : i32
      %dma_start3A_802 = arith.constant 0 : i32
      %dma_start3A_803 = tpu.memref_slice %arg6[%dma_start3A_801, %dma_start3A_802] : memref<10112x128xf32, #tpu.memory_space<vmem_shared>> -> memref<10112x128xf32, #tpu.memory_space<vmem_shared>>
      tpu.enqueue_indirect_dma source(%arg11 : memref<128x128xf32, #tpu.memory_space<vmem>>) target(%dma_start3A_803 : memref<10112x128xf32, #tpu.memory_space<vmem_shared>>) offsets(%dma_start3A_800 : memref<128xi32, #tpu.memory_space<vmem>>) semaphore(%arg15 : memref<!tpu.dma_semaphore, #tpu.memory_space<semaphore_mem>>) {add = true}
      %mul3A_804 = arith.constant 2 : i32
      %mul3A_805 = arith.muli %mul3A_804, %scan3A_525 : i32
      %add3A_806 = arith.constant 1 : i32
      %add3A_807 = arith.addi %mul3A_805, %add3A_806 : i32
      %mul3A_808 = arith.constant 8 : i32
      %mul3A_809 = arith.muli %add3A_807, %mul3A_808 : i32
      %add3A_810 = arith.constant 0 : i32
      %add3A_811 = arith.addi %mul3A_809, %add3A_810 : i32
      %dma_wait3A_812 = arith.constant 0 : i32
      %dma_wait3A_813 = arith.constant 0 : i32
      %dma_wait3A_814 = tpu.memref_slice %arg7[%dma_wait3A_812, %dma_wait3A_813] : memref<80x128xi32, #tpu.memory_space<vmem>> -> memref<1x128xi32, #tpu.memory_space<vmem>>
      %dma_wait3A_815 = tpu.memref_squeeze %dma_wait3A_814 : memref<1x128xi32, #tpu.memory_space<vmem>> -> memref<128xi32, #tpu.memory_space<vmem>>
      %dma_wait3A_816 = arith.constant 0 : i32
      %dma_wait3A_817 = arith.constant 0 : i32
      %dma_wait3A_818 = tpu.memref_slice %arg6[%dma_wait3A_816, %dma_wait3A_817] : memref<10112x128xf32, #tpu.memory_space<vmem_shared>> -> memref<10112x128xf32, #tpu.memory_space<vmem_shared>>
      tpu.wait_indirect_dma semaphore(%arg15 : memref<!tpu.dma_semaphore, #tpu.memory_space<semaphore_mem>>) src(%arg11 : memref<128x128xf32, #tpu.memory_space<vmem>>) dst(%dma_wait3A_818 : memref<10112x128xf32, #tpu.memory_space<vmem_shared>>)
      %add3A_819 = arith.constant 1 : i32
      %add3A_820 = arith.addi %add3A_811, %add3A_819 : i32
      %dma_start3A_821 = arith.constant 1 : i32
      %dma_start3A_822 = arith.constant 0 : i32
      %dma_start3A_823 = tpu.memref_slice %arg9[%dma_start3A_821, %dma_start3A_822] : memref<8x128xi32, #tpu.memory_space<vmem>> -> memref<1x128xi32, #tpu.memory_space<vmem>>
      %dma_start3A_824 = tpu.memref_squeeze %dma_start3A_823 : memref<1x128xi32, #tpu.memory_space<vmem>> -> memref<128xi32, #tpu.memory_space<vmem>>
      %dma_start3A_825 = arith.constant 0 : i32
      %dma_start3A_826 = arith.constant 0 : i32
      %dma_start3A_827 = tpu.memref_slice %arg2[%dma_start3A_825, %dma_start3A_826] : memref<10112x128xf32, #tpu.memory_space<hbm>> -> memref<10112x128xf32, #tpu.memory_space<hbm>>
      tpu.enqueue_indirect_dma source(%dma_start3A_827 : memref<10112x128xf32, #tpu.memory_space<hbm>>) target(%arg11 : memref<128x128xf32, #tpu.memory_space<vmem>>) offsets(%dma_start3A_824 : memref<128xi32, #tpu.memory_space<vmem>>) semaphore(%arg13 : memref<!tpu.dma_semaphore, #tpu.memory_space<semaphore_mem>>)
      %dma_wait3A_828 = arith.constant 0 : i32
      %dma_wait3A_829 = arith.constant 0 : i32
      %dma_wait3A_830 = tpu.memref_slice %arg8[%dma_wait3A_828, %dma_wait3A_829] : memref<8x128xi32, #tpu.memory_space<vmem>> -> memref<1x128xi32, #tpu.memory_space<vmem>>
      %dma_wait3A_831 = tpu.memref_squeeze %dma_wait3A_830 : memref<1x128xi32, #tpu.memory_space<vmem>> -> memref<128xi32, #tpu.memory_space<vmem>>
      %dma_wait3A_832 = arith.constant 0 : i32
      %dma_wait3A_833 = arith.constant 0 : i32
      %dma_wait3A_834 = tpu.memref_slice %arg2[%dma_wait3A_832, %dma_wait3A_833] : memref<10112x128xf32, #tpu.memory_space<hbm>> -> memref<10112x128xf32, #tpu.memory_space<hbm>>
      tpu.wait_indirect_dma semaphore(%arg12 : memref<!tpu.dma_semaphore, #tpu.memory_space<semaphore_mem>>) src(%dma_wait3A_834 : memref<10112x128xf32, #tpu.memory_space<hbm>>) dst(%arg10 : memref<128x128xf32, #tpu.memory_space<vmem>>)
      %dma_start3A_835 = arith.constant 0 : i32
      %dma_start3A_836 = tpu.memref_slice %arg7[%add3A_811, %dma_start3A_835] : memref<80x128xi32, #tpu.memory_space<vmem>> -> memref<1x128xi32, #tpu.memory_space<vmem>>
      %dma_start3A_837 = tpu.memref_squeeze %dma_start3A_836 : memref<1x128xi32, #tpu.memory_space<vmem>> -> memref<128xi32, #tpu.memory_space<vmem>>
      %dma_start3A_838 = arith.constant 0 : i32
      %dma_start3A_839 = arith.constant 0 : i32
      %dma_start3A_840 = tpu.memref_slice %arg6[%dma_start3A_838, %dma_start3A_839] : memref<10112x128xf32, #tpu.memory_space<vmem_shared>> -> memref<10112x128xf32, #tpu.memory_space<vmem_shared>>
      tpu.enqueue_indirect_dma source(%arg10 : memref<128x128xf32, #tpu.memory_space<vmem>>) target(%dma_start3A_840 : memref<10112x128xf32, #tpu.memory_space<vmem_shared>>) offsets(%dma_start3A_837 : memref<128xi32, #tpu.memory_space<vmem>>) semaphore(%arg14 : memref<!tpu.dma_semaphore, #tpu.memory_space<semaphore_mem>>) {add = true}
      %mul3A_841 = arith.constant 8 : i32
      %mul3A_842 = arith.muli %add3A_807, %mul3A_841 : i32
      %add3A_843 = arith.constant 1 : i32
      %add3A_844 = arith.addi %mul3A_842, %add3A_843 : i32
      %dma_wait3A_845 = arith.constant 0 : i32
      %dma_wait3A_846 = arith.constant 0 : i32
      %dma_wait3A_847 = tpu.memref_slice %arg7[%dma_wait3A_845, %dma_wait3A_846] : memref<80x128xi32, #tpu.memory_space<vmem>> -> memref<1x128xi32, #tpu.memory_space<vmem>>
      %dma_wait3A_848 = tpu.memref_squeeze %dma_wait3A_847 : memref<1x128xi32, #tpu.memory_space<vmem>> -> memref<128xi32, #tpu.memory_space<vmem>>
      %dma_wait3A_849 = arith.constant 0 : i32
      %dma_wait3A_850 = arith.constant 0 : i32
      %dma_wait3A_851 = tpu.memref_slice %arg6[%dma_wait3A_849, %dma_wait3A_850] : memref<10112x128xf32, #tpu.memory_space<vmem_shared>> -> memref<10112x128xf32, #tpu.memory_space<vmem_shared>>
      tpu.wait_indirect_dma semaphore(%arg14 : memref<!tpu.dma_semaphore, #tpu.memory_space<semaphore_mem>>) src(%arg10 : memref<128x128xf32, #tpu.memory_space<vmem>>) dst(%dma_wait3A_851 : memref<10112x128xf32, #tpu.memory_space<vmem_shared>>)
      %add3A_852 = arith.constant 1 : i32
      %add3A_853 = arith.addi %add3A_844, %add3A_852 : i32
      %dma_start3A_854 = arith.constant 2 : i32
      %dma_start3A_855 = arith.constant 0 : i32
      %dma_start3A_856 = tpu.memref_slice %arg9[%dma_start3A_854, %dma_start3A_855] : memref<8x128xi32, #tpu.memory_space<vmem>> -> memref<1x128xi32, #tpu.memory_space<vmem>>
      %dma_start3A_857 = tpu.memref_squeeze %dma_start3A_856 : memref<1x128xi32, #tpu.memory_space<vmem>> -> memref<128xi32, #tpu.memory_space<vmem>>
      %dma_start3A_858 = arith.constant 0 : i32
      %dma_start3A_859 = arith.constant 0 : i32
      %dma_start3A_860 = tpu.memref_slice %arg2[%dma_start3A_858, %dma_start3A_859] : memref<10112x128xf32, #tpu.memory_space<hbm>> -> memref<10112x128xf32, #tpu.memory_space<hbm>>
      tpu.enqueue_indirect_dma source(%dma_start3A_860 : memref<10112x128xf32, #tpu.memory_space<hbm>>) target(%arg10 : memref<128x128xf32, #tpu.memory_space<vmem>>) offsets(%dma_start3A_857 : memref<128xi32, #tpu.memory_space<vmem>>) semaphore(%arg12 : memref<!tpu.dma_semaphore, #tpu.memory_space<semaphore_mem>>)
      %dma_wait3A_861 = arith.constant 0 : i32
      %dma_wait3A_862 = arith.constant 0 : i32
      %dma_wait3A_863 = tpu.memref_slice %arg8[%dma_wait3A_861, %dma_wait3A_862] : memref<8x128xi32, #tpu.memory_space<vmem>> -> memref<1x128xi32, #tpu.memory_space<vmem>>
      %dma_wait3A_864 = tpu.memref_squeeze %dma_wait3A_863 : memref<1x128xi32, #tpu.memory_space<vmem>> -> memref<128xi32, #tpu.memory_space<vmem>>
      %dma_wait3A_865 = arith.constant 0 : i32
      %dma_wait3A_866 = arith.constant 0 : i32
      %dma_wait3A_867 = tpu.memref_slice %arg2[%dma_wait3A_865, %dma_wait3A_866] : memref<10112x128xf32, #tpu.memory_space<hbm>> -> memref<10112x128xf32, #tpu.memory_space<hbm>>
      tpu.wait_indirect_dma semaphore(%arg13 : memref<!tpu.dma_semaphore, #tpu.memory_space<semaphore_mem>>) src(%dma_wait3A_867 : memref<10112x128xf32, #tpu.memory_space<hbm>>) dst(%arg11 : memref<128x128xf32, #tpu.memory_space<vmem>>)
      %dma_start3A_868 = arith.constant 0 : i32
      %dma_start3A_869 = tpu.memref_slice %arg7[%add3A_844, %dma_start3A_868] : memref<80x128xi32, #tpu.memory_space<vmem>> -> memref<1x128xi32, #tpu.memory_space<vmem>>
      %dma_start3A_870 = tpu.memref_squeeze %dma_start3A_869 : memref<1x128xi32, #tpu.memory_space<vmem>> -> memref<128xi32, #tpu.memory_space<vmem>>
      %dma_start3A_871 = arith.constant 0 : i32
      %dma_start3A_872 = arith.constant 0 : i32
      %dma_start3A_873 = tpu.memref_slice %arg6[%dma_start3A_871, %dma_start3A_872] : memref<10112x128xf32, #tpu.memory_space<vmem_shared>> -> memref<10112x128xf32, #tpu.memory_space<vmem_shared>>
      tpu.enqueue_indirect_dma source(%arg11 : memref<128x128xf32, #tpu.memory_space<vmem>>) target(%dma_start3A_873 : memref<10112x128xf32, #tpu.memory_space<vmem_shared>>) offsets(%dma_start3A_870 : memref<128xi32, #tpu.memory_space<vmem>>) semaphore(%arg15 : memref<!tpu.dma_semaphore, #tpu.memory_space<semaphore_mem>>) {add = true}
      %mul3A_874 = arith.constant 8 : i32
      %mul3A_875 = arith.muli %add3A_807, %mul3A_874 : i32
      %add3A_876 = arith.constant 2 : i32
      %add3A_877 = arith.addi %mul3A_875, %add3A_876 : i32
      %dma_wait3A_878 = arith.constant 0 : i32
      %dma_wait3A_879 = arith.constant 0 : i32
      %dma_wait3A_880 = tpu.memref_slice %arg7[%dma_wait3A_878, %dma_wait3A_879] : memref<80x128xi32, #tpu.memory_space<vmem>> -> memref<1x128xi32, #tpu.memory_space<vmem>>
      %dma_wait3A_881 = tpu.memref_squeeze %dma_wait3A_880 : memref<1x128xi32, #tpu.memory_space<vmem>> -> memref<128xi32, #tpu.memory_space<vmem>>
      %dma_wait3A_882 = arith.constant 0 : i32
      %dma_wait3A_883 = arith.constant 0 : i32
      %dma_wait3A_884 = tpu.memref_slice %arg6[%dma_wait3A_882, %dma_wait3A_883] : memref<10112x128xf32, #tpu.memory_space<vmem_shared>> -> memref<10112x128xf32, #tpu.memory_space<vmem_shared>>
      tpu.wait_indirect_dma semaphore(%arg15 : memref<!tpu.dma_semaphore, #tpu.memory_space<semaphore_mem>>) src(%arg11 : memref<128x128xf32, #tpu.memory_space<vmem>>) dst(%dma_wait3A_884 : memref<10112x128xf32, #tpu.memory_space<vmem_shared>>)
      %add3A_885 = arith.constant 1 : i32
      %add3A_886 = arith.addi %add3A_877, %add3A_885 : i32
      %dma_start3A_887 = arith.constant 3 : i32
      %dma_start3A_888 = arith.constant 0 : i32
      %dma_start3A_889 = tpu.memref_slice %arg9[%dma_start3A_887, %dma_start3A_888] : memref<8x128xi32, #tpu.memory_space<vmem>> -> memref<1x128xi32, #tpu.memory_space<vmem>>
      %dma_start3A_890 = tpu.memref_squeeze %dma_start3A_889 : memref<1x128xi32, #tpu.memory_space<vmem>> -> memref<128xi32, #tpu.memory_space<vmem>>
      %dma_start3A_891 = arith.constant 0 : i32
      %dma_start3A_892 = arith.constant 0 : i32
      %dma_start3A_893 = tpu.memref_slice %arg2[%dma_start3A_891, %dma_start3A_892] : memref<10112x128xf32, #tpu.memory_space<hbm>> -> memref<10112x128xf32, #tpu.memory_space<hbm>>
      tpu.enqueue_indirect_dma source(%dma_start3A_893 : memref<10112x128xf32, #tpu.memory_space<hbm>>) target(%arg11 : memref<128x128xf32, #tpu.memory_space<vmem>>) offsets(%dma_start3A_890 : memref<128xi32, #tpu.memory_space<vmem>>) semaphore(%arg13 : memref<!tpu.dma_semaphore, #tpu.memory_space<semaphore_mem>>)
      %dma_wait3A_894 = arith.constant 0 : i32
      %dma_wait3A_895 = arith.constant 0 : i32
      %dma_wait3A_896 = tpu.memref_slice %arg8[%dma_wait3A_894, %dma_wait3A_895] : memref<8x128xi32, #tpu.memory_space<vmem>> -> memref<1x128xi32, #tpu.memory_space<vmem>>
      %dma_wait3A_897 = tpu.memref_squeeze %dma_wait3A_896 : memref<1x128xi32, #tpu.memory_space<vmem>> -> memref<128xi32, #tpu.memory_space<vmem>>
      %dma_wait3A_898 = arith.constant 0 : i32
      %dma_wait3A_899 = arith.constant 0 : i32
      %dma_wait3A_900 = tpu.memref_slice %arg2[%dma_wait3A_898, %dma_wait3A_899] : memref<10112x128xf32, #tpu.memory_space<hbm>> -> memref<10112x128xf32, #tpu.memory_space<hbm>>
      tpu.wait_indirect_dma semaphore(%arg12 : memref<!tpu.dma_semaphore, #tpu.memory_space<semaphore_mem>>) src(%dma_wait3A_900 : memref<10112x128xf32, #tpu.memory_space<hbm>>) dst(%arg10 : memref<128x128xf32, #tpu.memory_space<vmem>>)
      %dma_start3A_901 = arith.constant 0 : i32
      %dma_start3A_902 = tpu.memref_slice %arg7[%add3A_877, %dma_start3A_901] : memref<80x128xi32, #tpu.memory_space<vmem>> -> memref<1x128xi32, #tpu.memory_space<vmem>>
      %dma_start3A_903 = tpu.memref_squeeze %dma_start3A_902 : memref<1x128xi32, #tpu.memory_space<vmem>> -> memref<128xi32, #tpu.memory_space<vmem>>
      %dma_start3A_904 = arith.constant 0 : i32
      %dma_start3A_905 = arith.constant 0 : i32
      %dma_start3A_906 = tpu.memref_slice %arg6[%dma_start3A_904, %dma_start3A_905] : memref<10112x128xf32, #tpu.memory_space<vmem_shared>> -> memref<10112x128xf32, #tpu.memory_space<vmem_shared>>
      tpu.enqueue_indirect_dma source(%arg10 : memref<128x128xf32, #tpu.memory_space<vmem>>) target(%dma_start3A_906 : memref<10112x128xf32, #tpu.memory_space<vmem_shared>>) offsets(%dma_start3A_903 : memref<128xi32, #tpu.memory_space<vmem>>) semaphore(%arg14 : memref<!tpu.dma_semaphore, #tpu.memory_space<semaphore_mem>>) {add = true}
      %mul3A_907 = arith.constant 8 : i32
      %mul3A_908 = arith.muli %add3A_807, %mul3A_907 : i32
      %add3A_909 = arith.constant 3 : i32
      %add3A_910 = arith.addi %mul3A_908, %add3A_909 : i32
      %dma_wait3A_911 = arith.constant 0 : i32
      %dma_wait3A_912 = arith.constant 0 : i32
      %dma_wait3A_913 = tpu.memref_slice %arg7[%dma_wait3A_911, %dma_wait3A_912] : memref<80x128xi32, #tpu.memory_space<vmem>> -> memref<1x128xi32, #tpu.memory_space<vmem>>
      %dma_wait3A_914 = tpu.memref_squeeze %dma_wait3A_913 : memref<1x128xi32, #tpu.memory_space<vmem>> -> memref<128xi32, #tpu.memory_space<vmem>>
      %dma_wait3A_915 = arith.constant 0 : i32
      %dma_wait3A_916 = arith.constant 0 : i32
      %dma_wait3A_917 = tpu.memref_slice %arg6[%dma_wait3A_915, %dma_wait3A_916] : memref<10112x128xf32, #tpu.memory_space<vmem_shared>> -> memref<10112x128xf32, #tpu.memory_space<vmem_shared>>
      tpu.wait_indirect_dma semaphore(%arg14 : memref<!tpu.dma_semaphore, #tpu.memory_space<semaphore_mem>>) src(%arg10 : memref<128x128xf32, #tpu.memory_space<vmem>>) dst(%dma_wait3A_917 : memref<10112x128xf32, #tpu.memory_space<vmem_shared>>)
      %add3A_918 = arith.constant 1 : i32
      %add3A_919 = arith.addi %add3A_910, %add3A_918 : i32
      %dma_start3A_920 = arith.constant 4 : i32
      %dma_start3A_921 = arith.constant 0 : i32
      %dma_start3A_922 = tpu.memref_slice %arg9[%dma_start3A_920, %dma_start3A_921] : memref<8x128xi32, #tpu.memory_space<vmem>> -> memref<1x128xi32, #tpu.memory_space<vmem>>
      %dma_start3A_923 = tpu.memref_squeeze %dma_start3A_922 : memref<1x128xi32, #tpu.memory_space<vmem>> -> memref<128xi32, #tpu.memory_space<vmem>>
      %dma_start3A_924 = arith.constant 0 : i32
      %dma_start3A_925 = arith.constant 0 : i32
      %dma_start3A_926 = tpu.memref_slice %arg2[%dma_start3A_924, %dma_start3A_925] : memref<10112x128xf32, #tpu.memory_space<hbm>> -> memref<10112x128xf32, #tpu.memory_space<hbm>>
      tpu.enqueue_indirect_dma source(%dma_start3A_926 : memref<10112x128xf32, #tpu.memory_space<hbm>>) target(%arg10 : memref<128x128xf32, #tpu.memory_space<vmem>>) offsets(%dma_start3A_923 : memref<128xi32, #tpu.memory_space<vmem>>) semaphore(%arg12 : memref<!tpu.dma_semaphore, #tpu.memory_space<semaphore_mem>>)
      %dma_wait3A_927 = arith.constant 0 : i32
      %dma_wait3A_928 = arith.constant 0 : i32
      %dma_wait3A_929 = tpu.memref_slice %arg8[%dma_wait3A_927, %dma_wait3A_928] : memref<8x128xi32, #tpu.memory_space<vmem>> -> memref<1x128xi32, #tpu.memory_space<vmem>>
      %dma_wait3A_930 = tpu.memref_squeeze %dma_wait3A_929 : memref<1x128xi32, #tpu.memory_space<vmem>> -> memref<128xi32, #tpu.memory_space<vmem>>
      %dma_wait3A_931 = arith.constant 0 : i32
      %dma_wait3A_932 = arith.constant 0 : i32
      %dma_wait3A_933 = tpu.memref_slice %arg2[%dma_wait3A_931, %dma_wait3A_932] : memref<10112x128xf32, #tpu.memory_space<hbm>> -> memref<10112x128xf32, #tpu.memory_space<hbm>>
      tpu.wait_indirect_dma semaphore(%arg13 : memref<!tpu.dma_semaphore, #tpu.memory_space<semaphore_mem>>) src(%dma_wait3A_933 : memref<10112x128xf32, #tpu.memory_space<hbm>>) dst(%arg11 : memref<128x128xf32, #tpu.memory_space<vmem>>)
      %dma_start3A_934 = arith.constant 0 : i32
      %dma_start3A_935 = tpu.memref_slice %arg7[%add3A_910, %dma_start3A_934] : memref<80x128xi32, #tpu.memory_space<vmem>> -> memref<1x128xi32, #tpu.memory_space<vmem>>
      %dma_start3A_936 = tpu.memref_squeeze %dma_start3A_935 : memref<1x128xi32, #tpu.memory_space<vmem>> -> memref<128xi32, #tpu.memory_space<vmem>>
      %dma_start3A_937 = arith.constant 0 : i32
      %dma_start3A_938 = arith.constant 0 : i32
      %dma_start3A_939 = tpu.memref_slice %arg6[%dma_start3A_937, %dma_start3A_938] : memref<10112x128xf32, #tpu.memory_space<vmem_shared>> -> memref<10112x128xf32, #tpu.memory_space<vmem_shared>>
      tpu.enqueue_indirect_dma source(%arg11 : memref<128x128xf32, #tpu.memory_space<vmem>>) target(%dma_start3A_939 : memref<10112x128xf32, #tpu.memory_space<vmem_shared>>) offsets(%dma_start3A_936 : memref<128xi32, #tpu.memory_space<vmem>>) semaphore(%arg15 : memref<!tpu.dma_semaphore, #tpu.memory_space<semaphore_mem>>) {add = true}
      %mul3A_940 = arith.constant 8 : i32
      %mul3A_941 = arith.muli %add3A_807, %mul3A_940 : i32
      %add3A_942 = arith.constant 4 : i32
      %add3A_943 = arith.addi %mul3A_941, %add3A_942 : i32
      %dma_wait3A_944 = arith.constant 0 : i32
      %dma_wait3A_945 = arith.constant 0 : i32
      %dma_wait3A_946 = tpu.memref_slice %arg7[%dma_wait3A_944, %dma_wait3A_945] : memref<80x128xi32, #tpu.memory_space<vmem>> -> memref<1x128xi32, #tpu.memory_space<vmem>>
      %dma_wait3A_947 = tpu.memref_squeeze %dma_wait3A_946 : memref<1x128xi32, #tpu.memory_space<vmem>> -> memref<128xi32, #tpu.memory_space<vmem>>
      %dma_wait3A_948 = arith.constant 0 : i32
      %dma_wait3A_949 = arith.constant 0 : i32
      %dma_wait3A_950 = tpu.memref_slice %arg6[%dma_wait3A_948, %dma_wait3A_949] : memref<10112x128xf32, #tpu.memory_space<vmem_shared>> -> memref<10112x128xf32, #tpu.memory_space<vmem_shared>>
      tpu.wait_indirect_dma semaphore(%arg15 : memref<!tpu.dma_semaphore, #tpu.memory_space<semaphore_mem>>) src(%arg11 : memref<128x128xf32, #tpu.memory_space<vmem>>) dst(%dma_wait3A_950 : memref<10112x128xf32, #tpu.memory_space<vmem_shared>>)
      %add3A_951 = arith.constant 1 : i32
      %add3A_952 = arith.addi %add3A_943, %add3A_951 : i32
      %dma_start3A_953 = arith.constant 5 : i32
      %dma_start3A_954 = arith.constant 0 : i32
      %dma_start3A_955 = tpu.memref_slice %arg9[%dma_start3A_953, %dma_start3A_954] : memref<8x128xi32, #tpu.memory_space<vmem>> -> memref<1x128xi32, #tpu.memory_space<vmem>>
      %dma_start3A_956 = tpu.memref_squeeze %dma_start3A_955 : memref<1x128xi32, #tpu.memory_space<vmem>> -> memref<128xi32, #tpu.memory_space<vmem>>
      %dma_start3A_957 = arith.constant 0 : i32
      %dma_start3A_958 = arith.constant 0 : i32
      %dma_start3A_959 = tpu.memref_slice %arg2[%dma_start3A_957, %dma_start3A_958] : memref<10112x128xf32, #tpu.memory_space<hbm>> -> memref<10112x128xf32, #tpu.memory_space<hbm>>
      tpu.enqueue_indirect_dma source(%dma_start3A_959 : memref<10112x128xf32, #tpu.memory_space<hbm>>) target(%arg11 : memref<128x128xf32, #tpu.memory_space<vmem>>) offsets(%dma_start3A_956 : memref<128xi32, #tpu.memory_space<vmem>>) semaphore(%arg13 : memref<!tpu.dma_semaphore, #tpu.memory_space<semaphore_mem>>)
      %dma_wait3A_960 = arith.constant 0 : i32
      %dma_wait3A_961 = arith.constant 0 : i32
      %dma_wait3A_962 = tpu.memref_slice %arg8[%dma_wait3A_960, %dma_wait3A_961] : memref<8x128xi32, #tpu.memory_space<vmem>> -> memref<1x128xi32, #tpu.memory_space<vmem>>
      %dma_wait3A_963 = tpu.memref_squeeze %dma_wait3A_962 : memref<1x128xi32, #tpu.memory_space<vmem>> -> memref<128xi32, #tpu.memory_space<vmem>>
      %dma_wait3A_964 = arith.constant 0 : i32
      %dma_wait3A_965 = arith.constant 0 : i32
      %dma_wait3A_966 = tpu.memref_slice %arg2[%dma_wait3A_964, %dma_wait3A_965] : memref<10112x128xf32, #tpu.memory_space<hbm>> -> memref<10112x128xf32, #tpu.memory_space<hbm>>
      tpu.wait_indirect_dma semaphore(%arg12 : memref<!tpu.dma_semaphore, #tpu.memory_space<semaphore_mem>>) src(%dma_wait3A_966 : memref<10112x128xf32, #tpu.memory_space<hbm>>) dst(%arg10 : memref<128x128xf32, #tpu.memory_space<vmem>>)
      %dma_start3A_967 = arith.constant 0 : i32
      %dma_start3A_968 = tpu.memref_slice %arg7[%add3A_943, %dma_start3A_967] : memref<80x128xi32, #tpu.memory_space<vmem>> -> memref<1x128xi32, #tpu.memory_space<vmem>>
      %dma_start3A_969 = tpu.memref_squeeze %dma_start3A_968 : memref<1x128xi32, #tpu.memory_space<vmem>> -> memref<128xi32, #tpu.memory_space<vmem>>
      %dma_start3A_970 = arith.constant 0 : i32
      %dma_start3A_971 = arith.constant 0 : i32
      %dma_start3A_972 = tpu.memref_slice %arg6[%dma_start3A_970, %dma_start3A_971] : memref<10112x128xf32, #tpu.memory_space<vmem_shared>> -> memref<10112x128xf32, #tpu.memory_space<vmem_shared>>
      tpu.enqueue_indirect_dma source(%arg10 : memref<128x128xf32, #tpu.memory_space<vmem>>) target(%dma_start3A_972 : memref<10112x128xf32, #tpu.memory_space<vmem_shared>>) offsets(%dma_start3A_969 : memref<128xi32, #tpu.memory_space<vmem>>) semaphore(%arg14 : memref<!tpu.dma_semaphore, #tpu.memory_space<semaphore_mem>>) {add = true}
      %mul3A_973 = arith.constant 8 : i32
      %mul3A_974 = arith.muli %add3A_807, %mul3A_973 : i32
      %add3A_975 = arith.constant 5 : i32
      %add3A_976 = arith.addi %mul3A_974, %add3A_975 : i32
      %dma_wait3A_977 = arith.constant 0 : i32
      %dma_wait3A_978 = arith.constant 0 : i32
      %dma_wait3A_979 = tpu.memref_slice %arg7[%dma_wait3A_977, %dma_wait3A_978] : memref<80x128xi32, #tpu.memory_space<vmem>> -> memref<1x128xi32, #tpu.memory_space<vmem>>
      %dma_wait3A_980 = tpu.memref_squeeze %dma_wait3A_979 : memref<1x128xi32, #tpu.memory_space<vmem>> -> memref<128xi32, #tpu.memory_space<vmem>>
      %dma_wait3A_981 = arith.constant 0 : i32
      %dma_wait3A_982 = arith.constant 0 : i32
      %dma_wait3A_983 = tpu.memref_slice %arg6[%dma_wait3A_981, %dma_wait3A_982] : memref<10112x128xf32, #tpu.memory_space<vmem_shared>> -> memref<10112x128xf32, #tpu.memory_space<vmem_shared>>
      tpu.wait_indirect_dma semaphore(%arg14 : memref<!tpu.dma_semaphore, #tpu.memory_space<semaphore_mem>>) src(%arg10 : memref<128x128xf32, #tpu.memory_space<vmem>>) dst(%dma_wait3A_983 : memref<10112x128xf32, #tpu.memory_space<vmem_shared>>)
      %add3A_984 = arith.constant 1 : i32
      %add3A_985 = arith.addi %add3A_976, %add3A_984 : i32
      %dma_start3A_986 = arith.constant 6 : i32
      %dma_start3A_987 = arith.constant 0 : i32
      %dma_start3A_988 = tpu.memref_slice %arg9[%dma_start3A_986, %dma_start3A_987] : memref<8x128xi32, #tpu.memory_space<vmem>> -> memref<1x128xi32, #tpu.memory_space<vmem>>
      %dma_start3A_989 = tpu.memref_squeeze %dma_start3A_988 : memref<1x128xi32, #tpu.memory_space<vmem>> -> memref<128xi32, #tpu.memory_space<vmem>>
      %dma_start3A_990 = arith.constant 0 : i32
      %dma_start3A_991 = arith.constant 0 : i32
      %dma_start3A_992 = tpu.memref_slice %arg2[%dma_start3A_990, %dma_start3A_991] : memref<10112x128xf32, #tpu.memory_space<hbm>> -> memref<10112x128xf32, #tpu.memory_space<hbm>>
      tpu.enqueue_indirect_dma source(%dma_start3A_992 : memref<10112x128xf32, #tpu.memory_space<hbm>>) target(%arg10 : memref<128x128xf32, #tpu.memory_space<vmem>>) offsets(%dma_start3A_989 : memref<128xi32, #tpu.memory_space<vmem>>) semaphore(%arg12 : memref<!tpu.dma_semaphore, #tpu.memory_space<semaphore_mem>>)
      %dma_wait3A_993 = arith.constant 0 : i32
      %dma_wait3A_994 = arith.constant 0 : i32
      %dma_wait3A_995 = tpu.memref_slice %arg8[%dma_wait3A_993, %dma_wait3A_994] : memref<8x128xi32, #tpu.memory_space<vmem>> -> memref<1x128xi32, #tpu.memory_space<vmem>>
      %dma_wait3A_996 = tpu.memref_squeeze %dma_wait3A_995 : memref<1x128xi32, #tpu.memory_space<vmem>> -> memref<128xi32, #tpu.memory_space<vmem>>
      %dma_wait3A_997 = arith.constant 0 : i32
      %dma_wait3A_998 = arith.constant 0 : i32
      %dma_wait3A_999 = tpu.memref_slice %arg2[%dma_wait3A_997, %dma_wait3A_998] : memref<10112x128xf32, #tpu.memory_space<hbm>> -> memref<10112x128xf32, #tpu.memory_space<hbm>>
      tpu.wait_indirect_dma semaphore(%arg13 : memref<!tpu.dma_semaphore, #tpu.memory_space<semaphore_mem>>) src(%dma_wait3A_999 : memref<10112x128xf32, #tpu.memory_space<hbm>>) dst(%arg11 : memref<128x128xf32, #tpu.memory_space<vmem>>)
      %dma_start3A_1000 = arith.constant 0 : i32
      %dma_start3A_1001 = tpu.memref_slice %arg7[%add3A_976, %dma_start3A_1000] : memref<80x128xi32, #tpu.memory_space<vmem>> -> memref<1x128xi32, #tpu.memory_space<vmem>>
      %dma_start3A_1002 = tpu.memref_squeeze %dma_start3A_1001 : memref<1x128xi32, #tpu.memory_space<vmem>> -> memref<128xi32, #tpu.memory_space<vmem>>
      %dma_start3A_1003 = arith.constant 0 : i32
      %dma_start3A_1004 = arith.constant 0 : i32
      %dma_start3A_1005 = tpu.memref_slice %arg6[%dma_start3A_1003, %dma_start3A_1004] : memref<10112x128xf32, #tpu.memory_space<vmem_shared>> -> memref<10112x128xf32, #tpu.memory_space<vmem_shared>>
      tpu.enqueue_indirect_dma source(%arg11 : memref<128x128xf32, #tpu.memory_space<vmem>>) target(%dma_start3A_1005 : memref<10112x128xf32, #tpu.memory_space<vmem_shared>>) offsets(%dma_start3A_1002 : memref<128xi32, #tpu.memory_space<vmem>>) semaphore(%arg15 : memref<!tpu.dma_semaphore, #tpu.memory_space<semaphore_mem>>) {add = true}
      %mul3A_1006 = arith.constant 8 : i32
      %mul3A_1007 = arith.muli %add3A_807, %mul3A_1006 : i32
      %add3A_1008 = arith.constant 6 : i32
      %add3A_1009 = arith.addi %mul3A_1007, %add3A_1008 : i32
      %dma_wait3A_1010 = arith.constant 0 : i32
      %dma_wait3A_1011 = arith.constant 0 : i32
      %dma_wait3A_1012 = tpu.memref_slice %arg7[%dma_wait3A_1010, %dma_wait3A_1011] : memref<80x128xi32, #tpu.memory_space<vmem>> -> memref<1x128xi32, #tpu.memory_space<vmem>>
      %dma_wait3A_1013 = tpu.memref_squeeze %dma_wait3A_1012 : memref<1x128xi32, #tpu.memory_space<vmem>> -> memref<128xi32, #tpu.memory_space<vmem>>
      %dma_wait3A_1014 = arith.constant 0 : i32
      %dma_wait3A_1015 = arith.constant 0 : i32
      %dma_wait3A_1016 = tpu.memref_slice %arg6[%dma_wait3A_1014, %dma_wait3A_1015] : memref<10112x128xf32, #tpu.memory_space<vmem_shared>> -> memref<10112x128xf32, #tpu.memory_space<vmem_shared>>
      tpu.wait_indirect_dma semaphore(%arg15 : memref<!tpu.dma_semaphore, #tpu.memory_space<semaphore_mem>>) src(%arg11 : memref<128x128xf32, #tpu.memory_space<vmem>>) dst(%dma_wait3A_1016 : memref<10112x128xf32, #tpu.memory_space<vmem_shared>>)
      %add3A_1017 = arith.constant 1 : i32
      %add3A_1018 = arith.addi %add3A_1009, %add3A_1017 : i32
      %dma_start3A_1019 = arith.constant 7 : i32
      %dma_start3A_1020 = arith.constant 0 : i32
      %dma_start3A_1021 = tpu.memref_slice %arg9[%dma_start3A_1019, %dma_start3A_1020] : memref<8x128xi32, #tpu.memory_space<vmem>> -> memref<1x128xi32, #tpu.memory_space<vmem>>
      %dma_start3A_1022 = tpu.memref_squeeze %dma_start3A_1021 : memref<1x128xi32, #tpu.memory_space<vmem>> -> memref<128xi32, #tpu.memory_space<vmem>>
      %dma_start3A_1023 = arith.constant 0 : i32
      %dma_start3A_1024 = arith.constant 0 : i32
      %dma_start3A_1025 = tpu.memref_slice %arg2[%dma_start3A_1023, %dma_start3A_1024] : memref<10112x128xf32, #tpu.memory_space<hbm>> -> memref<10112x128xf32, #tpu.memory_space<hbm>>
      tpu.enqueue_indirect_dma source(%dma_start3A_1025 : memref<10112x128xf32, #tpu.memory_space<hbm>>) target(%arg11 : memref<128x128xf32, #tpu.memory_space<vmem>>) offsets(%dma_start3A_1022 : memref<128xi32, #tpu.memory_space<vmem>>) semaphore(%arg13 : memref<!tpu.dma_semaphore, #tpu.memory_space<semaphore_mem>>)
      %dma_wait3A_1026 = arith.constant 0 : i32
      %dma_wait3A_1027 = arith.constant 0 : i32
      %dma_wait3A_1028 = tpu.memref_slice %arg8[%dma_wait3A_1026, %dma_wait3A_1027] : memref<8x128xi32, #tpu.memory_space<vmem>> -> memref<1x128xi32, #tpu.memory_space<vmem>>
      %dma_wait3A_1029 = tpu.memref_squeeze %dma_wait3A_1028 : memref<1x128xi32, #tpu.memory_space<vmem>> -> memref<128xi32, #tpu.memory_space<vmem>>
      %dma_wait3A_1030 = arith.constant 0 : i32
      %dma_wait3A_1031 = arith.constant 0 : i32
      %dma_wait3A_1032 = tpu.memref_slice %arg2[%dma_wait3A_1030, %dma_wait3A_1031] : memref<10112x128xf32, #tpu.memory_space<hbm>> -> memref<10112x128xf32, #tpu.memory_space<hbm>>
      tpu.wait_indirect_dma semaphore(%arg12 : memref<!tpu.dma_semaphore, #tpu.memory_space<semaphore_mem>>) src(%dma_wait3A_1032 : memref<10112x128xf32, #tpu.memory_space<hbm>>) dst(%arg10 : memref<128x128xf32, #tpu.memory_space<vmem>>)
      %dma_start3A_1033 = arith.constant 0 : i32
      %dma_start3A_1034 = tpu.memref_slice %arg7[%add3A_1009, %dma_start3A_1033] : memref<80x128xi32, #tpu.memory_space<vmem>> -> memref<1x128xi32, #tpu.memory_space<vmem>>
      %dma_start3A_1035 = tpu.memref_squeeze %dma_start3A_1034 : memref<1x128xi32, #tpu.memory_space<vmem>> -> memref<128xi32, #tpu.memory_space<vmem>>
      %dma_start3A_1036 = arith.constant 0 : i32
      %dma_start3A_1037 = arith.constant 0 : i32
      %dma_start3A_1038 = tpu.memref_slice %arg6[%dma_start3A_1036, %dma_start3A_1037] : memref<10112x128xf32, #tpu.memory_space<vmem_shared>> -> memref<10112x128xf32, #tpu.memory_space<vmem_shared>>
      tpu.enqueue_indirect_dma source(%arg10 : memref<128x128xf32, #tpu.memory_space<vmem>>) target(%dma_start3A_1038 : memref<10112x128xf32, #tpu.memory_space<vmem_shared>>) offsets(%dma_start3A_1035 : memref<128xi32, #tpu.memory_space<vmem>>) semaphore(%arg14 : memref<!tpu.dma_semaphore, #tpu.memory_space<semaphore_mem>>) {add = true}
      %mul3A_1039 = arith.constant 8 : i32
      %mul3A_1040 = arith.muli %add3A_807, %mul3A_1039 : i32
      %add3A_1041 = arith.constant 7 : i32
      %add3A_1042 = arith.addi %mul3A_1040, %add3A_1041 : i32
      %dma_wait3A_1043 = arith.constant 0 : i32
      %dma_wait3A_1044 = arith.constant 0 : i32
      %dma_wait3A_1045 = tpu.memref_slice %arg7[%dma_wait3A_1043, %dma_wait3A_1044] : memref<80x128xi32, #tpu.memory_space<vmem>> -> memref<1x128xi32, #tpu.memory_space<vmem>>
      %dma_wait3A_1046 = tpu.memref_squeeze %dma_wait3A_1045 : memref<1x128xi32, #tpu.memory_space<vmem>> -> memref<128xi32, #tpu.memory_space<vmem>>
      %dma_wait3A_1047 = arith.constant 0 : i32
      %dma_wait3A_1048 = arith.constant 0 : i32
      %dma_wait3A_1049 = tpu.memref_slice %arg6[%dma_wait3A_1047, %dma_wait3A_1048] : memref<10112x128xf32, #tpu.memory_space<vmem_shared>> -> memref<10112x128xf32, #tpu.memory_space<vmem_shared>>
      tpu.wait_indirect_dma semaphore(%arg14 : memref<!tpu.dma_semaphore, #tpu.memory_space<semaphore_mem>>) src(%arg10 : memref<128x128xf32, #tpu.memory_space<vmem>>) dst(%dma_wait3A_1049 : memref<10112x128xf32, #tpu.memory_space<vmem_shared>>)
      %add3A_1050 = arith.constant 1 : i32
      %add3A_1051 = arith.addi %add3A_807, %add3A_1050 : i32
      %lt3A_1052 = arith.constant 10 : i32
      %lt3A_1053 = arith.cmpi slt, %add3A_1051, %lt3A_1052 : i32
      %convert_element_type3A_1054 = arith.extui %lt3A_1053 : i1 to i32
      %cond3A_1055 = arith.constant 0 : i32
      %cond3A_1056 = arith.cmpi ne, %convert_element_type3A_1054, %cond3A_1055 : i32
      scf.if %cond3A_1056 {
        %dma_wait3A_1085 = arith.constant 0 : i32
        %dma_wait3A_1086 = arith.constant 0 : i32
        %dma_wait3A_1087 = tpu.memref_slice %arg3[%add3A, %dma_wait3A_1085, %dma_wait3A_1086] : memref<32x80x128xi32, #tpu.memory_space<hbm>> -> memref<1x8x128xi32, #tpu.memory_space<hbm>>
        %dma_wait3A_1088 = tpu.memref_squeeze %dma_wait3A_1087 : memref<1x8x128xi32, #tpu.memory_space<hbm>> -> memref<8x128xi32, #tpu.memory_space<hbm>>
        %dma_wait3A_1089 = arith.constant 0 : i32
        %dma_wait3A_1090 = arith.constant 0 : i32
        %dma_wait3A_1091 = tpu.memref_slice %arg3[%add3A, %dma_wait3A_1089, %dma_wait3A_1090] : memref<32x80x128xi32, #tpu.memory_space<hbm>> -> memref<1x8x128xi32, #tpu.memory_space<hbm>>
        %dma_wait3A_1092 = tpu.memref_squeeze %dma_wait3A_1091 : memref<1x8x128xi32, #tpu.memory_space<hbm>> -> memref<8x128xi32, #tpu.memory_space<hbm>>
        tpu.wait_dma2 semaphore(%arg16 : memref<!tpu.dma_semaphore, #tpu.memory_space<semaphore_mem>>) src(%dma_wait3A_1092 : memref<8x128xi32, #tpu.memory_space<hbm>>) dst(%arg8 : memref<8x128xi32, #tpu.memory_space<vmem>>)
      } else {
      }
      %add3A_1057 = arith.constant 1 : i32
      %add3A_1058 = arith.addi %add3A_1042, %add3A_1057 : i32
      %lt3A_1059 = arith.constant 80 : i32
      %lt3A_1060 = arith.cmpi slt, %add3A_1058, %lt3A_1059 : i32
      %convert_element_type3A_1061 = arith.extui %lt3A_1060 : i1 to i32
      %cond3A_1062 = arith.constant 0 : i32
      %cond3A_1063 = arith.cmpi ne, %convert_element_type3A_1061, %cond3A_1062 : i32
      scf.if %cond3A_1063 {
        %add3A_1085 = arith.constant 1 : i32
        %add3A_1086 = arith.addi %add3A_1042, %add3A_1085 : i32
        %dma_start3A_1087 = arith.constant 0 : i32
        %dma_start3A_1088 = arith.constant 0 : i32
        %dma_start3A_1089 = tpu.memref_slice %arg8[%dma_start3A_1087, %dma_start3A_1088] : memref<8x128xi32, #tpu.memory_space<vmem>> -> memref<1x128xi32, #tpu.memory_space<vmem>>
        %dma_start3A_1090 = tpu.memref_squeeze %dma_start3A_1089 : memref<1x128xi32, #tpu.memory_space<vmem>> -> memref<128xi32, #tpu.memory_space<vmem>>
        %dma_start3A_1091 = arith.constant 0 : i32
        %dma_start3A_1092 = arith.constant 0 : i32
        %dma_start3A_1093 = tpu.memref_slice %arg2[%dma_start3A_1091, %dma_start3A_1092] : memref<10112x128xf32, #tpu.memory_space<hbm>> -> memref<10112x128xf32, #tpu.memory_space<hbm>>
        tpu.enqueue_indirect_dma source(%dma_start3A_1093 : memref<10112x128xf32, #tpu.memory_space<hbm>>) target(%arg10 : memref<128x128xf32, #tpu.memory_space<vmem>>) offsets(%dma_start3A_1090 : memref<128xi32, #tpu.memory_space<vmem>>) semaphore(%arg12 : memref<!tpu.dma_semaphore, #tpu.memory_space<semaphore_mem>>)
      } else {
      }
      %dma_wait3A_1064 = arith.constant 0 : i32
      %dma_wait3A_1065 = arith.constant 0 : i32
      %dma_wait3A_1066 = tpu.memref_slice %arg8[%dma_wait3A_1064, %dma_wait3A_1065] : memref<8x128xi32, #tpu.memory_space<vmem>> -> memref<1x128xi32, #tpu.memory_space<vmem>>
      %dma_wait3A_1067 = tpu.memref_squeeze %dma_wait3A_1066 : memref<1x128xi32, #tpu.memory_space<vmem>> -> memref<128xi32, #tpu.memory_space<vmem>>
      %dma_wait3A_1068 = arith.constant 0 : i32
      %dma_wait3A_1069 = arith.constant 0 : i32
      %dma_wait3A_1070 = tpu.memref_slice %arg2[%dma_wait3A_1068, %dma_wait3A_1069] : memref<10112x128xf32, #tpu.memory_space<hbm>> -> memref<10112x128xf32, #tpu.memory_space<hbm>>
      tpu.wait_indirect_dma semaphore(%arg13 : memref<!tpu.dma_semaphore, #tpu.memory_space<semaphore_mem>>) src(%dma_wait3A_1070 : memref<10112x128xf32, #tpu.memory_space<hbm>>) dst(%arg11 : memref<128x128xf32, #tpu.memory_space<vmem>>)
      %add3A_1071 = arith.constant 2 : i32
      %add3A_1072 = arith.addi %add3A_807, %add3A_1071 : i32
      %lt3A_1073 = arith.constant 10 : i32
      %lt3A_1074 = arith.cmpi slt, %add3A_1072, %lt3A_1073 : i32
      %convert_element_type3A_1075 = arith.extui %lt3A_1074 : i1 to i32
      %cond3A_1076 = arith.constant 0 : i32
      %cond3A_1077 = arith.cmpi ne, %convert_element_type3A_1075, %cond3A_1076 : i32
      scf.if %cond3A_1077 {
        %add3A_1085 = arith.constant 2 : i32
        %add3A_1086 = arith.addi %add3A_807, %add3A_1085 : i32
        %mul3A_1087 = arith.constant 8 : i32
        %mul3A_1088 = arith.muli %add3A_1086, %mul3A_1087 : i32
        %dma_start3A_1089 = arith.constant 0 : i32
        %dma_start3A_1090 = tpu.memref_slice %arg3[%add3A, %mul3A_1088, %dma_start3A_1089] : memref<32x80x128xi32, #tpu.memory_space<hbm>> -> memref<1x8x128xi32, #tpu.memory_space<hbm>>
        %dma_start3A_1091 = tpu.memref_squeeze %dma_start3A_1090 : memref<1x8x128xi32, #tpu.memory_space<hbm>> -> memref<8x128xi32, #tpu.memory_space<hbm>>
        %dma_start3A_1092 = arith.constant 0 : i32
        %dma_start3A_1093 = tpu.memref_slice %arg3[%add3A, %mul3A_1088, %dma_start3A_1092] : memref<32x80x128xi32, #tpu.memory_space<hbm>> -> memref<1x8x128xi32, #tpu.memory_space<hbm>>
        %dma_start3A_1094 = tpu.memref_squeeze %dma_start3A_1093 : memref<1x8x128xi32, #tpu.memory_space<hbm>> -> memref<8x128xi32, #tpu.memory_space<hbm>>
        tpu.enqueue_dma source(%dma_start3A_1094 : memref<8x128xi32, #tpu.memory_space<hbm>>) target(%arg9 : memref<8x128xi32, #tpu.memory_space<vmem>>) target_semaphore(%arg17 : memref<!tpu.dma_semaphore, #tpu.memory_space<semaphore_mem>>)
      } else {
      }
      %dma_start3A_1078 = arith.constant 0 : i32
      %dma_start3A_1079 = tpu.memref_slice %arg7[%add3A_1042, %dma_start3A_1078] : memref<80x128xi32, #tpu.memory_space<vmem>> -> memref<1x128xi32, #tpu.memory_space<vmem>>
      %dma_start3A_1080 = tpu.memref_squeeze %dma_start3A_1079 : memref<1x128xi32, #tpu.memory_space<vmem>> -> memref<128xi32, #tpu.memory_space<vmem>>
      %dma_start3A_1081 = arith.constant 0 : i32
      %dma_start3A_1082 = arith.constant 0 : i32
      %dma_start3A_1083 = tpu.memref_slice %arg6[%dma_start3A_1081, %dma_start3A_1082] : memref<10112x128xf32, #tpu.memory_space<vmem_shared>> -> memref<10112x128xf32, #tpu.memory_space<vmem_shared>>
      tpu.enqueue_indirect_dma source(%arg11 : memref<128x128xf32, #tpu.memory_space<vmem>>) target(%dma_start3A_1083 : memref<10112x128xf32, #tpu.memory_space<vmem_shared>>) offsets(%dma_start3A_1080 : memref<128xi32, #tpu.memory_space<vmem>>) semaphore(%arg15 : memref<!tpu.dma_semaphore, #tpu.memory_space<semaphore_mem>>) {add = true}
      %scan3A_1084 = arith.constant 0 : i32
      scf.yield %scan3A_1084 : i32
    }
    %scan3A_512 = arith.constant 4 : i32
    %dma_wait3A_513 = arith.constant 0 : i32
    %dma_wait3A_514 = arith.constant 0 : i32
    %dma_wait3A_515 = tpu.memref_slice %arg7[%dma_wait3A_513, %dma_wait3A_514] : memref<80x128xi32, #tpu.memory_space<vmem>> -> memref<1x128xi32, #tpu.memory_space<vmem>>
    %dma_wait3A_516 = tpu.memref_squeeze %dma_wait3A_515 : memref<1x128xi32, #tpu.memory_space<vmem>> -> memref<128xi32, #tpu.memory_space<vmem>>
    %dma_wait3A_517 = arith.constant 0 : i32
    %dma_wait3A_518 = arith.constant 0 : i32
    %dma_wait3A_519 = tpu.memref_slice %arg6[%dma_wait3A_517, %dma_wait3A_518] : memref<10112x128xf32, #tpu.memory_space<vmem_shared>> -> memref<10112x128xf32, #tpu.memory_space<vmem_shared>>
    tpu.wait_indirect_dma semaphore(%arg15 : memref<!tpu.dma_semaphore, #tpu.memory_space<semaphore_mem>>) src(%arg11 : memref<128x128xf32, #tpu.memory_space<vmem>>) dst(%dma_wait3A_519 : memref<10112x128xf32, #tpu.memory_space<vmem_shared>>)
    %barrier3A_520 = arith.constant 0 : index
    tpu.barrier barrier_id(%barrier3A_520)
    %mul3A_521 = arith.constant 632 : i32
    %mul3A_522 = arith.muli %arg1, %mul3A_521 : i32
    %mul3A_523 = arith.constant 632 : i32
    %mul3A_524 = arith.muli %arg1, %mul3A_523 : i32
    "tpu.region"() ({
      %run_scoped3A = tpu.sem_alloc : memref<!tpu.dma_semaphore, #tpu.memory_space<semaphore_mem>>
      %dma_start3A_525 = arith.constant 0 : i32
      %dma_start3A_526 = tpu.memref_slice %arg5[%arg0, %mul3A_524, %dma_start3A_525] : memref<2x10112x128xf32, #tpu.memory_space<hbm>> -> memref<1x632x128xf32, #tpu.memory_space<hbm>>
      %dma_start3A_527 = tpu.memref_squeeze %dma_start3A_526 : memref<1x632x128xf32, #tpu.memory_space<hbm>> -> memref<632x128xf32, #tpu.memory_space<hbm>>
      %dma_start3A_528 = arith.constant 0 : i32
      %dma_start3A_529 = tpu.memref_slice %arg6[%mul3A_522, %dma_start3A_528] : memref<10112x128xf32, #tpu.memory_space<vmem_shared>> -> memref<632x128xf32, #tpu.memory_space<vmem_shared>>
      tpu.enqueue_dma source(%dma_start3A_529 : memref<632x128xf32, #tpu.memory_space<vmem_shared>>) target(%dma_start3A_527 : memref<632x128xf32, #tpu.memory_space<hbm>>) target_semaphore(%run_scoped3A : memref<!tpu.dma_semaphore, #tpu.memory_space<semaphore_mem>>)
      %dma_wait3A_530 = arith.constant 0 : i32
      %dma_wait3A_531 = tpu.memref_slice %arg5[%arg0, %mul3A_524, %dma_wait3A_530] : memref<2x10112x128xf32, #tpu.memory_space<hbm>> -> memref<1x632x128xf32, #tpu.memory_space<hbm>>
      %dma_wait3A_532 = tpu.memref_squeeze %dma_wait3A_531 : memref<1x632x128xf32, #tpu.memory_space<hbm>> -> memref<632x128xf32, #tpu.memory_space<hbm>>
      %dma_wait3A_533 = arith.constant 0 : i32
      %dma_wait3A_534 = tpu.memref_slice %arg6[%mul3A_522, %dma_wait3A_533] : memref<10112x128xf32, #tpu.memory_space<vmem_shared>> -> memref<632x128xf32, #tpu.memory_space<vmem_shared>>
      tpu.wait_dma2 semaphore(%run_scoped3A : memref<!tpu.dma_semaphore, #tpu.memory_space<semaphore_mem>>) src(%dma_wait3A_534 : memref<632x128xf32, #tpu.memory_space<vmem_shared>>) dst(%dma_wait3A_532 : memref<632x128xf32, #tpu.memory_space<hbm>>)
      tpu.yield
    }) : () -> ()
    return
  }
}

module attributes {stable_mosaic.version = 14 : i64} {
  func.func @body(%arg0: i32, %arg1: memref<632x128xf32, #tpu.memory_space<vmem>>, %arg2: memref<632x128xf32, #tpu.memory_space<vmem>>, %arg3: memref<632x128xf32, #tpu.memory_space<vmem>>, %arg4: memref<128x128xf32, #tpu.memory_space<vmem>>, %arg5: memref<632x128xf32, #tpu.memory_space<vmem>>) attributes {dimension_semantics = [#tpu.dimension_semantics<arbitrary>], iteration_bounds = array<i64: 16>, scalar_prefetch = 0 : i64, scratch_operands = 0 : i64, tpu.core_type = #tpu.core_type<tc>, window_params = [{transform_indices = @transform_0, window_bounds = array<i64: 632, 128>}, {transform_indices = @transform_1, window_bounds = array<i64: 632, 128>}, {transform_indices = @transform_2, window_bounds = array<i64: 632, 128>}, {pipeline_mode = #tpu.pipeline_mode<synchronous>, transform_indices = @transform_3, window_bounds = array<i64: 128, 128>}, {transform_indices = @transform_4, window_bounds = array<i64: 632, 128>}]} {
    %get3A = arith.constant 0 : index
    %get3A_0 = arith.constant 0 : index
    %get3A_1 = vector.load %arg1[%get3A, %get3A_0] : memref<632x128xf32, #tpu.memory_space<vmem>>, vector<632x1xf32>
    %get3A_2 = arith.constant 0 : index
    %get3A_3 = arith.constant 0 : index
    %get3A_4 = vector.load %arg2[%get3A_2, %get3A_3] : memref<632x128xf32, #tpu.memory_space<vmem>>, vector<632x1xf32>
    %add3A = arith.addf %get3A_1, %get3A_4 : vector<632x1xf32>
    %add3A_5 = arith.constant 1.000000e+00 : f32
    %add3A_6 = vector.broadcast %add3A_5 : f32 to vector<632x1xf32>
    %add3A_7 = arith.addf %add3A, %add3A_6 : vector<632x1xf32>
    %rsqrt3A = math.rsqrt %add3A_7 : vector<632x1xf32>
    %get3A_8 = arith.constant 0 : index
    %get3A_9 = arith.constant 0 : index
    %get3A_10 = vector.load %arg3[%get3A_8, %get3A_9] : memref<632x128xf32, #tpu.memory_space<vmem>>, vector<632x128xf32>
    %get3A_11 = arith.constant 0 : index
    %get3A_12 = arith.constant 0 : index
    %get3A_13 = vector.load %arg4[%get3A_11, %get3A_12] : memref<128x128xf32, #tpu.memory_space<vmem>>, vector<128x128xf32>
    %dot_general3A = arith.constant dense<0.000000e+00> : vector<632x128xf32>
    %dot_general3A_14 = tpu.matmul %get3A_10, %get3A_13, %dot_general3A {dimension_numbers = #tpu.dot_dimension_numbers<[1], [0], [0], [1], [0, 0, 1, 1], [], []>, transpose_lhs_hint = false} : vector<632x128xf32>, vector<128x128xf32>, vector<632x128xf32> -> vector<632x128xf32>
    %mul3A = vector.broadcast %rsqrt3A : vector<632x1xf32> to vector<632x128xf32>
    %mul3A_15 = arith.mulf %dot_general3A_14, %mul3A : vector<632x128xf32>
    %swap3A = arith.constant 0 : index
    %swap3A_16 = arith.constant 0 : index
    %swap3A_17 = vector.load %arg5[%swap3A, %swap3A_16] : memref<632x128xf32, #tpu.memory_space<vmem>>, vector<632x128xf32>
    tpu.vector_store %arg5[%swap3A, %swap3A_16], %mul3A_15 {strides = array<i32>} : memref<632x128xf32, #tpu.memory_space<vmem>>, vector<632x128xf32>,
    return
  }
  func.func @transform_0(%arg0: i32) -> (i32, i32) {
    %c0_i32 = arith.constant 0 : i32
    %c0_i32_0 = arith.constant 0 : i32
    return %arg0, %c0_i32 : i32, i32
  }
  func.func @transform_1(%arg0: i32) -> (i32, i32) {
    %c0_i32 = arith.constant 0 : i32
    %c0_i32_0 = arith.constant 0 : i32
    return %arg0, %c0_i32 : i32, i32
  }
  func.func @transform_2(%arg0: i32) -> (i32, i32) {
    %c0_i32 = arith.constant 0 : i32
    %c0_i32_0 = arith.constant 0 : i32
    return %arg0, %c0_i32 : i32, i32
  }
  func.func @transform_3(%arg0: i32) -> (i32, i32) {
    %c0_i32 = arith.constant 0 : i32
    %c0_i32_0 = arith.constant 0 : i32
    %c0_i32_1 = arith.constant 0 : i32
    return %c0_i32, %c0_i32_0 : i32, i32
  }
  func.func @transform_4(%arg0: i32) -> (i32, i32) {
    %c0_i32 = arith.constant 0 : i32
    %c0_i32_0 = arith.constant 0 : i32
    return %arg0, %c0_i32 : i32, i32
  }
}

module attributes {stable_mosaic.version = 14 : i64} {
  func.func @body(%arg0: i32, %arg1: memref<632x128xf32, #tpu.memory_space<vmem>>, %arg2: memref<632x128xf32, #tpu.memory_space<vmem>>, %arg3: memref<632x128xf32, #tpu.memory_space<vmem>>, %arg4: memref<632x128xf32, #tpu.memory_space<vmem>>, %arg5: memref<632x128xf32, #tpu.memory_space<vmem>>, %arg6: memref<1x128xf32, #tpu.memory_space<vmem>>, %arg7: memref<128x128xf32, #tpu.memory_space<vmem>>, %arg8: memref<632x128xf32, #tpu.memory_space<vmem>>) attributes {dimension_semantics = [#tpu.dimension_semantics<arbitrary>], iteration_bounds = array<i64: 16>, scalar_prefetch = 0 : i64, scratch_operands = 0 : i64, tpu.core_type = #tpu.core_type<tc>, window_params = [{transform_indices = @transform_0, window_bounds = array<i64: 632, 128>}, {transform_indices = @transform_1, window_bounds = array<i64: 632, 128>}, {transform_indices = @transform_2, window_bounds = array<i64: 632, 128>}, {transform_indices = @transform_3, window_bounds = array<i64: 632, 128>}, {transform_indices = @transform_4, window_bounds = array<i64: 632, 128>}, {pipeline_mode = #tpu.pipeline_mode<synchronous>, transform_indices = @transform_5, window_bounds = array<i64: 1, 128>}, {pipeline_mode = #tpu.pipeline_mode<synchronous>, transform_indices = @transform_6, window_bounds = array<i64: 128, 128>}, {transform_indices = @transform_7, window_bounds = array<i64: 632, 128>}]} {
    %get3A = arith.constant 0 : index
    %get3A_0 = arith.constant 0 : index
    %get3A_1 = vector.load %arg1[%get3A, %get3A_0] : memref<632x128xf32, #tpu.memory_space<vmem>>, vector<632x1xf32>
    %get3A_2 = arith.constant 0 : index
    %get3A_3 = arith.constant 0 : index
    %get3A_4 = vector.load %arg2[%get3A_2, %get3A_3] : memref<632x128xf32, #tpu.memory_space<vmem>>, vector<632x1xf32>
    %add3A = arith.addf %get3A_1, %get3A_4 : vector<632x1xf32>
    %add3A_5 = arith.constant 1.000000e+00 : f32
    %add3A_6 = vector.broadcast %add3A_5 : f32 to vector<632x1xf32>
    %add3A_7 = arith.addf %add3A, %add3A_6 : vector<632x1xf32>
    %rsqrt3A = math.rsqrt %add3A_7 : vector<632x1xf32>
    %get3A_8 = arith.constant 0 : index
    %get3A_9 = arith.constant 0 : index
    %get3A_10 = vector.load %arg3[%get3A_8, %get3A_9] : memref<632x128xf32, #tpu.memory_space<vmem>>, vector<632x128xf32>
    %get3A_11 = arith.constant 0 : index
    %get3A_12 = arith.constant 0 : index
    %get3A_13 = vector.load %arg4[%get3A_11, %get3A_12] : memref<632x128xf32, #tpu.memory_space<vmem>>, vector<632x128xf32>
    %add3A_14 = arith.addf %get3A_10, %get3A_13 : vector<632x128xf32>
    %get3A_15 = arith.constant 0 : index
    %get3A_16 = arith.constant 0 : index
    %get3A_17 = vector.load %arg5[%get3A_15, %get3A_16] : memref<632x128xf32, #tpu.memory_space<vmem>>, vector<632x128xf32>
    %sub3A = arith.subf %add3A_14, %get3A_17 : vector<632x128xf32>
    %mul3A = vector.broadcast %rsqrt3A : vector<632x1xf32> to vector<632x128xf32>
    %mul3A_18 = arith.mulf %sub3A, %mul3A : vector<632x128xf32>
    %get3A_19 = arith.constant 0 : index
    %get3A_20 = arith.constant 0 : index
    %get3A_21 = vector.load %arg6[%get3A_19, %get3A_20] : memref<1x128xf32, #tpu.memory_space<vmem>>, vector<1x128xf32>
    %add3A_22 = vector.broadcast %get3A_21 : vector<1x128xf32> to vector<632x128xf32>
    %add3A_23 = arith.addf %mul3A_18, %add3A_22 : vector<632x128xf32>
    %max3A = arith.constant 0.000000e+00 : f32
    %max3A_24 = vector.broadcast %max3A : f32 to vector<632x128xf32>
    %max3A_25 = arith.maximumf %add3A_23, %max3A_24 : vector<632x128xf32>
    %get3A_26 = arith.constant 0 : index
    %get3A_27 = arith.constant 0 : index
    %get3A_28 = vector.load %arg7[%get3A_26, %get3A_27] : memref<128x128xf32, #tpu.memory_space<vmem>>, vector<128x128xf32>
    %dot_general3A = arith.constant dense<0.000000e+00> : vector<632x128xf32>
    %dot_general3A_29 = tpu.matmul %max3A_25, %get3A_28, %dot_general3A {dimension_numbers = #tpu.dot_dimension_numbers<[1], [0], [0], [1], [0, 0, 1, 1], [], []>, transpose_lhs_hint = false} : vector<632x128xf32>, vector<128x128xf32>, vector<632x128xf32> -> vector<632x128xf32>
    %mul3A_30 = vector.broadcast %rsqrt3A : vector<632x1xf32> to vector<632x128xf32>
    %mul3A_31 = arith.mulf %dot_general3A_29, %mul3A_30 : vector<632x128xf32>
    %swap3A = arith.constant 0 : index
    %swap3A_32 = arith.constant 0 : index
    %swap3A_33 = vector.load %arg8[%swap3A, %swap3A_32] : memref<632x128xf32, #tpu.memory_space<vmem>>, vector<632x128xf32>
    tpu.vector_store %arg8[%swap3A, %swap3A_32], %mul3A_31 {strides = array<i32>} : memref<632x128xf32, #tpu.memory_space<vmem>>, vector<632x128xf32>,
    return
  }
  func.func @transform_0(%arg0: i32) -> (i32, i32) {
    %c0_i32 = arith.constant 0 : i32
    %c0_i32_0 = arith.constant 0 : i32
    return %arg0, %c0_i32 : i32, i32
  }
  func.func @transform_1(%arg0: i32) -> (i32, i32) {
    %c0_i32 = arith.constant 0 : i32
    %c0_i32_0 = arith.constant 0 : i32
    return %arg0, %c0_i32 : i32, i32
  }
  func.func @transform_2(%arg0: i32) -> (i32, i32) {
    %c0_i32 = arith.constant 0 : i32
    %c0_i32_0 = arith.constant 0 : i32
    return %arg0, %c0_i32 : i32, i32
  }
  func.func @transform_3(%arg0: i32) -> (i32, i32) {
    %c0_i32 = arith.constant 0 : i32
    %c0_i32_0 = arith.constant 0 : i32
    return %arg0, %c0_i32 : i32, i32
  }
  func.func @transform_4(%arg0: i32) -> (i32, i32) {
    %c0_i32 = arith.constant 0 : i32
    %c0_i32_0 = arith.constant 0 : i32
    return %arg0, %c0_i32 : i32, i32
  }
  func.func @transform_5(%arg0: i32) -> (i32, i32) {
    %c0_i32 = arith.constant 0 : i32
    %c0_i32_0 = arith.constant 0 : i32
    %c0_i32_1 = arith.constant 0 : i32
    return %c0_i32, %c0_i32_0 : i32, i32
  }
  func.func @transform_6(%arg0: i32) -> (i32, i32) {
    %c0_i32 = arith.constant 0 : i32
    %c0_i32_0 = arith.constant 0 : i32
    %c0_i32_1 = arith.constant 0 : i32
    return %c0_i32, %c0_i32_0 : i32, i32
  }
  func.func @transform_7(%arg0: i32) -> (i32, i32) {
    %c0_i32 = arith.constant 0 : i32
    %c0_i32_0 = arith.constant 0 : i32
    return %arg0, %c0_i32 : i32, i32
  }
}

module attributes {stable_mosaic.version = 14 : i64} {
  func.func @body(%arg0: i32, %arg1: memref<632x128xf32, #tpu.memory_space<vmem>>, %arg2: memref<632x128xf32, #tpu.memory_space<vmem>>, %arg3: memref<632x128xf32, #tpu.memory_space<vmem>>, %arg4: memref<632x128xf32, #tpu.memory_space<vmem>>, %arg5: memref<632x128xf32, #tpu.memory_space<vmem>>, %arg6: memref<1x128xf32, #tpu.memory_space<vmem>>, %arg7: memref<632x128xf32, #tpu.memory_space<vmem>>, %arg8: memref<632x128xf32, #tpu.memory_space<vmem>>) attributes {dimension_semantics = [#tpu.dimension_semantics<arbitrary>], iteration_bounds = array<i64: 16>, scalar_prefetch = 0 : i64, scratch_operands = 0 : i64, tpu.core_type = #tpu.core_type<tc>, window_params = [{transform_indices = @transform_0, window_bounds = array<i64: 632, 128>}, {transform_indices = @transform_1, window_bounds = array<i64: 632, 128>}, {transform_indices = @transform_2, window_bounds = array<i64: 632, 128>}, {transform_indices = @transform_3, window_bounds = array<i64: 632, 128>}, {transform_indices = @transform_4, window_bounds = array<i64: 632, 128>}, {pipeline_mode = #tpu.pipeline_mode<synchronous>, transform_indices = @transform_5, window_bounds = array<i64: 1, 128>}, {transform_indices = @transform_6, window_bounds = array<i64: 632, 128>}, {transform_indices = @transform_7, window_bounds = array<i64: 632, 128>}]} {
    %get3A = arith.constant 0 : index
    %get3A_0 = arith.constant 0 : index
    %get3A_1 = vector.load %arg1[%get3A, %get3A_0] : memref<632x128xf32, #tpu.memory_space<vmem>>, vector<632x1xf32>
    %get3A_2 = arith.constant 0 : index
    %get3A_3 = arith.constant 0 : index
    %get3A_4 = vector.load %arg2[%get3A_2, %get3A_3] : memref<632x128xf32, #tpu.memory_space<vmem>>, vector<632x1xf32>
    %add3A = arith.addf %get3A_1, %get3A_4 : vector<632x1xf32>
    %add3A_5 = arith.constant 1.000000e+00 : f32
    %add3A_6 = vector.broadcast %add3A_5 : f32 to vector<632x1xf32>
    %add3A_7 = arith.addf %add3A, %add3A_6 : vector<632x1xf32>
    %rsqrt3A = math.rsqrt %add3A_7 : vector<632x1xf32>
    %get3A_8 = arith.constant 0 : index
    %get3A_9 = arith.constant 0 : index
    %get3A_10 = vector.load %arg3[%get3A_8, %get3A_9] : memref<632x128xf32, #tpu.memory_space<vmem>>, vector<632x128xf32>
    %get3A_11 = arith.constant 0 : index
    %get3A_12 = arith.constant 0 : index
    %get3A_13 = vector.load %arg4[%get3A_11, %get3A_12] : memref<632x128xf32, #tpu.memory_space<vmem>>, vector<632x128xf32>
    %add3A_14 = arith.addf %get3A_10, %get3A_13 : vector<632x128xf32>
    %get3A_15 = arith.constant 0 : index
    %get3A_16 = arith.constant 0 : index
    %get3A_17 = vector.load %arg5[%get3A_15, %get3A_16] : memref<632x128xf32, #tpu.memory_space<vmem>>, vector<632x128xf32>
    %sub3A = arith.subf %add3A_14, %get3A_17 : vector<632x128xf32>
    %mul3A = vector.broadcast %rsqrt3A : vector<632x1xf32> to vector<632x128xf32>
    %mul3A_18 = arith.mulf %sub3A, %mul3A : vector<632x128xf32>
    %get3A_19 = arith.constant 0 : index
    %get3A_20 = arith.constant 0 : index
    %get3A_21 = vector.load %arg6[%get3A_19, %get3A_20] : memref<1x128xf32, #tpu.memory_space<vmem>>, vector<1x128xf32>
    %add3A_22 = vector.broadcast %get3A_21 : vector<1x128xf32> to vector<632x128xf32>
    %add3A_23 = arith.addf %mul3A_18, %add3A_22 : vector<632x128xf32>
    %get3A_24 = arith.constant 0 : index
    %get3A_25 = arith.constant 0 : index
    %get3A_26 = vector.load %arg7[%get3A_24, %get3A_25] : memref<632x128xf32, #tpu.memory_space<vmem>>, vector<632x128xf32>
    %add3A_27 = arith.addf %get3A_26, %add3A_23 : vector<632x128xf32>
    %max3A = arith.constant 0.000000e+00 : f32
    %max3A_28 = vector.broadcast %max3A : f32 to vector<632x128xf32>
    %max3A_29 = arith.maximumf %add3A_27, %max3A_28 : vector<632x128xf32>
    %mul3A_30 = arith.mulf %max3A_29, %max3A_29 : vector<632x128xf32>
    %reduce_sum3A = arith.constant dense<0.000000e+00> : vector<632xf32>
    %reduce_sum3A_31 = vector.multi_reduction <add>, %mul3A_30, %reduce_sum3A [1] : vector<632x128xf32> to vector<632xf32>
    %broadcast_in_dim3A = vector.shape_cast %reduce_sum3A_31 : vector<632xf32> to vector<632x1xf32>
    %sqrt3A = math.sqrt %broadcast_in_dim3A : vector<632x1xf32>
    %max3A_32 = arith.constant 9.99999996E-13 : f32
    %max3A_33 = vector.broadcast %max3A_32 : f32 to vector<632x1xf32>
    %max3A_34 = arith.maximumf %sqrt3A, %max3A_33 : vector<632x1xf32>
    %div3A = vector.broadcast %max3A_34 : vector<632x1xf32> to vector<632x128xf32>
    %div3A_35 = arith.divf %max3A_29, %div3A : vector<632x128xf32>
    %swap3A = arith.constant 0 : index
    %swap3A_36 = arith.constant 0 : index
    %swap3A_37 = vector.load %arg8[%swap3A, %swap3A_36] : memref<632x128xf32, #tpu.memory_space<vmem>>, vector<632x128xf32>
    tpu.vector_store %arg8[%swap3A, %swap3A_36], %div3A_35 {strides = array<i32>} : memref<632x128xf32, #tpu.memory_space<vmem>>, vector<632x128xf32>,
    return
  }
  func.func @transform_0(%arg0: i32) -> (i32, i32) {
    %c0_i32 = arith.constant 0 : i32
    %c0_i32_0 = arith.constant 0 : i32
    return %arg0, %c0_i32 : i32, i32
  }
  func.func @transform_1(%arg0: i32) -> (i32, i32) {
    %c0_i32 = arith.constant 0 : i32
    %c0_i32_0 = arith.constant 0 : i32
    return %arg0, %c0_i32 : i32, i32
  }
  func.func @transform_2(%arg0: i32) -> (i32, i32) {
    %c0_i32 = arith.constant 0 : i32
    %c0_i32_0 = arith.constant 0 : i32
    return %arg0, %c0_i32 : i32, i32
  }
  func.func @transform_3(%arg0: i32) -> (i32, i32) {
    %c0_i32 = arith.constant 0 : i32
    %c0_i32_0 = arith.constant 0 : i32
    return %arg0, %c0_i32 : i32, i32
  }
  func.func @transform_4(%arg0: i32) -> (i32, i32) {
    %c0_i32 = arith.constant 0 : i32
    %c0_i32_0 = arith.constant 0 : i32
    return %arg0, %c0_i32 : i32, i32
  }
  func.func @transform_5(%arg0: i32) -> (i32, i32) {
    %c0_i32 = arith.constant 0 : i32
    %c0_i32_0 = arith.constant 0 : i32
    %c0_i32_1 = arith.constant 0 : i32
    return %c0_i32, %c0_i32_0 : i32, i32
  }
  func.func @transform_6(%arg0: i32) -> (i32, i32) {
    %c0_i32 = arith.constant 0 : i32
    %c0_i32_0 = arith.constant 0 : i32
    return %arg0, %c0_i32 : i32, i32
  }
  func.func @transform_7(%arg0: i32) -> (i32, i32) {
    %c0_i32 = arith.constant 0 : i32
    %c0_i32_0 = arith.constant 0 : i32
    return %arg0, %c0_i32 : i32, i32
  }
}

</mosaic_0001>

<sc_bundles>
// kernel: kernel.11.cloned.1.call-start
scs
__scs_entry_jumppad:
0x0: {  	(pc) =	sbr.rel $0x88, $3  }
0x1: {  	(tag) =	ssettag $0x0;
	lr =	simm.s32 $0x1  }
0x2: {  	[smem:$0x3F9B] =	sst lr;
	_ =	strace $0xD0000000  }
0x3: {  	_ = 	snop  }
0x4: {  	_ = 	snop  }
0x5: {  	_ = 	snop  }
0x6: {  	_ = 	snop  }
0x7: {  	_ = 	snop  }
__scs_overlays_trampoline_lowered:
0x8: {  	[smem:$0x3FAA] =	sst s0  }
0x9: {  	[smem:$0x3FAB] =	sst s1  }
0xa: {  	[smem:$0x3FAC] =	sst s2  }
0xb: {  	[smem:$0x3FAD] =	sst s3  }
0xc: {  	[smem:$0x3FAE] =	sst s4  }
0xd: {  	[smem:$0x3FAF] =	sst s5  }
0xe: {  	[smem:$0x3FB0] =	sst s6  }
0xf: {  	[smem:$0x3FB1] =	sst s7  }
0x10: {  	[smem:$0x3FB2] =	sst s8  }
0x11: {  	[smem:$0x3FB3] =	sst s9;
	s0 =	simm.s32 @!p0 $0x0  }
0x12: {  	s1 =	sld [smem:$0x3F99];
	s0 =	simm.s32 @p0 $0x1  }
0x13: {  	[smem:$0x3FB4] =	sst s0;
	s0 =	simm.s32 @!p1 $0x0  }
0x14: {  	s2 =	sld [smem:$0x3F98];
	s0 =	simm.s32 @p1 $0x1  }
0x15: {  	[smem:$0x3FB5] =	sst s0;
	s0 =	simm.s32 @!p2 $0x0  }
0x16: {  	s3 =	sld [smem:$0x3FDB];
	s0 =	simm.s32 @p2 $0x1  }
0x17: {  	s4 =	simm.s32 $0x1BF5;
	[smem:$0x3FB7] =	sst s0  }
0x18: {  	s0 =	sld [smem:$0x3F9A];
	_ =	swait.ge [sflag:s4], $0x0  }
0x19: {  	s7 =	sld [smem:$0x3F9B]  }
0x1a: {  	s8 =	sadd.s32 $0xFFFFE003, lr  }
0x1b: {  	s9 =	sadd.s32 $0xFFFFFEF7, lr;
	s5 =	simm.s32 $0xFFFFFFFF;
	p2 =	slt.u32 s8, $0xFFFFF086  }
0x1c: {  	p1 =	slt.u32 s9, $0xF7A;
	s5 =	simm.s32 @!p2 $0x0  }
0x1d: {  	s5 =	simm.s32 @p1 $0x1;
	p0 =	seq.s32 s7, s2  }
0x1e: {  	s7 =	smul.u32 @!p0 $0xF7A, s2;
	p2 =	seq.s32 @!p0 s5, $0x0  }
0x1f: {  	s9 =	smul.u32 $0xF7A, s1;
	s8 =	simm.s32 @!p0 $0x1BF5;
	p2 =	por !p2, p0  }
0x20: {  	[sflag:s8] =	ssyncset.s32 @!p0 $0xFFFFF086;
	s6 =	sadd.s32 @!p0 s3, s7;
	s7 =	simm.s32 @!p0 $0x108  }
0x21: {  	s3 =	sadd.s32 s3, s9;
	s6 =	sadd.s32 @!p0 $0x88, s6;
	s7 =	simm.s32 @p2 $0x1082  }
0x22: {  	[simem:s7], [sflag:s8] =	dma.local @!p0 [hbm:s6], $0xF7A  }
0x23: {  	s9 =	sor.u32 $0xD0000000, s2;
	s6 =	simm.s32 $0x108;
	_ =	swait.ge @!p0 [sflag:s8], $0x0  }
0x24: {  	s3 =	sadd.s32 $0x88, s3;
	s6 =	simm.s32 @!p1 $0x1082;
	[sflag:s4] =	ssyncset.s32 $0xFFFFF086  }
0x25: {  	[simem:s6], [sflag:s4] =	dma.local [hbm:s3], $0xF7A  }
0x26: {  	[smem:$0x3F9B] =	sst s1;
	(tag) =	ssettag s2;
	_ =	strace s9  }
0x27: {  	s1 =	sld [smem:$0x3FAB]  }
0x28: {  	s2 =	sld [smem:$0x3FAC]  }
0x29: {  	s4 =	sld [smem:$0x3FAE]  }
0x2a: {  	p0 =	seq.s32 s5, $0x0;
	s5 =	sld [smem:$0x3FAF]  }
0x2b: {  	s6 =	sld [smem:$0x3FB0]  }
0x2c: {  	s7 =	sld [smem:$0x3FB1]  }
0x2d: {  	s3 =	simm.s32 $0x108;
	s8 =	sld [smem:$0x3FB2]  }
0x2e: {  	s3 =	simm.s32 @!p0 $0x1082;
	s9 =	sld [smem:$0x3FB3]  }
0x2f: {  	lr =	sadd.s32 s0, s3;
	s0 =	sld [smem:$0x3FAA]  }
0x30: {  	s3 =	sld [smem:$0x3FAD]  }
0x31: {  	[smem:$0x3FB6] =	sst s10  }
0x32: {  	s10 =	sld [smem:$0x3FB4];
	_ =	sdelay $0x3  }
0x33: {  	p0 =	seq.s32 s10, $0x1;
	s10 =	sld [smem:$0x3FB6];
	_ =	sdelay $0x3  }
0x34: {  	[smem:$0x3FB6] =	sst s10  }
0x35: {  	s10 =	sld [smem:$0x3FB5];
	_ =	sdelay $0x3  }
0x36: {  	p1 =	seq.s32 s10, $0x1;
	s10 =	sld [smem:$0x3FB6];
	_ =	sdelay $0x3  }
0x37: {  	[smem:$0x3FB6] =	sst s10  }
0x38: {  	s10 =	sld [smem:$0x3FB7]  }
0x39: {  	_ = 	snop;
	(pc) =	sbr.ind lr, $3  }
0x3a: {  	_ = 	snop  }
0x3b: {  	_ = 	snop  }
0x3c: {  	p2 =	seq.s32 s10, $0x1;
	s10 =	sld [smem:$0x3FB6]  }
0x3d: {  	_ =	shalt  }
0x3e: {  	_ =	shalt  }
0x3f: {  	_ =	shalt  }
0x40: {  	_ =	shalt  }
0x41: {  	_ =	shalt  }
0x42: {  	_ =	shalt  }
0x43: {  	_ =	shalt  }
0x44: {  	_ =	shalt  }
0x45: {  	_ =	shalt  }
0x46: {  	_ =	shalt  }
0x47: {  	_ =	shalt  }
0x48: {  	_ =	shalt  }
0x49: {  	_ =	shalt  }
0x4a: {  	_ =	shalt  }
0x4b: {  	_ =	shalt  }
0x4c: {  	_ =	shalt  }
0x4d: {  	_ =	shalt  }
0x4e: {  	_ =	shalt  }
0x4f: {  	_ =	shalt  }
0x50: {  	_ =	shalt  }
0x51: {  	_ =	shalt  }
0x52: {  	_ =	shalt  }
0x53: {  	_ =	shalt  }
0x54: {  	_ =	shalt  }
0x55: {  	_ =	shalt  }
0x56: {  	_ =	shalt  }
0x57: {  	_ =	shalt  }
0x58: {  	_ =	shalt  }
0x59: {  	_ =	shalt  }
0x5a: {  	_ =	shalt  }
0x5b: {  	_ =	shalt  }
0x5c: {  	_ =	shalt  }
0x5d: {  	_ =	shalt  }
0x5e: {  	_ =	shalt  }
0x5f: {  	_ =	shalt  }
0x60: {  	_ =	shalt  }
0x61: {  	_ =	shalt  }
0x62: {  	_ =	shalt  }
0x63: {  	_ =	shalt  }
0x64: {  	_ =	shalt  }
0x65: {  	_ =	shalt  }
0x66: {  	_ =	shalt  }
0x67: {  	_ =	shalt  }
0x68: {  	_ =	shalt  }
0x69: {  	_ =	shalt  }
0x6a: {  	_ =	shalt  }
0x6b: {  	_ =	shalt  }
0x6c: {  	_ =	shalt  }
0x6d: {  	_ =	shalt  }
0x6e: {  	_ =	shalt  }
0x6f: {  	_ =	shalt  }
0x70: {  	_ =	shalt  }
0x71: {  	_ =	shalt  }
0x72: {  	_ =	shalt  }
0x73: {  	_ =	shalt  }
0x74: {  	_ =	shalt  }
0x75: {  	_ =	shalt  }
0x76: {  	_ =	shalt  }
0x77: {  	_ =	shalt  }
0x78: {  	_ =	shalt  }
0x79: {  	_ =	shalt  }
0x7a: {  	_ =	shalt  }
0x7b: {  	_ =	shalt  }
0x7c: {  	_ =	shalt  }
0x7d: {  	_ =	shalt  }
0x7e: {  	_ =	shalt  }
0x7f: {  	_ =	shalt  }
0x80: {  	_ =	shalt  }
0x81: {  	_ =	shalt  }
0x82: {  	_ =	shalt  }
0x83: {  	_ =	shalt  }
0x84: {  	_ =	shalt  }
0x85: {  	_ =	shalt  }
0x86: {  	_ =	shalt  }
0x87: {  	_ =	shalt  }
.Lfunc_end0:
.L_simem_size_0:
called_computation.1_lowered:
.L_overlay_start_0:
0x88: {  	s2 =	sld [smem:$0x3FD9]  }
0x89: {  	s3 =	sld [smem:$0x3FFE];
	_ =	sdelay $0x1  }
0x8a: {  	s1 =	srdreg.scid  }
0x8b: {  	s0 =	sand.u32 $0x1, s1  }
0x8c: {  	s17 =	sshll.u32 s0, $0xA;
	s2 =	sadd.s32 s3, s2  }
0x8d: {  	s2 =	sadd.s32 s2, s17  }
0x8e: {  	[smem:$0x3FC2] =	sst s2  }
0x8f: {  	_ = 	snop  }
0x90: {  	s2 =	sld [smem:$0x3FD0];
	(tm) =	ssettm $0x1  }
0x91: {  	s18 =	sld [smem:$0x3FFB];
	_ =	sdelay $0x3  }
0x92: {  	_ =	strace s18  }
0x93: {  	s3 =	sld [smem:$0x3FFC];
	_ =	sdelay $0x3  }
0x94: {  	_ =	strace s3  }
0x95: {  	s3 =	sld [smem:$0x3FFD];
	_ =	sdelay $0x3  }
0x96: {  	_ =	strace s3  }
0x97: {  	_ =	strace $0x8FFFFFFF  }
0x98: {  	s19 =	sld [smem:$0x3FDB];
	_ =	sdelay $0x1  }
0x99: {  	s4 =	simm.s32 $_scs_section_size  }
0x9a: {  	s5 =	simm.s32 $_size__tile_overlayer_lowered;
	s6 =	simm.s32 $_tile_overlayer_lowered  }
0x9b: {  	s22 =	simm.s32 $0x1BFF;
	s21 =	sshll.u32 s6, $0x1;
	s3 =	sadd.s32 s4, s19  }
0x9c: {  	s7 =	simm.s32 $0x0;
	s20 =	sshll.u32 s5, $0x1;
	s5 =	sadd.s32 s21, s3  }
0x9d: {  	[timem:s7], [sflag:s22] =	dma.local [hbm:s5], s20  }
0x9e: {  	_ =	swait.ge [sflag:s22], s20  }
0x9f: {  	s4 =	ssub.s32 $0x0, s20;
	[sflag:s22] =	ssyncset.done $0x0  }
0xa0: {  	[sflag:s22] =	ssyncadd.s32 s4;
	_ =	sdelay $0x1  }
0xa1: {  	s23 =	simm.s32 $0x1B8B  }
0xa2: {  	_ =	swait.ge [sflag:s23], $0x1  }
0xa3: {  	[sflag:s23] =	ssyncset.done $0x0  }
0xa4: {  	s25 =	simm.s32 $0x1B8E;
	s24 =	sld [smem:$0x3FFE];
	[sflag:s23] =	ssyncadd.s32 $0xFFFFFFFF  }
0xa5: {  	s26 =	simm.s32 $execute0_lowered;
	[smem:$0x3FD2] =	sst s25  }
0xa6: {  	s5 =	sshll.u32 s26, $0x1;
	_ =	strace $0x80000049;
	[dreg:$0x1] =	wrdreg $0xFFFFFFFF  }
0xa7: {  	s28 =	simm.s32 $_size_execute0_lowered;
	s3 =	sadd.s32 s3, s5;
	[dreg:$0x0] =	wrdreg $0x0  }
0xa8: {  	s5 =	sshll.u32 s28, $0x1;
	[dreg:$0x2] =	wrdreg s3  }
0xa9: {  	[dreg:$0x3] =	wrdreg s5  }
0xaa: {  	[dreg:$0x4] =	wrdreg $0xC0  }
0xab: {  	_ =	task [dreg:s7], $0x5FFFF  }
0xac: {  	[dreg:$0x1] =	wrdreg $0xFFFFFFFF  }
0xad: {  	[dreg:$0x0] =	wrdreg $0x60  }
0xae: {  	[dreg:$0x2] =	wrdreg s24  }
0xaf: {  	[dreg:$0x3] =	wrdreg s2  }
0xb0: {  	[dreg:$0x4] =	wrdreg $0x0  }
0xb1: {  	[dreg:$0x5] =	wrdreg $0x9  }
0xb2: {  	_ =	task.clear_ibuf [dreg:s7], $0x6FFFF;
	_ =	strace $0x90000049  }
0xb3: {  	s29 =	simm.s32 $0x9;
	_ =	strace $0x8000004B  }
0xb4: {  	_ =	swait.ge [sflag:s29], $0x1  }
0xb5: {  	[sflag:s29] =	ssyncadd.s32 $0xFFFFFFFF  }
0xb6: {  	_ =	strace $0x9000004B  }
0xb7: {  	_ =	sfence  }
0xb8: {  	s30 =	sld [smem:$0x0];
	_ =	sdelay $0x2  }
0xb9: {  	s31 =	sshll.u32 s1, $0xD;
	s1 =	sshrl.u32 s1, $0x2  }
0xba: {  	s3 =	sand.u32 $0x4000, s31;
	s1 =	sadd.s32 s1, s30  }
0xbb: {  	s0 =	sor.u32 s3, s0;
	s1 =	sshll.u32 s1, $0x11  }
0xbc: {  	s0 =	sor.u32 s1, s0  }
0xbd: {  	s0 =	sadd.s32 $0x8F2B, s0  }
0xbe: {  	[sflag:s0] =	ssyncadd.remote.s32 $0x1  }
0xbf: {  	_ =	sfence.sel $0xFFFF  }
0xc0: {  	[dreg:$0x0] =	wrdreg $0xFFFFFFFF;
	(pc) =	sbr.abs _section_cstart, $3  }
0xc1: {  	[dreg:$0x1] =	wrdreg $0xFFFFFFFF  }
0xc2: {  	_ =	task.clear_ibuf [dreg:s7], $0x2FFFF;
	_ =	strace $0x9FFFFFFF  }
0xc3: {  	(tm) =	ssettm $0x7FFFFFFF  }
tec
execute0_lowered:
.L_overlay_start_1:
0x0: {  	(tag) =	ssettag $0x1  }
0x1: {  	s0 =	rddreg [dreg:$0x0]  }
0x2: {  	s1 =	rddreg [dreg:$0x1]  }
0x3: {  	s3 =	srdreg.scid;
	s12 =	stileid.u32  }
0x4: {  	s2 =	rddreg [dreg:$0x2];
	s13 =	simm.s32 $0x0;
	s29 =	simm.s32 $0x2  }
0x5: {  	s31 =	simm.s32 $0x4;
	s30 =	simm.s32 $0x16600;
	s5 =	sand.u32 $0x1, s3  }
0x6: {  	s6 =	smul.u32 $0x13C00, s12;
	[smem:$0x7FF] =	sst s13;
	s8 =	sadd.s32 $0x79000, s0  }
0x7: {  	s10 =	smul.u32 $0x4F000, s12;
	s17 =	sshll.u32 s12, $0x6;
	s13 =	simm.s32 $0x16A80  }
0x8: {  	s4 =	smul.u32 $0x13C000, s5;
	_ =	strace $0x8000004A;
	s9 =	ssub.s32 $0x2, s5  }
0x9: {  	s11 =	sshll.u32 s5, $0x4;
	s5 =	smul.u32 $0x28000, s5;
	s3 =	sor.u32 $0x1C07, s17  }
0xa: {  	s17 =	simm.s32 $0x0;
	s14 =	sshrl.u32 s9, $0x1;
	s11 =	sor.u32 s12, s11  }
0xb: {  	s15 =	sshrl.u32 s10, $0x2;
	s12 =	smul.u32 $0x2800, s12;
	[dreg:$0x5] =	wrdreg s3  }
0xc: {  	s7 =	sadd.s32 s6, s4;
	s4 =	sadd.s32 $0x2000, s0;
	s16 =	smul.u32 $0x2800, s11  }
0xd: {  	s6 =	sshrl.u32 s6, $0x3;
	s11 =	simm.s32 $0x16900;
	s7 =	sshrl.u32 s7, $0x3  }
0xe: {  	s18 =	sadd.s32 s4, s6;
	s21 =	sadd.s32 s12, s5;
	s5 =	simm.s32 $0x16700  }
0xf: {  	s12 =	simm.s32 $0x16980;
	s0 =	sadd.s32 s7, s0;
	s7 =	ssub.s32 s9, s14  }
0x10: {  	s9 =	sadd.s32 s15, s2;
	s10 =	sshrl.u32 s16, $0x3;
	[dreg:$0x4] =	wrdreg s18  }
0x11: {  	s24 =	sadd.s32 $0x1400, s21;
	s16 =	simm.s32 $0x7;
	s18 =	simm.s32 $0x16A00  }
0x12: {  	s14 =	simm.s32 $0x16B00;
	s15 =	simm.s32 $0x16B80;
	s1 =	sadd.s32 s1, s10  }
0x13: {  	s19 =	sadd.s32 s8, s10;
	s0 =	sadd.s32 $0x29800, s0;
	[dreg:$0x7] =	wrdreg s1  }
0x14: {  	s25 =	sshrl.u32 s24, $0x3;
	s26 =	smax.u32 s7, $0x1;
	[dreg:$0x6] =	wrdreg s19  }
0x15: {  	s6 =	sshrl.u32 s9, $0x3;
	s9 =	simm.s32 $0x6;
	[dreg:$0xb] =	wrdreg s0  }
0x16: {  	s10 =	simm.s32 $0x16880;
	s7 =	simm.s32 $0x3;
	[dreg:$0xc] =	wrdreg s26  }
0x17: {  	s20 =	sadd.s32 $0x80, s19;
	s22 =	sadd.s32 $0x100, s19;
	[dreg:$0xf] =	wrdreg s6  }
0x18: {  	s23 =	sadd.s32 $0x180, s19;
	s1 =	sadd.s32 $0x1000, s21;
	[dreg:$0x8] =	wrdreg s20  }
.Ltmp0:
0x19: {  	s0 =	sadd.s32 s25, s8;
	[dreg:$0x9] =	wrdreg s22;
	(pc) =	sbr.rel .LBB2_1-.Ltmp0, $4  }
0x1a: {  	s25 =	simm.s32 $0x1AC00;
	s26 =	simm.s32 $0x1;
	[dreg:$0xa] =	wrdreg s23  }
0x1b: {  	[dreg:$0xd] =	wrdreg s0;
	s28 =	sshrl.u32 s1, $0x3;
	s20 =	simm.s32 $0x16800  }
0x1c: {  	s22 =	simm.s32 $0x80;
	s23 =	simm.s32 $0x16C00;
	s0 =	sadd.s32 s28, s8  }
0x1d: {  	s8 =	simm.s32 $0x16780;
	[dreg:$0xe] =	wrdreg s0;
	s0 =	simm.s32 $0x16680  }
.LBB2_4:
0x1e: {  	[spmem:s2] =	stream.indirect.scatter.add.f32 [tilespmem:s25], [sflag:$0x4], $0x80, s6, s22, $0xb8;
	[tilespmem:$0x1EC00] =	vst v63  }
0x1f: {  	_ =	swait.ge [sflag:s31], $0x4000  }
0x20: {  	[sflag:s31] =	ssyncset.done $0x0  }
0x21: {  	[sflag:s31] =	ssyncadd.s32 $0xFFFFC000  }
0x22: {  	[bflag:$0x0] =	sbarrier.arrive $0xFFFF  }
0x23: {  	s3 =	rddreg [dreg:$0x5]  }
0x24: {  	s1 =	rddreg [dreg:$0xb]  }
0x25: {  	s16 =	simm.s32 $0x7;
	s6 =	rddreg [dreg:$0xf]  }
0x26: {  	[hbm:s1], [sflag:s3] =	dma.local [spmem:s6], $0x2780  }
0x27: {  	_ =	swait.ge [sflag:s16], $0x2780  }
0x28: {  	s17 =	rddreg [dreg:$0x10]  }
0x29: {  	s28 =	rddreg [dreg:$0xc];
	s17 =	sadd.s32 $0x1, s17  }
0x2a: {  	p0 =	sne.s32 s17, s28  }
.Ltmp1:
0x2b: {  	_ = 	snop;
	(pc) =	sbr.rel @!p0 .LBB2_5-.Ltmp1, $3  }
0x2c: {  	_ =	sdelay $0x1  }
0x2d: {  	[sflag:s16] =	ssyncset.done $0x0  }
0x2e: {  	[sflag:s16] =	ssyncadd.s32 $0xFFFFD880  }
.LBB2_1:
0x2f: {  	[dreg:$0x10] =	wrdreg s17  }
0x30: {  	s1 =	rddreg [dreg:$0x4]  }
0x31: {  	[spmem:s6], [sflag:s3] =	dma.local [hbm:s1], $0x2780  }
0x32: {  	_ =	swait.ge [sflag:s16], $0x2780  }
0x33: {  	s19 =	simm.s32 $0x13C00;
	[sflag:s16] =	ssyncset.done $0x0  }
0x34: {  	s3 =	simm.s32 $0x0;
	s17 =	rddreg [dreg:$0x7];
	[sflag:s16] =	ssyncadd.s32 $0xFFFFD880  }
0x35: {  	[tilespmem:s19], [sflag:$0x7] =	stream.linear.gather [hbm4b:s17+s3], $0x2800, $0x38;
	[tilespmem:$0x1EC00] =	vst v63  }
0x36: {  	_ =	swait.ge [sflag:s16], $0x2800  }
0x37: {  	[sflag:s16] =	ssyncset.done $0x0  }
0x38: {  	s21 =	rddreg [dreg:$0x6];
	[sflag:s16] =	ssyncadd.s32 $0xFFFFD800;
	s16 =	simm.s32 $0x16400  }
0x39: {  	[tilespmem:s16], [sflag:$0x5] =	stream.linear.gather [hbm4b:s21+s3], $0x400, $0x38;
	[tilespmem:$0x1EC00] =	vst v63  }
0x3a: {  	s24 =	rddreg [dreg:$0x8]  }
0x3b: {  	[tilespmem:s20], [sflag:$0x6] =	stream.linear.gather [hbm4b:s24+s3], $0x400, $0x38;
	[tilespmem:$0x1EC00] =	vst v63  }
0x3c: {  	s17 =	simm.s32 $0x5;
	[bflag:$0x0] =	sbarrier.arrive $0xFFFF  }
0x3d: {  	_ =	swait.ge [sflag:s17], $0x400  }
0x3e: {  	[sflag:s17] =	ssyncset.done $0x0  }
0x3f: {  	[sflag:s17] =	ssyncadd.s32 $0xFFFFFC00  }
0x40: {  	[tilespmem:s23], [sflag:$0x1] =	stream.indirect.gather [hbm4b:s4+s22], $0x80, s16, s22, $0xb8;
	[tilespmem:$0x1EC00] =	vst v63  }
0x41: {  	s28 =	simm.s32 $0x16480  }
0x42: {  	[tilespmem:s25], [sflag:$0x2] =	stream.indirect.gather [hbm4b:s4+s22], $0x80, s28, s22, $0xb8;
	[tilespmem:$0x1EC00] =	vst v63  }
0x43: {  	_ =	swait.ge [sflag:s26], $0x4000  }
0x44: {  	[sflag:s26] =	ssyncset.done $0x0  }
0x45: {  	[sflag:s26] =	ssyncadd.s32 $0xFFFFC000  }
0x46: {  	[spmem:s2] =	stream.indirect.scatter.add.f32 [tilespmem:s23], [sflag:$0x3], $0x80, s19, s22, $0xb8;
	[tilespmem:$0x1EC00] =	vst v63  }
0x47: {  	_ =	swait.ge [sflag:s7], $0x4000  }
0x48: {  	[sflag:s7] =	ssyncset.done $0x0  }
0x49: {  	s19 =	simm.s32 $0x16500;
	[sflag:s7] =	ssyncadd.s32 $0xFFFFC000  }
0x4a: {  	[tilespmem:s23], [sflag:$0x1] =	stream.indirect.gather [hbm4b:s4+s22], $0x80, s19, s22, $0xb8;
	[tilespmem:$0x1EC00] =	vst v63  }
0x4b: {  	_ =	swait.ge [sflag:s29], $0x4000  }
0x4c: {  	[sflag:s29] =	ssyncset.done $0x0  }
0x4d: {  	s21 =	simm.s32 $0x13C80;
	[sflag:s29] =	ssyncadd.s32 $0xFFFFC000  }
0x4e: {  	[spmem:s2] =	stream.indirect.scatter.add.f32 [tilespmem:s25], [sflag:$0x4], $0x80, s21, s22, $0xb8;
	[tilespmem:$0x1EC00] =	vst v63  }
0x4f: {  	_ =	swait.ge [sflag:s31], $0x4000  }
0x50: {  	[sflag:s31] =	ssyncset.done $0x0  }
0x51: {  	s24 =	simm.s32 $0x16580;
	[sflag:s31] =	ssyncadd.s32 $0xFFFFC000  }
0x52: {  	[tilespmem:s25], [sflag:$0x2] =	stream.indirect.gather [hbm4b:s4+s22], $0x80, s24, s22, $0xb8;
	[tilespmem:$0x1EC00] =	vst v63  }
0x53: {  	_ =	swait.ge [sflag:s26], $0x4000  }
0x54: {  	[sflag:s26] =	ssyncset.done $0x0  }
0x55: {  	s28 =	simm.s32 $0x13D00;
	[sflag:s26] =	ssyncadd.s32 $0xFFFFC000  }
0x56: {  	[spmem:s2] =	stream.indirect.scatter.add.f32 [tilespmem:s23], [sflag:$0x3], $0x80, s28, s22, $0xb8;
	[tilespmem:$0x1EC00] =	vst v63  }
0x57: {  	_ =	swait.ge [sflag:s7], $0x4000  }
0x58: {  	[sflag:s7] =	ssyncset.done $0x0  }
0x59: {  	[sflag:s7] =	ssyncadd.s32 $0xFFFFC000  }
0x5a: {  	[tilespmem:s23], [sflag:$0x1] =	stream.indirect.gather [hbm4b:s4+s22], $0x80, s30, s22, $0xb8;
	[tilespmem:$0x1EC00] =	vst v63  }
0x5b: {  	_ =	swait.ge [sflag:s29], $0x4000  }
0x5c: {  	[sflag:s29] =	ssyncset.done $0x0  }
0x5d: {  	s6 =	simm.s32 $0x13D80;
	[sflag:s29] =	ssyncadd.s32 $0xFFFFC000  }
0x5e: {  	[spmem:s2] =	stream.indirect.scatter.add.f32 [tilespmem:s25], [sflag:$0x4], $0x80, s6, s22, $0xb8;
	[tilespmem:$0x1EC00] =	vst v63  }
0x5f: {  	_ =	swait.ge [sflag:s31], $0x4000  }
0x60: {  	[sflag:s31] =	ssyncset.done $0x0  }
0x61: {  	[sflag:s31] =	ssyncadd.s32 $0xFFFFC000  }
0x62: {  	[tilespmem:s25], [sflag:$0x2] =	stream.indirect.gather [hbm4b:s4+s22], $0x80, s0, s22, $0xb8;
	[tilespmem:$0x1EC00] =	vst v63  }
0x63: {  	_ =	swait.ge [sflag:s26], $0x4000  }
0x64: {  	[sflag:s26] =	ssyncset.done $0x0  }
0x65: {  	s19 =	simm.s32 $0x13E00;
	[sflag:s26] =	ssyncadd.s32 $0xFFFFC000  }
0x66: {  	[spmem:s2] =	stream.indirect.scatter.add.f32 [tilespmem:s23], [sflag:$0x3], $0x80, s19, s22, $0xb8;
	[tilespmem:$0x1EC00] =	vst v63  }
0x67: {  	_ =	swait.ge [sflag:s7], $0x4000  }
0x68: {  	[sflag:s7] =	ssyncset.done $0x0  }
0x69: {  	[sflag:s7] =	ssyncadd.s32 $0xFFFFC000  }
0x6a: {  	[tilespmem:s23], [sflag:$0x1] =	stream.indirect.gather [hbm4b:s4+s22], $0x80, s5, s22, $0xb8;
	[tilespmem:$0x1EC00] =	vst v63  }
0x6b: {  	_ =	swait.ge [sflag:s29], $0x4000  }
0x6c: {  	[sflag:s29] =	ssyncset.done $0x0  }
0x6d: {  	s21 =	simm.s32 $0x13E80;
	[sflag:s29] =	ssyncadd.s32 $0xFFFFC000  }
0x6e: {  	[spmem:s2] =	stream.indirect.scatter.add.f32 [tilespmem:s25], [sflag:$0x4], $0x80, s21, s22, $0xb8;
	[tilespmem:$0x1EC00] =	vst v63  }
0x6f: {  	_ =	swait.ge [sflag:s31], $0x4000  }
0x70: {  	[sflag:s31] =	ssyncset.done $0x0  }
0x71: {  	[sflag:s31] =	ssyncadd.s32 $0xFFFFC000  }
0x72: {  	[tilespmem:s25], [sflag:$0x2] =	stream.indirect.gather [hbm4b:s4+s22], $0x80, s8, s22, $0xb8;
	[tilespmem:$0x1EC00] =	vst v63  }
0x73: {  	_ =	swait.ge [sflag:s26], $0x4000  }
0x74: {  	[sflag:s26] =	ssyncset.done $0x0  }
0x75: {  	s24 =	simm.s32 $0x13F00;
	[sflag:s26] =	ssyncadd.s32 $0xFFFFC000  }
0x76: {  	[spmem:s2] =	stream.indirect.scatter.add.f32 [tilespmem:s23], [sflag:$0x3], $0x80, s24, s22, $0xb8;
	[tilespmem:$0x1EC00] =	vst v63  }
0x77: {  	_ =	swait.ge [sflag:s7], $0x4000  }
0x78: {  	[sflag:s7] =	ssyncset.done $0x0  }
0x79: {  	[sflag:s7] =	ssyncadd.s32 $0xFFFFC000  }
0x7a: {  	_ =	swait.ge [sflag:s9], $0x400  }
0x7b: {  	[sflag:s9] =	ssyncset.done $0x0  }
0x7c: {  	[sflag:s9] =	ssyncadd.s32 $0xFFFFFC00  }
0x7d: {  	[tilespmem:s23], [sflag:$0x1] =	stream.indirect.gather [hbm4b:s4+s22], $0x80, s20, s22, $0xb8;
	[tilespmem:$0x1EC00] =	vst v63  }
0x7e: {  	_ =	swait.ge [sflag:s29], $0x4000  }
0x7f: {  	[sflag:s29] =	ssyncset.done $0x0  }
0x80: {  	s28 =	rddreg [dreg:$0x9];
	[sflag:s29] =	ssyncadd.s32 $0xFFFFC000  }
0x81: {  	[tilespmem:s16], [sflag:$0x5] =	stream.linear.gather [hbm4b:s28+s3], $0x400, $0x38;
	[tilespmem:$0x1EC00] =	vst v63  }
0x82: {  	s6 =	simm.s32 $0x13F80  }
0x83: {  	[spmem:s2] =	stream.indirect.scatter.add.f32 [tilespmem:s25], [sflag:$0x4], $0x80, s6, s22, $0xb8;
	[tilespmem:$0x1EC00] =	vst v63  }
0x84: {  	_ =	swait.ge [sflag:s31], $0x4000  }
0x85: {  	[sflag:s31] =	ssyncset.done $0x0  }
0x86: {  	[sflag:s31] =	ssyncadd.s32 $0xFFFFC000  }
0x87: {  	[tilespmem:s25], [sflag:$0x2] =	stream.indirect.gather [hbm4b:s4+s22], $0x80, s10, s22, $0xb8;
	[tilespmem:$0x1EC00] =	vst v63  }
0x88: {  	_ =	swait.ge [sflag:s26], $0x4000  }
0x89: {  	[sflag:s26] =	ssyncset.done $0x0  }
0x8a: {  	s19 =	simm.s32 $0x14000;
	[sflag:s26] =	ssyncadd.s32 $0xFFFFC000  }
0x8b: {  	[spmem:s2] =	stream.indirect.scatter.add.f32 [tilespmem:s23], [sflag:$0x3], $0x80, s19, s22, $0xb8;
	[tilespmem:$0x1EC00] =	vst v63  }
0x8c: {  	_ =	swait.ge [sflag:s7], $0x4000  }
0x8d: {  	[sflag:s7] =	ssyncset.done $0x0  }
0x8e: {  	[sflag:s7] =	ssyncadd.s32 $0xFFFFC000  }
0x8f: {  	[tilespmem:s23], [sflag:$0x1] =	stream.indirect.gather [hbm4b:s4+s22], $0x80, s11, s22, $0xb8;
	[tilespmem:$0x1EC00] =	vst v63  }
0x90: {  	_ =	swait.ge [sflag:s29], $0x4000  }
0x91: {  	[sflag:s29] =	ssyncset.done $0x0  }
0x92: {  	s21 =	simm.s32 $0x14080;
	[sflag:s29] =	ssyncadd.s32 $0xFFFFC000  }
0x93: {  	[spmem:s2] =	stream.indirect.scatter.add.f32 [tilespmem:s25], [sflag:$0x4], $0x80, s21, s22, $0xb8;
	[tilespmem:$0x1EC00] =	vst v63  }
0x94: {  	_ =	swait.ge [sflag:s31], $0x4000  }
0x95: {  	[sflag:s31] =	ssyncset.done $0x0  }
0x96: {  	[sflag:s31] =	ssyncadd.s32 $0xFFFFC000  }
0x97: {  	[tilespmem:s25], [sflag:$0x2] =	stream.indirect.gather [hbm4b:s4+s22], $0x80, s12, s22, $0xb8;
	[tilespmem:$0x1EC00] =	vst v63  }
0x98: {  	_ =	swait.ge [sflag:s26], $0x4000  }
0x99: {  	[sflag:s26] =	ssyncset.done $0x0  }
0x9a: {  	s24 =	simm.s32 $0x14100;
	[sflag:s26] =	ssyncadd.s32 $0xFFFFC000  }
0x9b: {  	[spmem:s2] =	stream.indirect.scatter.add.f32 [tilespmem:s23], [sflag:$0x3], $0x80, s24, s22, $0xb8;
	[tilespmem:$0x1EC00] =	vst v63  }
0x9c: {  	_ =	swait.ge [sflag:s7], $0x4000  }
0x9d: {  	[sflag:s7] =	ssyncset.done $0x0  }
0x9e: {  	[sflag:s7] =	ssyncadd.s32 $0xFFFFC000  }
0x9f: {  	[tilespmem:s23], [sflag:$0x1] =	stream.indirect.gather [hbm4b:s4+s22], $0x80, s18, s22, $0xb8;
	[tilespmem:$0x1EC00] =	vst v63  }
0xa0: {  	_ =	swait.ge [sflag:s29], $0x4000  }
0xa1: {  	[sflag:s29] =	ssyncset.done $0x0  }
0xa2: {  	s28 =	simm.s32 $0x14180;
	[sflag:s29] =	ssyncadd.s32 $0xFFFFC000  }
0xa3: {  	[spmem:s2] =	stream.indirect.scatter.add.f32 [tilespmem:s25], [sflag:$0x4], $0x80, s28, s22, $0xb8;
	[tilespmem:$0x1EC00] =	vst v63  }
0xa4: {  	_ =	swait.ge [sflag:s31], $0x4000  }
0xa5: {  	[sflag:s31] =	ssyncset.done $0x0  }
0xa6: {  	[sflag:s31] =	ssyncadd.s32 $0xFFFFC000  }
0xa7: {  	[tilespmem:s25], [sflag:$0x2] =	stream.indirect.gather [hbm4b:s4+s22], $0x80, s13, s22, $0xb8;
	[tilespmem:$0x1EC00] =	vst v63  }
0xa8: {  	_ =	swait.ge [sflag:s26], $0x4000  }
0xa9: {  	[sflag:s26] =	ssyncset.done $0x0  }
0xaa: {  	s6 =	simm.s32 $0x14200;
	[sflag:s26] =	ssyncadd.s32 $0xFFFFC000  }
0xab: {  	[spmem:s2] =	stream.indirect.scatter.add.f32 [tilespmem:s23], [sflag:$0x3], $0x80, s6, s22, $0xb8;
	[tilespmem:$0x1EC00] =	vst v63  }
0xac: {  	_ =	swait.ge [sflag:s7], $0x4000  }
0xad: {  	[sflag:s7] =	ssyncset.done $0x0  }
0xae: {  	[sflag:s7] =	ssyncadd.s32 $0xFFFFC000  }
0xaf: {  	[tilespmem:s23], [sflag:$0x1] =	stream.indirect.gather [hbm4b:s4+s22], $0x80, s14, s22, $0xb8;
	[tilespmem:$0x1EC00] =	vst v63  }
0xb0: {  	_ =	swait.ge [sflag:s29], $0x4000  }
0xb1: {  	[sflag:s29] =	ssyncset.done $0x0  }
0xb2: {  	s19 =	simm.s32 $0x14280;
	[sflag:s29] =	ssyncadd.s32 $0xFFFFC000  }
0xb3: {  	[spmem:s2] =	stream.indirect.scatter.add.f32 [tilespmem:s25], [sflag:$0x4], $0x80, s19, s22, $0xb8;
	[tilespmem:$0x1EC00] =	vst v63  }
0xb4: {  	_ =	swait.ge [sflag:s31], $0x4000  }
0xb5: {  	[sflag:s31] =	ssyncset.done $0x0  }
0xb6: {  	[sflag:s31] =	ssyncadd.s32 $0xFFFFC000  }
0xb7: {  	[tilespmem:s25], [sflag:$0x2] =	stream.indirect.gather [hbm4b:s4+s22], $0x80, s15, s22, $0xb8;
	[tilespmem:$0x1EC00] =	vst v63  }
0xb8: {  	_ =	swait.ge [sflag:s26], $0x4000  }
0xb9: {  	[sflag:s26] =	ssyncset.done $0x0  }
0xba: {  	s21 =	simm.s32 $0x14300;
	[sflag:s26] =	ssyncadd.s32 $0xFFFFC000  }
0xbb: {  	[spmem:s2] =	stream.indirect.scatter.add.f32 [tilespmem:s23], [sflag:$0x3], $0x80, s21, s22, $0xb8;
	[tilespmem:$0x1EC00] =	vst v63  }
0xbc: {  	_ =	swait.ge [sflag:s7], $0x4000  }
0xbd: {  	[sflag:s7] =	ssyncset.done $0x0  }
0xbe: {  	[sflag:s7] =	ssyncadd.s32 $0xFFFFC000  }
0xbf: {  	_ =	swait.ge [sflag:s17], $0x400  }
0xc0: {  	[sflag:s17] =	ssyncset.done $0x0  }
0xc1: {  	[sflag:s17] =	ssyncadd.s32 $0xFFFFFC00  }
0xc2: {  	[tilespmem:s23], [sflag:$0x1] =	stream.indirect.gather [hbm4b:s4+s22], $0x80, s16, s22, $0xb8;
	[tilespmem:$0x1EC00] =	vst v63  }
0xc3: {  	_ =	swait.ge [sflag:s29], $0x4000  }
0xc4: {  	s1 =	simm.s32 $0x0;
	[sflag:s29] =	ssyncset.done $0x0;
	s24 =	rddreg [dreg:$0xa]  }
0xc5: {  	s28 =	simm.s32 $0x14380;
	s21 =	rddreg [dreg:$0xe];
	[sflag:s29] =	ssyncadd.s32 $0xFFFFC000  }
0xc6: {  	[tilespmem:s20], [sflag:$0x6] =	stream.linear.gather [hbm4b:s24+s3], $0x400, $0x38;
	[tilespmem:$0x1EC00] =	vst v63  }
0xc7: {  	s19 =	simm.s32 $0x3;
	s16 =	simm.s32 $0x0;
	s17 =	rddreg [dreg:$0xd]  }
0xc8: {  	[spmem:s2] =	stream.indirect.scatter.add.f32 [tilespmem:s25], [sflag:$0x4], $0x80, s28, s22, $0xb8;
	[tilespmem:$0x1EC00] =	vst v63  }
.LBB2_2:
0xc9: {  	_ =	swait.ge [sflag:s31], $0x4000  }
0xca: {  	[sflag:s31] =	ssyncset.done $0x0  }
0xcb: {  	s3 =	simm.s32 $0x16480;
	[sflag:s31] =	ssyncadd.s32 $0xFFFFC000  }
0xcc: {  	[tilespmem:s25], [sflag:$0x2] =	stream.indirect.gather [hbm4b:s4+s22], $0x80, s3, s22, $0xb8;
	[tilespmem:$0x1EC00] =	vst v63  }
0xcd: {  	_ =	swait.ge [sflag:s26], $0x4000  }
0xce: {  	s6 =	sshra.s32 s16, $0x2;
	[sflag:s26] =	ssyncset.done $0x0  }
0xcf: {  	s28 =	sadd.s32 $0x14400, s6;
	[sflag:s26] =	ssyncadd.s32 $0xFFFFC000  }
0xd0: {  	[spmem:s2] =	stream.indirect.scatter.add.f32 [tilespmem:s23], [sflag:$0x3], $0x80, s28, s22, $0xb8;
	[tilespmem:$0x1EC00] =	vst v63  }
0xd1: {  	_ =	swait.ge [sflag:s7], $0x4000  }
0xd2: {  	[sflag:s7] =	ssyncset.done $0x0  }
0xd3: {  	s24 =	simm.s32 $0x16500;
	[sflag:s7] =	ssyncadd.s32 $0xFFFFC000  }
0xd4: {  	[tilespmem:s23], [sflag:$0x1] =	stream.indirect.gather [hbm4b:s4+s22], $0x80, s24, s22, $0xb8;
	[tilespmem:$0x1EC00] =	vst v63  }
0xd5: {  	_ =	swait.ge [sflag:s29], $0x4000  }
0xd6: {  	[sflag:s29] =	ssyncset.done $0x0  }
0xd7: {  	s28 =	sadd.s32 $0x14480, s6;
	[sflag:s29] =	ssyncadd.s32 $0xFFFFC000  }
0xd8: {  	[spmem:s2] =	stream.indirect.scatter.add.f32 [tilespmem:s25], [sflag:$0x4], $0x80, s28, s22, $0xb8;
	[tilespmem:$0x1EC00] =	vst v63  }
0xd9: {  	_ =	swait.ge [sflag:s31], $0x4000  }
0xda: {  	[sflag:s31] =	ssyncset.done $0x0  }
0xdb: {  	s24 =	simm.s32 $0x16580;
	[sflag:s31] =	ssyncadd.s32 $0xFFFFC000  }
0xdc: {  	[tilespmem:s25], [sflag:$0x2] =	stream.indirect.gather [hbm4b:s4+s22], $0x80, s24, s22, $0xb8;
	[tilespmem:$0x1EC00] =	vst v63  }
0xdd: {  	_ =	swait.ge [sflag:s26], $0x4000  }
0xde: {  	[sflag:s26] =	ssyncset.done $0x0  }
0xdf: {  	s28 =	sadd.s32 $0x14500, s6;
	[sflag:s26] =	ssyncadd.s32 $0xFFFFC000  }
0xe0: {  	[spmem:s2] =	stream.indirect.scatter.add.f32 [tilespmem:s23], [sflag:$0x3], $0x80, s28, s22, $0xb8;
	[tilespmem:$0x1EC00] =	vst v63  }
0xe1: {  	_ =	swait.ge [sflag:s7], $0x4000  }
0xe2: {  	[sflag:s7] =	ssyncset.done $0x0  }
0xe3: {  	[sflag:s7] =	ssyncadd.s32 $0xFFFFC000  }
0xe4: {  	[tilespmem:s23], [sflag:$0x1] =	stream.indirect.gather [hbm4b:s4+s22], $0x80, s30, s22, $0xb8;
	[tilespmem:$0x1EC00] =	vst v63  }
0xe5: {  	_ =	swait.ge [sflag:s29], $0x4000  }
0xe6: {  	[sflag:s29] =	ssyncset.done $0x0  }
0xe7: {  	s24 =	sadd.s32 $0x14580, s6;
	[sflag:s29] =	ssyncadd.s32 $0xFFFFC000  }
0xe8: {  	[spmem:s2] =	stream.indirect.scatter.add.f32 [tilespmem:s25], [sflag:$0x4], $0x80, s24, s22, $0xb8;
	[tilespmem:$0x1EC00] =	vst v63  }
0xe9: {  	_ =	swait.ge [sflag:s31], $0x4000  }
0xea: {  	[sflag:s31] =	ssyncset.done $0x0  }
0xeb: {  	[sflag:s31] =	ssyncadd.s32 $0xFFFFC000  }
0xec: {  	[tilespmem:s25], [sflag:$0x2] =	stream.indirect.gather [hbm4b:s4+s22], $0x80, s0, s22, $0xb8;
	[tilespmem:$0x1EC00] =	vst v63  }
0xed: {  	_ =	swait.ge [sflag:s26], $0x4000  }
0xee: {  	[sflag:s26] =	ssyncset.done $0x0  }
0xef: {  	s28 =	sadd.s32 $0x14600, s6;
	[sflag:s26] =	ssyncadd.s32 $0xFFFFC000  }
0xf0: {  	[spmem:s2] =	stream.indirect.scatter.add.f32 [tilespmem:s23], [sflag:$0x3], $0x80, s28, s22, $0xb8;
	[tilespmem:$0x1EC00] =	vst v63  }
0xf1: {  	_ =	swait.ge [sflag:s7], $0x4000  }
0xf2: {  	[sflag:s7] =	ssyncset.done $0x0  }
0xf3: {  	[sflag:s7] =	ssyncadd.s32 $0xFFFFC000  }
0xf4: {  	[tilespmem:s23], [sflag:$0x1] =	stream.indirect.gather [hbm4b:s4+s22], $0x80, s5, s22, $0xb8;
	[tilespmem:$0x1EC00] =	vst v63  }
0xf5: {  	_ =	swait.ge [sflag:s29], $0x4000  }
0xf6: {  	[sflag:s29] =	ssyncset.done $0x0  }
0xf7: {  	s24 =	sadd.s32 $0x14680, s6;
	[sflag:s29] =	ssyncadd.s32 $0xFFFFC000  }
0xf8: {  	[spmem:s2] =	stream.indirect.scatter.add.f32 [tilespmem:s25], [sflag:$0x4], $0x80, s24, s22, $0xb8;
	[tilespmem:$0x1EC00] =	vst v63  }
0xf9: {  	_ =	swait.ge [sflag:s31], $0x4000  }
0xfa: {  	[sflag:s31] =	ssyncset.done $0x0  }
0xfb: {  	[sflag:s31] =	ssyncadd.s32 $0xFFFFC000  }
0xfc: {  	[tilespmem:s25], [sflag:$0x2] =	stream.indirect.gather [hbm4b:s4+s22], $0x80, s8, s22, $0xb8;
	[tilespmem:$0x1EC00] =	vst v63  }
0xfd: {  	_ =	swait.ge [sflag:s26], $0x4000  }
0xfe: {  	[sflag:s26] =	ssyncset.done $0x0  }
0xff: {  	s28 =	sadd.s32 $0x14700, s6;
	[sflag:s26] =	ssyncadd.s32 $0xFFFFC000  }
0x100: {  	[spmem:s2] =	stream.indirect.scatter.add.f32 [tilespmem:s23], [sflag:$0x3], $0x80, s28, s22, $0xb8;
	[tilespmem:$0x1EC00] =	vst v63  }
0x101: {  	_ =	swait.ge [sflag:s7], $0x4000  }
0x102: {  	[sflag:s7] =	ssyncset.done $0x0  }
0x103: {  	[sflag:s7] =	ssyncadd.s32 $0xFFFFC000  }
0x104: {  	_ =	swait.ge [sflag:s9], $0x400  }
0x105: {  	[sflag:s9] =	ssyncset.done $0x0  }
0x106: {  	[sflag:s9] =	ssyncadd.s32 $0xFFFFFC00  }
0x107: {  	[tilespmem:s23], [sflag:$0x1] =	stream.indirect.gather [hbm4b:s4+s22], $0x80, s20, s22, $0xb8;
	[tilespmem:$0x1EC00] =	vst v63  }
0x108: {  	_ =	swait.ge [sflag:s29], $0x4000  }
0x109: {  	p0 =	seq.s32 s16, $0x6000;
	[sflag:s29] =	ssyncset.done $0x0  }
0x10a: {  	s3 =	simm.s32 @!p0 $0x0;
	s24 =	simm.s32 @!p0 $0x16400;
	[sflag:s29] =	ssyncadd.s32 $0xFFFFC000  }
0x10b: {  	[tilespmem:s24], [sflag:$0x5] =	stream.linear.gather @!p0 [hbm4b:s21+s3], $0x400, $0x38;
	[tilespmem:$0x1EC00] =	vst v63  }
0x10c: {  	s24 =	sadd.s32 $0x14780, s6  }
0x10d: {  	[spmem:s2] =	stream.indirect.scatter.add.f32 [tilespmem:s25], [sflag:$0x4], $0x80, s24, s22, $0xb8;
	[tilespmem:$0x1EC00] =	vst v63  }
0x10e: {  	_ =	swait.ge [sflag:s31], $0x4000  }
0x10f: {  	[sflag:s31] =	ssyncset.done $0x0  }
0x110: {  	[sflag:s31] =	ssyncadd.s32 $0xFFFFC000  }
0x111: {  	[tilespmem:s25], [sflag:$0x2] =	stream.indirect.gather [hbm4b:s4+s22], $0x80, s10, s22, $0xb8;
	[tilespmem:$0x1EC00] =	vst v63  }
0x112: {  	_ =	swait.ge [sflag:s26], $0x4000  }
0x113: {  	[sflag:s26] =	ssyncset.done $0x0  }
0x114: {  	s28 =	sadd.s32 $0x14800, s6;
	[sflag:s26] =	ssyncadd.s32 $0xFFFFC000  }
0x115: {  	[spmem:s2] =	stream.indirect.scatter.add.f32 [tilespmem:s23], [sflag:$0x3], $0x80, s28, s22, $0xb8;
	[tilespmem:$0x1EC00] =	vst v63  }
0x116: {  	_ =	swait.ge [sflag:s7], $0x4000  }
0x117: {  	[sflag:s7] =	ssyncset.done $0x0  }
0x118: {  	[sflag:s7] =	ssyncadd.s32 $0xFFFFC000  }
0x119: {  	[tilespmem:s23], [sflag:$0x1] =	stream.indirect.gather [hbm4b:s4+s22], $0x80, s11, s22, $0xb8;
	[tilespmem:$0x1EC00] =	vst v63  }
0x11a: {  	_ =	swait.ge [sflag:s29], $0x4000  }
0x11b: {  	[sflag:s29] =	ssyncset.done $0x0  }
0x11c: {  	s24 =	sadd.s32 $0x14880, s6;
	[sflag:s29] =	ssyncadd.s32 $0xFFFFC000  }
0x11d: {  	[spmem:s2] =	stream.indirect.scatter.add.f32 [tilespmem:s25], [sflag:$0x4], $0x80, s24, s22, $0xb8;
	[tilespmem:$0x1EC00] =	vst v63  }
0x11e: {  	_ =	swait.ge [sflag:s31], $0x4000  }
0x11f: {  	[sflag:s31] =	ssyncset.done $0x0  }
0x120: {  	[sflag:s31] =	ssyncadd.s32 $0xFFFFC000  }
0x121: {  	[tilespmem:s25], [sflag:$0x2] =	stream.indirect.gather [hbm4b:s4+s22], $0x80, s12, s22, $0xb8;
	[tilespmem:$0x1EC00] =	vst v63  }
0x122: {  	_ =	swait.ge [sflag:s26], $0x4000  }
0x123: {  	[sflag:s26] =	ssyncset.done $0x0  }
0x124: {  	s28 =	sadd.s32 $0x14900, s6;
	[sflag:s26] =	ssyncadd.s32 $0xFFFFC000  }
0x125: {  	[spmem:s2] =	stream.indirect.scatter.add.f32 [tilespmem:s23], [sflag:$0x3], $0x80, s28, s22, $0xb8;
	[tilespmem:$0x1EC00] =	vst v63  }
0x126: {  	_ =	swait.ge [sflag:s7], $0x4000  }
0x127: {  	[sflag:s7] =	ssyncset.done $0x0  }
0x128: {  	[sflag:s7] =	ssyncadd.s32 $0xFFFFC000  }
0x129: {  	[tilespmem:s23], [sflag:$0x1] =	stream.indirect.gather [hbm4b:s4+s22], $0x80, s18, s22, $0xb8;
	[tilespmem:$0x1EC00] =	vst v63  }
0x12a: {  	_ =	swait.ge [sflag:s29], $0x4000  }
0x12b: {  	[sflag:s29] =	ssyncset.done $0x0  }
0x12c: {  	s24 =	sadd.s32 $0x14980, s6;
	[sflag:s29] =	ssyncadd.s32 $0xFFFFC000  }
0x12d: {  	[spmem:s2] =	stream.indirect.scatter.add.f32 [tilespmem:s25], [sflag:$0x4], $0x80, s24, s22, $0xb8;
	[tilespmem:$0x1EC00] =	vst v63  }
0x12e: {  	_ =	swait.ge [sflag:s31], $0x4000  }
0x12f: {  	[sflag:s31] =	ssyncset.done $0x0  }
0x130: {  	[sflag:s31] =	ssyncadd.s32 $0xFFFFC000  }
0x131: {  	[tilespmem:s25], [sflag:$0x2] =	stream.indirect.gather [hbm4b:s4+s22], $0x80, s13, s22, $0xb8;
	[tilespmem:$0x1EC00] =	vst v63  }
0x132: {  	_ =	swait.ge [sflag:s26], $0x4000  }
0x133: {  	[sflag:s26] =	ssyncset.done $0x0  }
0x134: {  	s28 =	sadd.s32 $0x14A00, s6;
	[sflag:s26] =	ssyncadd.s32 $0xFFFFC000  }
0x135: {  	[spmem:s2] =	stream.indirect.scatter.add.f32 [tilespmem:s23], [sflag:$0x3], $0x80, s28, s22, $0xb8;
	[tilespmem:$0x1EC00] =	vst v63  }
0x136: {  	_ =	swait.ge [sflag:s7], $0x4000  }
0x137: {  	[sflag:s7] =	ssyncset.done $0x0  }
0x138: {  	[sflag:s7] =	ssyncadd.s32 $0xFFFFC000  }
0x139: {  	[tilespmem:s23], [sflag:$0x1] =	stream.indirect.gather [hbm4b:s4+s22], $0x80, s14, s22, $0xb8;
	[tilespmem:$0x1EC00] =	vst v63  }
0x13a: {  	_ =	swait.ge [sflag:s29], $0x4000  }
0x13b: {  	[sflag:s29] =	ssyncset.done $0x0  }
0x13c: {  	s24 =	sadd.s32 $0x14A80, s6;
	[sflag:s29] =	ssyncadd.s32 $0xFFFFC000  }
0x13d: {  	[spmem:s2] =	stream.indirect.scatter.add.f32 [tilespmem:s25], [sflag:$0x4], $0x80, s24, s22, $0xb8;
	[tilespmem:$0x1EC00] =	vst v63  }
0x13e: {  	_ =	swait.ge [sflag:s31], $0x4000  }
0x13f: {  	[sflag:s31] =	ssyncset.done $0x0  }
0x140: {  	[sflag:s31] =	ssyncadd.s32 $0xFFFFC000  }
0x141: {  	[tilespmem:s25], [sflag:$0x2] =	stream.indirect.gather [hbm4b:s4+s22], $0x80, s15, s22, $0xb8;
	[tilespmem:$0x1EC00] =	vst v63  }
0x142: {  	_ =	swait.ge [sflag:s26], $0x4000  }
0x143: {  	[sflag:s26] =	ssyncset.done $0x0  }
0x144: {  	s28 =	sadd.s32 $0x14B00, s6;
	[sflag:s26] =	ssyncadd.s32 $0xFFFFC000  }
0x145: {  	[spmem:s2] =	stream.indirect.scatter.add.f32 [tilespmem:s23], [sflag:$0x3], $0x80, s28, s22, $0xb8;
	[tilespmem:$0x1EC00] =	vst v63  }
0x146: {  	_ =	swait.ge [sflag:s7], $0x4000  }
0x147: {  	[sflag:s7] =	ssyncset.done $0x0  }
0x148: {  	s3 =	simm.s32 @!p0 $0x5;
	[sflag:s7] =	ssyncadd.s32 $0xFFFFC000  }
0x149: {  	p1 =	sgt.u32 s19, $0x8;
	_ =	swait.ge @!p0 [sflag:s3], $0x400  }
0x14a: {  	s24 =	simm.s32 @!p1 $0x16400;
	s28 =	simm.s32 @!p1 $0x16C00;
	[sflag:s3] =	ssyncset.done @!p0 $0x0  }
.Ltmp2:
0x14b: {  	[sflag:s3] =	ssyncadd.s32 @!p0 $0xFFFFFC00;
	s3 =	simm.s32 @!p1 $0x80;
	(pc) =	sbr.rel @p0 .LBB2_4-.Ltmp2, $4  }
0x14c: {  	[tilespmem:s28], [sflag:$0x1] =	stream.indirect.gather @!p1 [hbm4b:s4+s3], $0x80, s24, s3, $0xb8;
	[tilespmem:$0x1EC00] =	vst v63  }
0x14d: {  	_ =	swait.ge [sflag:s29], $0x4000  }
0x14e: {  	[sflag:s29] =	ssyncset.done $0x0  }
0x14f: {  	s6 =	sadd.s32 $0x14B80, s6;
	[sflag:s29] =	ssyncadd.s32 $0xFFFFC000  }
.Ltmp3:
0x150: {  	(pc) =	sbr.rel .LBB2_2-.Ltmp3, $4  }
0x151: {  	[tilespmem:s20], [sflag:$0x6] =	stream.linear.gather [hbm4b:s17+s1], $0x400, $0x38;
	[tilespmem:$0x1EC00] =	vst v63  }
0x152: {  	s17 =	sadd.s32 $0x100, s17  }
0x153: {  	s21 =	sadd.s32 $0x100, s21;
	s16 =	sadd.s32 $0x2000, s16;
	s19 =	sadd.s32 $0x2, s19  }
0x154: {  	[spmem:s2] =	stream.indirect.scatter.add.f32 [tilespmem:s25], [sflag:$0x4], $0x80, s6, s22, $0xb8;
	[tilespmem:$0x1EC00] =	vst v63  }
.LBB2_5:
0x155: {  	_ =	sfence.sel $0x180000  }
0x156: {  	[bflag:$0x0] =	sbarrier.arrive $0xFFFF  }
0x157: {  	_ =	strace $0x9000004A  }
0x158: {  	s0 =	stileid.u32;
	[bflag:$0x2] =	sbarrier.arrive $0xFFFF  }
0x159: {  	p0 =	sne.s32 s0, $0x0;
	s0 =	rddreg [dreg:$0x3]  }
0x15a: {  	s0 =	sadd.s32 @!p0 $0x100000, s0  }
0x15b: {  	[sflag:s0] =	ssyncadd.tile.s32 @!p0 $0x1;
	_ =	shalt  }
.Lfunc_end2:
_tile_overlayer_lowered:
.L_overlay_start_2:
0x15c: {  	(tag) =	ssettag $0x2  }
0x15d: {  	s0 =	rddreg [dreg:$0x0];
	s2 =	stileid.u32  }
0x15e: {  	s1 =	rddreg [dreg:$0x1];
	p0 =	sne.s32 s2, $0x0  }
0x15f: {  	s3 =	rddreg [dreg:$0x2];
	[bflag:$0x3] =	sbarrier.arrive $0xFFFF;
	s2 =	simm.s32 @!p0 $0x1C07  }
0x160: {  	[timem:s3], [sflag:s2] =	dma.local @!p0 [hbm:s0], s1  }
0x161: {  	s0 =	simm.s32 @!p0 $0x7  }
0x162: {  	_ =	swait.ge @!p0 [sflag:s0], s1  }
0x163: {  	s1 =	ssub.s32 @!p0 $0x0, s1;
	[sflag:s0] =	ssyncset.done @!p0 $0x0  }
0x164: {  	[sflag:s0] =	ssyncadd.s32 @!p0 s1  }
0x165: {  	[bflag:$0x3] =	sbarrier.arrive $0xFFFF  }
0x166: {  	_ =	shalt  }

// kernel: kernel.14.cloned.1.call-start
scs
__scs_entry_jumppad:
0x0: {  	(pc) =	sbr.rel $0x88, $3  }
0x1: {  	(tag) =	ssettag $0x0;
	lr =	simm.s32 $0x1  }
0x2: {  	[smem:$0x3F9B] =	sst lr;
	_ =	strace $0xD0000000  }
0x3: {  	_ = 	snop  }
0x4: {  	_ = 	snop  }
0x5: {  	_ = 	snop  }
0x6: {  	_ = 	snop  }
0x7: {  	_ = 	snop  }
__scs_overlays_trampoline_lowered:
0x8: {  	[smem:$0x3FAA] =	sst s0  }
0x9: {  	[smem:$0x3FAB] =	sst s1  }
0xa: {  	[smem:$0x3FAC] =	sst s2  }
0xb: {  	[smem:$0x3FAD] =	sst s3  }
0xc: {  	[smem:$0x3FAE] =	sst s4  }
0xd: {  	[smem:$0x3FAF] =	sst s5  }
0xe: {  	[smem:$0x3FB0] =	sst s6  }
0xf: {  	[smem:$0x3FB1] =	sst s7  }
0x10: {  	[smem:$0x3FB2] =	sst s8  }
0x11: {  	[smem:$0x3FB3] =	sst s9;
	s0 =	simm.s32 @!p0 $0x0  }
0x12: {  	s1 =	sld [smem:$0x3F99];
	s0 =	simm.s32 @p0 $0x1  }
0x13: {  	[smem:$0x3FB4] =	sst s0;
	s0 =	simm.s32 @!p1 $0x0  }
0x14: {  	s2 =	sld [smem:$0x3F98];
	s0 =	simm.s32 @p1 $0x1  }
0x15: {  	[smem:$0x3FB5] =	sst s0;
	s0 =	simm.s32 @!p2 $0x0  }
0x16: {  	s3 =	sld [smem:$0x3FDB];
	s0 =	simm.s32 @p2 $0x1  }
0x17: {  	s4 =	simm.s32 $0x1BF5;
	[smem:$0x3FB7] =	sst s0  }
0x18: {  	s0 =	sld [smem:$0x3F9A];
	_ =	swait.ge [sflag:s4], $0x0  }
0x19: {  	s7 =	sld [smem:$0x3F9B]  }
0x1a: {  	s8 =	sadd.s32 $0xFFFFE003, lr  }
0x1b: {  	s9 =	sadd.s32 $0xFFFFFEF7, lr;
	s5 =	simm.s32 $0xFFFFFFFF;
	p2 =	slt.u32 s8, $0xFFFFF086  }
0x1c: {  	p1 =	slt.u32 s9, $0xF7A;
	s5 =	simm.s32 @!p2 $0x0  }
0x1d: {  	s5 =	simm.s32 @p1 $0x1;
	p0 =	seq.s32 s7, s2  }
0x1e: {  	s7 =	smul.u32 @!p0 $0xF7A, s2;
	p2 =	seq.s32 @!p0 s5, $0x0  }
0x1f: {  	s9 =	smul.u32 $0xF7A, s1;
	s8 =	simm.s32 @!p0 $0x1BF5;
	p2 =	por !p2, p0  }
0x20: {  	[sflag:s8] =	ssyncset.s32 @!p0 $0xFFFFF086;
	s6 =	sadd.s32 @!p0 s3, s7;
	s7 =	simm.s32 @!p0 $0x108  }
0x21: {  	s3 =	sadd.s32 s3, s9;
	s6 =	sadd.s32 @!p0 $0x88, s6;
	s7 =	simm.s32 @p2 $0x1082  }
0x22: {  	[simem:s7], [sflag:s8] =	dma.local @!p0 [hbm:s6], $0xF7A  }
0x23: {  	s9 =	sor.u32 $0xD0000000, s2;
	s6 =	simm.s32 $0x108;
	_ =	swait.ge @!p0 [sflag:s8], $0x0  }
0x24: {  	s3 =	sadd.s32 $0x88, s3;
	s6 =	simm.s32 @!p1 $0x1082;
	[sflag:s4] =	ssyncset.s32 $0xFFFFF086  }
0x25: {  	[simem:s6], [sflag:s4] =	dma.local [hbm:s3], $0xF7A  }
0x26: {  	[smem:$0x3F9B] =	sst s1;
	(tag) =	ssettag s2;
	_ =	strace s9  }
0x27: {  	s1 =	sld [smem:$0x3FAB]  }
0x28: {  	s2 =	sld [smem:$0x3FAC]  }
0x29: {  	s4 =	sld [smem:$0x3FAE]  }
0x2a: {  	p0 =	seq.s32 s5, $0x0;
	s5 =	sld [smem:$0x3FAF]  }
0x2b: {  	s6 =	sld [smem:$0x3FB0]  }
0x2c: {  	s7 =	sld [smem:$0x3FB1]  }
0x2d: {  	s3 =	simm.s32 $0x108;
	s8 =	sld [smem:$0x3FB2]  }
0x2e: {  	s3 =	simm.s32 @!p0 $0x1082;
	s9 =	sld [smem:$0x3FB3]  }
0x2f: {  	lr =	sadd.s32 s0, s3;
	s0 =	sld [smem:$0x3FAA]  }
0x30: {  	s3 =	sld [smem:$0x3FAD]  }
0x31: {  	[smem:$0x3FB6] =	sst s10  }
0x32: {  	s10 =	sld [smem:$0x3FB4];
	_ =	sdelay $0x3  }
0x33: {  	p0 =	seq.s32 s10, $0x1;
	s10 =	sld [smem:$0x3FB6];
	_ =	sdelay $0x3  }
0x34: {  	[smem:$0x3FB6] =	sst s10  }
0x35: {  	s10 =	sld [smem:$0x3FB5];
	_ =	sdelay $0x3  }
0x36: {  	p1 =	seq.s32 s10, $0x1;
	s10 =	sld [smem:$0x3FB6];
	_ =	sdelay $0x3  }
0x37: {  	[smem:$0x3FB6] =	sst s10  }
0x38: {  	s10 =	sld [smem:$0x3FB7]  }
0x39: {  	_ = 	snop;
	(pc) =	sbr.ind lr, $3  }
0x3a: {  	_ = 	snop  }
0x3b: {  	_ = 	snop  }
0x3c: {  	p2 =	seq.s32 s10, $0x1;
	s10 =	sld [smem:$0x3FB6]  }
0x3d: {  	_ =	shalt  }
0x3e: {  	_ =	shalt  }
0x3f: {  	_ =	shalt  }
0x40: {  	_ =	shalt  }
0x41: {  	_ =	shalt  }
0x42: {  	_ =	shalt  }
0x43: {  	_ =	shalt  }
0x44: {  	_ =	shalt  }
0x45: {  	_ =	shalt  }
0x46: {  	_ =	shalt  }
0x47: {  	_ =	shalt  }
0x48: {  	_ =	shalt  }
0x49: {  	_ =	shalt  }
0x4a: {  	_ =	shalt  }
0x4b: {  	_ =	shalt  }
0x4c: {  	_ =	shalt  }
0x4d: {  	_ =	shalt  }
0x4e: {  	_ =	shalt  }
0x4f: {  	_ =	shalt  }
0x50: {  	_ =	shalt  }
0x51: {  	_ =	shalt  }
0x52: {  	_ =	shalt  }
0x53: {  	_ =	shalt  }
0x54: {  	_ =	shalt  }
0x55: {  	_ =	shalt  }
0x56: {  	_ =	shalt  }
0x57: {  	_ =	shalt  }
0x58: {  	_ =	shalt  }
0x59: {  	_ =	shalt  }
0x5a: {  	_ =	shalt  }
0x5b: {  	_ =	shalt  }
0x5c: {  	_ =	shalt  }
0x5d: {  	_ =	shalt  }
0x5e: {  	_ =	shalt  }
0x5f: {  	_ =	shalt  }
0x60: {  	_ =	shalt  }
0x61: {  	_ =	shalt  }
0x62: {  	_ =	shalt  }
0x63: {  	_ =	shalt  }
0x64: {  	_ =	shalt  }
0x65: {  	_ =	shalt  }
0x66: {  	_ =	shalt  }
0x67: {  	_ =	shalt  }
0x68: {  	_ =	shalt  }
0x69: {  	_ =	shalt  }
0x6a: {  	_ =	shalt  }
0x6b: {  	_ =	shalt  }
0x6c: {  	_ =	shalt  }
0x6d: {  	_ =	shalt  }
0x6e: {  	_ =	shalt  }
0x6f: {  	_ =	shalt  }
0x70: {  	_ =	shalt  }
0x71: {  	_ =	shalt  }
0x72: {  	_ =	shalt  }
0x73: {  	_ =	shalt  }
0x74: {  	_ =	shalt  }
0x75: {  	_ =	shalt  }
0x76: {  	_ =	shalt  }
0x77: {  	_ =	shalt  }
0x78: {  	_ =	shalt  }
0x79: {  	_ =	shalt  }
0x7a: {  	_ =	shalt  }
0x7b: {  	_ =	shalt  }
0x7c: {  	_ =	shalt  }
0x7d: {  	_ =	shalt  }
0x7e: {  	_ =	shalt  }
0x7f: {  	_ =	shalt  }
0x80: {  	_ =	shalt  }
0x81: {  	_ =	shalt  }
0x82: {  	_ =	shalt  }
0x83: {  	_ =	shalt  }
0x84: {  	_ =	shalt  }
0x85: {  	_ =	shalt  }
0x86: {  	_ =	shalt  }
0x87: {  	_ =	shalt  }
.Lfunc_end0:
.L_simem_size_0:
called_computation.2_lowered:
.L_overlay_start_0:
0x88: {  	s2 =	sld [smem:$0x3FD9]  }
0x89: {  	s3 =	sld [smem:$0x3FFE];
	_ =	sdelay $0x1  }
0x8a: {  	s1 =	srdreg.scid  }
0x8b: {  	s0 =	sand.u32 $0x1, s1  }
0x8c: {  	s17 =	sshll.u32 s0, $0xA;
	s2 =	sadd.s32 s3, s2  }
0x8d: {  	s2 =	sadd.s32 s2, s17  }
0x8e: {  	[smem:$0x3FC2] =	sst s2  }
0x8f: {  	_ = 	snop  }
0x90: {  	s2 =	sld [smem:$0x3FD0];
	(tm) =	ssettm $0x1  }
0x91: {  	s18 =	sld [smem:$0x3FFB];
	_ =	sdelay $0x3  }
0x92: {  	_ =	strace s18  }
0x93: {  	s3 =	sld [smem:$0x3FFC];
	_ =	sdelay $0x3  }
0x94: {  	_ =	strace s3  }
0x95: {  	s3 =	sld [smem:$0x3FFD];
	_ =	sdelay $0x3  }
0x96: {  	_ =	strace s3  }
0x97: {  	_ =	strace $0x8FFFFFFF  }
0x98: {  	s19 =	sld [smem:$0x3FDB];
	_ =	sdelay $0x1  }
0x99: {  	s4 =	simm.s32 $_scs_section_size  }
0x9a: {  	s5 =	simm.s32 $_size__tile_overlayer_lowered;
	s6 =	simm.s32 $_tile_overlayer_lowered  }
0x9b: {  	s22 =	simm.s32 $0x1BFF;
	s21 =	sshll.u32 s6, $0x1;
	s3 =	sadd.s32 s4, s19  }
0x9c: {  	s7 =	simm.s32 $0x0;
	s20 =	sshll.u32 s5, $0x1;
	s5 =	sadd.s32 s21, s3  }
0x9d: {  	[timem:s7], [sflag:s22] =	dma.local [hbm:s5], s20  }
0x9e: {  	_ =	swait.ge [sflag:s22], s20  }
0x9f: {  	s4 =	ssub.s32 $0x0, s20;
	[sflag:s22] =	ssyncset.done $0x0  }
0xa0: {  	[sflag:s22] =	ssyncadd.s32 s4;
	_ =	sdelay $0x1  }
0xa1: {  	s23 =	simm.s32 $0x1B8B  }
0xa2: {  	_ =	swait.ge [sflag:s23], $0x1  }
0xa3: {  	[sflag:s23] =	ssyncset.done $0x0  }
0xa4: {  	s25 =	simm.s32 $0x1B8E;
	s24 =	sld [smem:$0x3FFE];
	[sflag:s23] =	ssyncadd.s32 $0xFFFFFFFF  }
0xa5: {  	s26 =	simm.s32 $execute0_lowered;
	[smem:$0x3FD2] =	sst s25  }
0xa6: {  	s5 =	sshll.u32 s26, $0x1;
	_ =	strace $0x8000004C;
	[dreg:$0x1] =	wrdreg $0xFFFFFFFF  }
0xa7: {  	s28 =	simm.s32 $_size_execute0_lowered;
	s3 =	sadd.s32 s3, s5;
	[dreg:$0x0] =	wrdreg $0x0  }
0xa8: {  	s5 =	sshll.u32 s28, $0x1;
	[dreg:$0x2] =	wrdreg s3  }
0xa9: {  	[dreg:$0x3] =	wrdreg s5  }
0xaa: {  	[dreg:$0x4] =	wrdreg $0xC0  }
0xab: {  	_ =	task [dreg:s7], $0x5FFFF  }
0xac: {  	[dreg:$0x1] =	wrdreg $0xFFFFFFFF  }
0xad: {  	[dreg:$0x0] =	wrdreg $0x60  }
0xae: {  	[dreg:$0x2] =	wrdreg s24  }
0xaf: {  	[dreg:$0x3] =	wrdreg s2  }
0xb0: {  	[dreg:$0x4] =	wrdreg $0x0  }
0xb1: {  	[dreg:$0x5] =	wrdreg $0x9  }
0xb2: {  	_ =	task.clear_ibuf [dreg:s7], $0x6FFFF;
	_ =	strace $0x9000004C  }
0xb3: {  	s29 =	simm.s32 $0x9;
	_ =	strace $0x8000004E  }
0xb4: {  	_ =	swait.ge [sflag:s29], $0x1  }
0xb5: {  	[sflag:s29] =	ssyncadd.s32 $0xFFFFFFFF  }
0xb6: {  	_ =	strace $0x9000004E  }
0xb7: {  	_ =	sfence  }
0xb8: {  	s30 =	sld [smem:$0x0];
	_ =	sdelay $0x2  }
0xb9: {  	s31 =	sshll.u32 s1, $0xD;
	s1 =	sshrl.u32 s1, $0x2  }
0xba: {  	s3 =	sand.u32 $0x4000, s31;
	s1 =	sadd.s32 s1, s30  }
0xbb: {  	s0 =	sor.u32 s3, s0;
	s1 =	sshll.u32 s1, $0x11  }
0xbc: {  	s0 =	sor.u32 s1, s0  }
0xbd: {  	s0 =	sadd.s32 $0x8F2B, s0  }
0xbe: {  	[sflag:s0] =	ssyncadd.remote.s32 $0x1  }
0xbf: {  	_ =	sfence.sel $0xFFFF  }
0xc0: {  	[dreg:$0x0] =	wrdreg $0xFFFFFFFF;
	(pc) =	sbr.abs _section_cstart, $3  }
0xc1: {  	[dreg:$0x1] =	wrdreg $0xFFFFFFFF  }
0xc2: {  	_ =	task.clear_ibuf [dreg:s7], $0x2FFFF;
	_ =	strace $0x9FFFFFFF  }
0xc3: {  	(tm) =	ssettm $0x7FFFFFFF  }
tec
execute0_lowered:
.L_overlay_start_1:
0x0: {  	(tag) =	ssettag $0x1  }
0x1: {  	s0 =	rddreg [dreg:$0x0]  }
0x2: {  	s1 =	rddreg [dreg:$0x1]  }
0x3: {  	s3 =	srdreg.scid;
	s12 =	stileid.u32  }
0x4: {  	s2 =	rddreg [dreg:$0x2];
	s13 =	simm.s32 $0x0;
	s29 =	simm.s32 $0x2  }
0x5: {  	s31 =	simm.s32 $0x4;
	s30 =	simm.s32 $0x16600;
	s5 =	sand.u32 $0x1, s3  }
0x6: {  	s6 =	smul.u32 $0x13C00, s12;
	[smem:$0x7FF] =	sst s13;
	s8 =	sadd.s32 $0x79000, s0  }
0x7: {  	s10 =	smul.u32 $0x4F000, s12;
	s17 =	sshll.u32 s12, $0x6;
	s13 =	simm.s32 $0x16A80  }
0x8: {  	s4 =	smul.u32 $0x13C000, s5;
	_ =	strace $0x8000004D;
	s9 =	ssub.s32 $0x2, s5  }
0x9: {  	s11 =	sshll.u32 s5, $0x4;
	s5 =	smul.u32 $0x28000, s5;
	s3 =	sor.u32 $0x1C07, s17  }
0xa: {  	s17 =	simm.s32 $0x0;
	s14 =	sshrl.u32 s9, $0x1;
	s11 =	sor.u32 s12, s11  }
0xb: {  	s15 =	sshrl.u32 s10, $0x2;
	s12 =	smul.u32 $0x2800, s12;
	[dreg:$0x5] =	wrdreg s3  }
0xc: {  	s7 =	sadd.s32 s6, s4;
	s4 =	sadd.s32 $0x2000, s0;
	s16 =	smul.u32 $0x2800, s11  }
0xd: {  	s6 =	sshrl.u32 s6, $0x3;
	s11 =	simm.s32 $0x16900;
	s7 =	sshrl.u32 s7, $0x3  }
0xe: {  	s18 =	sadd.s32 s4, s6;
	s21 =	sadd.s32 s12, s5;
	s5 =	simm.s32 $0x16700  }
0xf: {  	s12 =	simm.s32 $0x16980;
	s0 =	sadd.s32 s7, s0;
	s7 =	ssub.s32 s9, s14  }
0x10: {  	s9 =	sadd.s32 s15, s2;
	s10 =	sshrl.u32 s16, $0x3;
	[dreg:$0x4] =	wrdreg s18  }
0x11: {  	s24 =	sadd.s32 $0x1400, s21;
	s16 =	simm.s32 $0x7;
	s18 =	simm.s32 $0x16A00  }
0x12: {  	s14 =	simm.s32 $0x16B00;
	s15 =	simm.s32 $0x16B80;
	s1 =	sadd.s32 s1, s10  }
0x13: {  	s19 =	sadd.s32 s8, s10;
	s0 =	sadd.s32 $0x29800, s0;
	[dreg:$0x7] =	wrdreg s1  }
0x14: {  	s25 =	sshrl.u32 s24, $0x3;
	s26 =	smax.u32 s7, $0x1;
	[dreg:$0x6] =	wrdreg s19  }
0x15: {  	s6 =	sshrl.u32 s9, $0x3;
	s9 =	simm.s32 $0x6;
	[dreg:$0xb] =	wrdreg s0  }
0x16: {  	s10 =	simm.s32 $0x16880;
	s7 =	simm.s32 $0x3;
	[dreg:$0xc] =	wrdreg s26  }
0x17: {  	s20 =	sadd.s32 $0x80, s19;
	s22 =	sadd.s32 $0x100, s19;
	[dreg:$0xf] =	wrdreg s6  }
0x18: {  	s23 =	sadd.s32 $0x180, s19;
	s1 =	sadd.s32 $0x1000, s21;
	[dreg:$0x8] =	wrdreg s20  }
.Ltmp0:
0x19: {  	s0 =	sadd.s32 s25, s8;
	[dreg:$0x9] =	wrdreg s22;
	(pc) =	sbr.rel .LBB2_1-.Ltmp0, $4  }
0x1a: {  	s25 =	simm.s32 $0x1AC00;
	s26 =	simm.s32 $0x1;
	[dreg:$0xa] =	wrdreg s23  }
0x1b: {  	[dreg:$0xd] =	wrdreg s0;
	s28 =	sshrl.u32 s1, $0x3;
	s20 =	simm.s32 $0x16800  }
0x1c: {  	s22 =	simm.s32 $0x80;
	s23 =	simm.s32 $0x16C00;
	s0 =	sadd.s32 s28, s8  }
0x1d: {  	s8 =	simm.s32 $0x16780;
	[dreg:$0xe] =	wrdreg s0;
	s0 =	simm.s32 $0x16680  }
.LBB2_4:
0x1e: {  	[spmem:s2] =	stream.indirect.scatter.add.f32 [tilespmem:s25], [sflag:$0x4], $0x80, s6, s22, $0xb8;
	[tilespmem:$0x1EC00] =	vst v63  }
0x1f: {  	_ =	swait.ge [sflag:s31], $0x4000  }
0x20: {  	[sflag:s31] =	ssyncset.done $0x0  }
0x21: {  	[sflag:s31] =	ssyncadd.s32 $0xFFFFC000  }
0x22: {  	[bflag:$0x0] =	sbarrier.arrive $0xFFFF  }
0x23: {  	s3 =	rddreg [dreg:$0x5]  }
0x24: {  	s1 =	rddreg [dreg:$0xb]  }
0x25: {  	s16 =	simm.s32 $0x7;
	s6 =	rddreg [dreg:$0xf]  }
0x26: {  	[hbm:s1], [sflag:s3] =	dma.local [spmem:s6], $0x2780  }
0x27: {  	_ =	swait.ge [sflag:s16], $0x2780  }
0x28: {  	s17 =	rddreg [dreg:$0x10]  }
0x29: {  	s28 =	rddreg [dreg:$0xc];
	s17 =	sadd.s32 $0x1, s17  }
0x2a: {  	p0 =	sne.s32 s17, s28  }
.Ltmp1:
0x2b: {  	_ = 	snop;
	(pc) =	sbr.rel @!p0 .LBB2_5-.Ltmp1, $3  }
0x2c: {  	_ =	sdelay $0x1  }
0x2d: {  	[sflag:s16] =	ssyncset.done $0x0  }
0x2e: {  	[sflag:s16] =	ssyncadd.s32 $0xFFFFD880  }
.LBB2_1:
0x2f: {  	[dreg:$0x10] =	wrdreg s17  }
0x30: {  	s1 =	rddreg [dreg:$0x4]  }
0x31: {  	[spmem:s6], [sflag:s3] =	dma.local [hbm:s1], $0x2780  }
0x32: {  	_ =	swait.ge [sflag:s16], $0x2780  }
0x33: {  	s19 =	simm.s32 $0x13C00;
	[sflag:s16] =	ssyncset.done $0x0  }
0x34: {  	s3 =	simm.s32 $0x0;
	s17 =	rddreg [dreg:$0x7];
	[sflag:s16] =	ssyncadd.s32 $0xFFFFD880  }
0x35: {  	[tilespmem:s19], [sflag:$0x7] =	stream.linear.gather [hbm4b:s17+s3], $0x2800, $0x38;
	[tilespmem:$0x1EC00] =	vst v63  }
0x36: {  	_ =	swait.ge [sflag:s16], $0x2800  }
0x37: {  	[sflag:s16] =	ssyncset.done $0x0  }
0x38: {  	s21 =	rddreg [dreg:$0x6];
	[sflag:s16] =	ssyncadd.s32 $0xFFFFD800;
	s16 =	simm.s32 $0x16400  }
0x39: {  	[tilespmem:s16], [sflag:$0x5] =	stream.linear.gather [hbm4b:s21+s3], $0x400, $0x38;
	[tilespmem:$0x1EC00] =	vst v63  }
0x3a: {  	s24 =	rddreg [dreg:$0x8]  }
0x3b: {  	[tilespmem:s20], [sflag:$0x6] =	stream.linear.gather [hbm4b:s24+s3], $0x400, $0x38;
	[tilespmem:$0x1EC00] =	vst v63  }
0x3c: {  	s17 =	simm.s32 $0x5;
	[bflag:$0x0] =	sbarrier.arrive $0xFFFF  }
0x3d: {  	_ =	swait.ge [sflag:s17], $0x400  }
0x3e: {  	[sflag:s17] =	ssyncset.done $0x0  }
0x3f: {  	[sflag:s17] =	ssyncadd.s32 $0xFFFFFC00  }
0x40: {  	[tilespmem:s23], [sflag:$0x1] =	stream.indirect.gather [hbm4b:s4+s22], $0x80, s16, s22, $0xb8;
	[tilespmem:$0x1EC00] =	vst v63  }
0x41: {  	s28 =	simm.s32 $0x16480  }
0x42: {  	[tilespmem:s25], [sflag:$0x2] =	stream.indirect.gather [hbm4b:s4+s22], $0x80, s28, s22, $0xb8;
	[tilespmem:$0x1EC00] =	vst v63  }
0x43: {  	_ =	swait.ge [sflag:s26], $0x4000  }
0x44: {  	[sflag:s26] =	ssyncset.done $0x0  }
0x45: {  	[sflag:s26] =	ssyncadd.s32 $0xFFFFC000  }
0x46: {  	[spmem:s2] =	stream.indirect.scatter.add.f32 [tilespmem:s23], [sflag:$0x3], $0x80, s19, s22, $0xb8;
	[tilespmem:$0x1EC00] =	vst v63  }
0x47: {  	_ =	swait.ge [sflag:s7], $0x4000  }
0x48: {  	[sflag:s7] =	ssyncset.done $0x0  }
0x49: {  	s19 =	simm.s32 $0x16500;
	[sflag:s7] =	ssyncadd.s32 $0xFFFFC000  }
0x4a: {  	[tilespmem:s23], [sflag:$0x1] =	stream.indirect.gather [hbm4b:s4+s22], $0x80, s19, s22, $0xb8;
	[tilespmem:$0x1EC00] =	vst v63  }
0x4b: {  	_ =	swait.ge [sflag:s29], $0x4000  }
0x4c: {  	[sflag:s29] =	ssyncset.done $0x0  }
0x4d: {  	s21 =	simm.s32 $0x13C80;
	[sflag:s29] =	ssyncadd.s32 $0xFFFFC000  }
0x4e: {  	[spmem:s2] =	stream.indirect.scatter.add.f32 [tilespmem:s25], [sflag:$0x4], $0x80, s21, s22, $0xb8;
	[tilespmem:$0x1EC00] =	vst v63  }
0x4f: {  	_ =	swait.ge [sflag:s31], $0x4000  }
0x50: {  	[sflag:s31] =	ssyncset.done $0x0  }
0x51: {  	s24 =	simm.s32 $0x16580;
	[sflag:s31] =	ssyncadd.s32 $0xFFFFC000  }
0x52: {  	[tilespmem:s25], [sflag:$0x2] =	stream.indirect.gather [hbm4b:s4+s22], $0x80, s24, s22, $0xb8;
	[tilespmem:$0x1EC00] =	vst v63  }
0x53: {  	_ =	swait.ge [sflag:s26], $0x4000  }
0x54: {  	[sflag:s26] =	ssyncset.done $0x0  }
0x55: {  	s28 =	simm.s32 $0x13D00;
	[sflag:s26] =	ssyncadd.s32 $0xFFFFC000  }
0x56: {  	[spmem:s2] =	stream.indirect.scatter.add.f32 [tilespmem:s23], [sflag:$0x3], $0x80, s28, s22, $0xb8;
	[tilespmem:$0x1EC00] =	vst v63  }
0x57: {  	_ =	swait.ge [sflag:s7], $0x4000  }
0x58: {  	[sflag:s7] =	ssyncset.done $0x0  }
0x59: {  	[sflag:s7] =	ssyncadd.s32 $0xFFFFC000  }
0x5a: {  	[tilespmem:s23], [sflag:$0x1] =	stream.indirect.gather [hbm4b:s4+s22], $0x80, s30, s22, $0xb8;
	[tilespmem:$0x1EC00] =	vst v63  }
0x5b: {  	_ =	swait.ge [sflag:s29], $0x4000  }
0x5c: {  	[sflag:s29] =	ssyncset.done $0x0  }
0x5d: {  	s6 =	simm.s32 $0x13D80;
	[sflag:s29] =	ssyncadd.s32 $0xFFFFC000  }
0x5e: {  	[spmem:s2] =	stream.indirect.scatter.add.f32 [tilespmem:s25], [sflag:$0x4], $0x80, s6, s22, $0xb8;
	[tilespmem:$0x1EC00] =	vst v63  }
0x5f: {  	_ =	swait.ge [sflag:s31], $0x4000  }
0x60: {  	[sflag:s31] =	ssyncset.done $0x0  }
0x61: {  	[sflag:s31] =	ssyncadd.s32 $0xFFFFC000  }
0x62: {  	[tilespmem:s25], [sflag:$0x2] =	stream.indirect.gather [hbm4b:s4+s22], $0x80, s0, s22, $0xb8;
	[tilespmem:$0x1EC00] =	vst v63  }
0x63: {  	_ =	swait.ge [sflag:s26], $0x4000  }
0x64: {  	[sflag:s26] =	ssyncset.done $0x0  }
0x65: {  	s19 =	simm.s32 $0x13E00;
	[sflag:s26] =	ssyncadd.s32 $0xFFFFC000  }
0x66: {  	[spmem:s2] =	stream.indirect.scatter.add.f32 [tilespmem:s23], [sflag:$0x3], $0x80, s19, s22, $0xb8;
	[tilespmem:$0x1EC00] =	vst v63  }
0x67: {  	_ =	swait.ge [sflag:s7], $0x4000  }
0x68: {  	[sflag:s7] =	ssyncset.done $0x0  }
0x69: {  	[sflag:s7] =	ssyncadd.s32 $0xFFFFC000  }
0x6a: {  	[tilespmem:s23], [sflag:$0x1] =	stream.indirect.gather [hbm4b:s4+s22], $0x80, s5, s22, $0xb8;
	[tilespmem:$0x1EC00] =	vst v63  }
0x6b: {  	_ =	swait.ge [sflag:s29], $0x4000  }
0x6c: {  	[sflag:s29] =	ssyncset.done $0x0  }
0x6d: {  	s21 =	simm.s32 $0x13E80;
	[sflag:s29] =	ssyncadd.s32 $0xFFFFC000  }
0x6e: {  	[spmem:s2] =	stream.indirect.scatter.add.f32 [tilespmem:s25], [sflag:$0x4], $0x80, s21, s22, $0xb8;
	[tilespmem:$0x1EC00] =	vst v63  }
0x6f: {  	_ =	swait.ge [sflag:s31], $0x4000  }
0x70: {  	[sflag:s31] =	ssyncset.done $0x0  }
0x71: {  	[sflag:s31] =	ssyncadd.s32 $0xFFFFC000  }
0x72: {  	[tilespmem:s25], [sflag:$0x2] =	stream.indirect.gather [hbm4b:s4+s22], $0x80, s8, s22, $0xb8;
	[tilespmem:$0x1EC00] =	vst v63  }
0x73: {  	_ =	swait.ge [sflag:s26], $0x4000  }
0x74: {  	[sflag:s26] =	ssyncset.done $0x0  }
0x75: {  	s24 =	simm.s32 $0x13F00;
	[sflag:s26] =	ssyncadd.s32 $0xFFFFC000  }
0x76: {  	[spmem:s2] =	stream.indirect.scatter.add.f32 [tilespmem:s23], [sflag:$0x3], $0x80, s24, s22, $0xb8;
	[tilespmem:$0x1EC00] =	vst v63  }
0x77: {  	_ =	swait.ge [sflag:s7], $0x4000  }
0x78: {  	[sflag:s7] =	ssyncset.done $0x0  }
0x79: {  	[sflag:s7] =	ssyncadd.s32 $0xFFFFC000  }
0x7a: {  	_ =	swait.ge [sflag:s9], $0x400  }
0x7b: {  	[sflag:s9] =	ssyncset.done $0x0  }
0x7c: {  	[sflag:s9] =	ssyncadd.s32 $0xFFFFFC00  }
0x7d: {  	[tilespmem:s23], [sflag:$0x1] =	stream.indirect.gather [hbm4b:s4+s22], $0x80, s20, s22, $0xb8;
	[tilespmem:$0x1EC00] =	vst v63  }
0x7e: {  	_ =	swait.ge [sflag:s29], $0x4000  }
0x7f: {  	[sflag:s29] =	ssyncset.done $0x0  }
0x80: {  	s28 =	rddreg [dreg:$0x9];
	[sflag:s29] =	ssyncadd.s32 $0xFFFFC000  }
0x81: {  	[tilespmem:s16], [sflag:$0x5] =	stream.linear.gather [hbm4b:s28+s3], $0x400, $0x38;
	[tilespmem:$0x1EC00] =	vst v63  }
0x82: {  	s6 =	simm.s32 $0x13F80  }
0x83: {  	[spmem:s2] =	stream.indirect.scatter.add.f32 [tilespmem:s25], [sflag:$0x4], $0x80, s6, s22, $0xb8;
	[tilespmem:$0x1EC00] =	vst v63  }
0x84: {  	_ =	swait.ge [sflag:s31], $0x4000  }
0x85: {  	[sflag:s31] =	ssyncset.done $0x0  }
0x86: {  	[sflag:s31] =	ssyncadd.s32 $0xFFFFC000  }
0x87: {  	[tilespmem:s25], [sflag:$0x2] =	stream.indirect.gather [hbm4b:s4+s22], $0x80, s10, s22, $0xb8;
	[tilespmem:$0x1EC00] =	vst v63  }
0x88: {  	_ =	swait.ge [sflag:s26], $0x4000  }
0x89: {  	[sflag:s26] =	ssyncset.done $0x0  }
0x8a: {  	s19 =	simm.s32 $0x14000;
	[sflag:s26] =	ssyncadd.s32 $0xFFFFC000  }
0x8b: {  	[spmem:s2] =	stream.indirect.scatter.add.f32 [tilespmem:s23], [sflag:$0x3], $0x80, s19, s22, $0xb8;
	[tilespmem:$0x1EC00] =	vst v63  }
0x8c: {  	_ =	swait.ge [sflag:s7], $0x4000  }
0x8d: {  	[sflag:s7] =	ssyncset.done $0x0  }
0x8e: {  	[sflag:s7] =	ssyncadd.s32 $0xFFFFC000  }
0x8f: {  	[tilespmem:s23], [sflag:$0x1] =	stream.indirect.gather [hbm4b:s4+s22], $0x80, s11, s22, $0xb8;
	[tilespmem:$0x1EC00] =	vst v63  }
0x90: {  	_ =	swait.ge [sflag:s29], $0x4000  }
0x91: {  	[sflag:s29] =	ssyncset.done $0x0  }
0x92: {  	s21 =	simm.s32 $0x14080;
	[sflag:s29] =	ssyncadd.s32 $0xFFFFC000  }
0x93: {  	[spmem:s2] =	stream.indirect.scatter.add.f32 [tilespmem:s25], [sflag:$0x4], $0x80, s21, s22, $0xb8;
	[tilespmem:$0x1EC00] =	vst v63  }
0x94: {  	_ =	swait.ge [sflag:s31], $0x4000  }
0x95: {  	[sflag:s31] =	ssyncset.done $0x0  }
0x96: {  	[sflag:s31] =	ssyncadd.s32 $0xFFFFC000  }
0x97: {  	[tilespmem:s25], [sflag:$0x2] =	stream.indirect.gather [hbm4b:s4+s22], $0x80, s12, s22, $0xb8;
	[tilespmem:$0x1EC00] =	vst v63  }
0x98: {  	_ =	swait.ge [sflag:s26], $0x4000  }
0x99: {  	[sflag:s26] =	ssyncset.done $0x0  }
0x9a: {  	s24 =	simm.s32 $0x14100;
	[sflag:s26] =	ssyncadd.s32 $0xFFFFC000  }
0x9b: {  	[spmem:s2] =	stream.indirect.scatter.add.f32 [tilespmem:s23], [sflag:$0x3], $0x80, s24, s22, $0xb8;
	[tilespmem:$0x1EC00] =	vst v63  }
0x9c: {  	_ =	swait.ge [sflag:s7], $0x4000  }
0x9d: {  	[sflag:s7] =	ssyncset.done $0x0  }
0x9e: {  	[sflag:s7] =	ssyncadd.s32 $0xFFFFC000  }
0x9f: {  	[tilespmem:s23], [sflag:$0x1] =	stream.indirect.gather [hbm4b:s4+s22], $0x80, s18, s22, $0xb8;
	[tilespmem:$0x1EC00] =	vst v63  }
0xa0: {  	_ =	swait.ge [sflag:s29], $0x4000  }
0xa1: {  	[sflag:s29] =	ssyncset.done $0x0  }
0xa2: {  	s28 =	simm.s32 $0x14180;
	[sflag:s29] =	ssyncadd.s32 $0xFFFFC000  }
0xa3: {  	[spmem:s2] =	stream.indirect.scatter.add.f32 [tilespmem:s25], [sflag:$0x4], $0x80, s28, s22, $0xb8;
	[tilespmem:$0x1EC00] =	vst v63  }
0xa4: {  	_ =	swait.ge [sflag:s31], $0x4000  }
0xa5: {  	[sflag:s31] =	ssyncset.done $0x0  }
0xa6: {  	[sflag:s31] =	ssyncadd.s32 $0xFFFFC000  }
0xa7: {  	[tilespmem:s25], [sflag:$0x2] =	stream.indirect.gather [hbm4b:s4+s22], $0x80, s13, s22, $0xb8;
	[tilespmem:$0x1EC00] =	vst v63  }
0xa8: {  	_ =	swait.ge [sflag:s26], $0x4000  }
0xa9: {  	[sflag:s26] =	ssyncset.done $0x0  }
0xaa: {  	s6 =	simm.s32 $0x14200;
	[sflag:s26] =	ssyncadd.s32 $0xFFFFC000  }
0xab: {  	[spmem:s2] =	stream.indirect.scatter.add.f32 [tilespmem:s23], [sflag:$0x3], $0x80, s6, s22, $0xb8;
	[tilespmem:$0x1EC00] =	vst v63  }
0xac: {  	_ =	swait.ge [sflag:s7], $0x4000  }
0xad: {  	[sflag:s7] =	ssyncset.done $0x0  }
0xae: {  	[sflag:s7] =	ssyncadd.s32 $0xFFFFC000  }
0xaf: {  	[tilespmem:s23], [sflag:$0x1] =	stream.indirect.gather [hbm4b:s4+s22], $0x80, s14, s22, $0xb8;
	[tilespmem:$0x1EC00] =	vst v63  }
0xb0: {  	_ =	swait.ge [sflag:s29], $0x4000  }
0xb1: {  	[sflag:s29] =	ssyncset.done $0x0  }
0xb2: {  	s19 =	simm.s32 $0x14280;
	[sflag:s29] =	ssyncadd.s32 $0xFFFFC000  }
0xb3: {  	[spmem:s2] =	stream.indirect.scatter.add.f32 [tilespmem:s25], [sflag:$0x4], $0x80, s19, s22, $0xb8;
	[tilespmem:$0x1EC00] =	vst v63  }
0xb4: {  	_ =	swait.ge [sflag:s31], $0x4000  }
0xb5: {  	[sflag:s31] =	ssyncset.done $0x0  }
0xb6: {  	[sflag:s31] =	ssyncadd.s32 $0xFFFFC000  }
0xb7: {  	[tilespmem:s25], [sflag:$0x2] =	stream.indirect.gather [hbm4b:s4+s22], $0x80, s15, s22, $0xb8;
	[tilespmem:$0x1EC00] =	vst v63  }
0xb8: {  	_ =	swait.ge [sflag:s26], $0x4000  }
0xb9: {  	[sflag:s26] =	ssyncset.done $0x0  }
0xba: {  	s21 =	simm.s32 $0x14300;
	[sflag:s26] =	ssyncadd.s32 $0xFFFFC000  }
0xbb: {  	[spmem:s2] =	stream.indirect.scatter.add.f32 [tilespmem:s23], [sflag:$0x3], $0x80, s21, s22, $0xb8;
	[tilespmem:$0x1EC00] =	vst v63  }
0xbc: {  	_ =	swait.ge [sflag:s7], $0x4000  }
0xbd: {  	[sflag:s7] =	ssyncset.done $0x0  }
0xbe: {  	[sflag:s7] =	ssyncadd.s32 $0xFFFFC000  }
0xbf: {  	_ =	swait.ge [sflag:s17], $0x400  }
0xc0: {  	[sflag:s17] =	ssyncset.done $0x0  }
0xc1: {  	[sflag:s17] =	ssyncadd.s32 $0xFFFFFC00  }
0xc2: {  	[tilespmem:s23], [sflag:$0x1] =	stream.indirect.gather [hbm4b:s4+s22], $0x80, s16, s22, $0xb8;
	[tilespmem:$0x1EC00] =	vst v63  }
0xc3: {  	_ =	swait.ge [sflag:s29], $0x4000  }
0xc4: {  	s1 =	simm.s32 $0x0;
	[sflag:s29] =	ssyncset.done $0x0;
	s24 =	rddreg [dreg:$0xa]  }
0xc5: {  	s28 =	simm.s32 $0x14380;
	s21 =	rddreg [dreg:$0xe];
	[sflag:s29] =	ssyncadd.s32 $0xFFFFC000  }
0xc6: {  	[tilespmem:s20], [sflag:$0x6] =	stream.linear.gather [hbm4b:s24+s3], $0x400, $0x38;
	[tilespmem:$0x1EC00] =	vst v63  }
0xc7: {  	s19 =	simm.s32 $0x3;
	s16 =	simm.s32 $0x0;
	s17 =	rddreg [dreg:$0xd]  }
0xc8: {  	[spmem:s2] =	stream.indirect.scatter.add.f32 [tilespmem:s25], [sflag:$0x4], $0x80, s28, s22, $0xb8;
	[tilespmem:$0x1EC00] =	vst v63  }
.LBB2_2:
0xc9: {  	_ =	swait.ge [sflag:s31], $0x4000  }
0xca: {  	[sflag:s31] =	ssyncset.done $0x0  }
0xcb: {  	s3 =	simm.s32 $0x16480;
	[sflag:s31] =	ssyncadd.s32 $0xFFFFC000  }
0xcc: {  	[tilespmem:s25], [sflag:$0x2] =	stream.indirect.gather [hbm4b:s4+s22], $0x80, s3, s22, $0xb8;
	[tilespmem:$0x1EC00] =	vst v63  }
0xcd: {  	_ =	swait.ge [sflag:s26], $0x4000  }
0xce: {  	s6 =	sshra.s32 s16, $0x2;
	[sflag:s26] =	ssyncset.done $0x0  }
0xcf: {  	s28 =	sadd.s32 $0x14400, s6;
	[sflag:s26] =	ssyncadd.s32 $0xFFFFC000  }
0xd0: {  	[spmem:s2] =	stream.indirect.scatter.add.f32 [tilespmem:s23], [sflag:$0x3], $0x80, s28, s22, $0xb8;
	[tilespmem:$0x1EC00] =	vst v63  }
0xd1: {  	_ =	swait.ge [sflag:s7], $0x4000  }
0xd2: {  	[sflag:s7] =	ssyncset.done $0x0  }
0xd3: {  	s24 =	simm.s32 $0x16500;
	[sflag:s7] =	ssyncadd.s32 $0xFFFFC000  }
0xd4: {  	[tilespmem:s23], [sflag:$0x1] =	stream.indirect.gather [hbm4b:s4+s22], $0x80, s24, s22, $0xb8;
	[tilespmem:$0x1EC00] =	vst v63  }
0xd5: {  	_ =	swait.ge [sflag:s29], $0x4000  }
0xd6: {  	[sflag:s29] =	ssyncset.done $0x0  }
0xd7: {  	s28 =	sadd.s32 $0x14480, s6;
	[sflag:s29] =	ssyncadd.s32 $0xFFFFC000  }
0xd8: {  	[spmem:s2] =	stream.indirect.scatter.add.f32 [tilespmem:s25], [sflag:$0x4], $0x80, s28, s22, $0xb8;
	[tilespmem:$0x1EC00] =	vst v63  }
0xd9: {  	_ =	swait.ge [sflag:s31], $0x4000  }
0xda: {  	[sflag:s31] =	ssyncset.done $0x0  }
0xdb: {  	s24 =	simm.s32 $0x16580;
	[sflag:s31] =	ssyncadd.s32 $0xFFFFC000  }
0xdc: {  	[tilespmem:s25], [sflag:$0x2] =	stream.indirect.gather [hbm4b:s4+s22], $0x80, s24, s22, $0xb8;
	[tilespmem:$0x1EC00] =	vst v63  }
0xdd: {  	_ =	swait.ge [sflag:s26], $0x4000  }
0xde: {  	[sflag:s26] =	ssyncset.done $0x0  }
0xdf: {  	s28 =	sadd.s32 $0x14500, s6;
	[sflag:s26] =	ssyncadd.s32 $0xFFFFC000  }
0xe0: {  	[spmem:s2] =	stream.indirect.scatter.add.f32 [tilespmem:s23], [sflag:$0x3], $0x80, s28, s22, $0xb8;
	[tilespmem:$0x1EC00] =	vst v63  }
0xe1: {  	_ =	swait.ge [sflag:s7], $0x4000  }
0xe2: {  	[sflag:s7] =	ssyncset.done $0x0  }
0xe3: {  	[sflag:s7] =	ssyncadd.s32 $0xFFFFC000  }
0xe4: {  	[tilespmem:s23], [sflag:$0x1] =	stream.indirect.gather [hbm4b:s4+s22], $0x80, s30, s22, $0xb8;
	[tilespmem:$0x1EC00] =	vst v63  }
0xe5: {  	_ =	swait.ge [sflag:s29], $0x4000  }
0xe6: {  	[sflag:s29] =	ssyncset.done $0x0  }
0xe7: {  	s24 =	sadd.s32 $0x14580, s6;
	[sflag:s29] =	ssyncadd.s32 $0xFFFFC000  }
0xe8: {  	[spmem:s2] =	stream.indirect.scatter.add.f32 [tilespmem:s25], [sflag:$0x4], $0x80, s24, s22, $0xb8;
	[tilespmem:$0x1EC00] =	vst v63  }
0xe9: {  	_ =	swait.ge [sflag:s31], $0x4000  }
0xea: {  	[sflag:s31] =	ssyncset.done $0x0  }
0xeb: {  	[sflag:s31] =	ssyncadd.s32 $0xFFFFC000  }
0xec: {  	[tilespmem:s25], [sflag:$0x2] =	stream.indirect.gather [hbm4b:s4+s22], $0x80, s0, s22, $0xb8;
	[tilespmem:$0x1EC00] =	vst v63  }
0xed: {  	_ =	swait.ge [sflag:s26], $0x4000  }
0xee: {  	[sflag:s26] =	ssyncset.done $0x0  }
0xef: {  	s28 =	sadd.s32 $0x14600, s6;
	[sflag:s26] =	ssyncadd.s32 $0xFFFFC000  }
0xf0: {  	[spmem:s2] =	stream.indirect.scatter.add.f32 [tilespmem:s23], [sflag:$0x3], $0x80, s28, s22, $0xb8;
	[tilespmem:$0x1EC00] =	vst v63  }
0xf1: {  	_ =	swait.ge [sflag:s7], $0x4000  }
0xf2: {  	[sflag:s7] =	ssyncset.done $0x0  }
0xf3: {  	[sflag:s7] =	ssyncadd.s32 $0xFFFFC000  }
0xf4: {  	[tilespmem:s23], [sflag:$0x1] =	stream.indirect.gather [hbm4b:s4+s22], $0x80, s5, s22, $0xb8;
	[tilespmem:$0x1EC00] =	vst v63  }
0xf5: {  	_ =	swait.ge [sflag:s29], $0x4000  }
0xf6: {  	[sflag:s29] =	ssyncset.done $0x0  }
0xf7: {  	s24 =	sadd.s32 $0x14680, s6;
	[sflag:s29] =	ssyncadd.s32 $0xFFFFC000  }
0xf8: {  	[spmem:s2] =	stream.indirect.scatter.add.f32 [tilespmem:s25], [sflag:$0x4], $0x80, s24, s22, $0xb8;
	[tilespmem:$0x1EC00] =	vst v63  }
0xf9: {  	_ =	swait.ge [sflag:s31], $0x4000  }
0xfa: {  	[sflag:s31] =	ssyncset.done $0x0  }
0xfb: {  	[sflag:s31] =	ssyncadd.s32 $0xFFFFC000  }
0xfc: {  	[tilespmem:s25], [sflag:$0x2] =	stream.indirect.gather [hbm4b:s4+s22], $0x80, s8, s22, $0xb8;
	[tilespmem:$0x1EC00] =	vst v63  }
0xfd: {  	_ =	swait.ge [sflag:s26], $0x4000  }
0xfe: {  	[sflag:s26] =	ssyncset.done $0x0  }
0xff: {  	s28 =	sadd.s32 $0x14700, s6;
	[sflag:s26] =	ssyncadd.s32 $0xFFFFC000  }
0x100: {  	[spmem:s2] =	stream.indirect.scatter.add.f32 [tilespmem:s23], [sflag:$0x3], $0x80, s28, s22, $0xb8;
	[tilespmem:$0x1EC00] =	vst v63  }
0x101: {  	_ =	swait.ge [sflag:s7], $0x4000  }
0x102: {  	[sflag:s7] =	ssyncset.done $0x0  }
0x103: {  	[sflag:s7] =	ssyncadd.s32 $0xFFFFC000  }
0x104: {  	_ =	swait.ge [sflag:s9], $0x400  }
0x105: {  	[sflag:s9] =	ssyncset.done $0x0  }
0x106: {  	[sflag:s9] =	ssyncadd.s32 $0xFFFFFC00  }
0x107: {  	[tilespmem:s23], [sflag:$0x1] =	stream.indirect.gather [hbm4b:s4+s22], $0x80, s20, s22, $0xb8;
	[tilespmem:$0x1EC00] =	vst v63  }
0x108: {  	_ =	swait.ge [sflag:s29], $0x4000  }
0x109: {  	p0 =	seq.s32 s16, $0x6000;
	[sflag:s29] =	ssyncset.done $0x0  }
0x10a: {  	s3 =	simm.s32 @!p0 $0x0;
	s24 =	simm.s32 @!p0 $0x16400;
	[sflag:s29] =	ssyncadd.s32 $0xFFFFC000  }
0x10b: {  	[tilespmem:s24], [sflag:$0x5] =	stream.linear.gather @!p0 [hbm4b:s21+s3], $0x400, $0x38;
	[tilespmem:$0x1EC00] =	vst v63  }
0x10c: {  	s24 =	sadd.s32 $0x14780, s6  }
0x10d: {  	[spmem:s2] =	stream.indirect.scatter.add.f32 [tilespmem:s25], [sflag:$0x4], $0x80, s24, s22, $0xb8;
	[tilespmem:$0x1EC00] =	vst v63  }
0x10e: {  	_ =	swait.ge [sflag:s31], $0x4000  }
0x10f: {  	[sflag:s31] =	ssyncset.done $0x0  }
0x110: {  	[sflag:s31] =	ssyncadd.s32 $0xFFFFC000  }
0x111: {  	[tilespmem:s25], [sflag:$0x2] =	stream.indirect.gather [hbm4b:s4+s22], $0x80, s10, s22, $0xb8;
	[tilespmem:$0x1EC00] =	vst v63  }
0x112: {  	_ =	swait.ge [sflag:s26], $0x4000  }
0x113: {  	[sflag:s26] =	ssyncset.done $0x0  }
0x114: {  	s28 =	sadd.s32 $0x14800, s6;
	[sflag:s26] =	ssyncadd.s32 $0xFFFFC000  }
0x115: {  	[spmem:s2] =	stream.indirect.scatter.add.f32 [tilespmem:s23], [sflag:$0x3], $0x80, s28, s22, $0xb8;
	[tilespmem:$0x1EC00] =	vst v63  }
0x116: {  	_ =	swait.ge [sflag:s7], $0x4000  }
0x117: {  	[sflag:s7] =	ssyncset.done $0x0  }
0x118: {  	[sflag:s7] =	ssyncadd.s32 $0xFFFFC000  }
0x119: {  	[tilespmem:s23], [sflag:$0x1] =	stream.indirect.gather [hbm4b:s4+s22], $0x80, s11, s22, $0xb8;
	[tilespmem:$0x1EC00] =	vst v63  }
0x11a: {  	_ =	swait.ge [sflag:s29], $0x4000  }
0x11b: {  	[sflag:s29] =	ssyncset.done $0x0  }
0x11c: {  	s24 =	sadd.s32 $0x14880, s6;
	[sflag:s29] =	ssyncadd.s32 $0xFFFFC000  }
0x11d: {  	[spmem:s2] =	stream.indirect.scatter.add.f32 [tilespmem:s25], [sflag:$0x4], $0x80, s24, s22, $0xb8;
	[tilespmem:$0x1EC00] =	vst v63  }
0x11e: {  	_ =	swait.ge [sflag:s31], $0x4000  }
0x11f: {  	[sflag:s31] =	ssyncset.done $0x0  }
0x120: {  	[sflag:s31] =	ssyncadd.s32 $0xFFFFC000  }
0x121: {  	[tilespmem:s25], [sflag:$0x2] =	stream.indirect.gather [hbm4b:s4+s22], $0x80, s12, s22, $0xb8;
	[tilespmem:$0x1EC00] =	vst v63  }
0x122: {  	_ =	swait.ge [sflag:s26], $0x4000  }
0x123: {  	[sflag:s26] =	ssyncset.done $0x0  }
0x124: {  	s28 =	sadd.s32 $0x14900, s6;
	[sflag:s26] =	ssyncadd.s32 $0xFFFFC000  }
0x125: {  	[spmem:s2] =	stream.indirect.scatter.add.f32 [tilespmem:s23], [sflag:$0x3], $0x80, s28, s22, $0xb8;
	[tilespmem:$0x1EC00] =	vst v63  }
0x126: {  	_ =	swait.ge [sflag:s7], $0x4000  }
0x127: {  	[sflag:s7] =	ssyncset.done $0x0  }
0x128: {  	[sflag:s7] =	ssyncadd.s32 $0xFFFFC000  }
0x129: {  	[tilespmem:s23], [sflag:$0x1] =	stream.indirect.gather [hbm4b:s4+s22], $0x80, s18, s22, $0xb8;
	[tilespmem:$0x1EC00] =	vst v63  }
0x12a: {  	_ =	swait.ge [sflag:s29], $0x4000  }
0x12b: {  	[sflag:s29] =	ssyncset.done $0x0  }
0x12c: {  	s24 =	sadd.s32 $0x14980, s6;
	[sflag:s29] =	ssyncadd.s32 $0xFFFFC000  }
0x12d: {  	[spmem:s2] =	stream.indirect.scatter.add.f32 [tilespmem:s25], [sflag:$0x4], $0x80, s24, s22, $0xb8;
	[tilespmem:$0x1EC00] =	vst v63  }
0x12e: {  	_ =	swait.ge [sflag:s31], $0x4000  }
0x12f: {  	[sflag:s31] =	ssyncset.done $0x0  }
0x130: {  	[sflag:s31] =	ssyncadd.s32 $0xFFFFC000  }
0x131: {  	[tilespmem:s25], [sflag:$0x2] =	stream.indirect.gather [hbm4b:s4+s22], $0x80, s13, s22, $0xb8;
	[tilespmem:$0x1EC00] =	vst v63  }
0x132: {  	_ =	swait.ge [sflag:s26], $0x4000  }
0x133: {  	[sflag:s26] =	ssyncset.done $0x0  }
0x134: {  	s28 =	sadd.s32 $0x14A00, s6;
	[sflag:s26] =	ssyncadd.s32 $0xFFFFC000  }
0x135: {  	[spmem:s2] =	stream.indirect.scatter.add.f32 [tilespmem:s23], [sflag:$0x3], $0x80, s28, s22, $0xb8;
	[tilespmem:$0x1EC00] =	vst v63  }
0x136: {  	_ =	swait.ge [sflag:s7], $0x4000  }
0x137: {  	[sflag:s7] =	ssyncset.done $0x0  }
0x138: {  	[sflag:s7] =	ssyncadd.s32 $0xFFFFC000  }
0x139: {  	[tilespmem:s23], [sflag:$0x1] =	stream.indirect.gather [hbm4b:s4+s22], $0x80, s14, s22, $0xb8;
	[tilespmem:$0x1EC00] =	vst v63  }
0x13a: {  	_ =	swait.ge [sflag:s29], $0x4000  }
0x13b: {  	[sflag:s29] =	ssyncset.done $0x0  }
0x13c: {  	s24 =	sadd.s32 $0x14A80, s6;
	[sflag:s29] =	ssyncadd.s32 $0xFFFFC000  }
0x13d: {  	[spmem:s2] =	stream.indirect.scatter.add.f32 [tilespmem:s25], [sflag:$0x4], $0x80, s24, s22, $0xb8;
	[tilespmem:$0x1EC00] =	vst v63  }
0x13e: {  	_ =	swait.ge [sflag:s31], $0x4000  }
0x13f: {  	[sflag:s31] =	ssyncset.done $0x0  }
0x140: {  	[sflag:s31] =	ssyncadd.s32 $0xFFFFC000  }
0x141: {  	[tilespmem:s25], [sflag:$0x2] =	stream.indirect.gather [hbm4b:s4+s22], $0x80, s15, s22, $0xb8;
	[tilespmem:$0x1EC00] =	vst v63  }
0x142: {  	_ =	swait.ge [sflag:s26], $0x4000  }
0x143: {  	[sflag:s26] =	ssyncset.done $0x0  }
0x144: {  	s28 =	sadd.s32 $0x14B00, s6;
	[sflag:s26] =	ssyncadd.s32 $0xFFFFC000  }
0x145: {  	[spmem:s2] =	stream.indirect.scatter.add.f32 [tilespmem:s23], [sflag:$0x3], $0x80, s28, s22, $0xb8;
	[tilespmem:$0x1EC00] =	vst v63  }
0x146: {  	_ =	swait.ge [sflag:s7], $0x4000  }
0x147: {  	[sflag:s7] =	ssyncset.done $0x0  }
0x148: {  	s3 =	simm.s32 @!p0 $0x5;
	[sflag:s7] =	ssyncadd.s32 $0xFFFFC000  }
0x149: {  	p1 =	sgt.u32 s19, $0x8;
	_ =	swait.ge @!p0 [sflag:s3], $0x400  }
0x14a: {  	s24 =	simm.s32 @!p1 $0x16400;
	s28 =	simm.s32 @!p1 $0x16C00;
	[sflag:s3] =	ssyncset.done @!p0 $0x0  }
.Ltmp2:
0x14b: {  	[sflag:s3] =	ssyncadd.s32 @!p0 $0xFFFFFC00;
	s3 =	simm.s32 @!p1 $0x80;
	(pc) =	sbr.rel @p0 .LBB2_4-.Ltmp2, $4  }
0x14c: {  	[tilespmem:s28], [sflag:$0x1] =	stream.indirect.gather @!p1 [hbm4b:s4+s3], $0x80, s24, s3, $0xb8;
	[tilespmem:$0x1EC00] =	vst v63  }
0x14d: {  	_ =	swait.ge [sflag:s29], $0x4000  }
0x14e: {  	[sflag:s29] =	ssyncset.done $0x0  }
0x14f: {  	s6 =	sadd.s32 $0x14B80, s6;
	[sflag:s29] =	ssyncadd.s32 $0xFFFFC000  }
.Ltmp3:
0x150: {  	(pc) =	sbr.rel .LBB2_2-.Ltmp3, $4  }
0x151: {  	[tilespmem:s20], [sflag:$0x6] =	stream.linear.gather [hbm4b:s17+s1], $0x400, $0x38;
	[tilespmem:$0x1EC00] =	vst v63  }
0x152: {  	s17 =	sadd.s32 $0x100, s17  }
0x153: {  	s21 =	sadd.s32 $0x100, s21;
	s16 =	sadd.s32 $0x2000, s16;
	s19 =	sadd.s32 $0x2, s19  }
0x154: {  	[spmem:s2] =	stream.indirect.scatter.add.f32 [tilespmem:s25], [sflag:$0x4], $0x80, s6, s22, $0xb8;
	[tilespmem:$0x1EC00] =	vst v63  }
.LBB2_5:
0x155: {  	_ =	sfence.sel $0x180000  }
0x156: {  	[bflag:$0x0] =	sbarrier.arrive $0xFFFF  }
0x157: {  	_ =	strace $0x9000004D  }
0x158: {  	s0 =	stileid.u32;
	[bflag:$0x2] =	sbarrier.arrive $0xFFFF  }
0x159: {  	p0 =	sne.s32 s0, $0x0;
	s0 =	rddreg [dreg:$0x3]  }
0x15a: {  	s0 =	sadd.s32 @!p0 $0x100000, s0  }
0x15b: {  	[sflag:s0] =	ssyncadd.tile.s32 @!p0 $0x1;
	_ =	shalt  }
.Lfunc_end2:
_tile_overlayer_lowered:
.L_overlay_start_2:
0x15c: {  	(tag) =	ssettag $0x2  }
0x15d: {  	s0 =	rddreg [dreg:$0x0];
	s2 =	stileid.u32  }
0x15e: {  	s1 =	rddreg [dreg:$0x1];
	p0 =	sne.s32 s2, $0x0  }
0x15f: {  	s3 =	rddreg [dreg:$0x2];
	[bflag:$0x3] =	sbarrier.arrive $0xFFFF;
	s2 =	simm.s32 @!p0 $0x1C07  }
0x160: {  	[timem:s3], [sflag:s2] =	dma.local @!p0 [hbm:s0], s1  }
0x161: {  	s0 =	simm.s32 @!p0 $0x7  }
0x162: {  	_ =	swait.ge @!p0 [sflag:s0], s1  }
0x163: {  	s1 =	ssub.s32 @!p0 $0x0, s1;
	[sflag:s0] =	ssyncset.done @!p0 $0x0  }
0x164: {  	[sflag:s0] =	ssyncadd.s32 @!p0 s1  }
0x165: {  	[bflag:$0x3] =	sbarrier.arrive $0xFFFF  }
0x166: {  	_ =	shalt  }

// kernel: kernel.8.cloned.1.call-start
scs
__scs_entry_jumppad:
0x0: {  	(pc) =	sbr.rel $0x88, $3  }
0x1: {  	(tag) =	ssettag $0x0;
	lr =	simm.s32 $0x1  }
0x2: {  	[smem:$0x3F9B] =	sst lr;
	_ =	strace $0xD0000000  }
0x3: {  	_ = 	snop  }
0x4: {  	_ = 	snop  }
0x5: {  	_ = 	snop  }
0x6: {  	_ = 	snop  }
0x7: {  	_ = 	snop  }
__scs_overlays_trampoline_lowered:
0x8: {  	[smem:$0x3FAA] =	sst s0  }
0x9: {  	[smem:$0x3FAB] =	sst s1  }
0xa: {  	[smem:$0x3FAC] =	sst s2  }
0xb: {  	[smem:$0x3FAD] =	sst s3  }
0xc: {  	[smem:$0x3FAE] =	sst s4  }
0xd: {  	[smem:$0x3FAF] =	sst s5  }
0xe: {  	[smem:$0x3FB0] =	sst s6  }
0xf: {  	[smem:$0x3FB1] =	sst s7  }
0x10: {  	[smem:$0x3FB2] =	sst s8  }
0x11: {  	[smem:$0x3FB3] =	sst s9;
	s0 =	simm.s32 @!p0 $0x0  }
0x12: {  	s1 =	sld [smem:$0x3F99];
	s0 =	simm.s32 @p0 $0x1  }
0x13: {  	[smem:$0x3FB4] =	sst s0;
	s0 =	simm.s32 @!p1 $0x0  }
0x14: {  	s2 =	sld [smem:$0x3F98];
	s0 =	simm.s32 @p1 $0x1  }
0x15: {  	[smem:$0x3FB5] =	sst s0;
	s0 =	simm.s32 @!p2 $0x0  }
0x16: {  	s3 =	sld [smem:$0x3FDB];
	s0 =	simm.s32 @p2 $0x1  }
0x17: {  	s4 =	simm.s32 $0x1BF5;
	[smem:$0x3FB7] =	sst s0  }
0x18: {  	s0 =	sld [smem:$0x3F9A];
	_ =	swait.ge [sflag:s4], $0x0  }
0x19: {  	s7 =	sld [smem:$0x3F9B]  }
0x1a: {  	s8 =	sadd.s32 $0xFFFFE003, lr  }
0x1b: {  	s9 =	sadd.s32 $0xFFFFFEF7, lr;
	s5 =	simm.s32 $0xFFFFFFFF;
	p2 =	slt.u32 s8, $0xFFFFF086  }
0x1c: {  	p1 =	slt.u32 s9, $0xF7A;
	s5 =	simm.s32 @!p2 $0x0  }
0x1d: {  	s5 =	simm.s32 @p1 $0x1;
	p0 =	seq.s32 s7, s2  }
0x1e: {  	s7 =	smul.u32 @!p0 $0xF7A, s2;
	p2 =	seq.s32 @!p0 s5, $0x0  }
0x1f: {  	s9 =	smul.u32 $0xF7A, s1;
	s8 =	simm.s32 @!p0 $0x1BF5;
	p2 =	por !p2, p0  }
0x20: {  	[sflag:s8] =	ssyncset.s32 @!p0 $0xFFFFF086;
	s6 =	sadd.s32 @!p0 s3, s7;
	s7 =	simm.s32 @!p0 $0x108  }
0x21: {  	s3 =	sadd.s32 s3, s9;
	s6 =	sadd.s32 @!p0 $0x88, s6;
	s7 =	simm.s32 @p2 $0x1082  }
0x22: {  	[simem:s7], [sflag:s8] =	dma.local @!p0 [hbm:s6], $0xF7A  }
0x23: {  	s9 =	sor.u32 $0xD0000000, s2;
	s6 =	simm.s32 $0x108;
	_ =	swait.ge @!p0 [sflag:s8], $0x0  }
0x24: {  	s3 =	sadd.s32 $0x88, s3;
	s6 =	simm.s32 @!p1 $0x1082;
	[sflag:s4] =	ssyncset.s32 $0xFFFFF086  }
0x25: {  	[simem:s6], [sflag:s4] =	dma.local [hbm:s3], $0xF7A  }
0x26: {  	[smem:$0x3F9B] =	sst s1;
	(tag) =	ssettag s2;
	_ =	strace s9  }
0x27: {  	s1 =	sld [smem:$0x3FAB]  }
0x28: {  	s2 =	sld [smem:$0x3FAC]  }
0x29: {  	s4 =	sld [smem:$0x3FAE]  }
0x2a: {  	p0 =	seq.s32 s5, $0x0;
	s5 =	sld [smem:$0x3FAF]  }
0x2b: {  	s6 =	sld [smem:$0x3FB0]  }
0x2c: {  	s7 =	sld [smem:$0x3FB1]  }
0x2d: {  	s3 =	simm.s32 $0x108;
	s8 =	sld [smem:$0x3FB2]  }
0x2e: {  	s3 =	simm.s32 @!p0 $0x1082;
	s9 =	sld [smem:$0x3FB3]  }
0x2f: {  	lr =	sadd.s32 s0, s3;
	s0 =	sld [smem:$0x3FAA]  }
0x30: {  	s3 =	sld [smem:$0x3FAD]  }
0x31: {  	[smem:$0x3FB6] =	sst s10  }
0x32: {  	s10 =	sld [smem:$0x3FB4];
	_ =	sdelay $0x3  }
0x33: {  	p0 =	seq.s32 s10, $0x1;
	s10 =	sld [smem:$0x3FB6];
	_ =	sdelay $0x3  }
0x34: {  	[smem:$0x3FB6] =	sst s10  }
0x35: {  	s10 =	sld [smem:$0x3FB5];
	_ =	sdelay $0x3  }
0x36: {  	p1 =	seq.s32 s10, $0x1;
	s10 =	sld [smem:$0x3FB6];
	_ =	sdelay $0x3  }
0x37: {  	[smem:$0x3FB6] =	sst s10  }
0x38: {  	s10 =	sld [smem:$0x3FB7]  }
0x39: {  	_ = 	snop;
	(pc) =	sbr.ind lr, $3  }
0x3a: {  	_ = 	snop  }
0x3b: {  	_ = 	snop  }
0x3c: {  	p2 =	seq.s32 s10, $0x1;
	s10 =	sld [smem:$0x3FB6]  }
0x3d: {  	_ =	shalt  }
0x3e: {  	_ =	shalt  }
0x3f: {  	_ =	shalt  }
0x40: {  	_ =	shalt  }
0x41: {  	_ =	shalt  }
0x42: {  	_ =	shalt  }
0x43: {  	_ =	shalt  }
0x44: {  	_ =	shalt  }
0x45: {  	_ =	shalt  }
0x46: {  	_ =	shalt  }
0x47: {  	_ =	shalt  }
0x48: {  	_ =	shalt  }
0x49: {  	_ =	shalt  }
0x4a: {  	_ =	shalt  }
0x4b: {  	_ =	shalt  }
0x4c: {  	_ =	shalt  }
0x4d: {  	_ =	shalt  }
0x4e: {  	_ =	shalt  }
0x4f: {  	_ =	shalt  }
0x50: {  	_ =	shalt  }
0x51: {  	_ =	shalt  }
0x52: {  	_ =	shalt  }
0x53: {  	_ =	shalt  }
0x54: {  	_ =	shalt  }
0x55: {  	_ =	shalt  }
0x56: {  	_ =	shalt  }
0x57: {  	_ =	shalt  }
0x58: {  	_ =	shalt  }
0x59: {  	_ =	shalt  }
0x5a: {  	_ =	shalt  }
0x5b: {  	_ =	shalt  }
0x5c: {  	_ =	shalt  }
0x5d: {  	_ =	shalt  }
0x5e: {  	_ =	shalt  }
0x5f: {  	_ =	shalt  }
0x60: {  	_ =	shalt  }
0x61: {  	_ =	shalt  }
0x62: {  	_ =	shalt  }
0x63: {  	_ =	shalt  }
0x64: {  	_ =	shalt  }
0x65: {  	_ =	shalt  }
0x66: {  	_ =	shalt  }
0x67: {  	_ =	shalt  }
0x68: {  	_ =	shalt  }
0x69: {  	_ =	shalt  }
0x6a: {  	_ =	shalt  }
0x6b: {  	_ =	shalt  }
0x6c: {  	_ =	shalt  }
0x6d: {  	_ =	shalt  }
0x6e: {  	_ =	shalt  }
0x6f: {  	_ =	shalt  }
0x70: {  	_ =	shalt  }
0x71: {  	_ =	shalt  }
0x72: {  	_ =	shalt  }
0x73: {  	_ =	shalt  }
0x74: {  	_ =	shalt  }
0x75: {  	_ =	shalt  }
0x76: {  	_ =	shalt  }
0x77: {  	_ =	shalt  }
0x78: {  	_ =	shalt  }
0x79: {  	_ =	shalt  }
0x7a: {  	_ =	shalt  }
0x7b: {  	_ =	shalt  }
0x7c: {  	_ =	shalt  }
0x7d: {  	_ =	shalt  }
0x7e: {  	_ =	shalt  }
0x7f: {  	_ =	shalt  }
0x80: {  	_ =	shalt  }
0x81: {  	_ =	shalt  }
0x82: {  	_ =	shalt  }
0x83: {  	_ =	shalt  }
0x84: {  	_ =	shalt  }
0x85: {  	_ =	shalt  }
0x86: {  	_ =	shalt  }
0x87: {  	_ =	shalt  }
.Lfunc_end0:
.L_simem_size_0:
called_computation_lowered:
.L_overlay_start_0:
0x88: {  	s2 =	sld [smem:$0x3FD9]  }
0x89: {  	s3 =	sld [smem:$0x3FFE];
	_ =	sdelay $0x1  }
0x8a: {  	s1 =	srdreg.scid  }
0x8b: {  	s0 =	sand.u32 $0x1, s1  }
0x8c: {  	s17 =	sshll.u32 s0, $0xA;
	s2 =	sadd.s32 s3, s2  }
0x8d: {  	s2 =	sadd.s32 s2, s17  }
0x8e: {  	[smem:$0x3FC2] =	sst s2  }
0x8f: {  	_ = 	snop  }
0x90: {  	s2 =	sld [smem:$0x3FD0];
	(tm) =	ssettm $0x1  }
0x91: {  	s18 =	sld [smem:$0x3FFB];
	_ =	sdelay $0x3  }
0x92: {  	_ =	strace s18  }
0x93: {  	s3 =	sld [smem:$0x3FFC];
	_ =	sdelay $0x3  }
0x94: {  	_ =	strace s3  }
0x95: {  	s3 =	sld [smem:$0x3FFD];
	_ =	sdelay $0x3  }
0x96: {  	_ =	strace s3  }
0x97: {  	_ =	strace $0x8FFFFFFF  }
0x98: {  	s19 =	sld [smem:$0x3FDB];
	_ =	sdelay $0x1  }
0x99: {  	s4 =	simm.s32 $_scs_section_size  }
0x9a: {  	s5 =	simm.s32 $_size__tile_overlayer_lowered;
	s6 =	simm.s32 $_tile_overlayer_lowered  }
0x9b: {  	s22 =	simm.s32 $0x1BFF;
	s21 =	sshll.u32 s6, $0x1;
	s3 =	sadd.s32 s4, s19  }
0x9c: {  	s7 =	simm.s32 $0x0;
	s20 =	sshll.u32 s5, $0x1;
	s5 =	sadd.s32 s21, s3  }
0x9d: {  	[timem:s7], [sflag:s22] =	dma.local [hbm:s5], s20  }
0x9e: {  	_ =	swait.ge [sflag:s22], s20  }
0x9f: {  	s4 =	ssub.s32 $0x0, s20;
	[sflag:s22] =	ssyncset.done $0x0  }
0xa0: {  	[sflag:s22] =	ssyncadd.s32 s4;
	_ =	sdelay $0x1  }
0xa1: {  	s23 =	simm.s32 $0x1B8B  }
0xa2: {  	_ =	swait.ge [sflag:s23], $0x1  }
0xa3: {  	[sflag:s23] =	ssyncset.done $0x0  }
0xa4: {  	s25 =	simm.s32 $0x1B8E;
	s24 =	sld [smem:$0x3FFE];
	[sflag:s23] =	ssyncadd.s32 $0xFFFFFFFF  }
0xa5: {  	s26 =	simm.s32 $execute0_lowered;
	[smem:$0x3FD2] =	sst s25  }
0xa6: {  	s5 =	sshll.u32 s26, $0x1;
	_ =	strace $0x80000046;
	[dreg:$0x1] =	wrdreg $0xFFFFFFFF  }
0xa7: {  	s28 =	simm.s32 $_size_execute0_lowered;
	s3 =	sadd.s32 s3, s5;
	[dreg:$0x0] =	wrdreg $0x0  }
0xa8: {  	s5 =	sshll.u32 s28, $0x1;
	[dreg:$0x2] =	wrdreg s3  }
0xa9: {  	[dreg:$0x3] =	wrdreg s5  }
0xaa: {  	[dreg:$0x4] =	wrdreg $0xC0  }
0xab: {  	_ =	task [dreg:s7], $0x5FFFF  }
0xac: {  	[dreg:$0x1] =	wrdreg $0xFFFFFFFF  }
0xad: {  	[dreg:$0x0] =	wrdreg $0x60  }
0xae: {  	[dreg:$0x2] =	wrdreg s2  }
0xaf: {  	[dreg:$0x3] =	wrdreg s24  }
0xb0: {  	[dreg:$0x4] =	wrdreg $0x0  }
0xb1: {  	[dreg:$0x5] =	wrdreg $0x9  }
0xb2: {  	_ =	task.clear_ibuf [dreg:s7], $0x6FFFF;
	_ =	strace $0x90000046  }
0xb3: {  	s29 =	simm.s32 $0x9;
	_ =	strace $0x80000048  }
0xb4: {  	_ =	swait.ge [sflag:s29], $0x1  }
0xb5: {  	[sflag:s29] =	ssyncadd.s32 $0xFFFFFFFF  }
0xb6: {  	_ =	strace $0x90000048  }
0xb7: {  	_ =	sfence  }
0xb8: {  	s30 =	sld [smem:$0x0];
	_ =	sdelay $0x2  }
0xb9: {  	s31 =	sshll.u32 s1, $0xD;
	s1 =	sshrl.u32 s1, $0x2  }
0xba: {  	s3 =	sand.u32 $0x4000, s31;
	s1 =	sadd.s32 s1, s30  }
0xbb: {  	s0 =	sor.u32 s3, s0;
	s1 =	sshll.u32 s1, $0x11  }
0xbc: {  	s0 =	sor.u32 s1, s0  }
0xbd: {  	s0 =	sadd.s32 $0x8F2B, s0  }
0xbe: {  	[sflag:s0] =	ssyncadd.remote.s32 $0x1  }
0xbf: {  	_ =	sfence.sel $0xFFFF  }
0xc0: {  	[dreg:$0x0] =	wrdreg $0xFFFFFFFF;
	(pc) =	sbr.abs _section_cstart, $3  }
0xc1: {  	[dreg:$0x1] =	wrdreg $0xFFFFFFFF  }
0xc2: {  	_ =	task.clear_ibuf [dreg:s7], $0x2FFFF;
	_ =	strace $0x9FFFFFFF  }
0xc3: {  	(tm) =	ssettm $0x7FFFFFFF  }
tec
execute0_lowered:
.L_overlay_start_1:
0x0: {  	(tag) =	ssettag $0x1  }
0x1: {  	s6 =	rddreg [dreg:$0x0]  }
0x2: {  	s5 =	rddreg [dreg:$0x1]  }
0x3: {  	s2 =	rddreg [dreg:$0x2]  }
0x4: {  	s0 =	rddreg [dreg:$0x3]  }
0x5: {  	s1 =	stileid.u32;
	s4 =	srdreg.scid;
	s3 =	simm.s32 $0x0  }
0x6: {  	s13 =	simm.s32 $0x13C00;
	s14 =	simm.s32 $0x80;
	s15 =	simm.s32 $0x13C80  }
0x7: {  	s16 =	simm.s32 $0x13D00;
	s17 =	simm.s32 $0x13D80;
	s18 =	simm.s32 $0x1  }
0x8: {  	s19 =	simm.s32 $0x0;
	s7 =	smul.u32 $0x13C00, s1;
	s8 =	sand.u32 $0x1, s4  }
0x9: {  	[smem:$0x7FF] =	sst s3;
	s4 =	sadd.s32 $0x2000, s5;
	s26 =	smul.u32 $0x4F000, s1  }
0xa: {  	s31 =	sshll.u32 s1, $0x6;
	s9 =	smul.u32 $0x13C000, s8;
	_ =	strace $0x80000047  }
0xb: {  	s11 =	sshll.u32 s8, $0x4;
	s28 =	ssub.s32 $0x2, s8;
	s25 =	sshrl.u32 s7, $0x3  }
0xc: {  	s29 =	sor.u32 s1, s11;
	s30 =	sshrl.u32 s28, $0x1;
	s10 =	sadd.s32 s25, s5  }
0xd: {  	s7 =	sadd.s32 s7, s9;
	s9 =	sshrl.u32 s26, $0x2;
	s8 =	smul.u32 $0x500, s29  }
0xe: {  	s11 =	ssub.s32 s28, s30;
	s7 =	sshrl.u32 s7, $0x3;
	s12 =	sadd.s32 s9, s2  }
0xf: {  	s9 =	simm.s32 $0x16400;
	s7 =	sadd.s32 s7, s5;
	s5 =	sadd.s32 $0x2800, s10  }
0x10: {  	s6 =	sadd.s32 s6, s8;
	s8 =	smax.u32 s11, $0x1;
	s10 =	simm.s32 $0x2  }
0x11: {  	s11 =	sor.u32 $0x1C02, s31;
	s12 =	sshrl.u32 s12, $0x3;
	s7 =	sadd.s32 $0x2A000, s7  }
.LBB2_1:
0x12: {  	[tilespmem:s9], [sflag:$0x2] =	stream.linear.gather [hbm4b:s4+s3], $0x4000, $0x38;
	[tilespmem:$0x1A400] =	vst v63  }
0x13: {  	_ =	swait.ge [sflag:s10], $0x4000  }
0x14: {  	[sflag:s10] =	ssyncset.done $0x0  }
0x15: {  	[sflag:s10] =	ssyncadd.s32 $0xFFFFC000  }
0x16: {  	[spmem:s12], [sflag:s11] =	dma.local [hbm:s5], $0x2780  }
0x17: {  	_ =	swait.ge [sflag:s10], $0x2780  }
0x18: {  	[sflag:s10] =	ssyncset.done $0x0  }
0x19: {  	[sflag:s10] =	ssyncadd.s32 $0xFFFFD880  }
0x1a: {  	[tilespmem:s13], [sflag:$0x2] =	stream.linear.gather [hbm4b:s6+s3], $0x2800, $0x38;
	[tilespmem:$0x1A400] =	vst v63  }
0x1b: {  	_ =	swait.ge [sflag:s10], $0x2800  }
0x1c: {  	[sflag:s10] =	ssyncset.done $0x0  }
0x1d: {  	[sflag:s10] =	ssyncadd.s32 $0xFFFFD800  }
0x1e: {  	[bflag:$0x0] =	sbarrier.arrive $0xFFFF  }
0x1f: {  	[spmem:s2] =	stream.indirect.scatter.add.f32 [tilespmem:s9], [sflag:$0x1], $0x80, s13, s14, $0xb8;
	[tilespmem:$0x1A400] =	vst v63  }
0x20: {  	_ = 	snop  }
0x21: {  	[spmem:s2] =	stream.indirect.scatter.add.f32 [tilespmem:s9], [sflag:$0x1], $0x80, s15, s14, $0xb8;
	[tilespmem:$0x1A400] =	vst v63  }
0x22: {  	_ = 	snop  }
0x23: {  	[spmem:s2] =	stream.indirect.scatter.add.f32 [tilespmem:s9], [sflag:$0x1], $0x80, s16, s14, $0xb8;
	[tilespmem:$0x1A400] =	vst v63  }
0x24: {  	_ = 	snop  }
0x25: {  	[spmem:s2] =	stream.indirect.scatter.add.f32 [tilespmem:s9], [sflag:$0x1], $0x80, s17, s14, $0xb8;
	[tilespmem:$0x1A400] =	vst v63  }
0x26: {  	_ =	swait.ge [sflag:s18], $0x4000  }
0x27: {  	[sflag:s18] =	ssyncset.done $0x0  }
0x28: {  	s20 =	simm.s32 $0xA00;
	s21 =	simm.s32 $0x13E00;
	[sflag:s18] =	ssyncadd.s32 $0xFFFFC000  }
.LBB2_2:
0x29: {  	[spmem:s2] =	stream.indirect.scatter.add.f32 [tilespmem:s9], [sflag:$0x1], $0x80, s21, s14, $0xb8;
	[tilespmem:$0x1A400] =	vst v63  }
0x2a: {  	s21 =	smov.u32 s20;
	p0 =	sne.s32 s20, $0x9E00  }
.Ltmp0:
0x2b: {  	s20 =	sadd.s32 $0x200, s20;
	(pc) =	sbr.rel @p0 .LBB2_2-.Ltmp0, $4  }
0x2c: {  	_ = 	snop  }
0x2d: {  	_ =	swait.ge [sflag:s18], $0x4000  }
0x2e: {  	s21 =	sshra.s32 s21, $0x2;
	[sflag:s18] =	ssyncset.done $0x0  }
0x2f: {  	s21 =	sadd.s32 $0x13C00, s21;
	[sflag:s18] =	ssyncadd.s32 $0xFFFFC000  }
0x30: {  	[spmem:s2] =	stream.indirect.scatter.add.f32 [tilespmem:s9], [sflag:$0x1], $0x80, s21, s14, $0xb8;
	[tilespmem:$0x1A400] =	vst v63  }
0x31: {  	_ =	swait.ge [sflag:s18], $0x4000  }
0x32: {  	[sflag:s18] =	ssyncset.done $0x0  }
0x33: {  	[sflag:s18] =	ssyncadd.s32 $0xFFFFC000  }
0x34: {  	_ =	swait.ge [sflag:s18], $0x4000  }
0x35: {  	[sflag:s18] =	ssyncset.done $0x0  }
0x36: {  	[sflag:s18] =	ssyncadd.s32 $0xFFFFC000  }
0x37: {  	_ =	swait.ge [sflag:s18], $0x4000  }
0x38: {  	[sflag:s18] =	ssyncset.done $0x0  }
0x39: {  	[sflag:s18] =	ssyncadd.s32 $0xFFFFC000  }
0x3a: {  	_ =	swait.ge [sflag:s18], $0x4000  }
0x3b: {  	s19 =	sadd.s32 $0x1, s19;
	[sflag:s18] =	ssyncset.done $0x0  }
0x3c: {  	p0 =	sne.s32 s19, s8;
	[sflag:s18] =	ssyncadd.s32 $0xFFFFC000  }
.Ltmp1:
0x3d: {  	[bflag:$0x0] =	sbarrier.arrive $0xFFFF;
	(pc) =	sbr.rel @p0 .LBB2_1-.Ltmp1, $4  }
0x3e: {  	[hbm:s7], [sflag:s11] =	dma.local [spmem:s12], $0x2780  }
0x3f: {  	_ =	swait.ge [sflag:s10], $0x2780  }
0x40: {  	[sflag:s10] =	ssyncset.done $0x0  }
0x41: {  	[sflag:s10] =	ssyncadd.s32 $0xFFFFD880  }
0x42: {  	_ =	sfence.sel $0x180000  }
0x43: {  	[bflag:$0x0] =	sbarrier.arrive $0xFFFF  }
0x44: {  	p0 =	sne.s32 s1, $0x0;
	_ =	strace $0x90000047  }
0x45: {  	s0 =	sadd.s32 @!p0 $0x100000, s0;
	[bflag:$0x2] =	sbarrier.arrive $0xFFFF  }
0x46: {  	[sflag:s0] =	ssyncadd.tile.s32 @!p0 $0x1;
	_ =	shalt  }
.Lfunc_end2:
_tile_overlayer_lowered:
.L_overlay_start_2:
0x47: {  	(tag) =	ssettag $0x2  }
0x48: {  	s0 =	rddreg [dreg:$0x0];
	s2 =	stileid.u32  }
0x49: {  	s1 =	rddreg [dreg:$0x1];
	p0 =	sne.s32 s2, $0x0  }
0x4a: {  	s3 =	rddreg [dreg:$0x2];
	[bflag:$0x3] =	sbarrier.arrive $0xFFFF;
	s2 =	simm.s32 @!p0 $0x1C02  }
0x4b: {  	[timem:s3], [sflag:s2] =	dma.local @!p0 [hbm:s0], s1  }
0x4c: {  	s0 =	simm.s32 @!p0 $0x2  }
0x4d: {  	_ =	swait.ge @!p0 [sflag:s0], s1  }
0x4e: {  	s1 =	ssub.s32 @!p0 $0x0, s1;
	[sflag:s0] =	ssyncset.done @!p0 $0x0  }
0x4f: {  	[sflag:s0] =	ssyncadd.s32 @!p0 s1  }
0x50: {  	[bflag:$0x3] =	sbarrier.arrive $0xFFFF  }
0x51: {  	_ =	shalt  }

</sc_bundles>
